<compile_context>
chip_gen: v7x
topology: tpu7x:2x2x1
jax: 0.10.2.dev20260603
libtpu: 0.0.44.dev20260713+nightly
codegen_flags: <defaults>
</compile_context>

<pallas_src>
import jax
import jax.numpy as jnp
from jax import lax
from jax.experimental import pallas as pl
from jax.experimental.pallas import tpu as pltpu
from jax.experimental.pallas import tpu_sc as plsc

_B = 16384
_D = 64
_NC = 2
_NS = 16
_NW = _NC * _NS
_BPW = _B // _NW
_CH = 128
_NCH = _BPW // _CH
_L = 16


def _sqrt_vec(x):
    i = lax.bitcast_convert_type(x, jnp.int32)
    i = jnp.int32(0x5F3759DF) - lax.shift_right_arithmetic(i, 1)
    y = lax.bitcast_convert_type(i, jnp.float32)
    half_x = x * 0.5
    for _ in range(3):
        y = y * (1.5 - half_x * y * y)
    return jnp.where(x > 0.0, x * y, 0.0)


def _body(heads_hbm, rels_hbm, tails_hbm, ent_hbm, rel_hbm, out_hbm,
          hidx, ridx, tidx, hbuf, rbuf, tbuf, outv, sem):
    cid = lax.axis_index("c")
    sid = lax.axis_index("s")
    wid = sid * _NC + cid
    base = wid * _BPW

    pltpu.sync_copy(heads_hbm.at[pl.ds(base, _BPW)], hidx)
    pltpu.sync_copy(rels_hbm.at[pl.ds(base, _BPW)], ridx)
    pltpu.sync_copy(tails_hbm.at[pl.ds(base, _BPW)], tidx)

    lanes = lax.iota(jnp.int32, _L)
    perms = [(lanes + s) & (_L - 1) for s in (8, 4, 2, 1)]
    dnums = lax.GatherDimensionNumbers(
        offset_dims=(), collapsed_slice_dims=(0,), start_index_map=(0,))

    def perm(v, p):
        return lax.gather(v, p[:, None], dnums, (1,),
                          mode=lax.GatherScatterMode.PROMISE_IN_BOUNDS)

    def hsum(v):
        for p in perms:
            v = v + perm(v, p)
        return v

    def chunk(c, carry):
        cbase = c * _CH

        def issue(g, carry2):
            sl = pl.ds(cbase + g * _L, _L)
            hv, rv, tv = hidx[sl], ridx[sl], tidx[sl]
            for l in range(_L):
                e = g * _L + l
                pltpu.async_copy(ent_hbm.at[hv[l]], hbuf.at[e], sem)
                pltpu.async_copy(rel_hbm.at[rv[l]], rbuf.at[e], sem)
                pltpu.async_copy(ent_hbm.at[tv[l]], tbuf.at[e], sem)
            return carry2

        lax.fori_loop(0, _CH // _L, issue, 0)

        pltpu.make_async_copy(ent_hbm.at[pl.ds(0, _CH)], hbuf, sem).wait()
        pltpu.make_async_copy(rel_hbm.at[pl.ds(0, _CH)], rbuf, sem).wait()
        pltpu.make_async_copy(ent_hbm.at[pl.ds(0, _CH)], tbuf, sem).wait()

        def group(g, carry2):
            totals = jnp.zeros((_L,), jnp.float32)
            for l in range(_L):
                e = g * _L + l
                acc = jnp.zeros((_L,), jnp.float32)
                for k in range(_D // _L):
                    cs = pl.ds(k * _L, _L)
                    h = hbuf[e, cs]
                    r = rbuf[e, cs]
                    t = tbuf[e, cs]
                    s = (h + r) - t
                    acc = acc + s * s
                totals = jnp.where(lanes == l, hsum(acc), totals)
            outv[pl.ds(cbase + g * _L, _L)] = _sqrt_vec(totals)
            return carry2

        lax.fori_loop(0, _CH // _L, group, 0)
        return carry

    lax.fori_loop(0, _NCH, chunk, 0)
    pltpu.sync_copy(outv, out_hbm.at[pl.ds(base, _BPW)])


def kernel(heads, relations, tails, entity_emb, relation_emb):
    mesh = plsc.VectorSubcoreMesh(core_axis_name="c", subcore_axis_name="s")
    f = pl.kernel(
        _body,
        mesh=mesh,
        compiler_params=pltpu.CompilerParams(use_tc_tiling_on_sc=True),
        out_type=jax.ShapeDtypeStruct((_B,), jnp.float32),
        scratch_types=[
            pltpu.VMEM((_BPW,), jnp.int32),
            pltpu.VMEM((_BPW,), jnp.int32),
            pltpu.VMEM((_BPW,), jnp.int32),
            pltpu.VMEM((_CH, _D), jnp.float32),
            pltpu.VMEM((_CH, _D), jnp.float32),
            pltpu.VMEM((_CH, _D), jnp.float32),
            pltpu.VMEM((_BPW,), jnp.float32),
            pltpu.SemaphoreType.DMA,
        ],
    )
    return f(heads, relations, tails, entity_emb, relation_emb)

# --- scband reference (transcript-rebuilt; emitter-appended) ---
"""Pipeline reference for scband-trans-e-65403761983976 (READ-ONLY COPY).

The authoritative reference and input builder live on the scoring server;
editing this copy changes nothing except your own understanding.
"""

import jax, jax.numpy as jnp
import numpy as np

NUM_ENTITIES = 1000000
NUM_RELATIONS = 1000
EMBED_DIM = 64
BATCH = 16384

def _xavier_uniform(key, shape):
    fan_in, fan_out = shape[0], shape[1]
    a = float(np.sqrt(6.0 / (fan_in + fan_out)))
    return jax.random.uniform(key, shape, dtype=jnp.float32, minval=-a, maxval=a)

def setup_inputs(seed: int = 0) -> dict:
    key = jax.random.key(seed)
    k1, k2, k3, k4, k5 = jax.random.split(key, 5)
    heads = jax.random.randint(k1, (BATCH,), 0, NUM_ENTITIES, dtype=jnp.int64 if jax.config.jax_enable_x64 else jnp.int32).astype(jnp.int32)
    relations = jax.random.randint(k2, (BATCH,), 0, NUM_RELATIONS).astype(jnp.int32)
    tails = jax.random.randint(k3, (BATCH,), 0, NUM_ENTITIES).astype(jnp.int32)
    entity_emb = _xavier_uniform(k4, (NUM_ENTITIES, EMBED_DIM))
    relation_emb = _xavier_uniform(k5, (NUM_RELATIONS, EMBED_DIM))
    # _normalize_relations: divide each relation row by its L2 norm
    rel_norms = jnp.linalg.norm(relation_emb, axis=1, keepdims=True)
    relation_emb = relation_emb / (rel_norms + 1e-08)
    return {"heads": heads, "relations": relations, "tails": tails,
            "entity_emb": entity_emb, "relation_emb": relation_emb}

def reference(heads, relations, tails, entity_emb, relation_emb):
    head_embeds = jnp.take(entity_emb, heads, axis=0)
    rel_embeds = jnp.take(relation_emb, relations, axis=0)
    tail_embeds = jnp.take(entity_emb, tails, axis=0)
    scores = head_embeds + rel_embeds - tail_embeds
    return jnp.sqrt(jnp.sum(scores * scores, axis=1))

if __name__ == "__main__":
    import jax
    _d = setup_inputs()
    print(jax.jit(kernel)(*tuple(_d.values())))

</pallas_src>

<mosaic_0001>
#map = affine_map<(d0, d1) -> (0)>
#map1 = affine_map<(d0, d1) -> (0, 0)>
module attributes {stable_mosaic.version = 14 : i64} {
  func.func @_body(%arg0: i32, %arg1: i32, %arg2: memref<16384xi32, #tpu.memory_space<hbm>>, %arg3: memref<16384xi32, #tpu.memory_space<hbm>>, %arg4: memref<16384xi32, #tpu.memory_space<hbm>>, %arg5: memref<1000000x64xf32, #tpu.memory_space<hbm>>, %arg6: memref<1000x64xf32, #tpu.memory_space<hbm>>, %arg7: memref<16384xf32, #tpu.memory_space<hbm>>, %arg8: memref<512xi32, #tpu.memory_space<vmem>>, %arg9: memref<512xi32, #tpu.memory_space<vmem>>, %arg10: memref<512xi32, #tpu.memory_space<vmem>>, %arg11: memref<128x64xf32, #tpu.memory_space<vmem>>, %arg12: memref<128x64xf32, #tpu.memory_space<vmem>>, %arg13: memref<128x64xf32, #tpu.memory_space<vmem>>, %arg14: memref<512xf32, #tpu.memory_space<vmem>>, %arg15: memref<!tpu.dma_semaphore, #tpu.memory_space<semaphore_mem>>) attributes {dimension_semantics = [#tpu.dimension_semantics<core_parallel>, #tpu.dimension_semantics<subcore_parallel>], iteration_bounds = array<i64: 2, 16>, scalar_prefetch = 0 : i64, scratch_operands = 8 : i64, tpu.core_type = #tpu.core_type<sc_vector_subcore>, window_params = [{transform_indices = #map}, {transform_indices = #map}, {transform_indices = #map}, {transform_indices = #map1}, {transform_indices = #map1}, {transform_indices = #map}]} {
    %mul3A = arith.constant 2 : i32
    %mul3A_0 = arith.muli %arg1, %mul3A : i32
    %add3A = arith.addi %mul3A_0, %arg0 : i32
    %mul3A_1 = arith.constant 512 : i32
    %mul3A_2 = arith.muli %add3A, %mul3A_1 : i32
    "tpu.region"() ({
      %run_scoped3A = tpu.sem_alloc : memref<!tpu.dma_semaphore, #tpu.memory_space<semaphore_mem>>
      %dma_start3A = tpu.memref_slice %arg2[%mul3A_2] : memref<16384xi32, #tpu.memory_space<hbm>> -> memref<512xi32, #tpu.memory_space<hbm>>
      %dma_start3A_31 = tpu.memref_slice %arg2[%mul3A_2] : memref<16384xi32, #tpu.memory_space<hbm>> -> memref<512xi32, #tpu.memory_space<hbm>>
      tpu.enqueue_dma source(%dma_start3A_31 : memref<512xi32, #tpu.memory_space<hbm>>) target(%arg8 : memref<512xi32, #tpu.memory_space<vmem>>) target_semaphore(%run_scoped3A : memref<!tpu.dma_semaphore, #tpu.memory_space<semaphore_mem>>)
      %dma_wait3A = tpu.memref_slice %arg2[%mul3A_2] : memref<16384xi32, #tpu.memory_space<hbm>> -> memref<512xi32, #tpu.memory_space<hbm>>
      %dma_wait3A_32 = tpu.memref_slice %arg2[%mul3A_2] : memref<16384xi32, #tpu.memory_space<hbm>> -> memref<512xi32, #tpu.memory_space<hbm>>
      tpu.wait_dma2 semaphore(%run_scoped3A : memref<!tpu.dma_semaphore, #tpu.memory_space<semaphore_mem>>) src(%dma_wait3A_32 : memref<512xi32, #tpu.memory_space<hbm>>) dst(%arg8 : memref<512xi32, #tpu.memory_space<vmem>>)
      tpu.yield
    }) : () -> ()
    "tpu.region"() ({
      %run_scoped3A = tpu.sem_alloc : memref<!tpu.dma_semaphore, #tpu.memory_space<semaphore_mem>>
      %dma_start3A = tpu.memref_slice %arg3[%mul3A_2] : memref<16384xi32, #tpu.memory_space<hbm>> -> memref<512xi32, #tpu.memory_space<hbm>>
      %dma_start3A_31 = tpu.memref_slice %arg3[%mul3A_2] : memref<16384xi32, #tpu.memory_space<hbm>> -> memref<512xi32, #tpu.memory_space<hbm>>
      tpu.enqueue_dma source(%dma_start3A_31 : memref<512xi32, #tpu.memory_space<hbm>>) target(%arg9 : memref<512xi32, #tpu.memory_space<vmem>>) target_semaphore(%run_scoped3A : memref<!tpu.dma_semaphore, #tpu.memory_space<semaphore_mem>>)
      %dma_wait3A = tpu.memref_slice %arg3[%mul3A_2] : memref<16384xi32, #tpu.memory_space<hbm>> -> memref<512xi32, #tpu.memory_space<hbm>>
      %dma_wait3A_32 = tpu.memref_slice %arg3[%mul3A_2] : memref<16384xi32, #tpu.memory_space<hbm>> -> memref<512xi32, #tpu.memory_space<hbm>>
      tpu.wait_dma2 semaphore(%run_scoped3A : memref<!tpu.dma_semaphore, #tpu.memory_space<semaphore_mem>>) src(%dma_wait3A_32 : memref<512xi32, #tpu.memory_space<hbm>>) dst(%arg9 : memref<512xi32, #tpu.memory_space<vmem>>)
      tpu.yield
    }) : () -> ()
    "tpu.region"() ({
      %run_scoped3A = tpu.sem_alloc : memref<!tpu.dma_semaphore, #tpu.memory_space<semaphore_mem>>
      %dma_start3A = tpu.memref_slice %arg4[%mul3A_2] : memref<16384xi32, #tpu.memory_space<hbm>> -> memref<512xi32, #tpu.memory_space<hbm>>
      %dma_start3A_31 = tpu.memref_slice %arg4[%mul3A_2] : memref<16384xi32, #tpu.memory_space<hbm>> -> memref<512xi32, #tpu.memory_space<hbm>>
      tpu.enqueue_dma source(%dma_start3A_31 : memref<512xi32, #tpu.memory_space<hbm>>) target(%arg10 : memref<512xi32, #tpu.memory_space<vmem>>) target_semaphore(%run_scoped3A : memref<!tpu.dma_semaphore, #tpu.memory_space<semaphore_mem>>)
      %dma_wait3A = tpu.memref_slice %arg4[%mul3A_2] : memref<16384xi32, #tpu.memory_space<hbm>> -> memref<512xi32, #tpu.memory_space<hbm>>
      %dma_wait3A_32 = tpu.memref_slice %arg4[%mul3A_2] : memref<16384xi32, #tpu.memory_space<hbm>> -> memref<512xi32, #tpu.memory_space<hbm>>
      tpu.wait_dma2 semaphore(%run_scoped3A : memref<!tpu.dma_semaphore, #tpu.memory_space<semaphore_mem>>) src(%dma_wait3A_32 : memref<512xi32, #tpu.memory_space<hbm>>) dst(%arg10 : memref<512xi32, #tpu.memory_space<vmem>>)
      tpu.yield
    }) : () -> ()
    %iota3A = tpu.iota {dimensions = array<i32: 0>} : vector<16xi32>
    %add3A_3 = arith.constant 8 : i32
    %add3A_4 = vector.broadcast %add3A_3 : i32 to vector<16xi32>
    %add3A_5 = arith.addi %iota3A, %add3A_4 : vector<16xi32>
    %and3A = arith.constant 15 : i32
    %and3A_6 = vector.broadcast %and3A : i32 to vector<16xi32>
    %and3A_7 = arith.andi %add3A_5, %and3A_6 : vector<16xi32>
    %add3A_8 = arith.constant 4 : i32
    %add3A_9 = vector.broadcast %add3A_8 : i32 to vector<16xi32>
    %add3A_10 = arith.addi %iota3A, %add3A_9 : vector<16xi32>
    %and3A_11 = arith.constant 15 : i32
    %and3A_12 = vector.broadcast %and3A_11 : i32 to vector<16xi32>
    %and3A_13 = arith.andi %add3A_10, %and3A_12 : vector<16xi32>
    %add3A_14 = arith.constant 2 : i32
    %add3A_15 = vector.broadcast %add3A_14 : i32 to vector<16xi32>
    %add3A_16 = arith.addi %iota3A, %add3A_15 : vector<16xi32>
    %and3A_17 = arith.constant 15 : i32
    %and3A_18 = vector.broadcast %and3A_17 : i32 to vector<16xi32>
    %and3A_19 = arith.andi %add3A_16, %and3A_18 : vector<16xi32>
    %add3A_20 = arith.constant 1 : i32
    %add3A_21 = vector.broadcast %add3A_20 : i32 to vector<16xi32>
    %add3A_22 = arith.addi %iota3A, %add3A_21 : vector<16xi32>
    %and3A_23 = arith.constant 15 : i32
    %and3A_24 = vector.broadcast %and3A_23 : i32 to vector<16xi32>
    %and3A_25 = arith.andi %add3A_22, %and3A_24 : vector<16xi32>
    %scan3A = arith.constant 0 : i32
    %scan3A_26 = arith.constant 0 : i32
    %scan3A_27 = arith.constant 4 : i32
    %scan3A_28 = arith.addi %scan3A_26, %scan3A_27 : i32
    %scan3A_29 = arith.constant 1 : i32
    scf.for %scan3A_31 = %scan3A_26 to %scan3A_28 step %scan3A_29  : i32 {
      %mul3A_32 = arith.constant 128 : i32
      %mul3A_33 = arith.muli %scan3A_31, %mul3A_32 : i32
      %scan3A_34 = arith.constant 0 : i32
      %scan3A_35 = arith.constant 0 : i32
      %scan3A_36 = arith.constant 8 : i32
      %scan3A_37 = arith.addi %scan3A_35, %scan3A_36 : i32
      %scan3A_38 = arith.constant 1 : i32
      scf.for %scan3A_63 = %scan3A_35 to %scan3A_37 step %scan3A_38  : i32 {
        %mul3A_64 = arith.constant 16 : i32
        %mul3A_65 = arith.muli %scan3A_63, %mul3A_64 : i32
        %add3A_66 = arith.addi %mul3A_33, %mul3A_65 : i32
        %get3A = arith.index_cast %add3A_66 : i32 to index
        %get3A_67 = tpu.vector_load %arg8[%get3A] {strides = array<i32>} : memref<512xi32, #tpu.memory_space<vmem>>, vector<16xi32>,
        %get3A_68 = vector.shape_cast %get3A_67 : vector<16xi32> to vector<16xi32>
        %get3A_69 = arith.index_cast %add3A_66 : i32 to index
        %get3A_70 = tpu.vector_load %arg9[%get3A_69] {strides = array<i32>} : memref<512xi32, #tpu.memory_space<vmem>>, vector<16xi32>,
        %get3A_71 = vector.shape_cast %get3A_70 : vector<16xi32> to vector<16xi32>
        %get3A_72 = arith.index_cast %add3A_66 : i32 to index
        %get3A_73 = tpu.vector_load %arg10[%get3A_72] {strides = array<i32>} : memref<512xi32, #tpu.memory_space<vmem>>, vector<16xi32>,
        %get3A_74 = vector.shape_cast %get3A_73 : vector<16xi32> to vector<16xi32>
        %mul3A_75 = arith.constant 16 : i32
        %mul3A_76 = arith.muli %scan3A_63, %mul3A_75 : i32
        %add3A_77 = arith.constant 0 : i32
        %add3A_78 = arith.addi %mul3A_76, %add3A_77 : i32
        %slice3A = vector.extract_strided_slice %get3A_68 {offsets = [0], sizes = [1], strides = [1]} : vector<16xi32> to vector<1xi32>
        %squeeze3A = vector.extract %slice3A[0] : i32 from vector<1xi32>
        %dma_start3A = arith.constant 0 : i32
        %dma_start3A_79 = tpu.memref_slice %arg11[%add3A_78, %dma_start3A] : memref<128x64xf32, #tpu.memory_space<vmem>> -> memref<1x64xf32, #tpu.memory_space<vmem>>
        %dma_start3A_80 = tpu.memref_squeeze %dma_start3A_79 : memref<1x64xf32, #tpu.memory_space<vmem>> -> memref<64xf32, #tpu.memory_space<vmem>>
        %dma_start3A_81 = arith.constant 0 : i32
        %dma_start3A_82 = tpu.memref_slice %arg5[%squeeze3A, %dma_start3A_81] : memref<1000000x64xf32, #tpu.memory_space<hbm>> -> memref<1x64xf32, #tpu.memory_space<hbm>>
        %dma_start3A_83 = tpu.memref_squeeze %dma_start3A_82 : memref<1x64xf32, #tpu.memory_space<hbm>> -> memref<64xf32, #tpu.memory_space<hbm>>
        %dma_start3A_84 = arith.constant 0 : i32
        %dma_start3A_85 = tpu.memref_slice %arg11[%add3A_78, %dma_start3A_84] : memref<128x64xf32, #tpu.memory_space<vmem>> -> memref<1x64xf32, #tpu.memory_space<vmem>>
        %dma_start3A_86 = tpu.memref_squeeze %dma_start3A_85 : memref<1x64xf32, #tpu.memory_space<vmem>> -> memref<64xf32, #tpu.memory_space<vmem>>
        %dma_start3A_87 = arith.constant 0 : i32
        %dma_start3A_88 = tpu.memref_slice %arg5[%squeeze3A, %dma_start3A_87] : memref<1000000x64xf32, #tpu.memory_space<hbm>> -> memref<1x64xf32, #tpu.memory_space<hbm>>
        %dma_start3A_89 = tpu.memref_squeeze %dma_start3A_88 : memref<1x64xf32, #tpu.memory_space<hbm>> -> memref<64xf32, #tpu.memory_space<hbm>>
        tpu.enqueue_dma source(%dma_start3A_89 : memref<64xf32, #tpu.memory_space<hbm>>) target(%dma_start3A_86 : memref<64xf32, #tpu.memory_space<vmem>>) target_semaphore(%arg15 : memref<!tpu.dma_semaphore, #tpu.memory_space<semaphore_mem>>)
        %slice3A_90 = vector.extract_strided_slice %get3A_71 {offsets = [0], sizes = [1], strides = [1]} : vector<16xi32> to vector<1xi32>
        %squeeze3A_91 = vector.extract %slice3A_90[0] : i32 from vector<1xi32>
        %dma_start3A_92 = arith.constant 0 : i32
        %dma_start3A_93 = tpu.memref_slice %arg12[%add3A_78, %dma_start3A_92] : memref<128x64xf32, #tpu.memory_space<vmem>> -> memref<1x64xf32, #tpu.memory_space<vmem>>
        %dma_start3A_94 = tpu.memref_squeeze %dma_start3A_93 : memref<1x64xf32, #tpu.memory_space<vmem>> -> memref<64xf32, #tpu.memory_space<vmem>>
        %dma_start3A_95 = arith.constant 0 : i32
        %dma_start3A_96 = tpu.memref_slice %arg6[%squeeze3A_91, %dma_start3A_95] : memref<1000x64xf32, #tpu.memory_space<hbm>> -> memref<1x64xf32, #tpu.memory_space<hbm>>
        %dma_start3A_97 = tpu.memref_squeeze %dma_start3A_96 : memref<1x64xf32, #tpu.memory_space<hbm>> -> memref<64xf32, #tpu.memory_space<hbm>>
        %dma_start3A_98 = arith.constant 0 : i32
        %dma_start3A_99 = tpu.memref_slice %arg12[%add3A_78, %dma_start3A_98] : memref<128x64xf32, #tpu.memory_space<vmem>> -> memref<1x64xf32, #tpu.memory_space<vmem>>
        %dma_start3A_100 = tpu.memref_squeeze %dma_start3A_99 : memref<1x64xf32, #tpu.memory_space<vmem>> -> memref<64xf32, #tpu.memory_space<vmem>>
        %dma_start3A_101 = arith.constant 0 : i32
        %dma_start3A_102 = tpu.memref_slice %arg6[%squeeze3A_91, %dma_start3A_101] : memref<1000x64xf32, #tpu.memory_space<hbm>> -> memref<1x64xf32, #tpu.memory_space<hbm>>
        %dma_start3A_103 = tpu.memref_squeeze %dma_start3A_102 : memref<1x64xf32, #tpu.memory_space<hbm>> -> memref<64xf32, #tpu.memory_space<hbm>>
        tpu.enqueue_dma source(%dma_start3A_103 : memref<64xf32, #tpu.memory_space<hbm>>) target(%dma_start3A_100 : memref<64xf32, #tpu.memory_space<vmem>>) target_semaphore(%arg15 : memref<!tpu.dma_semaphore, #tpu.memory_space<semaphore_mem>>)
        %slice3A_104 = vector.extract_strided_slice %get3A_74 {offsets = [0], sizes = [1], strides = [1]} : vector<16xi32> to vector<1xi32>
        %squeeze3A_105 = vector.extract %slice3A_104[0] : i32 from vector<1xi32>
        %dma_start3A_106 = arith.constant 0 : i32
        %dma_start3A_107 = tpu.memref_slice %arg13[%add3A_78, %dma_start3A_106] : memref<128x64xf32, #tpu.memory_space<vmem>> -> memref<1x64xf32, #tpu.memory_space<vmem>>
        %dma_start3A_108 = tpu.memref_squeeze %dma_start3A_107 : memref<1x64xf32, #tpu.memory_space<vmem>> -> memref<64xf32, #tpu.memory_space<vmem>>
        %dma_start3A_109 = arith.constant 0 : i32
        %dma_start3A_110 = tpu.memref_slice %arg5[%squeeze3A_105, %dma_start3A_109] : memref<1000000x64xf32, #tpu.memory_space<hbm>> -> memref<1x64xf32, #tpu.memory_space<hbm>>
        %dma_start3A_111 = tpu.memref_squeeze %dma_start3A_110 : memref<1x64xf32, #tpu.memory_space<hbm>> -> memref<64xf32, #tpu.memory_space<hbm>>
        %dma_start3A_112 = arith.constant 0 : i32
        %dma_start3A_113 = tpu.memref_slice %arg13[%add3A_78, %dma_start3A_112] : memref<128x64xf32, #tpu.memory_space<vmem>> -> memref<1x64xf32, #tpu.memory_space<vmem>>
        %dma_start3A_114 = tpu.memref_squeeze %dma_start3A_113 : memref<1x64xf32, #tpu.memory_space<vmem>> -> memref<64xf32, #tpu.memory_space<vmem>>
        %dma_start3A_115 = arith.constant 0 : i32
        %dma_start3A_116 = tpu.memref_slice %arg5[%squeeze3A_105, %dma_start3A_115] : memref<1000000x64xf32, #tpu.memory_space<hbm>> -> memref<1x64xf32, #tpu.memory_space<hbm>>
        %dma_start3A_117 = tpu.memref_squeeze %dma_start3A_116 : memref<1x64xf32, #tpu.memory_space<hbm>> -> memref<64xf32, #tpu.memory_space<hbm>>
        tpu.enqueue_dma source(%dma_start3A_117 : memref<64xf32, #tpu.memory_space<hbm>>) target(%dma_start3A_114 : memref<64xf32, #tpu.memory_space<vmem>>) target_semaphore(%arg15 : memref<!tpu.dma_semaphore, #tpu.memory_space<semaphore_mem>>)
        %mul3A_118 = arith.constant 16 : i32
        %mul3A_119 = arith.muli %scan3A_63, %mul3A_118 : i32
        %add3A_120 = arith.constant 1 : i32
        %add3A_121 = arith.addi %mul3A_119, %add3A_120 : i32
        %slice3A_122 = vector.extract_strided_slice %get3A_68 {offsets = [1], sizes = [1], strides = [1]} : vector<16xi32> to vector<1xi32>
        %squeeze3A_123 = vector.extract %slice3A_122[0] : i32 from vector<1xi32>
        %dma_start3A_124 = arith.constant 0 : i32
        %dma_start3A_125 = tpu.memref_slice %arg11[%add3A_121, %dma_start3A_124] : memref<128x64xf32, #tpu.memory_space<vmem>> -> memref<1x64xf32, #tpu.memory_space<vmem>>
        %dma_start3A_126 = tpu.memref_squeeze %dma_start3A_125 : memref<1x64xf32, #tpu.memory_space<vmem>> -> memref<64xf32, #tpu.memory_space<vmem>>
        %dma_start3A_127 = arith.constant 0 : i32
        %dma_start3A_128 = tpu.memref_slice %arg5[%squeeze3A_123, %dma_start3A_127] : memref<1000000x64xf32, #tpu.memory_space<hbm>> -> memref<1x64xf32, #tpu.memory_space<hbm>>
        %dma_start3A_129 = tpu.memref_squeeze %dma_start3A_128 : memref<1x64xf32, #tpu.memory_space<hbm>> -> memref<64xf32, #tpu.memory_space<hbm>>
        %dma_start3A_130 = arith.constant 0 : i32
        %dma_start3A_131 = tpu.memref_slice %arg11[%add3A_121, %dma_start3A_130] : memref<128x64xf32, #tpu.memory_space<vmem>> -> memref<1x64xf32, #tpu.memory_space<vmem>>
        %dma_start3A_132 = tpu.memref_squeeze %dma_start3A_131 : memref<1x64xf32, #tpu.memory_space<vmem>> -> memref<64xf32, #tpu.memory_space<vmem>>
        %dma_start3A_133 = arith.constant 0 : i32
        %dma_start3A_134 = tpu.memref_slice %arg5[%squeeze3A_123, %dma_start3A_133] : memref<1000000x64xf32, #tpu.memory_space<hbm>> -> memref<1x64xf32, #tpu.memory_space<hbm>>
        %dma_start3A_135 = tpu.memref_squeeze %dma_start3A_134 : memref<1x64xf32, #tpu.memory_space<hbm>> -> memref<64xf32, #tpu.memory_space<hbm>>
        tpu.enqueue_dma source(%dma_start3A_135 : memref<64xf32, #tpu.memory_space<hbm>>) target(%dma_start3A_132 : memref<64xf32, #tpu.memory_space<vmem>>) target_semaphore(%arg15 : memref<!tpu.dma_semaphore, #tpu.memory_space<semaphore_mem>>)
        %slice3A_136 = vector.extract_strided_slice %get3A_71 {offsets = [1], sizes = [1], strides = [1]} : vector<16xi32> to vector<1xi32>
        %squeeze3A_137 = vector.extract %slice3A_136[0] : i32 from vector<1xi32>
        %dma_start3A_138 = arith.constant 0 : i32
        %dma_start3A_139 = tpu.memref_slice %arg12[%add3A_121, %dma_start3A_138] : memref<128x64xf32, #tpu.memory_space<vmem>> -> memref<1x64xf32, #tpu.memory_space<vmem>>
        %dma_start3A_140 = tpu.memref_squeeze %dma_start3A_139 : memref<1x64xf32, #tpu.memory_space<vmem>> -> memref<64xf32, #tpu.memory_space<vmem>>
        %dma_start3A_141 = arith.constant 0 : i32
        %dma_start3A_142 = tpu.memref_slice %arg6[%squeeze3A_137, %dma_start3A_141] : memref<1000x64xf32, #tpu.memory_space<hbm>> -> memref<1x64xf32, #tpu.memory_space<hbm>>
        %dma_start3A_143 = tpu.memref_squeeze %dma_start3A_142 : memref<1x64xf32, #tpu.memory_space<hbm>> -> memref<64xf32, #tpu.memory_space<hbm>>
        %dma_start3A_144 = arith.constant 0 : i32
        %dma_start3A_145 = tpu.memref_slice %arg12[%add3A_121, %dma_start3A_144] : memref<128x64xf32, #tpu.memory_space<vmem>> -> memref<1x64xf32, #tpu.memory_space<vmem>>
        %dma_start3A_146 = tpu.memref_squeeze %dma_start3A_145 : memref<1x64xf32, #tpu.memory_space<vmem>> -> memref<64xf32, #tpu.memory_space<vmem>>
        %dma_start3A_147 = arith.constant 0 : i32
        %dma_start3A_148 = tpu.memref_slice %arg6[%squeeze3A_137, %dma_start3A_147] : memref<1000x64xf32, #tpu.memory_space<hbm>> -> memref<1x64xf32, #tpu.memory_space<hbm>>
        %dma_start3A_149 = tpu.memref_squeeze %dma_start3A_148 : memref<1x64xf32, #tpu.memory_space<hbm>> -> memref<64xf32, #tpu.memory_space<hbm>>
        tpu.enqueue_dma source(%dma_start3A_149 : memref<64xf32, #tpu.memory_space<hbm>>) target(%dma_start3A_146 : memref<64xf32, #tpu.memory_space<vmem>>) target_semaphore(%arg15 : memref<!tpu.dma_semaphore, #tpu.memory_space<semaphore_mem>>)
        %slice3A_150 = vector.extract_strided_slice %get3A_74 {offsets = [1], sizes = [1], strides = [1]} : vector<16xi32> to vector<1xi32>
        %squeeze3A_151 = vector.extract %slice3A_150[0] : i32 from vector<1xi32>
        %dma_start3A_152 = arith.constant 0 : i32
        %dma_start3A_153 = tpu.memref_slice %arg13[%add3A_121, %dma_start3A_152] : memref<128x64xf32, #tpu.memory_space<vmem>> -> memref<1x64xf32, #tpu.memory_space<vmem>>
        %dma_start3A_154 = tpu.memref_squeeze %dma_start3A_153 : memref<1x64xf32, #tpu.memory_space<vmem>> -> memref<64xf32, #tpu.memory_space<vmem>>
        %dma_start3A_155 = arith.constant 0 : i32
        %dma_start3A_156 = tpu.memref_slice %arg5[%squeeze3A_151, %dma_start3A_155] : memref<1000000x64xf32, #tpu.memory_space<hbm>> -> memref<1x64xf32, #tpu.memory_space<hbm>>
        %dma_start3A_157 = tpu.memref_squeeze %dma_start3A_156 : memref<1x64xf32, #tpu.memory_space<hbm>> -> memref<64xf32, #tpu.memory_space<hbm>>
        %dma_start3A_158 = arith.constant 0 : i32
        %dma_start3A_159 = tpu.memref_slice %arg13[%add3A_121, %dma_start3A_158] : memref<128x64xf32, #tpu.memory_space<vmem>> -> memref<1x64xf32, #tpu.memory_space<vmem>>
        %dma_start3A_160 = tpu.memref_squeeze %dma_start3A_159 : memref<1x64xf32, #tpu.memory_space<vmem>> -> memref<64xf32, #tpu.memory_space<vmem>>
        %dma_start3A_161 = arith.constant 0 : i32
        %dma_start3A_162 = tpu.memref_slice %arg5[%squeeze3A_151, %dma_start3A_161] : memref<1000000x64xf32, #tpu.memory_space<hbm>> -> memref<1x64xf32, #tpu.memory_space<hbm>>
        %dma_start3A_163 = tpu.memref_squeeze %dma_start3A_162 : memref<1x64xf32, #tpu.memory_space<hbm>> -> memref<64xf32, #tpu.memory_space<hbm>>
        tpu.enqueue_dma source(%dma_start3A_163 : memref<64xf32, #tpu.memory_space<hbm>>) target(%dma_start3A_160 : memref<64xf32, #tpu.memory_space<vmem>>) target_semaphore(%arg15 : memref<!tpu.dma_semaphore, #tpu.memory_space<semaphore_mem>>)
        %mul3A_164 = arith.constant 16 : i32
        %mul3A_165 = arith.muli %scan3A_63, %mul3A_164 : i32
        %add3A_166 = arith.constant 2 : i32
        %add3A_167 = arith.addi %mul3A_165, %add3A_166 : i32
        %slice3A_168 = vector.extract_strided_slice %get3A_68 {offsets = [2], sizes = [1], strides = [1]} : vector<16xi32> to vector<1xi32>
        %squeeze3A_169 = vector.extract %slice3A_168[0] : i32 from vector<1xi32>
        %dma_start3A_170 = arith.constant 0 : i32
        %dma_start3A_171 = tpu.memref_slice %arg11[%add3A_167, %dma_start3A_170] : memref<128x64xf32, #tpu.memory_space<vmem>> -> memref<1x64xf32, #tpu.memory_space<vmem>>
        %dma_start3A_172 = tpu.memref_squeeze %dma_start3A_171 : memref<1x64xf32, #tpu.memory_space<vmem>> -> memref<64xf32, #tpu.memory_space<vmem>>
        %dma_start3A_173 = arith.constant 0 : i32
        %dma_start3A_174 = tpu.memref_slice %arg5[%squeeze3A_169, %dma_start3A_173] : memref<1000000x64xf32, #tpu.memory_space<hbm>> -> memref<1x64xf32, #tpu.memory_space<hbm>>
        %dma_start3A_175 = tpu.memref_squeeze %dma_start3A_174 : memref<1x64xf32, #tpu.memory_space<hbm>> -> memref<64xf32, #tpu.memory_space<hbm>>
        %dma_start3A_176 = arith.constant 0 : i32
        %dma_start3A_177 = tpu.memref_slice %arg11[%add3A_167, %dma_start3A_176] : memref<128x64xf32, #tpu.memory_space<vmem>> -> memref<1x64xf32, #tpu.memory_space<vmem>>
        %dma_start3A_178 = tpu.memref_squeeze %dma_start3A_177 : memref<1x64xf32, #tpu.memory_space<vmem>> -> memref<64xf32, #tpu.memory_space<vmem>>
        %dma_start3A_179 = arith.constant 0 : i32
        %dma_start3A_180 = tpu.memref_slice %arg5[%squeeze3A_169, %dma_start3A_179] : memref<1000000x64xf32, #tpu.memory_space<hbm>> -> memref<1x64xf32, #tpu.memory_space<hbm>>
        %dma_start3A_181 = tpu.memref_squeeze %dma_start3A_180 : memref<1x64xf32, #tpu.memory_space<hbm>> -> memref<64xf32, #tpu.memory_space<hbm>>
        tpu.enqueue_dma source(%dma_start3A_181 : memref<64xf32, #tpu.memory_space<hbm>>) target(%dma_start3A_178 : memref<64xf32, #tpu.memory_space<vmem>>) target_semaphore(%arg15 : memref<!tpu.dma_semaphore, #tpu.memory_space<semaphore_mem>>)
        %slice3A_182 = vector.extract_strided_slice %get3A_71 {offsets = [2], sizes = [1], strides = [1]} : vector<16xi32> to vector<1xi32>
        %squeeze3A_183 = vector.extract %slice3A_182[0] : i32 from vector<1xi32>
        %dma_start3A_184 = arith.constant 0 : i32
        %dma_start3A_185 = tpu.memref_slice %arg12[%add3A_167, %dma_start3A_184] : memref<128x64xf32, #tpu.memory_space<vmem>> -> memref<1x64xf32, #tpu.memory_space<vmem>>
        %dma_start3A_186 = tpu.memref_squeeze %dma_start3A_185 : memref<1x64xf32, #tpu.memory_space<vmem>> -> memref<64xf32, #tpu.memory_space<vmem>>
        %dma_start3A_187 = arith.constant 0 : i32
        %dma_start3A_188 = tpu.memref_slice %arg6[%squeeze3A_183, %dma_start3A_187] : memref<1000x64xf32, #tpu.memory_space<hbm>> -> memref<1x64xf32, #tpu.memory_space<hbm>>
        %dma_start3A_189 = tpu.memref_squeeze %dma_start3A_188 : memref<1x64xf32, #tpu.memory_space<hbm>> -> memref<64xf32, #tpu.memory_space<hbm>>
        %dma_start3A_190 = arith.constant 0 : i32
        %dma_start3A_191 = tpu.memref_slice %arg12[%add3A_167, %dma_start3A_190] : memref<128x64xf32, #tpu.memory_space<vmem>> -> memref<1x64xf32, #tpu.memory_space<vmem>>
        %dma_start3A_192 = tpu.memref_squeeze %dma_start3A_191 : memref<1x64xf32, #tpu.memory_space<vmem>> -> memref<64xf32, #tpu.memory_space<vmem>>
        %dma_start3A_193 = arith.constant 0 : i32
        %dma_start3A_194 = tpu.memref_slice %arg6[%squeeze3A_183, %dma_start3A_193] : memref<1000x64xf32, #tpu.memory_space<hbm>> -> memref<1x64xf32, #tpu.memory_space<hbm>>
        %dma_start3A_195 = tpu.memref_squeeze %dma_start3A_194 : memref<1x64xf32, #tpu.memory_space<hbm>> -> memref<64xf32, #tpu.memory_space<hbm>>
        tpu.enqueue_dma source(%dma_start3A_195 : memref<64xf32, #tpu.memory_space<hbm>>) target(%dma_start3A_192 : memref<64xf32, #tpu.memory_space<vmem>>) target_semaphore(%arg15 : memref<!tpu.dma_semaphore, #tpu.memory_space<semaphore_mem>>)
        %slice3A_196 = vector.extract_strided_slice %get3A_74 {offsets = [2], sizes = [1], strides = [1]} : vector<16xi32> to vector<1xi32>
        %squeeze3A_197 = vector.extract %slice3A_196[0] : i32 from vector<1xi32>
        %dma_start3A_198 = arith.constant 0 : i32
        %dma_start3A_199 = tpu.memref_slice %arg13[%add3A_167, %dma_start3A_198] : memref<128x64xf32, #tpu.memory_space<vmem>> -> memref<1x64xf32, #tpu.memory_space<vmem>>
        %dma_start3A_200 = tpu.memref_squeeze %dma_start3A_199 : memref<1x64xf32, #tpu.memory_space<vmem>> -> memref<64xf32, #tpu.memory_space<vmem>>
        %dma_start3A_201 = arith.constant 0 : i32
        %dma_start3A_202 = tpu.memref_slice %arg5[%squeeze3A_197, %dma_start3A_201] : memref<1000000x64xf32, #tpu.memory_space<hbm>> -> memref<1x64xf32, #tpu.memory_space<hbm>>
        %dma_start3A_203 = tpu.memref_squeeze %dma_start3A_202 : memref<1x64xf32, #tpu.memory_space<hbm>> -> memref<64xf32, #tpu.memory_space<hbm>>
        %dma_start3A_204 = arith.constant 0 : i32
        %dma_start3A_205 = tpu.memref_slice %arg13[%add3A_167, %dma_start3A_204] : memref<128x64xf32, #tpu.memory_space<vmem>> -> memref<1x64xf32, #tpu.memory_space<vmem>>
        %dma_start3A_206 = tpu.memref_squeeze %dma_start3A_205 : memref<1x64xf32, #tpu.memory_space<vmem>> -> memref<64xf32, #tpu.memory_space<vmem>>
        %dma_start3A_207 = arith.constant 0 : i32
        %dma_start3A_208 = tpu.memref_slice %arg5[%squeeze3A_197, %dma_start3A_207] : memref<1000000x64xf32, #tpu.memory_space<hbm>> -> memref<1x64xf32, #tpu.memory_space<hbm>>
        %dma_start3A_209 = tpu.memref_squeeze %dma_start3A_208 : memref<1x64xf32, #tpu.memory_space<hbm>> -> memref<64xf32, #tpu.memory_space<hbm>>
        tpu.enqueue_dma source(%dma_start3A_209 : memref<64xf32, #tpu.memory_space<hbm>>) target(%dma_start3A_206 : memref<64xf32, #tpu.memory_space<vmem>>) target_semaphore(%arg15 : memref<!tpu.dma_semaphore, #tpu.memory_space<semaphore_mem>>)
        %mul3A_210 = arith.constant 16 : i32
        %mul3A_211 = arith.muli %scan3A_63, %mul3A_210 : i32
        %add3A_212 = arith.constant 3 : i32
        %add3A_213 = arith.addi %mul3A_211, %add3A_212 : i32
        %slice3A_214 = vector.extract_strided_slice %get3A_68 {offsets = [3], sizes = [1], strides = [1]} : vector<16xi32> to vector<1xi32>
        %squeeze3A_215 = vector.extract %slice3A_214[0] : i32 from vector<1xi32>
        %dma_start3A_216 = arith.constant 0 : i32
        %dma_start3A_217 = tpu.memref_slice %arg11[%add3A_213, %dma_start3A_216] : memref<128x64xf32, #tpu.memory_space<vmem>> -> memref<1x64xf32, #tpu.memory_space<vmem>>
        %dma_start3A_218 = tpu.memref_squeeze %dma_start3A_217 : memref<1x64xf32, #tpu.memory_space<vmem>> -> memref<64xf32, #tpu.memory_space<vmem>>
        %dma_start3A_219 = arith.constant 0 : i32
        %dma_start3A_220 = tpu.memref_slice %arg5[%squeeze3A_215, %dma_start3A_219] : memref<1000000x64xf32, #tpu.memory_space<hbm>> -> memref<1x64xf32, #tpu.memory_space<hbm>>
        %dma_start3A_221 = tpu.memref_squeeze %dma_start3A_220 : memref<1x64xf32, #tpu.memory_space<hbm>> -> memref<64xf32, #tpu.memory_space<hbm>>
        %dma_start3A_222 = arith.constant 0 : i32
        %dma_start3A_223 = tpu.memref_slice %arg11[%add3A_213, %dma_start3A_222] : memref<128x64xf32, #tpu.memory_space<vmem>> -> memref<1x64xf32, #tpu.memory_space<vmem>>
        %dma_start3A_224 = tpu.memref_squeeze %dma_start3A_223 : memref<1x64xf32, #tpu.memory_space<vmem>> -> memref<64xf32, #tpu.memory_space<vmem>>
        %dma_start3A_225 = arith.constant 0 : i32
        %dma_start3A_226 = tpu.memref_slice %arg5[%squeeze3A_215, %dma_start3A_225] : memref<1000000x64xf32, #tpu.memory_space<hbm>> -> memref<1x64xf32, #tpu.memory_space<hbm>>
        %dma_start3A_227 = tpu.memref_squeeze %dma_start3A_226 : memref<1x64xf32, #tpu.memory_space<hbm>> -> memref<64xf32, #tpu.memory_space<hbm>>
        tpu.enqueue_dma source(%dma_start3A_227 : memref<64xf32, #tpu.memory_space<hbm>>) target(%dma_start3A_224 : memref<64xf32, #tpu.memory_space<vmem>>) target_semaphore(%arg15 : memref<!tpu.dma_semaphore, #tpu.memory_space<semaphore_mem>>)
        %slice3A_228 = vector.extract_strided_slice %get3A_71 {offsets = [3], sizes = [1], strides = [1]} : vector<16xi32> to vector<1xi32>
        %squeeze3A_229 = vector.extract %slice3A_228[0] : i32 from vector<1xi32>
        %dma_start3A_230 = arith.constant 0 : i32
        %dma_start3A_231 = tpu.memref_slice %arg12[%add3A_213, %dma_start3A_230] : memref<128x64xf32, #tpu.memory_space<vmem>> -> memref<1x64xf32, #tpu.memory_space<vmem>>
        %dma_start3A_232 = tpu.memref_squeeze %dma_start3A_231 : memref<1x64xf32, #tpu.memory_space<vmem>> -> memref<64xf32, #tpu.memory_space<vmem>>
        %dma_start3A_233 = arith.constant 0 : i32
        %dma_start3A_234 = tpu.memref_slice %arg6[%squeeze3A_229, %dma_start3A_233] : memref<1000x64xf32, #tpu.memory_space<hbm>> -> memref<1x64xf32, #tpu.memory_space<hbm>>
        %dma_start3A_235 = tpu.memref_squeeze %dma_start3A_234 : memref<1x64xf32, #tpu.memory_space<hbm>> -> memref<64xf32, #tpu.memory_space<hbm>>
        %dma_start3A_236 = arith.constant 0 : i32
        %dma_start3A_237 = tpu.memref_slice %arg12[%add3A_213, %dma_start3A_236] : memref<128x64xf32, #tpu.memory_space<vmem>> -> memref<1x64xf32, #tpu.memory_space<vmem>>
        %dma_start3A_238 = tpu.memref_squeeze %dma_start3A_237 : memref<1x64xf32, #tpu.memory_space<vmem>> -> memref<64xf32, #tpu.memory_space<vmem>>
        %dma_start3A_239 = arith.constant 0 : i32
        %dma_start3A_240 = tpu.memref_slice %arg6[%squeeze3A_229, %dma_start3A_239] : memref<1000x64xf32, #tpu.memory_space<hbm>> -> memref<1x64xf32, #tpu.memory_space<hbm>>
        %dma_start3A_241 = tpu.memref_squeeze %dma_start3A_240 : memref<1x64xf32, #tpu.memory_space<hbm>> -> memref<64xf32, #tpu.memory_space<hbm>>
        tpu.enqueue_dma source(%dma_start3A_241 : memref<64xf32, #tpu.memory_space<hbm>>) target(%dma_start3A_238 : memref<64xf32, #tpu.memory_space<vmem>>) target_semaphore(%arg15 : memref<!tpu.dma_semaphore, #tpu.memory_space<semaphore_mem>>)
        %slice3A_242 = vector.extract_strided_slice %get3A_74 {offsets = [3], sizes = [1], strides = [1]} : vector<16xi32> to vector<1xi32>
        %squeeze3A_243 = vector.extract %slice3A_242[0] : i32 from vector<1xi32>
        %dma_start3A_244 = arith.constant 0 : i32
        %dma_start3A_245 = tpu.memref_slice %arg13[%add3A_213, %dma_start3A_244] : memref<128x64xf32, #tpu.memory_space<vmem>> -> memref<1x64xf32, #tpu.memory_space<vmem>>
        %dma_start3A_246 = tpu.memref_squeeze %dma_start3A_245 : memref<1x64xf32, #tpu.memory_space<vmem>> -> memref<64xf32, #tpu.memory_space<vmem>>
        %dma_start3A_247 = arith.constant 0 : i32
        %dma_start3A_248 = tpu.memref_slice %arg5[%squeeze3A_243, %dma_start3A_247] : memref<1000000x64xf32, #tpu.memory_space<hbm>> -> memref<1x64xf32, #tpu.memory_space<hbm>>
        %dma_start3A_249 = tpu.memref_squeeze %dma_start3A_248 : memref<1x64xf32, #tpu.memory_space<hbm>> -> memref<64xf32, #tpu.memory_space<hbm>>
        %dma_start3A_250 = arith.constant 0 : i32
        %dma_start3A_251 = tpu.memref_slice %arg13[%add3A_213, %dma_start3A_250] : memref<128x64xf32, #tpu.memory_space<vmem>> -> memref<1x64xf32, #tpu.memory_space<vmem>>
        %dma_start3A_252 = tpu.memref_squeeze %dma_start3A_251 : memref<1x64xf32, #tpu.memory_space<vmem>> -> memref<64xf32, #tpu.memory_space<vmem>>
        %dma_start3A_253 = arith.constant 0 : i32
        %dma_start3A_254 = tpu.memref_slice %arg5[%squeeze3A_243, %dma_start3A_253] : memref<1000000x64xf32, #tpu.memory_space<hbm>> -> memref<1x64xf32, #tpu.memory_space<hbm>>
        %dma_start3A_255 = tpu.memref_squeeze %dma_start3A_254 : memref<1x64xf32, #tpu.memory_space<hbm>> -> memref<64xf32, #tpu.memory_space<hbm>>
        tpu.enqueue_dma source(%dma_start3A_255 : memref<64xf32, #tpu.memory_space<hbm>>) target(%dma_start3A_252 : memref<64xf32, #tpu.memory_space<vmem>>) target_semaphore(%arg15 : memref<!tpu.dma_semaphore, #tpu.memory_space<semaphore_mem>>)
        %mul3A_256 = arith.constant 16 : i32
        %mul3A_257 = arith.muli %scan3A_63, %mul3A_256 : i32
        %add3A_258 = arith.constant 4 : i32
        %add3A_259 = arith.addi %mul3A_257, %add3A_258 : i32
        %slice3A_260 = vector.extract_strided_slice %get3A_68 {offsets = [4], sizes = [1], strides = [1]} : vector<16xi32> to vector<1xi32>
        %squeeze3A_261 = vector.extract %slice3A_260[0] : i32 from vector<1xi32>
        %dma_start3A_262 = arith.constant 0 : i32
        %dma_start3A_263 = tpu.memref_slice %arg11[%add3A_259, %dma_start3A_262] : memref<128x64xf32, #tpu.memory_space<vmem>> -> memref<1x64xf32, #tpu.memory_space<vmem>>
        %dma_start3A_264 = tpu.memref_squeeze %dma_start3A_263 : memref<1x64xf32, #tpu.memory_space<vmem>> -> memref<64xf32, #tpu.memory_space<vmem>>
        %dma_start3A_265 = arith.constant 0 : i32
        %dma_start3A_266 = tpu.memref_slice %arg5[%squeeze3A_261, %dma_start3A_265] : memref<1000000x64xf32, #tpu.memory_space<hbm>> -> memref<1x64xf32, #tpu.memory_space<hbm>>
        %dma_start3A_267 = tpu.memref_squeeze %dma_start3A_266 : memref<1x64xf32, #tpu.memory_space<hbm>> -> memref<64xf32, #tpu.memory_space<hbm>>
        %dma_start3A_268 = arith.constant 0 : i32
        %dma_start3A_269 = tpu.memref_slice %arg11[%add3A_259, %dma_start3A_268] : memref<128x64xf32, #tpu.memory_space<vmem>> -> memref<1x64xf32, #tpu.memory_space<vmem>>
        %dma_start3A_270 = tpu.memref_squeeze %dma_start3A_269 : memref<1x64xf32, #tpu.memory_space<vmem>> -> memref<64xf32, #tpu.memory_space<vmem>>
        %dma_start3A_271 = arith.constant 0 : i32
        %dma_start3A_272 = tpu.memref_slice %arg5[%squeeze3A_261, %dma_start3A_271] : memref<1000000x64xf32, #tpu.memory_space<hbm>> -> memref<1x64xf32, #tpu.memory_space<hbm>>
        %dma_start3A_273 = tpu.memref_squeeze %dma_start3A_272 : memref<1x64xf32, #tpu.memory_space<hbm>> -> memref<64xf32, #tpu.memory_space<hbm>>
        tpu.enqueue_dma source(%dma_start3A_273 : memref<64xf32, #tpu.memory_space<hbm>>) target(%dma_start3A_270 : memref<64xf32, #tpu.memory_space<vmem>>) target_semaphore(%arg15 : memref<!tpu.dma_semaphore, #tpu.memory_space<semaphore_mem>>)
        %slice3A_274 = vector.extract_strided_slice %get3A_71 {offsets = [4], sizes = [1], strides = [1]} : vector<16xi32> to vector<1xi32>
        %squeeze3A_275 = vector.extract %slice3A_274[0] : i32 from vector<1xi32>
        %dma_start3A_276 = arith.constant 0 : i32
        %dma_start3A_277 = tpu.memref_slice %arg12[%add3A_259, %dma_start3A_276] : memref<128x64xf32, #tpu.memory_space<vmem>> -> memref<1x64xf32, #tpu.memory_space<vmem>>
        %dma_start3A_278 = tpu.memref_squeeze %dma_start3A_277 : memref<1x64xf32, #tpu.memory_space<vmem>> -> memref<64xf32, #tpu.memory_space<vmem>>
        %dma_start3A_279 = arith.constant 0 : i32
        %dma_start3A_280 = tpu.memref_slice %arg6[%squeeze3A_275, %dma_start3A_279] : memref<1000x64xf32, #tpu.memory_space<hbm>> -> memref<1x64xf32, #tpu.memory_space<hbm>>
        %dma_start3A_281 = tpu.memref_squeeze %dma_start3A_280 : memref<1x64xf32, #tpu.memory_space<hbm>> -> memref<64xf32, #tpu.memory_space<hbm>>
        %dma_start3A_282 = arith.constant 0 : i32
        %dma_start3A_283 = tpu.memref_slice %arg12[%add3A_259, %dma_start3A_282] : memref<128x64xf32, #tpu.memory_space<vmem>> -> memref<1x64xf32, #tpu.memory_space<vmem>>
        %dma_start3A_284 = tpu.memref_squeeze %dma_start3A_283 : memref<1x64xf32, #tpu.memory_space<vmem>> -> memref<64xf32, #tpu.memory_space<vmem>>
        %dma_start3A_285 = arith.constant 0 : i32
        %dma_start3A_286 = tpu.memref_slice %arg6[%squeeze3A_275, %dma_start3A_285] : memref<1000x64xf32, #tpu.memory_space<hbm>> -> memref<1x64xf32, #tpu.memory_space<hbm>>
        %dma_start3A_287 = tpu.memref_squeeze %dma_start3A_286 : memref<1x64xf32, #tpu.memory_space<hbm>> -> memref<64xf32, #tpu.memory_space<hbm>>
        tpu.enqueue_dma source(%dma_start3A_287 : memref<64xf32, #tpu.memory_space<hbm>>) target(%dma_start3A_284 : memref<64xf32, #tpu.memory_space<vmem>>) target_semaphore(%arg15 : memref<!tpu.dma_semaphore, #tpu.memory_space<semaphore_mem>>)
        %slice3A_288 = vector.extract_strided_slice %get3A_74 {offsets = [4], sizes = [1], strides = [1]} : vector<16xi32> to vector<1xi32>
        %squeeze3A_289 = vector.extract %slice3A_288[0] : i32 from vector<1xi32>
        %dma_start3A_290 = arith.constant 0 : i32
        %dma_start3A_291 = tpu.memref_slice %arg13[%add3A_259, %dma_start3A_290] : memref<128x64xf32, #tpu.memory_space<vmem>> -> memref<1x64xf32, #tpu.memory_space<vmem>>
        %dma_start3A_292 = tpu.memref_squeeze %dma_start3A_291 : memref<1x64xf32, #tpu.memory_space<vmem>> -> memref<64xf32, #tpu.memory_space<vmem>>
        %dma_start3A_293 = arith.constant 0 : i32
        %dma_start3A_294 = tpu.memref_slice %arg5[%squeeze3A_289, %dma_start3A_293] : memref<1000000x64xf32, #tpu.memory_space<hbm>> -> memref<1x64xf32, #tpu.memory_space<hbm>>
        %dma_start3A_295 = tpu.memref_squeeze %dma_start3A_294 : memref<1x64xf32, #tpu.memory_space<hbm>> -> memref<64xf32, #tpu.memory_space<hbm>>
        %dma_start3A_296 = arith.constant 0 : i32
        %dma_start3A_297 = tpu.memref_slice %arg13[%add3A_259, %dma_start3A_296] : memref<128x64xf32, #tpu.memory_space<vmem>> -> memref<1x64xf32, #tpu.memory_space<vmem>>
        %dma_start3A_298 = tpu.memref_squeeze %dma_start3A_297 : memref<1x64xf32, #tpu.memory_space<vmem>> -> memref<64xf32, #tpu.memory_space<vmem>>
        %dma_start3A_299 = arith.constant 0 : i32
        %dma_start3A_300 = tpu.memref_slice %arg5[%squeeze3A_289, %dma_start3A_299] : memref<1000000x64xf32, #tpu.memory_space<hbm>> -> memref<1x64xf32, #tpu.memory_space<hbm>>
        %dma_start3A_301 = tpu.memref_squeeze %dma_start3A_300 : memref<1x64xf32, #tpu.memory_space<hbm>> -> memref<64xf32, #tpu.memory_space<hbm>>
        tpu.enqueue_dma source(%dma_start3A_301 : memref<64xf32, #tpu.memory_space<hbm>>) target(%dma_start3A_298 : memref<64xf32, #tpu.memory_space<vmem>>) target_semaphore(%arg15 : memref<!tpu.dma_semaphore, #tpu.memory_space<semaphore_mem>>)
        %mul3A_302 = arith.constant 16 : i32
        %mul3A_303 = arith.muli %scan3A_63, %mul3A_302 : i32
        %add3A_304 = arith.constant 5 : i32
        %add3A_305 = arith.addi %mul3A_303, %add3A_304 : i32
        %slice3A_306 = vector.extract_strided_slice %get3A_68 {offsets = [5], sizes = [1], strides = [1]} : vector<16xi32> to vector<1xi32>
        %squeeze3A_307 = vector.extract %slice3A_306[0] : i32 from vector<1xi32>
        %dma_start3A_308 = arith.constant 0 : i32
        %dma_start3A_309 = tpu.memref_slice %arg11[%add3A_305, %dma_start3A_308] : memref<128x64xf32, #tpu.memory_space<vmem>> -> memref<1x64xf32, #tpu.memory_space<vmem>>
        %dma_start3A_310 = tpu.memref_squeeze %dma_start3A_309 : memref<1x64xf32, #tpu.memory_space<vmem>> -> memref<64xf32, #tpu.memory_space<vmem>>
        %dma_start3A_311 = arith.constant 0 : i32
        %dma_start3A_312 = tpu.memref_slice %arg5[%squeeze3A_307, %dma_start3A_311] : memref<1000000x64xf32, #tpu.memory_space<hbm>> -> memref<1x64xf32, #tpu.memory_space<hbm>>
        %dma_start3A_313 = tpu.memref_squeeze %dma_start3A_312 : memref<1x64xf32, #tpu.memory_space<hbm>> -> memref<64xf32, #tpu.memory_space<hbm>>
        %dma_start3A_314 = arith.constant 0 : i32
        %dma_start3A_315 = tpu.memref_slice %arg11[%add3A_305, %dma_start3A_314] : memref<128x64xf32, #tpu.memory_space<vmem>> -> memref<1x64xf32, #tpu.memory_space<vmem>>
        %dma_start3A_316 = tpu.memref_squeeze %dma_start3A_315 : memref<1x64xf32, #tpu.memory_space<vmem>> -> memref<64xf32, #tpu.memory_space<vmem>>
        %dma_start3A_317 = arith.constant 0 : i32
        %dma_start3A_318 = tpu.memref_slice %arg5[%squeeze3A_307, %dma_start3A_317] : memref<1000000x64xf32, #tpu.memory_space<hbm>> -> memref<1x64xf32, #tpu.memory_space<hbm>>
        %dma_start3A_319 = tpu.memref_squeeze %dma_start3A_318 : memref<1x64xf32, #tpu.memory_space<hbm>> -> memref<64xf32, #tpu.memory_space<hbm>>
        tpu.enqueue_dma source(%dma_start3A_319 : memref<64xf32, #tpu.memory_space<hbm>>) target(%dma_start3A_316 : memref<64xf32, #tpu.memory_space<vmem>>) target_semaphore(%arg15 : memref<!tpu.dma_semaphore, #tpu.memory_space<semaphore_mem>>)
        %slice3A_320 = vector.extract_strided_slice %get3A_71 {offsets = [5], sizes = [1], strides = [1]} : vector<16xi32> to vector<1xi32>
        %squeeze3A_321 = vector.extract %slice3A_320[0] : i32 from vector<1xi32>
        %dma_start3A_322 = arith.constant 0 : i32
        %dma_start3A_323 = tpu.memref_slice %arg12[%add3A_305, %dma_start3A_322] : memref<128x64xf32, #tpu.memory_space<vmem>> -> memref<1x64xf32, #tpu.memory_space<vmem>>
        %dma_start3A_324 = tpu.memref_squeeze %dma_start3A_323 : memref<1x64xf32, #tpu.memory_space<vmem>> -> memref<64xf32, #tpu.memory_space<vmem>>
        %dma_start3A_325 = arith.constant 0 : i32
        %dma_start3A_326 = tpu.memref_slice %arg6[%squeeze3A_321, %dma_start3A_325] : memref<1000x64xf32, #tpu.memory_space<hbm>> -> memref<1x64xf32, #tpu.memory_space<hbm>>
        %dma_start3A_327 = tpu.memref_squeeze %dma_start3A_326 : memref<1x64xf32, #tpu.memory_space<hbm>> -> memref<64xf32, #tpu.memory_space<hbm>>
        %dma_start3A_328 = arith.constant 0 : i32
        %dma_start3A_329 = tpu.memref_slice %arg12[%add3A_305, %dma_start3A_328] : memref<128x64xf32, #tpu.memory_space<vmem>> -> memref<1x64xf32, #tpu.memory_space<vmem>>
        %dma_start3A_330 = tpu.memref_squeeze %dma_start3A_329 : memref<1x64xf32, #tpu.memory_space<vmem>> -> memref<64xf32, #tpu.memory_space<vmem>>
        %dma_start3A_331 = arith.constant 0 : i32
        %dma_start3A_332 = tpu.memref_slice %arg6[%squeeze3A_321, %dma_start3A_331] : memref<1000x64xf32, #tpu.memory_space<hbm>> -> memref<1x64xf32, #tpu.memory_space<hbm>>
        %dma_start3A_333 = tpu.memref_squeeze %dma_start3A_332 : memref<1x64xf32, #tpu.memory_space<hbm>> -> memref<64xf32, #tpu.memory_space<hbm>>
        tpu.enqueue_dma source(%dma_start3A_333 : memref<64xf32, #tpu.memory_space<hbm>>) target(%dma_start3A_330 : memref<64xf32, #tpu.memory_space<vmem>>) target_semaphore(%arg15 : memref<!tpu.dma_semaphore, #tpu.memory_space<semaphore_mem>>)
        %slice3A_334 = vector.extract_strided_slice %get3A_74 {offsets = [5], sizes = [1], strides = [1]} : vector<16xi32> to vector<1xi32>
        %squeeze3A_335 = vector.extract %slice3A_334[0] : i32 from vector<1xi32>
        %dma_start3A_336 = arith.constant 0 : i32
        %dma_start3A_337 = tpu.memref_slice %arg13[%add3A_305, %dma_start3A_336] : memref<128x64xf32, #tpu.memory_space<vmem>> -> memref<1x64xf32, #tpu.memory_space<vmem>>
        %dma_start3A_338 = tpu.memref_squeeze %dma_start3A_337 : memref<1x64xf32, #tpu.memory_space<vmem>> -> memref<64xf32, #tpu.memory_space<vmem>>
        %dma_start3A_339 = arith.constant 0 : i32
        %dma_start3A_340 = tpu.memref_slice %arg5[%squeeze3A_335, %dma_start3A_339] : memref<1000000x64xf32, #tpu.memory_space<hbm>> -> memref<1x64xf32, #tpu.memory_space<hbm>>
        %dma_start3A_341 = tpu.memref_squeeze %dma_start3A_340 : memref<1x64xf32, #tpu.memory_space<hbm>> -> memref<64xf32, #tpu.memory_space<hbm>>
        %dma_start3A_342 = arith.constant 0 : i32
        %dma_start3A_343 = tpu.memref_slice %arg13[%add3A_305, %dma_start3A_342] : memref<128x64xf32, #tpu.memory_space<vmem>> -> memref<1x64xf32, #tpu.memory_space<vmem>>
        %dma_start3A_344 = tpu.memref_squeeze %dma_start3A_343 : memref<1x64xf32, #tpu.memory_space<vmem>> -> memref<64xf32, #tpu.memory_space<vmem>>
        %dma_start3A_345 = arith.constant 0 : i32
        %dma_start3A_346 = tpu.memref_slice %arg5[%squeeze3A_335, %dma_start3A_345] : memref<1000000x64xf32, #tpu.memory_space<hbm>> -> memref<1x64xf32, #tpu.memory_space<hbm>>
        %dma_start3A_347 = tpu.memref_squeeze %dma_start3A_346 : memref<1x64xf32, #tpu.memory_space<hbm>> -> memref<64xf32, #tpu.memory_space<hbm>>
        tpu.enqueue_dma source(%dma_start3A_347 : memref<64xf32, #tpu.memory_space<hbm>>) target(%dma_start3A_344 : memref<64xf32, #tpu.memory_space<vmem>>) target_semaphore(%arg15 : memref<!tpu.dma_semaphore, #tpu.memory_space<semaphore_mem>>)
        %mul3A_348 = arith.constant 16 : i32
        %mul3A_349 = arith.muli %scan3A_63, %mul3A_348 : i32
        %add3A_350 = arith.constant 6 : i32
        %add3A_351 = arith.addi %mul3A_349, %add3A_350 : i32
        %slice3A_352 = vector.extract_strided_slice %get3A_68 {offsets = [6], sizes = [1], strides = [1]} : vector<16xi32> to vector<1xi32>
        %squeeze3A_353 = vector.extract %slice3A_352[0] : i32 from vector<1xi32>
        %dma_start3A_354 = arith.constant 0 : i32
        %dma_start3A_355 = tpu.memref_slice %arg11[%add3A_351, %dma_start3A_354] : memref<128x64xf32, #tpu.memory_space<vmem>> -> memref<1x64xf32, #tpu.memory_space<vmem>>
        %dma_start3A_356 = tpu.memref_squeeze %dma_start3A_355 : memref<1x64xf32, #tpu.memory_space<vmem>> -> memref<64xf32, #tpu.memory_space<vmem>>
        %dma_start3A_357 = arith.constant 0 : i32
        %dma_start3A_358 = tpu.memref_slice %arg5[%squeeze3A_353, %dma_start3A_357] : memref<1000000x64xf32, #tpu.memory_space<hbm>> -> memref<1x64xf32, #tpu.memory_space<hbm>>
        %dma_start3A_359 = tpu.memref_squeeze %dma_start3A_358 : memref<1x64xf32, #tpu.memory_space<hbm>> -> memref<64xf32, #tpu.memory_space<hbm>>
        %dma_start3A_360 = arith.constant 0 : i32
        %dma_start3A_361 = tpu.memref_slice %arg11[%add3A_351, %dma_start3A_360] : memref<128x64xf32, #tpu.memory_space<vmem>> -> memref<1x64xf32, #tpu.memory_space<vmem>>
        %dma_start3A_362 = tpu.memref_squeeze %dma_start3A_361 : memref<1x64xf32, #tpu.memory_space<vmem>> -> memref<64xf32, #tpu.memory_space<vmem>>
        %dma_start3A_363 = arith.constant 0 : i32
        %dma_start3A_364 = tpu.memref_slice %arg5[%squeeze3A_353, %dma_start3A_363] : memref<1000000x64xf32, #tpu.memory_space<hbm>> -> memref<1x64xf32, #tpu.memory_space<hbm>>
        %dma_start3A_365 = tpu.memref_squeeze %dma_start3A_364 : memref<1x64xf32, #tpu.memory_space<hbm>> -> memref<64xf32, #tpu.memory_space<hbm>>
        tpu.enqueue_dma source(%dma_start3A_365 : memref<64xf32, #tpu.memory_space<hbm>>) target(%dma_start3A_362 : memref<64xf32, #tpu.memory_space<vmem>>) target_semaphore(%arg15 : memref<!tpu.dma_semaphore, #tpu.memory_space<semaphore_mem>>)
        %slice3A_366 = vector.extract_strided_slice %get3A_71 {offsets = [6], sizes = [1], strides = [1]} : vector<16xi32> to vector<1xi32>
        %squeeze3A_367 = vector.extract %slice3A_366[0] : i32 from vector<1xi32>
        %dma_start3A_368 = arith.constant 0 : i32
        %dma_start3A_369 = tpu.memref_slice %arg12[%add3A_351, %dma_start3A_368] : memref<128x64xf32, #tpu.memory_space<vmem>> -> memref<1x64xf32, #tpu.memory_space<vmem>>
        %dma_start3A_370 = tpu.memref_squeeze %dma_start3A_369 : memref<1x64xf32, #tpu.memory_space<vmem>> -> memref<64xf32, #tpu.memory_space<vmem>>
        %dma_start3A_371 = arith.constant 0 : i32
        %dma_start3A_372 = tpu.memref_slice %arg6[%squeeze3A_367, %dma_start3A_371] : memref<1000x64xf32, #tpu.memory_space<hbm>> -> memref<1x64xf32, #tpu.memory_space<hbm>>
        %dma_start3A_373 = tpu.memref_squeeze %dma_start3A_372 : memref<1x64xf32, #tpu.memory_space<hbm>> -> memref<64xf32, #tpu.memory_space<hbm>>
        %dma_start3A_374 = arith.constant 0 : i32
        %dma_start3A_375 = tpu.memref_slice %arg12[%add3A_351, %dma_start3A_374] : memref<128x64xf32, #tpu.memory_space<vmem>> -> memref<1x64xf32, #tpu.memory_space<vmem>>
        %dma_start3A_376 = tpu.memref_squeeze %dma_start3A_375 : memref<1x64xf32, #tpu.memory_space<vmem>> -> memref<64xf32, #tpu.memory_space<vmem>>
        %dma_start3A_377 = arith.constant 0 : i32
        %dma_start3A_378 = tpu.memref_slice %arg6[%squeeze3A_367, %dma_start3A_377] : memref<1000x64xf32, #tpu.memory_space<hbm>> -> memref<1x64xf32, #tpu.memory_space<hbm>>
        %dma_start3A_379 = tpu.memref_squeeze %dma_start3A_378 : memref<1x64xf32, #tpu.memory_space<hbm>> -> memref<64xf32, #tpu.memory_space<hbm>>
        tpu.enqueue_dma source(%dma_start3A_379 : memref<64xf32, #tpu.memory_space<hbm>>) target(%dma_start3A_376 : memref<64xf32, #tpu.memory_space<vmem>>) target_semaphore(%arg15 : memref<!tpu.dma_semaphore, #tpu.memory_space<semaphore_mem>>)
        %slice3A_380 = vector.extract_strided_slice %get3A_74 {offsets = [6], sizes = [1], strides = [1]} : vector<16xi32> to vector<1xi32>
        %squeeze3A_381 = vector.extract %slice3A_380[0] : i32 from vector<1xi32>
        %dma_start3A_382 = arith.constant 0 : i32
        %dma_start3A_383 = tpu.memref_slice %arg13[%add3A_351, %dma_start3A_382] : memref<128x64xf32, #tpu.memory_space<vmem>> -> memref<1x64xf32, #tpu.memory_space<vmem>>
        %dma_start3A_384 = tpu.memref_squeeze %dma_start3A_383 : memref<1x64xf32, #tpu.memory_space<vmem>> -> memref<64xf32, #tpu.memory_space<vmem>>
        %dma_start3A_385 = arith.constant 0 : i32
        %dma_start3A_386 = tpu.memref_slice %arg5[%squeeze3A_381, %dma_start3A_385] : memref<1000000x64xf32, #tpu.memory_space<hbm>> -> memref<1x64xf32, #tpu.memory_space<hbm>>
        %dma_start3A_387 = tpu.memref_squeeze %dma_start3A_386 : memref<1x64xf32, #tpu.memory_space<hbm>> -> memref<64xf32, #tpu.memory_space<hbm>>
        %dma_start3A_388 = arith.constant 0 : i32
        %dma_start3A_389 = tpu.memref_slice %arg13[%add3A_351, %dma_start3A_388] : memref<128x64xf32, #tpu.memory_space<vmem>> -> memref<1x64xf32, #tpu.memory_space<vmem>>
        %dma_start3A_390 = tpu.memref_squeeze %dma_start3A_389 : memref<1x64xf32, #tpu.memory_space<vmem>> -> memref<64xf32, #tpu.memory_space<vmem>>
        %dma_start3A_391 = arith.constant 0 : i32
        %dma_start3A_392 = tpu.memref_slice %arg5[%squeeze3A_381, %dma_start3A_391] : memref<1000000x64xf32, #tpu.memory_space<hbm>> -> memref<1x64xf32, #tpu.memory_space<hbm>>
        %dma_start3A_393 = tpu.memref_squeeze %dma_start3A_392 : memref<1x64xf32, #tpu.memory_space<hbm>> -> memref<64xf32, #tpu.memory_space<hbm>>
        tpu.enqueue_dma source(%dma_start3A_393 : memref<64xf32, #tpu.memory_space<hbm>>) target(%dma_start3A_390 : memref<64xf32, #tpu.memory_space<vmem>>) target_semaphore(%arg15 : memref<!tpu.dma_semaphore, #tpu.memory_space<semaphore_mem>>)
        %mul3A_394 = arith.constant 16 : i32
        %mul3A_395 = arith.muli %scan3A_63, %mul3A_394 : i32
        %add3A_396 = arith.constant 7 : i32
        %add3A_397 = arith.addi %mul3A_395, %add3A_396 : i32
        %slice3A_398 = vector.extract_strided_slice %get3A_68 {offsets = [7], sizes = [1], strides = [1]} : vector<16xi32> to vector<1xi32>
        %squeeze3A_399 = vector.extract %slice3A_398[0] : i32 from vector<1xi32>
        %dma_start3A_400 = arith.constant 0 : i32
        %dma_start3A_401 = tpu.memref_slice %arg11[%add3A_397, %dma_start3A_400] : memref<128x64xf32, #tpu.memory_space<vmem>> -> memref<1x64xf32, #tpu.memory_space<vmem>>
        %dma_start3A_402 = tpu.memref_squeeze %dma_start3A_401 : memref<1x64xf32, #tpu.memory_space<vmem>> -> memref<64xf32, #tpu.memory_space<vmem>>
        %dma_start3A_403 = arith.constant 0 : i32
        %dma_start3A_404 = tpu.memref_slice %arg5[%squeeze3A_399, %dma_start3A_403] : memref<1000000x64xf32, #tpu.memory_space<hbm>> -> memref<1x64xf32, #tpu.memory_space<hbm>>
        %dma_start3A_405 = tpu.memref_squeeze %dma_start3A_404 : memref<1x64xf32, #tpu.memory_space<hbm>> -> memref<64xf32, #tpu.memory_space<hbm>>
        %dma_start3A_406 = arith.constant 0 : i32
        %dma_start3A_407 = tpu.memref_slice %arg11[%add3A_397, %dma_start3A_406] : memref<128x64xf32, #tpu.memory_space<vmem>> -> memref<1x64xf32, #tpu.memory_space<vmem>>
        %dma_start3A_408 = tpu.memref_squeeze %dma_start3A_407 : memref<1x64xf32, #tpu.memory_space<vmem>> -> memref<64xf32, #tpu.memory_space<vmem>>
        %dma_start3A_409 = arith.constant 0 : i32
        %dma_start3A_410 = tpu.memref_slice %arg5[%squeeze3A_399, %dma_start3A_409] : memref<1000000x64xf32, #tpu.memory_space<hbm>> -> memref<1x64xf32, #tpu.memory_space<hbm>>
        %dma_start3A_411 = tpu.memref_squeeze %dma_start3A_410 : memref<1x64xf32, #tpu.memory_space<hbm>> -> memref<64xf32, #tpu.memory_space<hbm>>
        tpu.enqueue_dma source(%dma_start3A_411 : memref<64xf32, #tpu.memory_space<hbm>>) target(%dma_start3A_408 : memref<64xf32, #tpu.memory_space<vmem>>) target_semaphore(%arg15 : memref<!tpu.dma_semaphore, #tpu.memory_space<semaphore_mem>>)
        %slice3A_412 = vector.extract_strided_slice %get3A_71 {offsets = [7], sizes = [1], strides = [1]} : vector<16xi32> to vector<1xi32>
        %squeeze3A_413 = vector.extract %slice3A_412[0] : i32 from vector<1xi32>
        %dma_start3A_414 = arith.constant 0 : i32
        %dma_start3A_415 = tpu.memref_slice %arg12[%add3A_397, %dma_start3A_414] : memref<128x64xf32, #tpu.memory_space<vmem>> -> memref<1x64xf32, #tpu.memory_space<vmem>>
        %dma_start3A_416 = tpu.memref_squeeze %dma_start3A_415 : memref<1x64xf32, #tpu.memory_space<vmem>> -> memref<64xf32, #tpu.memory_space<vmem>>
        %dma_start3A_417 = arith.constant 0 : i32
        %dma_start3A_418 = tpu.memref_slice %arg6[%squeeze3A_413, %dma_start3A_417] : memref<1000x64xf32, #tpu.memory_space<hbm>> -> memref<1x64xf32, #tpu.memory_space<hbm>>
        %dma_start3A_419 = tpu.memref_squeeze %dma_start3A_418 : memref<1x64xf32, #tpu.memory_space<hbm>> -> memref<64xf32, #tpu.memory_space<hbm>>
        %dma_start3A_420 = arith.constant 0 : i32
        %dma_start3A_421 = tpu.memref_slice %arg12[%add3A_397, %dma_start3A_420] : memref<128x64xf32, #tpu.memory_space<vmem>> -> memref<1x64xf32, #tpu.memory_space<vmem>>
        %dma_start3A_422 = tpu.memref_squeeze %dma_start3A_421 : memref<1x64xf32, #tpu.memory_space<vmem>> -> memref<64xf32, #tpu.memory_space<vmem>>
        %dma_start3A_423 = arith.constant 0 : i32
        %dma_start3A_424 = tpu.memref_slice %arg6[%squeeze3A_413, %dma_start3A_423] : memref<1000x64xf32, #tpu.memory_space<hbm>> -> memref<1x64xf32, #tpu.memory_space<hbm>>
        %dma_start3A_425 = tpu.memref_squeeze %dma_start3A_424 : memref<1x64xf32, #tpu.memory_space<hbm>> -> memref<64xf32, #tpu.memory_space<hbm>>
        tpu.enqueue_dma source(%dma_start3A_425 : memref<64xf32, #tpu.memory_space<hbm>>) target(%dma_start3A_422 : memref<64xf32, #tpu.memory_space<vmem>>) target_semaphore(%arg15 : memref<!tpu.dma_semaphore, #tpu.memory_space<semaphore_mem>>)
        %slice3A_426 = vector.extract_strided_slice %get3A_74 {offsets = [7], sizes = [1], strides = [1]} : vector<16xi32> to vector<1xi32>
        %squeeze3A_427 = vector.extract %slice3A_426[0] : i32 from vector<1xi32>
        %dma_start3A_428 = arith.constant 0 : i32
        %dma_start3A_429 = tpu.memref_slice %arg13[%add3A_397, %dma_start3A_428] : memref<128x64xf32, #tpu.memory_space<vmem>> -> memref<1x64xf32, #tpu.memory_space<vmem>>
        %dma_start3A_430 = tpu.memref_squeeze %dma_start3A_429 : memref<1x64xf32, #tpu.memory_space<vmem>> -> memref<64xf32, #tpu.memory_space<vmem>>
        %dma_start3A_431 = arith.constant 0 : i32
        %dma_start3A_432 = tpu.memref_slice %arg5[%squeeze3A_427, %dma_start3A_431] : memref<1000000x64xf32, #tpu.memory_space<hbm>> -> memref<1x64xf32, #tpu.memory_space<hbm>>
        %dma_start3A_433 = tpu.memref_squeeze %dma_start3A_432 : memref<1x64xf32, #tpu.memory_space<hbm>> -> memref<64xf32, #tpu.memory_space<hbm>>
        %dma_start3A_434 = arith.constant 0 : i32
        %dma_start3A_435 = tpu.memref_slice %arg13[%add3A_397, %dma_start3A_434] : memref<128x64xf32, #tpu.memory_space<vmem>> -> memref<1x64xf32, #tpu.memory_space<vmem>>
        %dma_start3A_436 = tpu.memref_squeeze %dma_start3A_435 : memref<1x64xf32, #tpu.memory_space<vmem>> -> memref<64xf32, #tpu.memory_space<vmem>>
        %dma_start3A_437 = arith.constant 0 : i32
        %dma_start3A_438 = tpu.memref_slice %arg5[%squeeze3A_427, %dma_start3A_437] : memref<1000000x64xf32, #tpu.memory_space<hbm>> -> memref<1x64xf32, #tpu.memory_space<hbm>>
        %dma_start3A_439 = tpu.memref_squeeze %dma_start3A_438 : memref<1x64xf32, #tpu.memory_space<hbm>> -> memref<64xf32, #tpu.memory_space<hbm>>
        tpu.enqueue_dma source(%dma_start3A_439 : memref<64xf32, #tpu.memory_space<hbm>>) target(%dma_start3A_436 : memref<64xf32, #tpu.memory_space<vmem>>) target_semaphore(%arg15 : memref<!tpu.dma_semaphore, #tpu.memory_space<semaphore_mem>>)
        %mul3A_440 = arith.constant 16 : i32
        %mul3A_441 = arith.muli %scan3A_63, %mul3A_440 : i32
        %add3A_442 = arith.constant 8 : i32
        %add3A_443 = arith.addi %mul3A_441, %add3A_442 : i32
        %slice3A_444 = vector.extract_strided_slice %get3A_68 {offsets = [8], sizes = [1], strides = [1]} : vector<16xi32> to vector<1xi32>
        %squeeze3A_445 = vector.extract %slice3A_444[0] : i32 from vector<1xi32>
        %dma_start3A_446 = arith.constant 0 : i32
        %dma_start3A_447 = tpu.memref_slice %arg11[%add3A_443, %dma_start3A_446] : memref<128x64xf32, #tpu.memory_space<vmem>> -> memref<1x64xf32, #tpu.memory_space<vmem>>
        %dma_start3A_448 = tpu.memref_squeeze %dma_start3A_447 : memref<1x64xf32, #tpu.memory_space<vmem>> -> memref<64xf32, #tpu.memory_space<vmem>>
        %dma_start3A_449 = arith.constant 0 : i32
        %dma_start3A_450 = tpu.memref_slice %arg5[%squeeze3A_445, %dma_start3A_449] : memref<1000000x64xf32, #tpu.memory_space<hbm>> -> memref<1x64xf32, #tpu.memory_space<hbm>>
        %dma_start3A_451 = tpu.memref_squeeze %dma_start3A_450 : memref<1x64xf32, #tpu.memory_space<hbm>> -> memref<64xf32, #tpu.memory_space<hbm>>
        %dma_start3A_452 = arith.constant 0 : i32
        %dma_start3A_453 = tpu.memref_slice %arg11[%add3A_443, %dma_start3A_452] : memref<128x64xf32, #tpu.memory_space<vmem>> -> memref<1x64xf32, #tpu.memory_space<vmem>>
        %dma_start3A_454 = tpu.memref_squeeze %dma_start3A_453 : memref<1x64xf32, #tpu.memory_space<vmem>> -> memref<64xf32, #tpu.memory_space<vmem>>
        %dma_start3A_455 = arith.constant 0 : i32
        %dma_start3A_456 = tpu.memref_slice %arg5[%squeeze3A_445, %dma_start3A_455] : memref<1000000x64xf32, #tpu.memory_space<hbm>> -> memref<1x64xf32, #tpu.memory_space<hbm>>
        %dma_start3A_457 = tpu.memref_squeeze %dma_start3A_456 : memref<1x64xf32, #tpu.memory_space<hbm>> -> memref<64xf32, #tpu.memory_space<hbm>>
        tpu.enqueue_dma source(%dma_start3A_457 : memref<64xf32, #tpu.memory_space<hbm>>) target(%dma_start3A_454 : memref<64xf32, #tpu.memory_space<vmem>>) target_semaphore(%arg15 : memref<!tpu.dma_semaphore, #tpu.memory_space<semaphore_mem>>)
        %slice3A_458 = vector.extract_strided_slice %get3A_71 {offsets = [8], sizes = [1], strides = [1]} : vector<16xi32> to vector<1xi32>
        %squeeze3A_459 = vector.extract %slice3A_458[0] : i32 from vector<1xi32>
        %dma_start3A_460 = arith.constant 0 : i32
        %dma_start3A_461 = tpu.memref_slice %arg12[%add3A_443, %dma_start3A_460] : memref<128x64xf32, #tpu.memory_space<vmem>> -> memref<1x64xf32, #tpu.memory_space<vmem>>
        %dma_start3A_462 = tpu.memref_squeeze %dma_start3A_461 : memref<1x64xf32, #tpu.memory_space<vmem>> -> memref<64xf32, #tpu.memory_space<vmem>>
        %dma_start3A_463 = arith.constant 0 : i32
        %dma_start3A_464 = tpu.memref_slice %arg6[%squeeze3A_459, %dma_start3A_463] : memref<1000x64xf32, #tpu.memory_space<hbm>> -> memref<1x64xf32, #tpu.memory_space<hbm>>
        %dma_start3A_465 = tpu.memref_squeeze %dma_start3A_464 : memref<1x64xf32, #tpu.memory_space<hbm>> -> memref<64xf32, #tpu.memory_space<hbm>>
        %dma_start3A_466 = arith.constant 0 : i32
        %dma_start3A_467 = tpu.memref_slice %arg12[%add3A_443, %dma_start3A_466] : memref<128x64xf32, #tpu.memory_space<vmem>> -> memref<1x64xf32, #tpu.memory_space<vmem>>
        %dma_start3A_468 = tpu.memref_squeeze %dma_start3A_467 : memref<1x64xf32, #tpu.memory_space<vmem>> -> memref<64xf32, #tpu.memory_space<vmem>>
        %dma_start3A_469 = arith.constant 0 : i32
        %dma_start3A_470 = tpu.memref_slice %arg6[%squeeze3A_459, %dma_start3A_469] : memref<1000x64xf32, #tpu.memory_space<hbm>> -> memref<1x64xf32, #tpu.memory_space<hbm>>
        %dma_start3A_471 = tpu.memref_squeeze %dma_start3A_470 : memref<1x64xf32, #tpu.memory_space<hbm>> -> memref<64xf32, #tpu.memory_space<hbm>>
        tpu.enqueue_dma source(%dma_start3A_471 : memref<64xf32, #tpu.memory_space<hbm>>) target(%dma_start3A_468 : memref<64xf32, #tpu.memory_space<vmem>>) target_semaphore(%arg15 : memref<!tpu.dma_semaphore, #tpu.memory_space<semaphore_mem>>)
        %slice3A_472 = vector.extract_strided_slice %get3A_74 {offsets = [8], sizes = [1], strides = [1]} : vector<16xi32> to vector<1xi32>
        %squeeze3A_473 = vector.extract %slice3A_472[0] : i32 from vector<1xi32>
        %dma_start3A_474 = arith.constant 0 : i32
        %dma_start3A_475 = tpu.memref_slice %arg13[%add3A_443, %dma_start3A_474] : memref<128x64xf32, #tpu.memory_space<vmem>> -> memref<1x64xf32, #tpu.memory_space<vmem>>
        %dma_start3A_476 = tpu.memref_squeeze %dma_start3A_475 : memref<1x64xf32, #tpu.memory_space<vmem>> -> memref<64xf32, #tpu.memory_space<vmem>>
        %dma_start3A_477 = arith.constant 0 : i32
        %dma_start3A_478 = tpu.memref_slice %arg5[%squeeze3A_473, %dma_start3A_477] : memref<1000000x64xf32, #tpu.memory_space<hbm>> -> memref<1x64xf32, #tpu.memory_space<hbm>>
        %dma_start3A_479 = tpu.memref_squeeze %dma_start3A_478 : memref<1x64xf32, #tpu.memory_space<hbm>> -> memref<64xf32, #tpu.memory_space<hbm>>
        %dma_start3A_480 = arith.constant 0 : i32
        %dma_start3A_481 = tpu.memref_slice %arg13[%add3A_443, %dma_start3A_480] : memref<128x64xf32, #tpu.memory_space<vmem>> -> memref<1x64xf32, #tpu.memory_space<vmem>>
        %dma_start3A_482 = tpu.memref_squeeze %dma_start3A_481 : memref<1x64xf32, #tpu.memory_space<vmem>> -> memref<64xf32, #tpu.memory_space<vmem>>
        %dma_start3A_483 = arith.constant 0 : i32
        %dma_start3A_484 = tpu.memref_slice %arg5[%squeeze3A_473, %dma_start3A_483] : memref<1000000x64xf32, #tpu.memory_space<hbm>> -> memref<1x64xf32, #tpu.memory_space<hbm>>
        %dma_start3A_485 = tpu.memref_squeeze %dma_start3A_484 : memref<1x64xf32, #tpu.memory_space<hbm>> -> memref<64xf32, #tpu.memory_space<hbm>>
        tpu.enqueue_dma source(%dma_start3A_485 : memref<64xf32, #tpu.memory_space<hbm>>) target(%dma_start3A_482 : memref<64xf32, #tpu.memory_space<vmem>>) target_semaphore(%arg15 : memref<!tpu.dma_semaphore, #tpu.memory_space<semaphore_mem>>)
        %mul3A_486 = arith.constant 16 : i32
        %mul3A_487 = arith.muli %scan3A_63, %mul3A_486 : i32
        %add3A_488 = arith.constant 9 : i32
        %add3A_489 = arith.addi %mul3A_487, %add3A_488 : i32
        %slice3A_490 = vector.extract_strided_slice %get3A_68 {offsets = [9], sizes = [1], strides = [1]} : vector<16xi32> to vector<1xi32>
        %squeeze3A_491 = vector.extract %slice3A_490[0] : i32 from vector<1xi32>
        %dma_start3A_492 = arith.constant 0 : i32
        %dma_start3A_493 = tpu.memref_slice %arg11[%add3A_489, %dma_start3A_492] : memref<128x64xf32, #tpu.memory_space<vmem>> -> memref<1x64xf32, #tpu.memory_space<vmem>>
        %dma_start3A_494 = tpu.memref_squeeze %dma_start3A_493 : memref<1x64xf32, #tpu.memory_space<vmem>> -> memref<64xf32, #tpu.memory_space<vmem>>
        %dma_start3A_495 = arith.constant 0 : i32
        %dma_start3A_496 = tpu.memref_slice %arg5[%squeeze3A_491, %dma_start3A_495] : memref<1000000x64xf32, #tpu.memory_space<hbm>> -> memref<1x64xf32, #tpu.memory_space<hbm>>
        %dma_start3A_497 = tpu.memref_squeeze %dma_start3A_496 : memref<1x64xf32, #tpu.memory_space<hbm>> -> memref<64xf32, #tpu.memory_space<hbm>>
        %dma_start3A_498 = arith.constant 0 : i32
        %dma_start3A_499 = tpu.memref_slice %arg11[%add3A_489, %dma_start3A_498] : memref<128x64xf32, #tpu.memory_space<vmem>> -> memref<1x64xf32, #tpu.memory_space<vmem>>
        %dma_start3A_500 = tpu.memref_squeeze %dma_start3A_499 : memref<1x64xf32, #tpu.memory_space<vmem>> -> memref<64xf32, #tpu.memory_space<vmem>>
        %dma_start3A_501 = arith.constant 0 : i32
        %dma_start3A_502 = tpu.memref_slice %arg5[%squeeze3A_491, %dma_start3A_501] : memref<1000000x64xf32, #tpu.memory_space<hbm>> -> memref<1x64xf32, #tpu.memory_space<hbm>>
        %dma_start3A_503 = tpu.memref_squeeze %dma_start3A_502 : memref<1x64xf32, #tpu.memory_space<hbm>> -> memref<64xf32, #tpu.memory_space<hbm>>
        tpu.enqueue_dma source(%dma_start3A_503 : memref<64xf32, #tpu.memory_space<hbm>>) target(%dma_start3A_500 : memref<64xf32, #tpu.memory_space<vmem>>) target_semaphore(%arg15 : memref<!tpu.dma_semaphore, #tpu.memory_space<semaphore_mem>>)
        %slice3A_504 = vector.extract_strided_slice %get3A_71 {offsets = [9], sizes = [1], strides = [1]} : vector<16xi32> to vector<1xi32>
        %squeeze3A_505 = vector.extract %slice3A_504[0] : i32 from vector<1xi32>
        %dma_start3A_506 = arith.constant 0 : i32
        %dma_start3A_507 = tpu.memref_slice %arg12[%add3A_489, %dma_start3A_506] : memref<128x64xf32, #tpu.memory_space<vmem>> -> memref<1x64xf32, #tpu.memory_space<vmem>>
        %dma_start3A_508 = tpu.memref_squeeze %dma_start3A_507 : memref<1x64xf32, #tpu.memory_space<vmem>> -> memref<64xf32, #tpu.memory_space<vmem>>
        %dma_start3A_509 = arith.constant 0 : i32
        %dma_start3A_510 = tpu.memref_slice %arg6[%squeeze3A_505, %dma_start3A_509] : memref<1000x64xf32, #tpu.memory_space<hbm>> -> memref<1x64xf32, #tpu.memory_space<hbm>>
        %dma_start3A_511 = tpu.memref_squeeze %dma_start3A_510 : memref<1x64xf32, #tpu.memory_space<hbm>> -> memref<64xf32, #tpu.memory_space<hbm>>
        %dma_start3A_512 = arith.constant 0 : i32
        %dma_start3A_513 = tpu.memref_slice %arg12[%add3A_489, %dma_start3A_512] : memref<128x64xf32, #tpu.memory_space<vmem>> -> memref<1x64xf32, #tpu.memory_space<vmem>>
        %dma_start3A_514 = tpu.memref_squeeze %dma_start3A_513 : memref<1x64xf32, #tpu.memory_space<vmem>> -> memref<64xf32, #tpu.memory_space<vmem>>
        %dma_start3A_515 = arith.constant 0 : i32
        %dma_start3A_516 = tpu.memref_slice %arg6[%squeeze3A_505, %dma_start3A_515] : memref<1000x64xf32, #tpu.memory_space<hbm>> -> memref<1x64xf32, #tpu.memory_space<hbm>>
        %dma_start3A_517 = tpu.memref_squeeze %dma_start3A_516 : memref<1x64xf32, #tpu.memory_space<hbm>> -> memref<64xf32, #tpu.memory_space<hbm>>
        tpu.enqueue_dma source(%dma_start3A_517 : memref<64xf32, #tpu.memory_space<hbm>>) target(%dma_start3A_514 : memref<64xf32, #tpu.memory_space<vmem>>) target_semaphore(%arg15 : memref<!tpu.dma_semaphore, #tpu.memory_space<semaphore_mem>>)
        %slice3A_518 = vector.extract_strided_slice %get3A_74 {offsets = [9], sizes = [1], strides = [1]} : vector<16xi32> to vector<1xi32>
        %squeeze3A_519 = vector.extract %slice3A_518[0] : i32 from vector<1xi32>
        %dma_start3A_520 = arith.constant 0 : i32
        %dma_start3A_521 = tpu.memref_slice %arg13[%add3A_489, %dma_start3A_520] : memref<128x64xf32, #tpu.memory_space<vmem>> -> memref<1x64xf32, #tpu.memory_space<vmem>>
        %dma_start3A_522 = tpu.memref_squeeze %dma_start3A_521 : memref<1x64xf32, #tpu.memory_space<vmem>> -> memref<64xf32, #tpu.memory_space<vmem>>
        %dma_start3A_523 = arith.constant 0 : i32
        %dma_start3A_524 = tpu.memref_slice %arg5[%squeeze3A_519, %dma_start3A_523] : memref<1000000x64xf32, #tpu.memory_space<hbm>> -> memref<1x64xf32, #tpu.memory_space<hbm>>
        %dma_start3A_525 = tpu.memref_squeeze %dma_start3A_524 : memref<1x64xf32, #tpu.memory_space<hbm>> -> memref<64xf32, #tpu.memory_space<hbm>>
        %dma_start3A_526 = arith.constant 0 : i32
        %dma_start3A_527 = tpu.memref_slice %arg13[%add3A_489, %dma_start3A_526] : memref<128x64xf32, #tpu.memory_space<vmem>> -> memref<1x64xf32, #tpu.memory_space<vmem>>
        %dma_start3A_528 = tpu.memref_squeeze %dma_start3A_527 : memref<1x64xf32, #tpu.memory_space<vmem>> -> memref<64xf32, #tpu.memory_space<vmem>>
        %dma_start3A_529 = arith.constant 0 : i32
        %dma_start3A_530 = tpu.memref_slice %arg5[%squeeze3A_519, %dma_start3A_529] : memref<1000000x64xf32, #tpu.memory_space<hbm>> -> memref<1x64xf32, #tpu.memory_space<hbm>>
        %dma_start3A_531 = tpu.memref_squeeze %dma_start3A_530 : memref<1x64xf32, #tpu.memory_space<hbm>> -> memref<64xf32, #tpu.memory_space<hbm>>
        tpu.enqueue_dma source(%dma_start3A_531 : memref<64xf32, #tpu.memory_space<hbm>>) target(%dma_start3A_528 : memref<64xf32, #tpu.memory_space<vmem>>) target_semaphore(%arg15 : memref<!tpu.dma_semaphore, #tpu.memory_space<semaphore_mem>>)
        %mul3A_532 = arith.constant 16 : i32
        %mul3A_533 = arith.muli %scan3A_63, %mul3A_532 : i32
        %add3A_534 = arith.constant 10 : i32
        %add3A_535 = arith.addi %mul3A_533, %add3A_534 : i32
        %slice3A_536 = vector.extract_strided_slice %get3A_68 {offsets = [10], sizes = [1], strides = [1]} : vector<16xi32> to vector<1xi32>
        %squeeze3A_537 = vector.extract %slice3A_536[0] : i32 from vector<1xi32>
        %dma_start3A_538 = arith.constant 0 : i32
        %dma_start3A_539 = tpu.memref_slice %arg11[%add3A_535, %dma_start3A_538] : memref<128x64xf32, #tpu.memory_space<vmem>> -> memref<1x64xf32, #tpu.memory_space<vmem>>
        %dma_start3A_540 = tpu.memref_squeeze %dma_start3A_539 : memref<1x64xf32, #tpu.memory_space<vmem>> -> memref<64xf32, #tpu.memory_space<vmem>>
        %dma_start3A_541 = arith.constant 0 : i32
        %dma_start3A_542 = tpu.memref_slice %arg5[%squeeze3A_537, %dma_start3A_541] : memref<1000000x64xf32, #tpu.memory_space<hbm>> -> memref<1x64xf32, #tpu.memory_space<hbm>>
        %dma_start3A_543 = tpu.memref_squeeze %dma_start3A_542 : memref<1x64xf32, #tpu.memory_space<hbm>> -> memref<64xf32, #tpu.memory_space<hbm>>
        %dma_start3A_544 = arith.constant 0 : i32
        %dma_start3A_545 = tpu.memref_slice %arg11[%add3A_535, %dma_start3A_544] : memref<128x64xf32, #tpu.memory_space<vmem>> -> memref<1x64xf32, #tpu.memory_space<vmem>>
        %dma_start3A_546 = tpu.memref_squeeze %dma_start3A_545 : memref<1x64xf32, #tpu.memory_space<vmem>> -> memref<64xf32, #tpu.memory_space<vmem>>
        %dma_start3A_547 = arith.constant 0 : i32
        %dma_start3A_548 = tpu.memref_slice %arg5[%squeeze3A_537, %dma_start3A_547] : memref<1000000x64xf32, #tpu.memory_space<hbm>> -> memref<1x64xf32, #tpu.memory_space<hbm>>
        %dma_start3A_549 = tpu.memref_squeeze %dma_start3A_548 : memref<1x64xf32, #tpu.memory_space<hbm>> -> memref<64xf32, #tpu.memory_space<hbm>>
        tpu.enqueue_dma source(%dma_start3A_549 : memref<64xf32, #tpu.memory_space<hbm>>) target(%dma_start3A_546 : memref<64xf32, #tpu.memory_space<vmem>>) target_semaphore(%arg15 : memref<!tpu.dma_semaphore, #tpu.memory_space<semaphore_mem>>)
        %slice3A_550 = vector.extract_strided_slice %get3A_71 {offsets = [10], sizes = [1], strides = [1]} : vector<16xi32> to vector<1xi32>
        %squeeze3A_551 = vector.extract %slice3A_550[0] : i32 from vector<1xi32>
        %dma_start3A_552 = arith.constant 0 : i32
        %dma_start3A_553 = tpu.memref_slice %arg12[%add3A_535, %dma_start3A_552] : memref<128x64xf32, #tpu.memory_space<vmem>> -> memref<1x64xf32, #tpu.memory_space<vmem>>
        %dma_start3A_554 = tpu.memref_squeeze %dma_start3A_553 : memref<1x64xf32, #tpu.memory_space<vmem>> -> memref<64xf32, #tpu.memory_space<vmem>>
        %dma_start3A_555 = arith.constant 0 : i32
        %dma_start3A_556 = tpu.memref_slice %arg6[%squeeze3A_551, %dma_start3A_555] : memref<1000x64xf32, #tpu.memory_space<hbm>> -> memref<1x64xf32, #tpu.memory_space<hbm>>
        %dma_start3A_557 = tpu.memref_squeeze %dma_start3A_556 : memref<1x64xf32, #tpu.memory_space<hbm>> -> memref<64xf32, #tpu.memory_space<hbm>>
        %dma_start3A_558 = arith.constant 0 : i32
        %dma_start3A_559 = tpu.memref_slice %arg12[%add3A_535, %dma_start3A_558] : memref<128x64xf32, #tpu.memory_space<vmem>> -> memref<1x64xf32, #tpu.memory_space<vmem>>
        %dma_start3A_560 = tpu.memref_squeeze %dma_start3A_559 : memref<1x64xf32, #tpu.memory_space<vmem>> -> memref<64xf32, #tpu.memory_space<vmem>>
        %dma_start3A_561 = arith.constant 0 : i32
        %dma_start3A_562 = tpu.memref_slice %arg6[%squeeze3A_551, %dma_start3A_561] : memref<1000x64xf32, #tpu.memory_space<hbm>> -> memref<1x64xf32, #tpu.memory_space<hbm>>
        %dma_start3A_563 = tpu.memref_squeeze %dma_start3A_562 : memref<1x64xf32, #tpu.memory_space<hbm>> -> memref<64xf32, #tpu.memory_space<hbm>>
        tpu.enqueue_dma source(%dma_start3A_563 : memref<64xf32, #tpu.memory_space<hbm>>) target(%dma_start3A_560 : memref<64xf32, #tpu.memory_space<vmem>>) target_semaphore(%arg15 : memref<!tpu.dma_semaphore, #tpu.memory_space<semaphore_mem>>)
        %slice3A_564 = vector.extract_strided_slice %get3A_74 {offsets = [10], sizes = [1], strides = [1]} : vector<16xi32> to vector<1xi32>
        %squeeze3A_565 = vector.extract %slice3A_564[0] : i32 from vector<1xi32>
        %dma_start3A_566 = arith.constant 0 : i32
        %dma_start3A_567 = tpu.memref_slice %arg13[%add3A_535, %dma_start3A_566] : memref<128x64xf32, #tpu.memory_space<vmem>> -> memref<1x64xf32, #tpu.memory_space<vmem>>
        %dma_start3A_568 = tpu.memref_squeeze %dma_start3A_567 : memref<1x64xf32, #tpu.memory_space<vmem>> -> memref<64xf32, #tpu.memory_space<vmem>>
        %dma_start3A_569 = arith.constant 0 : i32
        %dma_start3A_570 = tpu.memref_slice %arg5[%squeeze3A_565, %dma_start3A_569] : memref<1000000x64xf32, #tpu.memory_space<hbm>> -> memref<1x64xf32, #tpu.memory_space<hbm>>
        %dma_start3A_571 = tpu.memref_squeeze %dma_start3A_570 : memref<1x64xf32, #tpu.memory_space<hbm>> -> memref<64xf32, #tpu.memory_space<hbm>>
        %dma_start3A_572 = arith.constant 0 : i32
        %dma_start3A_573 = tpu.memref_slice %arg13[%add3A_535, %dma_start3A_572] : memref<128x64xf32, #tpu.memory_space<vmem>> -> memref<1x64xf32, #tpu.memory_space<vmem>>
        %dma_start3A_574 = tpu.memref_squeeze %dma_start3A_573 : memref<1x64xf32, #tpu.memory_space<vmem>> -> memref<64xf32, #tpu.memory_space<vmem>>
        %dma_start3A_575 = arith.constant 0 : i32
        %dma_start3A_576 = tpu.memref_slice %arg5[%squeeze3A_565, %dma_start3A_575] : memref<1000000x64xf32, #tpu.memory_space<hbm>> -> memref<1x64xf32, #tpu.memory_space<hbm>>
        %dma_start3A_577 = tpu.memref_squeeze %dma_start3A_576 : memref<1x64xf32, #tpu.memory_space<hbm>> -> memref<64xf32, #tpu.memory_space<hbm>>
        tpu.enqueue_dma source(%dma_start3A_577 : memref<64xf32, #tpu.memory_space<hbm>>) target(%dma_start3A_574 : memref<64xf32, #tpu.memory_space<vmem>>) target_semaphore(%arg15 : memref<!tpu.dma_semaphore, #tpu.memory_space<semaphore_mem>>)
        %mul3A_578 = arith.constant 16 : i32
        %mul3A_579 = arith.muli %scan3A_63, %mul3A_578 : i32
        %add3A_580 = arith.constant 11 : i32
        %add3A_581 = arith.addi %mul3A_579, %add3A_580 : i32
        %slice3A_582 = vector.extract_strided_slice %get3A_68 {offsets = [11], sizes = [1], strides = [1]} : vector<16xi32> to vector<1xi32>
        %squeeze3A_583 = vector.extract %slice3A_582[0] : i32 from vector<1xi32>
        %dma_start3A_584 = arith.constant 0 : i32
        %dma_start3A_585 = tpu.memref_slice %arg11[%add3A_581, %dma_start3A_584] : memref<128x64xf32, #tpu.memory_space<vmem>> -> memref<1x64xf32, #tpu.memory_space<vmem>>
        %dma_start3A_586 = tpu.memref_squeeze %dma_start3A_585 : memref<1x64xf32, #tpu.memory_space<vmem>> -> memref<64xf32, #tpu.memory_space<vmem>>
        %dma_start3A_587 = arith.constant 0 : i32
        %dma_start3A_588 = tpu.memref_slice %arg5[%squeeze3A_583, %dma_start3A_587] : memref<1000000x64xf32, #tpu.memory_space<hbm>> -> memref<1x64xf32, #tpu.memory_space<hbm>>
        %dma_start3A_589 = tpu.memref_squeeze %dma_start3A_588 : memref<1x64xf32, #tpu.memory_space<hbm>> -> memref<64xf32, #tpu.memory_space<hbm>>
        %dma_start3A_590 = arith.constant 0 : i32
        %dma_start3A_591 = tpu.memref_slice %arg11[%add3A_581, %dma_start3A_590] : memref<128x64xf32, #tpu.memory_space<vmem>> -> memref<1x64xf32, #tpu.memory_space<vmem>>
        %dma_start3A_592 = tpu.memref_squeeze %dma_start3A_591 : memref<1x64xf32, #tpu.memory_space<vmem>> -> memref<64xf32, #tpu.memory_space<vmem>>
        %dma_start3A_593 = arith.constant 0 : i32
        %dma_start3A_594 = tpu.memref_slice %arg5[%squeeze3A_583, %dma_start3A_593] : memref<1000000x64xf32, #tpu.memory_space<hbm>> -> memref<1x64xf32, #tpu.memory_space<hbm>>
        %dma_start3A_595 = tpu.memref_squeeze %dma_start3A_594 : memref<1x64xf32, #tpu.memory_space<hbm>> -> memref<64xf32, #tpu.memory_space<hbm>>
        tpu.enqueue_dma source(%dma_start3A_595 : memref<64xf32, #tpu.memory_space<hbm>>) target(%dma_start3A_592 : memref<64xf32, #tpu.memory_space<vmem>>) target_semaphore(%arg15 : memref<!tpu.dma_semaphore, #tpu.memory_space<semaphore_mem>>)
        %slice3A_596 = vector.extract_strided_slice %get3A_71 {offsets = [11], sizes = [1], strides = [1]} : vector<16xi32> to vector<1xi32>
        %squeeze3A_597 = vector.extract %slice3A_596[0] : i32 from vector<1xi32>
        %dma_start3A_598 = arith.constant 0 : i32
        %dma_start3A_599 = tpu.memref_slice %arg12[%add3A_581, %dma_start3A_598] : memref<128x64xf32, #tpu.memory_space<vmem>> -> memref<1x64xf32, #tpu.memory_space<vmem>>
        %dma_start3A_600 = tpu.memref_squeeze %dma_start3A_599 : memref<1x64xf32, #tpu.memory_space<vmem>> -> memref<64xf32, #tpu.memory_space<vmem>>
        %dma_start3A_601 = arith.constant 0 : i32
        %dma_start3A_602 = tpu.memref_slice %arg6[%squeeze3A_597, %dma_start3A_601] : memref<1000x64xf32, #tpu.memory_space<hbm>> -> memref<1x64xf32, #tpu.memory_space<hbm>>
        %dma_start3A_603 = tpu.memref_squeeze %dma_start3A_602 : memref<1x64xf32, #tpu.memory_space<hbm>> -> memref<64xf32, #tpu.memory_space<hbm>>
        %dma_start3A_604 = arith.constant 0 : i32
        %dma_start3A_605 = tpu.memref_slice %arg12[%add3A_581, %dma_start3A_604] : memref<128x64xf32, #tpu.memory_space<vmem>> -> memref<1x64xf32, #tpu.memory_space<vmem>>
        %dma_start3A_606 = tpu.memref_squeeze %dma_start3A_605 : memref<1x64xf32, #tpu.memory_space<vmem>> -> memref<64xf32, #tpu.memory_space<vmem>>
        %dma_start3A_607 = arith.constant 0 : i32
        %dma_start3A_608 = tpu.memref_slice %arg6[%squeeze3A_597, %dma_start3A_607] : memref<1000x64xf32, #tpu.memory_space<hbm>> -> memref<1x64xf32, #tpu.memory_space<hbm>>
        %dma_start3A_609 = tpu.memref_squeeze %dma_start3A_608 : memref<1x64xf32, #tpu.memory_space<hbm>> -> memref<64xf32, #tpu.memory_space<hbm>>
        tpu.enqueue_dma source(%dma_start3A_609 : memref<64xf32, #tpu.memory_space<hbm>>) target(%dma_start3A_606 : memref<64xf32, #tpu.memory_space<vmem>>) target_semaphore(%arg15 : memref<!tpu.dma_semaphore, #tpu.memory_space<semaphore_mem>>)
        %slice3A_610 = vector.extract_strided_slice %get3A_74 {offsets = [11], sizes = [1], strides = [1]} : vector<16xi32> to vector<1xi32>
        %squeeze3A_611 = vector.extract %slice3A_610[0] : i32 from vector<1xi32>
        %dma_start3A_612 = arith.constant 0 : i32
        %dma_start3A_613 = tpu.memref_slice %arg13[%add3A_581, %dma_start3A_612] : memref<128x64xf32, #tpu.memory_space<vmem>> -> memref<1x64xf32, #tpu.memory_space<vmem>>
        %dma_start3A_614 = tpu.memref_squeeze %dma_start3A_613 : memref<1x64xf32, #tpu.memory_space<vmem>> -> memref<64xf32, #tpu.memory_space<vmem>>
        %dma_start3A_615 = arith.constant 0 : i32
        %dma_start3A_616 = tpu.memref_slice %arg5[%squeeze3A_611, %dma_start3A_615] : memref<1000000x64xf32, #tpu.memory_space<hbm>> -> memref<1x64xf32, #tpu.memory_space<hbm>>
        %dma_start3A_617 = tpu.memref_squeeze %dma_start3A_616 : memref<1x64xf32, #tpu.memory_space<hbm>> -> memref<64xf32, #tpu.memory_space<hbm>>
        %dma_start3A_618 = arith.constant 0 : i32
        %dma_start3A_619 = tpu.memref_slice %arg13[%add3A_581, %dma_start3A_618] : memref<128x64xf32, #tpu.memory_space<vmem>> -> memref<1x64xf32, #tpu.memory_space<vmem>>
        %dma_start3A_620 = tpu.memref_squeeze %dma_start3A_619 : memref<1x64xf32, #tpu.memory_space<vmem>> -> memref<64xf32, #tpu.memory_space<vmem>>
        %dma_start3A_621 = arith.constant 0 : i32
        %dma_start3A_622 = tpu.memref_slice %arg5[%squeeze3A_611, %dma_start3A_621] : memref<1000000x64xf32, #tpu.memory_space<hbm>> -> memref<1x64xf32, #tpu.memory_space<hbm>>
        %dma_start3A_623 = tpu.memref_squeeze %dma_start3A_622 : memref<1x64xf32, #tpu.memory_space<hbm>> -> memref<64xf32, #tpu.memory_space<hbm>>
        tpu.enqueue_dma source(%dma_start3A_623 : memref<64xf32, #tpu.memory_space<hbm>>) target(%dma_start3A_620 : memref<64xf32, #tpu.memory_space<vmem>>) target_semaphore(%arg15 : memref<!tpu.dma_semaphore, #tpu.memory_space<semaphore_mem>>)
        %mul3A_624 = arith.constant 16 : i32
        %mul3A_625 = arith.muli %scan3A_63, %mul3A_624 : i32
        %add3A_626 = arith.constant 12 : i32
        %add3A_627 = arith.addi %mul3A_625, %add3A_626 : i32
        %slice3A_628 = vector.extract_strided_slice %get3A_68 {offsets = [12], sizes = [1], strides = [1]} : vector<16xi32> to vector<1xi32>
        %squeeze3A_629 = vector.extract %slice3A_628[0] : i32 from vector<1xi32>
        %dma_start3A_630 = arith.constant 0 : i32
        %dma_start3A_631 = tpu.memref_slice %arg11[%add3A_627, %dma_start3A_630] : memref<128x64xf32, #tpu.memory_space<vmem>> -> memref<1x64xf32, #tpu.memory_space<vmem>>
        %dma_start3A_632 = tpu.memref_squeeze %dma_start3A_631 : memref<1x64xf32, #tpu.memory_space<vmem>> -> memref<64xf32, #tpu.memory_space<vmem>>
        %dma_start3A_633 = arith.constant 0 : i32
        %dma_start3A_634 = tpu.memref_slice %arg5[%squeeze3A_629, %dma_start3A_633] : memref<1000000x64xf32, #tpu.memory_space<hbm>> -> memref<1x64xf32, #tpu.memory_space<hbm>>
        %dma_start3A_635 = tpu.memref_squeeze %dma_start3A_634 : memref<1x64xf32, #tpu.memory_space<hbm>> -> memref<64xf32, #tpu.memory_space<hbm>>
        %dma_start3A_636 = arith.constant 0 : i32
        %dma_start3A_637 = tpu.memref_slice %arg11[%add3A_627, %dma_start3A_636] : memref<128x64xf32, #tpu.memory_space<vmem>> -> memref<1x64xf32, #tpu.memory_space<vmem>>
        %dma_start3A_638 = tpu.memref_squeeze %dma_start3A_637 : memref<1x64xf32, #tpu.memory_space<vmem>> -> memref<64xf32, #tpu.memory_space<vmem>>
        %dma_start3A_639 = arith.constant 0 : i32
        %dma_start3A_640 = tpu.memref_slice %arg5[%squeeze3A_629, %dma_start3A_639] : memref<1000000x64xf32, #tpu.memory_space<hbm>> -> memref<1x64xf32, #tpu.memory_space<hbm>>
        %dma_start3A_641 = tpu.memref_squeeze %dma_start3A_640 : memref<1x64xf32, #tpu.memory_space<hbm>> -> memref<64xf32, #tpu.memory_space<hbm>>
        tpu.enqueue_dma source(%dma_start3A_641 : memref<64xf32, #tpu.memory_space<hbm>>) target(%dma_start3A_638 : memref<64xf32, #tpu.memory_space<vmem>>) target_semaphore(%arg15 : memref<!tpu.dma_semaphore, #tpu.memory_space<semaphore_mem>>)
        %slice3A_642 = vector.extract_strided_slice %get3A_71 {offsets = [12], sizes = [1], strides = [1]} : vector<16xi32> to vector<1xi32>
        %squeeze3A_643 = vector.extract %slice3A_642[0] : i32 from vector<1xi32>
        %dma_start3A_644 = arith.constant 0 : i32
        %dma_start3A_645 = tpu.memref_slice %arg12[%add3A_627, %dma_start3A_644] : memref<128x64xf32, #tpu.memory_space<vmem>> -> memref<1x64xf32, #tpu.memory_space<vmem>>
        %dma_start3A_646 = tpu.memref_squeeze %dma_start3A_645 : memref<1x64xf32, #tpu.memory_space<vmem>> -> memref<64xf32, #tpu.memory_space<vmem>>
        %dma_start3A_647 = arith.constant 0 : i32
        %dma_start3A_648 = tpu.memref_slice %arg6[%squeeze3A_643, %dma_start3A_647] : memref<1000x64xf32, #tpu.memory_space<hbm>> -> memref<1x64xf32, #tpu.memory_space<hbm>>
        %dma_start3A_649 = tpu.memref_squeeze %dma_start3A_648 : memref<1x64xf32, #tpu.memory_space<hbm>> -> memref<64xf32, #tpu.memory_space<hbm>>
        %dma_start3A_650 = arith.constant 0 : i32
        %dma_start3A_651 = tpu.memref_slice %arg12[%add3A_627, %dma_start3A_650] : memref<128x64xf32, #tpu.memory_space<vmem>> -> memref<1x64xf32, #tpu.memory_space<vmem>>
        %dma_start3A_652 = tpu.memref_squeeze %dma_start3A_651 : memref<1x64xf32, #tpu.memory_space<vmem>> -> memref<64xf32, #tpu.memory_space<vmem>>
        %dma_start3A_653 = arith.constant 0 : i32
        %dma_start3A_654 = tpu.memref_slice %arg6[%squeeze3A_643, %dma_start3A_653] : memref<1000x64xf32, #tpu.memory_space<hbm>> -> memref<1x64xf32, #tpu.memory_space<hbm>>
        %dma_start3A_655 = tpu.memref_squeeze %dma_start3A_654 : memref<1x64xf32, #tpu.memory_space<hbm>> -> memref<64xf32, #tpu.memory_space<hbm>>
        tpu.enqueue_dma source(%dma_start3A_655 : memref<64xf32, #tpu.memory_space<hbm>>) target(%dma_start3A_652 : memref<64xf32, #tpu.memory_space<vmem>>) target_semaphore(%arg15 : memref<!tpu.dma_semaphore, #tpu.memory_space<semaphore_mem>>)
        %slice3A_656 = vector.extract_strided_slice %get3A_74 {offsets = [12], sizes = [1], strides = [1]} : vector<16xi32> to vector<1xi32>
        %squeeze3A_657 = vector.extract %slice3A_656[0] : i32 from vector<1xi32>
        %dma_start3A_658 = arith.constant 0 : i32
        %dma_start3A_659 = tpu.memref_slice %arg13[%add3A_627, %dma_start3A_658] : memref<128x64xf32, #tpu.memory_space<vmem>> -> memref<1x64xf32, #tpu.memory_space<vmem>>
        %dma_start3A_660 = tpu.memref_squeeze %dma_start3A_659 : memref<1x64xf32, #tpu.memory_space<vmem>> -> memref<64xf32, #tpu.memory_space<vmem>>
        %dma_start3A_661 = arith.constant 0 : i32
        %dma_start3A_662 = tpu.memref_slice %arg5[%squeeze3A_657, %dma_start3A_661] : memref<1000000x64xf32, #tpu.memory_space<hbm>> -> memref<1x64xf32, #tpu.memory_space<hbm>>
        %dma_start3A_663 = tpu.memref_squeeze %dma_start3A_662 : memref<1x64xf32, #tpu.memory_space<hbm>> -> memref<64xf32, #tpu.memory_space<hbm>>
        %dma_start3A_664 = arith.constant 0 : i32
        %dma_start3A_665 = tpu.memref_slice %arg13[%add3A_627, %dma_start3A_664] : memref<128x64xf32, #tpu.memory_space<vmem>> -> memref<1x64xf32, #tpu.memory_space<vmem>>
        %dma_start3A_666 = tpu.memref_squeeze %dma_start3A_665 : memref<1x64xf32, #tpu.memory_space<vmem>> -> memref<64xf32, #tpu.memory_space<vmem>>
        %dma_start3A_667 = arith.constant 0 : i32
        %dma_start3A_668 = tpu.memref_slice %arg5[%squeeze3A_657, %dma_start3A_667] : memref<1000000x64xf32, #tpu.memory_space<hbm>> -> memref<1x64xf32, #tpu.memory_space<hbm>>
        %dma_start3A_669 = tpu.memref_squeeze %dma_start3A_668 : memref<1x64xf32, #tpu.memory_space<hbm>> -> memref<64xf32, #tpu.memory_space<hbm>>
        tpu.enqueue_dma source(%dma_start3A_669 : memref<64xf32, #tpu.memory_space<hbm>>) target(%dma_start3A_666 : memref<64xf32, #tpu.memory_space<vmem>>) target_semaphore(%arg15 : memref<!tpu.dma_semaphore, #tpu.memory_space<semaphore_mem>>)
        %mul3A_670 = arith.constant 16 : i32
        %mul3A_671 = arith.muli %scan3A_63, %mul3A_670 : i32
        %add3A_672 = arith.constant 13 : i32
        %add3A_673 = arith.addi %mul3A_671, %add3A_672 : i32
        %slice3A_674 = vector.extract_strided_slice %get3A_68 {offsets = [13], sizes = [1], strides = [1]} : vector<16xi32> to vector<1xi32>
        %squeeze3A_675 = vector.extract %slice3A_674[0] : i32 from vector<1xi32>
        %dma_start3A_676 = arith.constant 0 : i32
        %dma_start3A_677 = tpu.memref_slice %arg11[%add3A_673, %dma_start3A_676] : memref<128x64xf32, #tpu.memory_space<vmem>> -> memref<1x64xf32, #tpu.memory_space<vmem>>
        %dma_start3A_678 = tpu.memref_squeeze %dma_start3A_677 : memref<1x64xf32, #tpu.memory_space<vmem>> -> memref<64xf32, #tpu.memory_space<vmem>>
        %dma_start3A_679 = arith.constant 0 : i32
        %dma_start3A_680 = tpu.memref_slice %arg5[%squeeze3A_675, %dma_start3A_679] : memref<1000000x64xf32, #tpu.memory_space<hbm>> -> memref<1x64xf32, #tpu.memory_space<hbm>>
        %dma_start3A_681 = tpu.memref_squeeze %dma_start3A_680 : memref<1x64xf32, #tpu.memory_space<hbm>> -> memref<64xf32, #tpu.memory_space<hbm>>
        %dma_start3A_682 = arith.constant 0 : i32
        %dma_start3A_683 = tpu.memref_slice %arg11[%add3A_673, %dma_start3A_682] : memref<128x64xf32, #tpu.memory_space<vmem>> -> memref<1x64xf32, #tpu.memory_space<vmem>>
        %dma_start3A_684 = tpu.memref_squeeze %dma_start3A_683 : memref<1x64xf32, #tpu.memory_space<vmem>> -> memref<64xf32, #tpu.memory_space<vmem>>
        %dma_start3A_685 = arith.constant 0 : i32
        %dma_start3A_686 = tpu.memref_slice %arg5[%squeeze3A_675, %dma_start3A_685] : memref<1000000x64xf32, #tpu.memory_space<hbm>> -> memref<1x64xf32, #tpu.memory_space<hbm>>
        %dma_start3A_687 = tpu.memref_squeeze %dma_start3A_686 : memref<1x64xf32, #tpu.memory_space<hbm>> -> memref<64xf32, #tpu.memory_space<hbm>>
        tpu.enqueue_dma source(%dma_start3A_687 : memref<64xf32, #tpu.memory_space<hbm>>) target(%dma_start3A_684 : memref<64xf32, #tpu.memory_space<vmem>>) target_semaphore(%arg15 : memref<!tpu.dma_semaphore, #tpu.memory_space<semaphore_mem>>)
        %slice3A_688 = vector.extract_strided_slice %get3A_71 {offsets = [13], sizes = [1], strides = [1]} : vector<16xi32> to vector<1xi32>
        %squeeze3A_689 = vector.extract %slice3A_688[0] : i32 from vector<1xi32>
        %dma_start3A_690 = arith.constant 0 : i32
        %dma_start3A_691 = tpu.memref_slice %arg12[%add3A_673, %dma_start3A_690] : memref<128x64xf32, #tpu.memory_space<vmem>> -> memref<1x64xf32, #tpu.memory_space<vmem>>
        %dma_start3A_692 = tpu.memref_squeeze %dma_start3A_691 : memref<1x64xf32, #tpu.memory_space<vmem>> -> memref<64xf32, #tpu.memory_space<vmem>>
        %dma_start3A_693 = arith.constant 0 : i32
        %dma_start3A_694 = tpu.memref_slice %arg6[%squeeze3A_689, %dma_start3A_693] : memref<1000x64xf32, #tpu.memory_space<hbm>> -> memref<1x64xf32, #tpu.memory_space<hbm>>
        %dma_start3A_695 = tpu.memref_squeeze %dma_start3A_694 : memref<1x64xf32, #tpu.memory_space<hbm>> -> memref<64xf32, #tpu.memory_space<hbm>>
        %dma_start3A_696 = arith.constant 0 : i32
        %dma_start3A_697 = tpu.memref_slice %arg12[%add3A_673, %dma_start3A_696] : memref<128x64xf32, #tpu.memory_space<vmem>> -> memref<1x64xf32, #tpu.memory_space<vmem>>
        %dma_start3A_698 = tpu.memref_squeeze %dma_start3A_697 : memref<1x64xf32, #tpu.memory_space<vmem>> -> memref<64xf32, #tpu.memory_space<vmem>>
        %dma_start3A_699 = arith.constant 0 : i32
        %dma_start3A_700 = tpu.memref_slice %arg6[%squeeze3A_689, %dma_start3A_699] : memref<1000x64xf32, #tpu.memory_space<hbm>> -> memref<1x64xf32, #tpu.memory_space<hbm>>
        %dma_start3A_701 = tpu.memref_squeeze %dma_start3A_700 : memref<1x64xf32, #tpu.memory_space<hbm>> -> memref<64xf32, #tpu.memory_space<hbm>>
        tpu.enqueue_dma source(%dma_start3A_701 : memref<64xf32, #tpu.memory_space<hbm>>) target(%dma_start3A_698 : memref<64xf32, #tpu.memory_space<vmem>>) target_semaphore(%arg15 : memref<!tpu.dma_semaphore, #tpu.memory_space<semaphore_mem>>)
        %slice3A_702 = vector.extract_strided_slice %get3A_74 {offsets = [13], sizes = [1], strides = [1]} : vector<16xi32> to vector<1xi32>
        %squeeze3A_703 = vector.extract %slice3A_702[0] : i32 from vector<1xi32>
        %dma_start3A_704 = arith.constant 0 : i32
        %dma_start3A_705 = tpu.memref_slice %arg13[%add3A_673, %dma_start3A_704] : memref<128x64xf32, #tpu.memory_space<vmem>> -> memref<1x64xf32, #tpu.memory_space<vmem>>
        %dma_start3A_706 = tpu.memref_squeeze %dma_start3A_705 : memref<1x64xf32, #tpu.memory_space<vmem>> -> memref<64xf32, #tpu.memory_space<vmem>>
        %dma_start3A_707 = arith.constant 0 : i32
        %dma_start3A_708 = tpu.memref_slice %arg5[%squeeze3A_703, %dma_start3A_707] : memref<1000000x64xf32, #tpu.memory_space<hbm>> -> memref<1x64xf32, #tpu.memory_space<hbm>>
        %dma_start3A_709 = tpu.memref_squeeze %dma_start3A_708 : memref<1x64xf32, #tpu.memory_space<hbm>> -> memref<64xf32, #tpu.memory_space<hbm>>
        %dma_start3A_710 = arith.constant 0 : i32
        %dma_start3A_711 = tpu.memref_slice %arg13[%add3A_673, %dma_start3A_710] : memref<128x64xf32, #tpu.memory_space<vmem>> -> memref<1x64xf32, #tpu.memory_space<vmem>>
        %dma_start3A_712 = tpu.memref_squeeze %dma_start3A_711 : memref<1x64xf32, #tpu.memory_space<vmem>> -> memref<64xf32, #tpu.memory_space<vmem>>
        %dma_start3A_713 = arith.constant 0 : i32
        %dma_start3A_714 = tpu.memref_slice %arg5[%squeeze3A_703, %dma_start3A_713] : memref<1000000x64xf32, #tpu.memory_space<hbm>> -> memref<1x64xf32, #tpu.memory_space<hbm>>
        %dma_start3A_715 = tpu.memref_squeeze %dma_start3A_714 : memref<1x64xf32, #tpu.memory_space<hbm>> -> memref<64xf32, #tpu.memory_space<hbm>>
        tpu.enqueue_dma source(%dma_start3A_715 : memref<64xf32, #tpu.memory_space<hbm>>) target(%dma_start3A_712 : memref<64xf32, #tpu.memory_space<vmem>>) target_semaphore(%arg15 : memref<!tpu.dma_semaphore, #tpu.memory_space<semaphore_mem>>)
        %mul3A_716 = arith.constant 16 : i32
        %mul3A_717 = arith.muli %scan3A_63, %mul3A_716 : i32
        %add3A_718 = arith.constant 14 : i32
        %add3A_719 = arith.addi %mul3A_717, %add3A_718 : i32
        %slice3A_720 = vector.extract_strided_slice %get3A_68 {offsets = [14], sizes = [1], strides = [1]} : vector<16xi32> to vector<1xi32>
        %squeeze3A_721 = vector.extract %slice3A_720[0] : i32 from vector<1xi32>
        %dma_start3A_722 = arith.constant 0 : i32
        %dma_start3A_723 = tpu.memref_slice %arg11[%add3A_719, %dma_start3A_722] : memref<128x64xf32, #tpu.memory_space<vmem>> -> memref<1x64xf32, #tpu.memory_space<vmem>>
        %dma_start3A_724 = tpu.memref_squeeze %dma_start3A_723 : memref<1x64xf32, #tpu.memory_space<vmem>> -> memref<64xf32, #tpu.memory_space<vmem>>
        %dma_start3A_725 = arith.constant 0 : i32
        %dma_start3A_726 = tpu.memref_slice %arg5[%squeeze3A_721, %dma_start3A_725] : memref<1000000x64xf32, #tpu.memory_space<hbm>> -> memref<1x64xf32, #tpu.memory_space<hbm>>
        %dma_start3A_727 = tpu.memref_squeeze %dma_start3A_726 : memref<1x64xf32, #tpu.memory_space<hbm>> -> memref<64xf32, #tpu.memory_space<hbm>>
        %dma_start3A_728 = arith.constant 0 : i32
        %dma_start3A_729 = tpu.memref_slice %arg11[%add3A_719, %dma_start3A_728] : memref<128x64xf32, #tpu.memory_space<vmem>> -> memref<1x64xf32, #tpu.memory_space<vmem>>
        %dma_start3A_730 = tpu.memref_squeeze %dma_start3A_729 : memref<1x64xf32, #tpu.memory_space<vmem>> -> memref<64xf32, #tpu.memory_space<vmem>>
        %dma_start3A_731 = arith.constant 0 : i32
        %dma_start3A_732 = tpu.memref_slice %arg5[%squeeze3A_721, %dma_start3A_731] : memref<1000000x64xf32, #tpu.memory_space<hbm>> -> memref<1x64xf32, #tpu.memory_space<hbm>>
        %dma_start3A_733 = tpu.memref_squeeze %dma_start3A_732 : memref<1x64xf32, #tpu.memory_space<hbm>> -> memref<64xf32, #tpu.memory_space<hbm>>
        tpu.enqueue_dma source(%dma_start3A_733 : memref<64xf32, #tpu.memory_space<hbm>>) target(%dma_start3A_730 : memref<64xf32, #tpu.memory_space<vmem>>) target_semaphore(%arg15 : memref<!tpu.dma_semaphore, #tpu.memory_space<semaphore_mem>>)
        %slice3A_734 = vector.extract_strided_slice %get3A_71 {offsets = [14], sizes = [1], strides = [1]} : vector<16xi32> to vector<1xi32>
        %squeeze3A_735 = vector.extract %slice3A_734[0] : i32 from vector<1xi32>
        %dma_start3A_736 = arith.constant 0 : i32
        %dma_start3A_737 = tpu.memref_slice %arg12[%add3A_719, %dma_start3A_736] : memref<128x64xf32, #tpu.memory_space<vmem>> -> memref<1x64xf32, #tpu.memory_space<vmem>>
        %dma_start3A_738 = tpu.memref_squeeze %dma_start3A_737 : memref<1x64xf32, #tpu.memory_space<vmem>> -> memref<64xf32, #tpu.memory_space<vmem>>
        %dma_start3A_739 = arith.constant 0 : i32
        %dma_start3A_740 = tpu.memref_slice %arg6[%squeeze3A_735, %dma_start3A_739] : memref<1000x64xf32, #tpu.memory_space<hbm>> -> memref<1x64xf32, #tpu.memory_space<hbm>>
        %dma_start3A_741 = tpu.memref_squeeze %dma_start3A_740 : memref<1x64xf32, #tpu.memory_space<hbm>> -> memref<64xf32, #tpu.memory_space<hbm>>
        %dma_start3A_742 = arith.constant 0 : i32
        %dma_start3A_743 = tpu.memref_slice %arg12[%add3A_719, %dma_start3A_742] : memref<128x64xf32, #tpu.memory_space<vmem>> -> memref<1x64xf32, #tpu.memory_space<vmem>>
        %dma_start3A_744 = tpu.memref_squeeze %dma_start3A_743 : memref<1x64xf32, #tpu.memory_space<vmem>> -> memref<64xf32, #tpu.memory_space<vmem>>
        %dma_start3A_745 = arith.constant 0 : i32
        %dma_start3A_746 = tpu.memref_slice %arg6[%squeeze3A_735, %dma_start3A_745] : memref<1000x64xf32, #tpu.memory_space<hbm>> -> memref<1x64xf32, #tpu.memory_space<hbm>>
        %dma_start3A_747 = tpu.memref_squeeze %dma_start3A_746 : memref<1x64xf32, #tpu.memory_space<hbm>> -> memref<64xf32, #tpu.memory_space<hbm>>
        tpu.enqueue_dma source(%dma_start3A_747 : memref<64xf32, #tpu.memory_space<hbm>>) target(%dma_start3A_744 : memref<64xf32, #tpu.memory_space<vmem>>) target_semaphore(%arg15 : memref<!tpu.dma_semaphore, #tpu.memory_space<semaphore_mem>>)
        %slice3A_748 = vector.extract_strided_slice %get3A_74 {offsets = [14], sizes = [1], strides = [1]} : vector<16xi32> to vector<1xi32>
        %squeeze3A_749 = vector.extract %slice3A_748[0] : i32 from vector<1xi32>
        %dma_start3A_750 = arith.constant 0 : i32
        %dma_start3A_751 = tpu.memref_slice %arg13[%add3A_719, %dma_start3A_750] : memref<128x64xf32, #tpu.memory_space<vmem>> -> memref<1x64xf32, #tpu.memory_space<vmem>>
        %dma_start3A_752 = tpu.memref_squeeze %dma_start3A_751 : memref<1x64xf32, #tpu.memory_space<vmem>> -> memref<64xf32, #tpu.memory_space<vmem>>
        %dma_start3A_753 = arith.constant 0 : i32
        %dma_start3A_754 = tpu.memref_slice %arg5[%squeeze3A_749, %dma_start3A_753] : memref<1000000x64xf32, #tpu.memory_space<hbm>> -> memref<1x64xf32, #tpu.memory_space<hbm>>
        %dma_start3A_755 = tpu.memref_squeeze %dma_start3A_754 : memref<1x64xf32, #tpu.memory_space<hbm>> -> memref<64xf32, #tpu.memory_space<hbm>>
        %dma_start3A_756 = arith.constant 0 : i32
        %dma_start3A_757 = tpu.memref_slice %arg13[%add3A_719, %dma_start3A_756] : memref<128x64xf32, #tpu.memory_space<vmem>> -> memref<1x64xf32, #tpu.memory_space<vmem>>
        %dma_start3A_758 = tpu.memref_squeeze %dma_start3A_757 : memref<1x64xf32, #tpu.memory_space<vmem>> -> memref<64xf32, #tpu.memory_space<vmem>>
        %dma_start3A_759 = arith.constant 0 : i32
        %dma_start3A_760 = tpu.memref_slice %arg5[%squeeze3A_749, %dma_start3A_759] : memref<1000000x64xf32, #tpu.memory_space<hbm>> -> memref<1x64xf32, #tpu.memory_space<hbm>>
        %dma_start3A_761 = tpu.memref_squeeze %dma_start3A_760 : memref<1x64xf32, #tpu.memory_space<hbm>> -> memref<64xf32, #tpu.memory_space<hbm>>
        tpu.enqueue_dma source(%dma_start3A_761 : memref<64xf32, #tpu.memory_space<hbm>>) target(%dma_start3A_758 : memref<64xf32, #tpu.memory_space<vmem>>) target_semaphore(%arg15 : memref<!tpu.dma_semaphore, #tpu.memory_space<semaphore_mem>>)
        %mul3A_762 = arith.constant 16 : i32
        %mul3A_763 = arith.muli %scan3A_63, %mul3A_762 : i32
        %add3A_764 = arith.constant 15 : i32
        %add3A_765 = arith.addi %mul3A_763, %add3A_764 : i32
        %slice3A_766 = vector.extract_strided_slice %get3A_68 {offsets = [15], sizes = [1], strides = [1]} : vector<16xi32> to vector<1xi32>
        %squeeze3A_767 = vector.extract %slice3A_766[0] : i32 from vector<1xi32>
        %dma_start3A_768 = arith.constant 0 : i32
        %dma_start3A_769 = tpu.memref_slice %arg11[%add3A_765, %dma_start3A_768] : memref<128x64xf32, #tpu.memory_space<vmem>> -> memref<1x64xf32, #tpu.memory_space<vmem>>
        %dma_start3A_770 = tpu.memref_squeeze %dma_start3A_769 : memref<1x64xf32, #tpu.memory_space<vmem>> -> memref<64xf32, #tpu.memory_space<vmem>>
        %dma_start3A_771 = arith.constant 0 : i32
        %dma_start3A_772 = tpu.memref_slice %arg5[%squeeze3A_767, %dma_start3A_771] : memref<1000000x64xf32, #tpu.memory_space<hbm>> -> memref<1x64xf32, #tpu.memory_space<hbm>>
        %dma_start3A_773 = tpu.memref_squeeze %dma_start3A_772 : memref<1x64xf32, #tpu.memory_space<hbm>> -> memref<64xf32, #tpu.memory_space<hbm>>
        %dma_start3A_774 = arith.constant 0 : i32
        %dma_start3A_775 = tpu.memref_slice %arg11[%add3A_765, %dma_start3A_774] : memref<128x64xf32, #tpu.memory_space<vmem>> -> memref<1x64xf32, #tpu.memory_space<vmem>>
        %dma_start3A_776 = tpu.memref_squeeze %dma_start3A_775 : memref<1x64xf32, #tpu.memory_space<vmem>> -> memref<64xf32, #tpu.memory_space<vmem>>
        %dma_start3A_777 = arith.constant 0 : i32
        %dma_start3A_778 = tpu.memref_slice %arg5[%squeeze3A_767, %dma_start3A_777] : memref<1000000x64xf32, #tpu.memory_space<hbm>> -> memref<1x64xf32, #tpu.memory_space<hbm>>
        %dma_start3A_779 = tpu.memref_squeeze %dma_start3A_778 : memref<1x64xf32, #tpu.memory_space<hbm>> -> memref<64xf32, #tpu.memory_space<hbm>>
        tpu.enqueue_dma source(%dma_start3A_779 : memref<64xf32, #tpu.memory_space<hbm>>) target(%dma_start3A_776 : memref<64xf32, #tpu.memory_space<vmem>>) target_semaphore(%arg15 : memref<!tpu.dma_semaphore, #tpu.memory_space<semaphore_mem>>)
        %slice3A_780 = vector.extract_strided_slice %get3A_71 {offsets = [15], sizes = [1], strides = [1]} : vector<16xi32> to vector<1xi32>
        %squeeze3A_781 = vector.extract %slice3A_780[0] : i32 from vector<1xi32>
        %dma_start3A_782 = arith.constant 0 : i32
        %dma_start3A_783 = tpu.memref_slice %arg12[%add3A_765, %dma_start3A_782] : memref<128x64xf32, #tpu.memory_space<vmem>> -> memref<1x64xf32, #tpu.memory_space<vmem>>
        %dma_start3A_784 = tpu.memref_squeeze %dma_start3A_783 : memref<1x64xf32, #tpu.memory_space<vmem>> -> memref<64xf32, #tpu.memory_space<vmem>>
        %dma_start3A_785 = arith.constant 0 : i32
        %dma_start3A_786 = tpu.memref_slice %arg6[%squeeze3A_781, %dma_start3A_785] : memref<1000x64xf32, #tpu.memory_space<hbm>> -> memref<1x64xf32, #tpu.memory_space<hbm>>
        %dma_start3A_787 = tpu.memref_squeeze %dma_start3A_786 : memref<1x64xf32, #tpu.memory_space<hbm>> -> memref<64xf32, #tpu.memory_space<hbm>>
        %dma_start3A_788 = arith.constant 0 : i32
        %dma_start3A_789 = tpu.memref_slice %arg12[%add3A_765, %dma_start3A_788] : memref<128x64xf32, #tpu.memory_space<vmem>> -> memref<1x64xf32, #tpu.memory_space<vmem>>
        %dma_start3A_790 = tpu.memref_squeeze %dma_start3A_789 : memref<1x64xf32, #tpu.memory_space<vmem>> -> memref<64xf32, #tpu.memory_space<vmem>>
        %dma_start3A_791 = arith.constant 0 : i32
        %dma_start3A_792 = tpu.memref_slice %arg6[%squeeze3A_781, %dma_start3A_791] : memref<1000x64xf32, #tpu.memory_space<hbm>> -> memref<1x64xf32, #tpu.memory_space<hbm>>
        %dma_start3A_793 = tpu.memref_squeeze %dma_start3A_792 : memref<1x64xf32, #tpu.memory_space<hbm>> -> memref<64xf32, #tpu.memory_space<hbm>>
        tpu.enqueue_dma source(%dma_start3A_793 : memref<64xf32, #tpu.memory_space<hbm>>) target(%dma_start3A_790 : memref<64xf32, #tpu.memory_space<vmem>>) target_semaphore(%arg15 : memref<!tpu.dma_semaphore, #tpu.memory_space<semaphore_mem>>)
        %slice3A_794 = vector.extract_strided_slice %get3A_74 {offsets = [15], sizes = [1], strides = [1]} : vector<16xi32> to vector<1xi32>
        %squeeze3A_795 = vector.extract %slice3A_794[0] : i32 from vector<1xi32>
        %dma_start3A_796 = arith.constant 0 : i32
        %dma_start3A_797 = tpu.memref_slice %arg13[%add3A_765, %dma_start3A_796] : memref<128x64xf32, #tpu.memory_space<vmem>> -> memref<1x64xf32, #tpu.memory_space<vmem>>
        %dma_start3A_798 = tpu.memref_squeeze %dma_start3A_797 : memref<1x64xf32, #tpu.memory_space<vmem>> -> memref<64xf32, #tpu.memory_space<vmem>>
        %dma_start3A_799 = arith.constant 0 : i32
        %dma_start3A_800 = tpu.memref_slice %arg5[%squeeze3A_795, %dma_start3A_799] : memref<1000000x64xf32, #tpu.memory_space<hbm>> -> memref<1x64xf32, #tpu.memory_space<hbm>>
        %dma_start3A_801 = tpu.memref_squeeze %dma_start3A_800 : memref<1x64xf32, #tpu.memory_space<hbm>> -> memref<64xf32, #tpu.memory_space<hbm>>
        %dma_start3A_802 = arith.constant 0 : i32
        %dma_start3A_803 = tpu.memref_slice %arg13[%add3A_765, %dma_start3A_802] : memref<128x64xf32, #tpu.memory_space<vmem>> -> memref<1x64xf32, #tpu.memory_space<vmem>>
        %dma_start3A_804 = tpu.memref_squeeze %dma_start3A_803 : memref<1x64xf32, #tpu.memory_space<vmem>> -> memref<64xf32, #tpu.memory_space<vmem>>
        %dma_start3A_805 = arith.constant 0 : i32
        %dma_start3A_806 = tpu.memref_slice %arg5[%squeeze3A_795, %dma_start3A_805] : memref<1000000x64xf32, #tpu.memory_space<hbm>> -> memref<1x64xf32, #tpu.memory_space<hbm>>
        %dma_start3A_807 = tpu.memref_squeeze %dma_start3A_806 : memref<1x64xf32, #tpu.memory_space<hbm>> -> memref<64xf32, #tpu.memory_space<hbm>>
        tpu.enqueue_dma source(%dma_start3A_807 : memref<64xf32, #tpu.memory_space<hbm>>) target(%dma_start3A_804 : memref<64xf32, #tpu.memory_space<vmem>>) target_semaphore(%arg15 : memref<!tpu.dma_semaphore, #tpu.memory_space<semaphore_mem>>)
      }
      %scan3A_39 = arith.constant 8 : i32
      %dma_wait3A = arith.constant 0 : i32
      %dma_wait3A_40 = arith.constant 0 : i32
      %dma_wait3A_41 = tpu.memref_slice %arg5[%dma_wait3A, %dma_wait3A_40] : memref<1000000x64xf32, #tpu.memory_space<hbm>> -> memref<128x64xf32, #tpu.memory_space<hbm>>
      %dma_wait3A_42 = arith.constant 0 : i32
      %dma_wait3A_43 = arith.constant 0 : i32
      %dma_wait3A_44 = tpu.memref_slice %arg5[%dma_wait3A_42, %dma_wait3A_43] : memref<1000000x64xf32, #tpu.memory_space<hbm>> -> memref<128x64xf32, #tpu.memory_space<hbm>>
      tpu.wait_dma2 semaphore(%arg15 : memref<!tpu.dma_semaphore, #tpu.memory_space<semaphore_mem>>) src(%dma_wait3A_44 : memref<128x64xf32, #tpu.memory_space<hbm>>) dst(%arg11 : memref<128x64xf32, #tpu.memory_space<vmem>>)
      %dma_wait3A_45 = arith.constant 0 : i32
      %dma_wait3A_46 = arith.constant 0 : i32
      %dma_wait3A_47 = tpu.memref_slice %arg6[%dma_wait3A_45, %dma_wait3A_46] : memref<1000x64xf32, #tpu.memory_space<hbm>> -> memref<128x64xf32, #tpu.memory_space<hbm>>
      %dma_wait3A_48 = arith.constant 0 : i32
      %dma_wait3A_49 = arith.constant 0 : i32
      %dma_wait3A_50 = tpu.memref_slice %arg6[%dma_wait3A_48, %dma_wait3A_49] : memref<1000x64xf32, #tpu.memory_space<hbm>> -> memref<128x64xf32, #tpu.memory_space<hbm>>
      tpu.wait_dma2 semaphore(%arg15 : memref<!tpu.dma_semaphore, #tpu.memory_space<semaphore_mem>>) src(%dma_wait3A_50 : memref<128x64xf32, #tpu.memory_space<hbm>>) dst(%arg12 : memref<128x64xf32, #tpu.memory_space<vmem>>)
      %dma_wait3A_51 = arith.constant 0 : i32
      %dma_wait3A_52 = arith.constant 0 : i32
      %dma_wait3A_53 = tpu.memref_slice %arg5[%dma_wait3A_51, %dma_wait3A_52] : memref<1000000x64xf32, #tpu.memory_space<hbm>> -> memref<128x64xf32, #tpu.memory_space<hbm>>
      %dma_wait3A_54 = arith.constant 0 : i32
      %dma_wait3A_55 = arith.constant 0 : i32
      %dma_wait3A_56 = tpu.memref_slice %arg5[%dma_wait3A_54, %dma_wait3A_55] : memref<1000000x64xf32, #tpu.memory_space<hbm>> -> memref<128x64xf32, #tpu.memory_space<hbm>>
      tpu.wait_dma2 semaphore(%arg15 : memref<!tpu.dma_semaphore, #tpu.memory_space<semaphore_mem>>) src(%dma_wait3A_56 : memref<128x64xf32, #tpu.memory_space<hbm>>) dst(%arg13 : memref<128x64xf32, #tpu.memory_space<vmem>>)
      %scan3A_57 = arith.constant 0 : i32
      %scan3A_58 = arith.constant 0 : i32
      %scan3A_59 = arith.constant 8 : i32
      %scan3A_60 = arith.addi %scan3A_58, %scan3A_59 : i32
      %scan3A_61 = arith.constant 1 : i32
      scf.for %scan3A_63 = %scan3A_58 to %scan3A_60 step %scan3A_61  : i32 {
        %broadcast_in_dim3A = arith.constant 0.000000e+00 : f32
        %broadcast_in_dim3A_64 = vector.broadcast %broadcast_in_dim3A : f32 to vector<16xf32>
        %mul3A_65 = arith.constant 16 : i32
        %mul3A_66 = arith.muli %scan3A_63, %mul3A_65 : i32
        %add3A_67 = arith.constant 0 : i32
        %add3A_68 = arith.addi %mul3A_66, %add3A_67 : i32
        %broadcast_in_dim3A_69 = arith.constant 0.000000e+00 : f32
        %broadcast_in_dim3A_70 = vector.broadcast %broadcast_in_dim3A_69 : f32 to vector<16xf32>
        %get3A = arith.index_cast %add3A_68 : i32 to index
        %get3A_71 = arith.constant 0 : index
        %get3A_72 = tpu.vector_load %arg11[%get3A, %get3A_71] {strides = array<i32>} : memref<128x64xf32, #tpu.memory_space<vmem>>, vector<1x16xf32>,
        %get3A_73 = vector.shape_cast %get3A_72 : vector<1x16xf32> to vector<16xf32>
        %get3A_74 = arith.index_cast %add3A_68 : i32 to index
        %get3A_75 = arith.constant 0 : index
        %get3A_76 = tpu.vector_load %arg12[%get3A_74, %get3A_75] {strides = array<i32>} : memref<128x64xf32, #tpu.memory_space<vmem>>, vector<1x16xf32>,
        %get3A_77 = vector.shape_cast %get3A_76 : vector<1x16xf32> to vector<16xf32>
        %get3A_78 = arith.index_cast %add3A_68 : i32 to index
        %get3A_79 = arith.constant 0 : index
        %get3A_80 = tpu.vector_load %arg13[%get3A_78, %get3A_79] {strides = array<i32>} : memref<128x64xf32, #tpu.memory_space<vmem>>, vector<1x16xf32>,
        %get3A_81 = vector.shape_cast %get3A_80 : vector<1x16xf32> to vector<16xf32>
        %add3A_82 = arith.addf %get3A_73, %get3A_77 : vector<16xf32>
        %sub3A = arith.subf %add3A_82, %get3A_81 : vector<16xf32>
        %mul3A_83 = arith.mulf %sub3A, %sub3A : vector<16xf32>
        %add3A_84 = arith.addf %broadcast_in_dim3A_70, %mul3A_83 : vector<16xf32>
        %get3A_85 = arith.index_cast %add3A_68 : i32 to index
        %get3A_86 = arith.constant 16 : index
        %get3A_87 = tpu.vector_load %arg11[%get3A_85, %get3A_86] {strides = array<i32>} : memref<128x64xf32, #tpu.memory_space<vmem>>, vector<1x16xf32>,
        %get3A_88 = vector.shape_cast %get3A_87 : vector<1x16xf32> to vector<16xf32>
        %get3A_89 = arith.index_cast %add3A_68 : i32 to index
        %get3A_90 = arith.constant 16 : index
        %get3A_91 = tpu.vector_load %arg12[%get3A_89, %get3A_90] {strides = array<i32>} : memref<128x64xf32, #tpu.memory_space<vmem>>, vector<1x16xf32>,
        %get3A_92 = vector.shape_cast %get3A_91 : vector<1x16xf32> to vector<16xf32>
        %get3A_93 = arith.index_cast %add3A_68 : i32 to index
        %get3A_94 = arith.constant 16 : index
        %get3A_95 = tpu.vector_load %arg13[%get3A_93, %get3A_94] {strides = array<i32>} : memref<128x64xf32, #tpu.memory_space<vmem>>, vector<1x16xf32>,
        %get3A_96 = vector.shape_cast %get3A_95 : vector<1x16xf32> to vector<16xf32>
        %add3A_97 = arith.addf %get3A_88, %get3A_92 : vector<16xf32>
        %sub3A_98 = arith.subf %add3A_97, %get3A_96 : vector<16xf32>
        %mul3A_99 = arith.mulf %sub3A_98, %sub3A_98 : vector<16xf32>
        %add3A_100 = arith.addf %add3A_84, %mul3A_99 : vector<16xf32>
        %get3A_101 = arith.index_cast %add3A_68 : i32 to index
        %get3A_102 = arith.constant 32 : index
        %get3A_103 = tpu.vector_load %arg11[%get3A_101, %get3A_102] {strides = array<i32>} : memref<128x64xf32, #tpu.memory_space<vmem>>, vector<1x16xf32>,
        %get3A_104 = vector.shape_cast %get3A_103 : vector<1x16xf32> to vector<16xf32>
        %get3A_105 = arith.index_cast %add3A_68 : i32 to index
        %get3A_106 = arith.constant 32 : index
        %get3A_107 = tpu.vector_load %arg12[%get3A_105, %get3A_106] {strides = array<i32>} : memref<128x64xf32, #tpu.memory_space<vmem>>, vector<1x16xf32>,
        %get3A_108 = vector.shape_cast %get3A_107 : vector<1x16xf32> to vector<16xf32>
        %get3A_109 = arith.index_cast %add3A_68 : i32 to index
        %get3A_110 = arith.constant 32 : index
        %get3A_111 = tpu.vector_load %arg13[%get3A_109, %get3A_110] {strides = array<i32>} : memref<128x64xf32, #tpu.memory_space<vmem>>, vector<1x16xf32>,
        %get3A_112 = vector.shape_cast %get3A_111 : vector<1x16xf32> to vector<16xf32>
        %add3A_113 = arith.addf %get3A_104, %get3A_108 : vector<16xf32>
        %sub3A_114 = arith.subf %add3A_113, %get3A_112 : vector<16xf32>
        %mul3A_115 = arith.mulf %sub3A_114, %sub3A_114 : vector<16xf32>
        %add3A_116 = arith.addf %add3A_100, %mul3A_115 : vector<16xf32>
        %get3A_117 = arith.index_cast %add3A_68 : i32 to index
        %get3A_118 = arith.constant 48 : index
        %get3A_119 = tpu.vector_load %arg11[%get3A_117, %get3A_118] {strides = array<i32>} : memref<128x64xf32, #tpu.memory_space<vmem>>, vector<1x16xf32>,
        %get3A_120 = vector.shape_cast %get3A_119 : vector<1x16xf32> to vector<16xf32>
        %get3A_121 = arith.index_cast %add3A_68 : i32 to index
        %get3A_122 = arith.constant 48 : index
        %get3A_123 = tpu.vector_load %arg12[%get3A_121, %get3A_122] {strides = array<i32>} : memref<128x64xf32, #tpu.memory_space<vmem>>, vector<1x16xf32>,
        %get3A_124 = vector.shape_cast %get3A_123 : vector<1x16xf32> to vector<16xf32>
        %get3A_125 = arith.index_cast %add3A_68 : i32 to index
        %get3A_126 = arith.constant 48 : index
        %get3A_127 = tpu.vector_load %arg13[%get3A_125, %get3A_126] {strides = array<i32>} : memref<128x64xf32, #tpu.memory_space<vmem>>, vector<1x16xf32>,
        %get3A_128 = vector.shape_cast %get3A_127 : vector<1x16xf32> to vector<16xf32>
        %add3A_129 = arith.addf %get3A_120, %get3A_124 : vector<16xf32>
        %sub3A_130 = arith.subf %add3A_129, %get3A_128 : vector<16xf32>
        %mul3A_131 = arith.mulf %sub3A_130, %sub3A_130 : vector<16xf32>
        %add3A_132 = arith.addf %add3A_116, %mul3A_131 : vector<16xf32>
        %eq3A = arith.constant 0 : i32
        %eq3A_133 = vector.broadcast %eq3A : i32 to vector<16xi32>
        %eq3A_134 = arith.cmpi eq, %iota3A, %eq3A_133 : vector<16xi32>
        %broadcast_in_dim3A_135 = vector.shape_cast %and3A_7 : vector<16xi32> to vector<16x1xi32>
        %gather3A = vector.shape_cast %broadcast_in_dim3A_135 : vector<16x1xi32> to vector<16xi32>
        %gather3A_136 = tpu.dynamic_gather %add3A_132[%gather3A] in [0] : vector<16xf32>, vector<16xi32> -> vector<16xf32>
        %add3A_137 = arith.addf %add3A_132, %gather3A_136 : vector<16xf32>
        %broadcast_in_dim3A_138 = vector.shape_cast %and3A_13 : vector<16xi32> to vector<16x1xi32>
        %gather3A_139 = vector.shape_cast %broadcast_in_dim3A_138 : vector<16x1xi32> to vector<16xi32>
        %gather3A_140 = tpu.dynamic_gather %add3A_137[%gather3A_139] in [0] : vector<16xf32>, vector<16xi32> -> vector<16xf32>
        %add3A_141 = arith.addf %add3A_137, %gather3A_140 : vector<16xf32>
        %broadcast_in_dim3A_142 = vector.shape_cast %and3A_19 : vector<16xi32> to vector<16x1xi32>
        %gather3A_143 = vector.shape_cast %broadcast_in_dim3A_142 : vector<16x1xi32> to vector<16xi32>
        %gather3A_144 = tpu.dynamic_gather %add3A_141[%gather3A_143] in [0] : vector<16xf32>, vector<16xi32> -> vector<16xf32>
        %add3A_145 = arith.addf %add3A_141, %gather3A_144 : vector<16xf32>
        %broadcast_in_dim3A_146 = vector.shape_cast %and3A_25 : vector<16xi32> to vector<16x1xi32>
        %gather3A_147 = vector.shape_cast %broadcast_in_dim3A_146 : vector<16x1xi32> to vector<16xi32>
        %gather3A_148 = tpu.dynamic_gather %add3A_145[%gather3A_147] in [0] : vector<16xf32>, vector<16xi32> -> vector<16xf32>
        %add3A_149 = arith.addf %add3A_145, %gather3A_148 : vector<16xf32>
        %select_n3A = arith.select %eq3A_134, %add3A_149, %broadcast_in_dim3A_64 : vector<16xi1>, vector<16xf32>
        %mul3A_150 = arith.constant 16 : i32
        %mul3A_151 = arith.muli %scan3A_63, %mul3A_150 : i32
        %add3A_152 = arith.constant 1 : i32
        %add3A_153 = arith.addi %mul3A_151, %add3A_152 : i32
        %broadcast_in_dim3A_154 = arith.constant 0.000000e+00 : f32
        %broadcast_in_dim3A_155 = vector.broadcast %broadcast_in_dim3A_154 : f32 to vector<16xf32>
        %get3A_156 = arith.index_cast %add3A_153 : i32 to index
        %get3A_157 = arith.constant 0 : index
        %get3A_158 = tpu.vector_load %arg11[%get3A_156, %get3A_157] {strides = array<i32>} : memref<128x64xf32, #tpu.memory_space<vmem>>, vector<1x16xf32>,
        %get3A_159 = vector.shape_cast %get3A_158 : vector<1x16xf32> to vector<16xf32>
        %get3A_160 = arith.index_cast %add3A_153 : i32 to index
        %get3A_161 = arith.constant 0 : index
        %get3A_162 = tpu.vector_load %arg12[%get3A_160, %get3A_161] {strides = array<i32>} : memref<128x64xf32, #tpu.memory_space<vmem>>, vector<1x16xf32>,
        %get3A_163 = vector.shape_cast %get3A_162 : vector<1x16xf32> to vector<16xf32>
        %get3A_164 = arith.index_cast %add3A_153 : i32 to index
        %get3A_165 = arith.constant 0 : index
        %get3A_166 = tpu.vector_load %arg13[%get3A_164, %get3A_165] {strides = array<i32>} : memref<128x64xf32, #tpu.memory_space<vmem>>, vector<1x16xf32>,
        %get3A_167 = vector.shape_cast %get3A_166 : vector<1x16xf32> to vector<16xf32>
        %add3A_168 = arith.addf %get3A_159, %get3A_163 : vector<16xf32>
        %sub3A_169 = arith.subf %add3A_168, %get3A_167 : vector<16xf32>
        %mul3A_170 = arith.mulf %sub3A_169, %sub3A_169 : vector<16xf32>
        %add3A_171 = arith.addf %broadcast_in_dim3A_155, %mul3A_170 : vector<16xf32>
        %get3A_172 = arith.index_cast %add3A_153 : i32 to index
        %get3A_173 = arith.constant 16 : index
        %get3A_174 = tpu.vector_load %arg11[%get3A_172, %get3A_173] {strides = array<i32>} : memref<128x64xf32, #tpu.memory_space<vmem>>, vector<1x16xf32>,
        %get3A_175 = vector.shape_cast %get3A_174 : vector<1x16xf32> to vector<16xf32>
        %get3A_176 = arith.index_cast %add3A_153 : i32 to index
        %get3A_177 = arith.constant 16 : index
        %get3A_178 = tpu.vector_load %arg12[%get3A_176, %get3A_177] {strides = array<i32>} : memref<128x64xf32, #tpu.memory_space<vmem>>, vector<1x16xf32>,
        %get3A_179 = vector.shape_cast %get3A_178 : vector<1x16xf32> to vector<16xf32>
        %get3A_180 = arith.index_cast %add3A_153 : i32 to index
        %get3A_181 = arith.constant 16 : index
        %get3A_182 = tpu.vector_load %arg13[%get3A_180, %get3A_181] {strides = array<i32>} : memref<128x64xf32, #tpu.memory_space<vmem>>, vector<1x16xf32>,
        %get3A_183 = vector.shape_cast %get3A_182 : vector<1x16xf32> to vector<16xf32>
        %add3A_184 = arith.addf %get3A_175, %get3A_179 : vector<16xf32>
        %sub3A_185 = arith.subf %add3A_184, %get3A_183 : vector<16xf32>
        %mul3A_186 = arith.mulf %sub3A_185, %sub3A_185 : vector<16xf32>
        %add3A_187 = arith.addf %add3A_171, %mul3A_186 : vector<16xf32>
        %get3A_188 = arith.index_cast %add3A_153 : i32 to index
        %get3A_189 = arith.constant 32 : index
        %get3A_190 = tpu.vector_load %arg11[%get3A_188, %get3A_189] {strides = array<i32>} : memref<128x64xf32, #tpu.memory_space<vmem>>, vector<1x16xf32>,
        %get3A_191 = vector.shape_cast %get3A_190 : vector<1x16xf32> to vector<16xf32>
        %get3A_192 = arith.index_cast %add3A_153 : i32 to index
        %get3A_193 = arith.constant 32 : index
        %get3A_194 = tpu.vector_load %arg12[%get3A_192, %get3A_193] {strides = array<i32>} : memref<128x64xf32, #tpu.memory_space<vmem>>, vector<1x16xf32>,
        %get3A_195 = vector.shape_cast %get3A_194 : vector<1x16xf32> to vector<16xf32>
        %get3A_196 = arith.index_cast %add3A_153 : i32 to index
        %get3A_197 = arith.constant 32 : index
        %get3A_198 = tpu.vector_load %arg13[%get3A_196, %get3A_197] {strides = array<i32>} : memref<128x64xf32, #tpu.memory_space<vmem>>, vector<1x16xf32>,
        %get3A_199 = vector.shape_cast %get3A_198 : vector<1x16xf32> to vector<16xf32>
        %add3A_200 = arith.addf %get3A_191, %get3A_195 : vector<16xf32>
        %sub3A_201 = arith.subf %add3A_200, %get3A_199 : vector<16xf32>
        %mul3A_202 = arith.mulf %sub3A_201, %sub3A_201 : vector<16xf32>
        %add3A_203 = arith.addf %add3A_187, %mul3A_202 : vector<16xf32>
        %get3A_204 = arith.index_cast %add3A_153 : i32 to index
        %get3A_205 = arith.constant 48 : index
        %get3A_206 = tpu.vector_load %arg11[%get3A_204, %get3A_205] {strides = array<i32>} : memref<128x64xf32, #tpu.memory_space<vmem>>, vector<1x16xf32>,
        %get3A_207 = vector.shape_cast %get3A_206 : vector<1x16xf32> to vector<16xf32>
        %get3A_208 = arith.index_cast %add3A_153 : i32 to index
        %get3A_209 = arith.constant 48 : index
        %get3A_210 = tpu.vector_load %arg12[%get3A_208, %get3A_209] {strides = array<i32>} : memref<128x64xf32, #tpu.memory_space<vmem>>, vector<1x16xf32>,
        %get3A_211 = vector.shape_cast %get3A_210 : vector<1x16xf32> to vector<16xf32>
        %get3A_212 = arith.index_cast %add3A_153 : i32 to index
        %get3A_213 = arith.constant 48 : index
        %get3A_214 = tpu.vector_load %arg13[%get3A_212, %get3A_213] {strides = array<i32>} : memref<128x64xf32, #tpu.memory_space<vmem>>, vector<1x16xf32>,
        %get3A_215 = vector.shape_cast %get3A_214 : vector<1x16xf32> to vector<16xf32>
        %add3A_216 = arith.addf %get3A_207, %get3A_211 : vector<16xf32>
        %sub3A_217 = arith.subf %add3A_216, %get3A_215 : vector<16xf32>
        %mul3A_218 = arith.mulf %sub3A_217, %sub3A_217 : vector<16xf32>
        %add3A_219 = arith.addf %add3A_203, %mul3A_218 : vector<16xf32>
        %eq3A_220 = arith.constant 1 : i32
        %eq3A_221 = vector.broadcast %eq3A_220 : i32 to vector<16xi32>
        %eq3A_222 = arith.cmpi eq, %iota3A, %eq3A_221 : vector<16xi32>
        %broadcast_in_dim3A_223 = vector.shape_cast %and3A_7 : vector<16xi32> to vector<16x1xi32>
        %gather3A_224 = vector.shape_cast %broadcast_in_dim3A_223 : vector<16x1xi32> to vector<16xi32>
        %gather3A_225 = tpu.dynamic_gather %add3A_219[%gather3A_224] in [0] : vector<16xf32>, vector<16xi32> -> vector<16xf32>
        %add3A_226 = arith.addf %add3A_219, %gather3A_225 : vector<16xf32>
        %broadcast_in_dim3A_227 = vector.shape_cast %and3A_13 : vector<16xi32> to vector<16x1xi32>
        %gather3A_228 = vector.shape_cast %broadcast_in_dim3A_227 : vector<16x1xi32> to vector<16xi32>
        %gather3A_229 = tpu.dynamic_gather %add3A_226[%gather3A_228] in [0] : vector<16xf32>, vector<16xi32> -> vector<16xf32>
        %add3A_230 = arith.addf %add3A_226, %gather3A_229 : vector<16xf32>
        %broadcast_in_dim3A_231 = vector.shape_cast %and3A_19 : vector<16xi32> to vector<16x1xi32>
        %gather3A_232 = vector.shape_cast %broadcast_in_dim3A_231 : vector<16x1xi32> to vector<16xi32>
        %gather3A_233 = tpu.dynamic_gather %add3A_230[%gather3A_232] in [0] : vector<16xf32>, vector<16xi32> -> vector<16xf32>
        %add3A_234 = arith.addf %add3A_230, %gather3A_233 : vector<16xf32>
        %broadcast_in_dim3A_235 = vector.shape_cast %and3A_25 : vector<16xi32> to vector<16x1xi32>
        %gather3A_236 = vector.shape_cast %broadcast_in_dim3A_235 : vector<16x1xi32> to vector<16xi32>
        %gather3A_237 = tpu.dynamic_gather %add3A_234[%gather3A_236] in [0] : vector<16xf32>, vector<16xi32> -> vector<16xf32>
        %add3A_238 = arith.addf %add3A_234, %gather3A_237 : vector<16xf32>
        %select_n3A_239 = arith.select %eq3A_222, %add3A_238, %select_n3A : vector<16xi1>, vector<16xf32>
        %mul3A_240 = arith.constant 16 : i32
        %mul3A_241 = arith.muli %scan3A_63, %mul3A_240 : i32
        %add3A_242 = arith.constant 2 : i32
        %add3A_243 = arith.addi %mul3A_241, %add3A_242 : i32
        %broadcast_in_dim3A_244 = arith.constant 0.000000e+00 : f32
        %broadcast_in_dim3A_245 = vector.broadcast %broadcast_in_dim3A_244 : f32 to vector<16xf32>
        %get3A_246 = arith.index_cast %add3A_243 : i32 to index
        %get3A_247 = arith.constant 0 : index
        %get3A_248 = tpu.vector_load %arg11[%get3A_246, %get3A_247] {strides = array<i32>} : memref<128x64xf32, #tpu.memory_space<vmem>>, vector<1x16xf32>,
        %get3A_249 = vector.shape_cast %get3A_248 : vector<1x16xf32> to vector<16xf32>
        %get3A_250 = arith.index_cast %add3A_243 : i32 to index
        %get3A_251 = arith.constant 0 : index
        %get3A_252 = tpu.vector_load %arg12[%get3A_250, %get3A_251] {strides = array<i32>} : memref<128x64xf32, #tpu.memory_space<vmem>>, vector<1x16xf32>,
        %get3A_253 = vector.shape_cast %get3A_252 : vector<1x16xf32> to vector<16xf32>
        %get3A_254 = arith.index_cast %add3A_243 : i32 to index
        %get3A_255 = arith.constant 0 : index
        %get3A_256 = tpu.vector_load %arg13[%get3A_254, %get3A_255] {strides = array<i32>} : memref<128x64xf32, #tpu.memory_space<vmem>>, vector<1x16xf32>,
        %get3A_257 = vector.shape_cast %get3A_256 : vector<1x16xf32> to vector<16xf32>
        %add3A_258 = arith.addf %get3A_249, %get3A_253 : vector<16xf32>
        %sub3A_259 = arith.subf %add3A_258, %get3A_257 : vector<16xf32>
        %mul3A_260 = arith.mulf %sub3A_259, %sub3A_259 : vector<16xf32>
        %add3A_261 = arith.addf %broadcast_in_dim3A_245, %mul3A_260 : vector<16xf32>
        %get3A_262 = arith.index_cast %add3A_243 : i32 to index
        %get3A_263 = arith.constant 16 : index
        %get3A_264 = tpu.vector_load %arg11[%get3A_262, %get3A_263] {strides = array<i32>} : memref<128x64xf32, #tpu.memory_space<vmem>>, vector<1x16xf32>,
        %get3A_265 = vector.shape_cast %get3A_264 : vector<1x16xf32> to vector<16xf32>
        %get3A_266 = arith.index_cast %add3A_243 : i32 to index
        %get3A_267 = arith.constant 16 : index
        %get3A_268 = tpu.vector_load %arg12[%get3A_266, %get3A_267] {strides = array<i32>} : memref<128x64xf32, #tpu.memory_space<vmem>>, vector<1x16xf32>,
        %get3A_269 = vector.shape_cast %get3A_268 : vector<1x16xf32> to vector<16xf32>
        %get3A_270 = arith.index_cast %add3A_243 : i32 to index
        %get3A_271 = arith.constant 16 : index
        %get3A_272 = tpu.vector_load %arg13[%get3A_270, %get3A_271] {strides = array<i32>} : memref<128x64xf32, #tpu.memory_space<vmem>>, vector<1x16xf32>,
        %get3A_273 = vector.shape_cast %get3A_272 : vector<1x16xf32> to vector<16xf32>
        %add3A_274 = arith.addf %get3A_265, %get3A_269 : vector<16xf32>
        %sub3A_275 = arith.subf %add3A_274, %get3A_273 : vector<16xf32>
        %mul3A_276 = arith.mulf %sub3A_275, %sub3A_275 : vector<16xf32>
        %add3A_277 = arith.addf %add3A_261, %mul3A_276 : vector<16xf32>
        %get3A_278 = arith.index_cast %add3A_243 : i32 to index
        %get3A_279 = arith.constant 32 : index
        %get3A_280 = tpu.vector_load %arg11[%get3A_278, %get3A_279] {strides = array<i32>} : memref<128x64xf32, #tpu.memory_space<vmem>>, vector<1x16xf32>,
        %get3A_281 = vector.shape_cast %get3A_280 : vector<1x16xf32> to vector<16xf32>
        %get3A_282 = arith.index_cast %add3A_243 : i32 to index
        %get3A_283 = arith.constant 32 : index
        %get3A_284 = tpu.vector_load %arg12[%get3A_282, %get3A_283] {strides = array<i32>} : memref<128x64xf32, #tpu.memory_space<vmem>>, vector<1x16xf32>,
        %get3A_285 = vector.shape_cast %get3A_284 : vector<1x16xf32> to vector<16xf32>
        %get3A_286 = arith.index_cast %add3A_243 : i32 to index
        %get3A_287 = arith.constant 32 : index
        %get3A_288 = tpu.vector_load %arg13[%get3A_286, %get3A_287] {strides = array<i32>} : memref<128x64xf32, #tpu.memory_space<vmem>>, vector<1x16xf32>,
        %get3A_289 = vector.shape_cast %get3A_288 : vector<1x16xf32> to vector<16xf32>
        %add3A_290 = arith.addf %get3A_281, %get3A_285 : vector<16xf32>
        %sub3A_291 = arith.subf %add3A_290, %get3A_289 : vector<16xf32>
        %mul3A_292 = arith.mulf %sub3A_291, %sub3A_291 : vector<16xf32>
        %add3A_293 = arith.addf %add3A_277, %mul3A_292 : vector<16xf32>
        %get3A_294 = arith.index_cast %add3A_243 : i32 to index
        %get3A_295 = arith.constant 48 : index
        %get3A_296 = tpu.vector_load %arg11[%get3A_294, %get3A_295] {strides = array<i32>} : memref<128x64xf32, #tpu.memory_space<vmem>>, vector<1x16xf32>,
        %get3A_297 = vector.shape_cast %get3A_296 : vector<1x16xf32> to vector<16xf32>
        %get3A_298 = arith.index_cast %add3A_243 : i32 to index
        %get3A_299 = arith.constant 48 : index
        %get3A_300 = tpu.vector_load %arg12[%get3A_298, %get3A_299] {strides = array<i32>} : memref<128x64xf32, #tpu.memory_space<vmem>>, vector<1x16xf32>,
        %get3A_301 = vector.shape_cast %get3A_300 : vector<1x16xf32> to vector<16xf32>
        %get3A_302 = arith.index_cast %add3A_243 : i32 to index
        %get3A_303 = arith.constant 48 : index
        %get3A_304 = tpu.vector_load %arg13[%get3A_302, %get3A_303] {strides = array<i32>} : memref<128x64xf32, #tpu.memory_space<vmem>>, vector<1x16xf32>,
        %get3A_305 = vector.shape_cast %get3A_304 : vector<1x16xf32> to vector<16xf32>
        %add3A_306 = arith.addf %get3A_297, %get3A_301 : vector<16xf32>
        %sub3A_307 = arith.subf %add3A_306, %get3A_305 : vector<16xf32>
        %mul3A_308 = arith.mulf %sub3A_307, %sub3A_307 : vector<16xf32>
        %add3A_309 = arith.addf %add3A_293, %mul3A_308 : vector<16xf32>
        %eq3A_310 = arith.constant 2 : i32
        %eq3A_311 = vector.broadcast %eq3A_310 : i32 to vector<16xi32>
        %eq3A_312 = arith.cmpi eq, %iota3A, %eq3A_311 : vector<16xi32>
        %broadcast_in_dim3A_313 = vector.shape_cast %and3A_7 : vector<16xi32> to vector<16x1xi32>
        %gather3A_314 = vector.shape_cast %broadcast_in_dim3A_313 : vector<16x1xi32> to vector<16xi32>
        %gather3A_315 = tpu.dynamic_gather %add3A_309[%gather3A_314] in [0] : vector<16xf32>, vector<16xi32> -> vector<16xf32>
        %add3A_316 = arith.addf %add3A_309, %gather3A_315 : vector<16xf32>
        %broadcast_in_dim3A_317 = vector.shape_cast %and3A_13 : vector<16xi32> to vector<16x1xi32>
        %gather3A_318 = vector.shape_cast %broadcast_in_dim3A_317 : vector<16x1xi32> to vector<16xi32>
        %gather3A_319 = tpu.dynamic_gather %add3A_316[%gather3A_318] in [0] : vector<16xf32>, vector<16xi32> -> vector<16xf32>
        %add3A_320 = arith.addf %add3A_316, %gather3A_319 : vector<16xf32>
        %broadcast_in_dim3A_321 = vector.shape_cast %and3A_19 : vector<16xi32> to vector<16x1xi32>
        %gather3A_322 = vector.shape_cast %broadcast_in_dim3A_321 : vector<16x1xi32> to vector<16xi32>
        %gather3A_323 = tpu.dynamic_gather %add3A_320[%gather3A_322] in [0] : vector<16xf32>, vector<16xi32> -> vector<16xf32>
        %add3A_324 = arith.addf %add3A_320, %gather3A_323 : vector<16xf32>
        %broadcast_in_dim3A_325 = vector.shape_cast %and3A_25 : vector<16xi32> to vector<16x1xi32>
        %gather3A_326 = vector.shape_cast %broadcast_in_dim3A_325 : vector<16x1xi32> to vector<16xi32>
        %gather3A_327 = tpu.dynamic_gather %add3A_324[%gather3A_326] in [0] : vector<16xf32>, vector<16xi32> -> vector<16xf32>
        %add3A_328 = arith.addf %add3A_324, %gather3A_327 : vector<16xf32>
        %select_n3A_329 = arith.select %eq3A_312, %add3A_328, %select_n3A_239 : vector<16xi1>, vector<16xf32>
        %mul3A_330 = arith.constant 16 : i32
        %mul3A_331 = arith.muli %scan3A_63, %mul3A_330 : i32
        %add3A_332 = arith.constant 3 : i32
        %add3A_333 = arith.addi %mul3A_331, %add3A_332 : i32
        %broadcast_in_dim3A_334 = arith.constant 0.000000e+00 : f32
        %broadcast_in_dim3A_335 = vector.broadcast %broadcast_in_dim3A_334 : f32 to vector<16xf32>
        %get3A_336 = arith.index_cast %add3A_333 : i32 to index
        %get3A_337 = arith.constant 0 : index
        %get3A_338 = tpu.vector_load %arg11[%get3A_336, %get3A_337] {strides = array<i32>} : memref<128x64xf32, #tpu.memory_space<vmem>>, vector<1x16xf32>,
        %get3A_339 = vector.shape_cast %get3A_338 : vector<1x16xf32> to vector<16xf32>
        %get3A_340 = arith.index_cast %add3A_333 : i32 to index
        %get3A_341 = arith.constant 0 : index
        %get3A_342 = tpu.vector_load %arg12[%get3A_340, %get3A_341] {strides = array<i32>} : memref<128x64xf32, #tpu.memory_space<vmem>>, vector<1x16xf32>,
        %get3A_343 = vector.shape_cast %get3A_342 : vector<1x16xf32> to vector<16xf32>
        %get3A_344 = arith.index_cast %add3A_333 : i32 to index
        %get3A_345 = arith.constant 0 : index
        %get3A_346 = tpu.vector_load %arg13[%get3A_344, %get3A_345] {strides = array<i32>} : memref<128x64xf32, #tpu.memory_space<vmem>>, vector<1x16xf32>,
        %get3A_347 = vector.shape_cast %get3A_346 : vector<1x16xf32> to vector<16xf32>
        %add3A_348 = arith.addf %get3A_339, %get3A_343 : vector<16xf32>
        %sub3A_349 = arith.subf %add3A_348, %get3A_347 : vector<16xf32>
        %mul3A_350 = arith.mulf %sub3A_349, %sub3A_349 : vector<16xf32>
        %add3A_351 = arith.addf %broadcast_in_dim3A_335, %mul3A_350 : vector<16xf32>
        %get3A_352 = arith.index_cast %add3A_333 : i32 to index
        %get3A_353 = arith.constant 16 : index
        %get3A_354 = tpu.vector_load %arg11[%get3A_352, %get3A_353] {strides = array<i32>} : memref<128x64xf32, #tpu.memory_space<vmem>>, vector<1x16xf32>,
        %get3A_355 = vector.shape_cast %get3A_354 : vector<1x16xf32> to vector<16xf32>
        %get3A_356 = arith.index_cast %add3A_333 : i32 to index
        %get3A_357 = arith.constant 16 : index
        %get3A_358 = tpu.vector_load %arg12[%get3A_356, %get3A_357] {strides = array<i32>} : memref<128x64xf32, #tpu.memory_space<vmem>>, vector<1x16xf32>,
        %get3A_359 = vector.shape_cast %get3A_358 : vector<1x16xf32> to vector<16xf32>
        %get3A_360 = arith.index_cast %add3A_333 : i32 to index
        %get3A_361 = arith.constant 16 : index
        %get3A_362 = tpu.vector_load %arg13[%get3A_360, %get3A_361] {strides = array<i32>} : memref<128x64xf32, #tpu.memory_space<vmem>>, vector<1x16xf32>,
        %get3A_363 = vector.shape_cast %get3A_362 : vector<1x16xf32> to vector<16xf32>
        %add3A_364 = arith.addf %get3A_355, %get3A_359 : vector<16xf32>
        %sub3A_365 = arith.subf %add3A_364, %get3A_363 : vector<16xf32>
        %mul3A_366 = arith.mulf %sub3A_365, %sub3A_365 : vector<16xf32>
        %add3A_367 = arith.addf %add3A_351, %mul3A_366 : vector<16xf32>
        %get3A_368 = arith.index_cast %add3A_333 : i32 to index
        %get3A_369 = arith.constant 32 : index
        %get3A_370 = tpu.vector_load %arg11[%get3A_368, %get3A_369] {strides = array<i32>} : memref<128x64xf32, #tpu.memory_space<vmem>>, vector<1x16xf32>,
        %get3A_371 = vector.shape_cast %get3A_370 : vector<1x16xf32> to vector<16xf32>
        %get3A_372 = arith.index_cast %add3A_333 : i32 to index
        %get3A_373 = arith.constant 32 : index
        %get3A_374 = tpu.vector_load %arg12[%get3A_372, %get3A_373] {strides = array<i32>} : memref<128x64xf32, #tpu.memory_space<vmem>>, vector<1x16xf32>,
        %get3A_375 = vector.shape_cast %get3A_374 : vector<1x16xf32> to vector<16xf32>
        %get3A_376 = arith.index_cast %add3A_333 : i32 to index
        %get3A_377 = arith.constant 32 : index
        %get3A_378 = tpu.vector_load %arg13[%get3A_376, %get3A_377] {strides = array<i32>} : memref<128x64xf32, #tpu.memory_space<vmem>>, vector<1x16xf32>,
        %get3A_379 = vector.shape_cast %get3A_378 : vector<1x16xf32> to vector<16xf32>
        %add3A_380 = arith.addf %get3A_371, %get3A_375 : vector<16xf32>
        %sub3A_381 = arith.subf %add3A_380, %get3A_379 : vector<16xf32>
        %mul3A_382 = arith.mulf %sub3A_381, %sub3A_381 : vector<16xf32>
        %add3A_383 = arith.addf %add3A_367, %mul3A_382 : vector<16xf32>
        %get3A_384 = arith.index_cast %add3A_333 : i32 to index
        %get3A_385 = arith.constant 48 : index
        %get3A_386 = tpu.vector_load %arg11[%get3A_384, %get3A_385] {strides = array<i32>} : memref<128x64xf32, #tpu.memory_space<vmem>>, vector<1x16xf32>,
        %get3A_387 = vector.shape_cast %get3A_386 : vector<1x16xf32> to vector<16xf32>
        %get3A_388 = arith.index_cast %add3A_333 : i32 to index
        %get3A_389 = arith.constant 48 : index
        %get3A_390 = tpu.vector_load %arg12[%get3A_388, %get3A_389] {strides = array<i32>} : memref<128x64xf32, #tpu.memory_space<vmem>>, vector<1x16xf32>,
        %get3A_391 = vector.shape_cast %get3A_390 : vector<1x16xf32> to vector<16xf32>
        %get3A_392 = arith.index_cast %add3A_333 : i32 to index
        %get3A_393 = arith.constant 48 : index
        %get3A_394 = tpu.vector_load %arg13[%get3A_392, %get3A_393] {strides = array<i32>} : memref<128x64xf32, #tpu.memory_space<vmem>>, vector<1x16xf32>,
        %get3A_395 = vector.shape_cast %get3A_394 : vector<1x16xf32> to vector<16xf32>
        %add3A_396 = arith.addf %get3A_387, %get3A_391 : vector<16xf32>
        %sub3A_397 = arith.subf %add3A_396, %get3A_395 : vector<16xf32>
        %mul3A_398 = arith.mulf %sub3A_397, %sub3A_397 : vector<16xf32>
        %add3A_399 = arith.addf %add3A_383, %mul3A_398 : vector<16xf32>
        %eq3A_400 = arith.constant 3 : i32
        %eq3A_401 = vector.broadcast %eq3A_400 : i32 to vector<16xi32>
        %eq3A_402 = arith.cmpi eq, %iota3A, %eq3A_401 : vector<16xi32>
        %broadcast_in_dim3A_403 = vector.shape_cast %and3A_7 : vector<16xi32> to vector<16x1xi32>
        %gather3A_404 = vector.shape_cast %broadcast_in_dim3A_403 : vector<16x1xi32> to vector<16xi32>
        %gather3A_405 = tpu.dynamic_gather %add3A_399[%gather3A_404] in [0] : vector<16xf32>, vector<16xi32> -> vector<16xf32>
        %add3A_406 = arith.addf %add3A_399, %gather3A_405 : vector<16xf32>
        %broadcast_in_dim3A_407 = vector.shape_cast %and3A_13 : vector<16xi32> to vector<16x1xi32>
        %gather3A_408 = vector.shape_cast %broadcast_in_dim3A_407 : vector<16x1xi32> to vector<16xi32>
        %gather3A_409 = tpu.dynamic_gather %add3A_406[%gather3A_408] in [0] : vector<16xf32>, vector<16xi32> -> vector<16xf32>
        %add3A_410 = arith.addf %add3A_406, %gather3A_409 : vector<16xf32>
        %broadcast_in_dim3A_411 = vector.shape_cast %and3A_19 : vector<16xi32> to vector<16x1xi32>
        %gather3A_412 = vector.shape_cast %broadcast_in_dim3A_411 : vector<16x1xi32> to vector<16xi32>
        %gather3A_413 = tpu.dynamic_gather %add3A_410[%gather3A_412] in [0] : vector<16xf32>, vector<16xi32> -> vector<16xf32>
        %add3A_414 = arith.addf %add3A_410, %gather3A_413 : vector<16xf32>
        %broadcast_in_dim3A_415 = vector.shape_cast %and3A_25 : vector<16xi32> to vector<16x1xi32>
        %gather3A_416 = vector.shape_cast %broadcast_in_dim3A_415 : vector<16x1xi32> to vector<16xi32>
        %gather3A_417 = tpu.dynamic_gather %add3A_414[%gather3A_416] in [0] : vector<16xf32>, vector<16xi32> -> vector<16xf32>
        %add3A_418 = arith.addf %add3A_414, %gather3A_417 : vector<16xf32>
        %select_n3A_419 = arith.select %eq3A_402, %add3A_418, %select_n3A_329 : vector<16xi1>, vector<16xf32>
        %mul3A_420 = arith.constant 16 : i32
        %mul3A_421 = arith.muli %scan3A_63, %mul3A_420 : i32
        %add3A_422 = arith.constant 4 : i32
        %add3A_423 = arith.addi %mul3A_421, %add3A_422 : i32
        %broadcast_in_dim3A_424 = arith.constant 0.000000e+00 : f32
        %broadcast_in_dim3A_425 = vector.broadcast %broadcast_in_dim3A_424 : f32 to vector<16xf32>
        %get3A_426 = arith.index_cast %add3A_423 : i32 to index
        %get3A_427 = arith.constant 0 : index
        %get3A_428 = tpu.vector_load %arg11[%get3A_426, %get3A_427] {strides = array<i32>} : memref<128x64xf32, #tpu.memory_space<vmem>>, vector<1x16xf32>,
        %get3A_429 = vector.shape_cast %get3A_428 : vector<1x16xf32> to vector<16xf32>
        %get3A_430 = arith.index_cast %add3A_423 : i32 to index
        %get3A_431 = arith.constant 0 : index
        %get3A_432 = tpu.vector_load %arg12[%get3A_430, %get3A_431] {strides = array<i32>} : memref<128x64xf32, #tpu.memory_space<vmem>>, vector<1x16xf32>,
        %get3A_433 = vector.shape_cast %get3A_432 : vector<1x16xf32> to vector<16xf32>
        %get3A_434 = arith.index_cast %add3A_423 : i32 to index
        %get3A_435 = arith.constant 0 : index
        %get3A_436 = tpu.vector_load %arg13[%get3A_434, %get3A_435] {strides = array<i32>} : memref<128x64xf32, #tpu.memory_space<vmem>>, vector<1x16xf32>,
        %get3A_437 = vector.shape_cast %get3A_436 : vector<1x16xf32> to vector<16xf32>
        %add3A_438 = arith.addf %get3A_429, %get3A_433 : vector<16xf32>
        %sub3A_439 = arith.subf %add3A_438, %get3A_437 : vector<16xf32>
        %mul3A_440 = arith.mulf %sub3A_439, %sub3A_439 : vector<16xf32>
        %add3A_441 = arith.addf %broadcast_in_dim3A_425, %mul3A_440 : vector<16xf32>
        %get3A_442 = arith.index_cast %add3A_423 : i32 to index
        %get3A_443 = arith.constant 16 : index
        %get3A_444 = tpu.vector_load %arg11[%get3A_442, %get3A_443] {strides = array<i32>} : memref<128x64xf32, #tpu.memory_space<vmem>>, vector<1x16xf32>,
        %get3A_445 = vector.shape_cast %get3A_444 : vector<1x16xf32> to vector<16xf32>
        %get3A_446 = arith.index_cast %add3A_423 : i32 to index
        %get3A_447 = arith.constant 16 : index
        %get3A_448 = tpu.vector_load %arg12[%get3A_446, %get3A_447] {strides = array<i32>} : memref<128x64xf32, #tpu.memory_space<vmem>>, vector<1x16xf32>,
        %get3A_449 = vector.shape_cast %get3A_448 : vector<1x16xf32> to vector<16xf32>
        %get3A_450 = arith.index_cast %add3A_423 : i32 to index
        %get3A_451 = arith.constant 16 : index
        %get3A_452 = tpu.vector_load %arg13[%get3A_450, %get3A_451] {strides = array<i32>} : memref<128x64xf32, #tpu.memory_space<vmem>>, vector<1x16xf32>,
        %get3A_453 = vector.shape_cast %get3A_452 : vector<1x16xf32> to vector<16xf32>
        %add3A_454 = arith.addf %get3A_445, %get3A_449 : vector<16xf32>
        %sub3A_455 = arith.subf %add3A_454, %get3A_453 : vector<16xf32>
        %mul3A_456 = arith.mulf %sub3A_455, %sub3A_455 : vector<16xf32>
        %add3A_457 = arith.addf %add3A_441, %mul3A_456 : vector<16xf32>
        %get3A_458 = arith.index_cast %add3A_423 : i32 to index
        %get3A_459 = arith.constant 32 : index
        %get3A_460 = tpu.vector_load %arg11[%get3A_458, %get3A_459] {strides = array<i32>} : memref<128x64xf32, #tpu.memory_space<vmem>>, vector<1x16xf32>,
        %get3A_461 = vector.shape_cast %get3A_460 : vector<1x16xf32> to vector<16xf32>
        %get3A_462 = arith.index_cast %add3A_423 : i32 to index
        %get3A_463 = arith.constant 32 : index
        %get3A_464 = tpu.vector_load %arg12[%get3A_462, %get3A_463] {strides = array<i32>} : memref<128x64xf32, #tpu.memory_space<vmem>>, vector<1x16xf32>,
        %get3A_465 = vector.shape_cast %get3A_464 : vector<1x16xf32> to vector<16xf32>
        %get3A_466 = arith.index_cast %add3A_423 : i32 to index
        %get3A_467 = arith.constant 32 : index
        %get3A_468 = tpu.vector_load %arg13[%get3A_466, %get3A_467] {strides = array<i32>} : memref<128x64xf32, #tpu.memory_space<vmem>>, vector<1x16xf32>,
        %get3A_469 = vector.shape_cast %get3A_468 : vector<1x16xf32> to vector<16xf32>
        %add3A_470 = arith.addf %get3A_461, %get3A_465 : vector<16xf32>
        %sub3A_471 = arith.subf %add3A_470, %get3A_469 : vector<16xf32>
        %mul3A_472 = arith.mulf %sub3A_471, %sub3A_471 : vector<16xf32>
        %add3A_473 = arith.addf %add3A_457, %mul3A_472 : vector<16xf32>
        %get3A_474 = arith.index_cast %add3A_423 : i32 to index
        %get3A_475 = arith.constant 48 : index
        %get3A_476 = tpu.vector_load %arg11[%get3A_474, %get3A_475] {strides = array<i32>} : memref<128x64xf32, #tpu.memory_space<vmem>>, vector<1x16xf32>,
        %get3A_477 = vector.shape_cast %get3A_476 : vector<1x16xf32> to vector<16xf32>
        %get3A_478 = arith.index_cast %add3A_423 : i32 to index
        %get3A_479 = arith.constant 48 : index
        %get3A_480 = tpu.vector_load %arg12[%get3A_478, %get3A_479] {strides = array<i32>} : memref<128x64xf32, #tpu.memory_space<vmem>>, vector<1x16xf32>,
        %get3A_481 = vector.shape_cast %get3A_480 : vector<1x16xf32> to vector<16xf32>
        %get3A_482 = arith.index_cast %add3A_423 : i32 to index
        %get3A_483 = arith.constant 48 : index
        %get3A_484 = tpu.vector_load %arg13[%get3A_482, %get3A_483] {strides = array<i32>} : memref<128x64xf32, #tpu.memory_space<vmem>>, vector<1x16xf32>,
        %get3A_485 = vector.shape_cast %get3A_484 : vector<1x16xf32> to vector<16xf32>
        %add3A_486 = arith.addf %get3A_477, %get3A_481 : vector<16xf32>
        %sub3A_487 = arith.subf %add3A_486, %get3A_485 : vector<16xf32>
        %mul3A_488 = arith.mulf %sub3A_487, %sub3A_487 : vector<16xf32>
        %add3A_489 = arith.addf %add3A_473, %mul3A_488 : vector<16xf32>
        %eq3A_490 = arith.constant 4 : i32
        %eq3A_491 = vector.broadcast %eq3A_490 : i32 to vector<16xi32>
        %eq3A_492 = arith.cmpi eq, %iota3A, %eq3A_491 : vector<16xi32>
        %broadcast_in_dim3A_493 = vector.shape_cast %and3A_7 : vector<16xi32> to vector<16x1xi32>
        %gather3A_494 = vector.shape_cast %broadcast_in_dim3A_493 : vector<16x1xi32> to vector<16xi32>
        %gather3A_495 = tpu.dynamic_gather %add3A_489[%gather3A_494] in [0] : vector<16xf32>, vector<16xi32> -> vector<16xf32>
        %add3A_496 = arith.addf %add3A_489, %gather3A_495 : vector<16xf32>
        %broadcast_in_dim3A_497 = vector.shape_cast %and3A_13 : vector<16xi32> to vector<16x1xi32>
        %gather3A_498 = vector.shape_cast %broadcast_in_dim3A_497 : vector<16x1xi32> to vector<16xi32>
        %gather3A_499 = tpu.dynamic_gather %add3A_496[%gather3A_498] in [0] : vector<16xf32>, vector<16xi32> -> vector<16xf32>
        %add3A_500 = arith.addf %add3A_496, %gather3A_499 : vector<16xf32>
        %broadcast_in_dim3A_501 = vector.shape_cast %and3A_19 : vector<16xi32> to vector<16x1xi32>
        %gather3A_502 = vector.shape_cast %broadcast_in_dim3A_501 : vector<16x1xi32> to vector<16xi32>
        %gather3A_503 = tpu.dynamic_gather %add3A_500[%gather3A_502] in [0] : vector<16xf32>, vector<16xi32> -> vector<16xf32>
        %add3A_504 = arith.addf %add3A_500, %gather3A_503 : vector<16xf32>
        %broadcast_in_dim3A_505 = vector.shape_cast %and3A_25 : vector<16xi32> to vector<16x1xi32>
        %gather3A_506 = vector.shape_cast %broadcast_in_dim3A_505 : vector<16x1xi32> to vector<16xi32>
        %gather3A_507 = tpu.dynamic_gather %add3A_504[%gather3A_506] in [0] : vector<16xf32>, vector<16xi32> -> vector<16xf32>
        %add3A_508 = arith.addf %add3A_504, %gather3A_507 : vector<16xf32>
        %select_n3A_509 = arith.select %eq3A_492, %add3A_508, %select_n3A_419 : vector<16xi1>, vector<16xf32>
        %mul3A_510 = arith.constant 16 : i32
        %mul3A_511 = arith.muli %scan3A_63, %mul3A_510 : i32
        %add3A_512 = arith.constant 5 : i32
        %add3A_513 = arith.addi %mul3A_511, %add3A_512 : i32
        %broadcast_in_dim3A_514 = arith.constant 0.000000e+00 : f32
        %broadcast_in_dim3A_515 = vector.broadcast %broadcast_in_dim3A_514 : f32 to vector<16xf32>
        %get3A_516 = arith.index_cast %add3A_513 : i32 to index
        %get3A_517 = arith.constant 0 : index
        %get3A_518 = tpu.vector_load %arg11[%get3A_516, %get3A_517] {strides = array<i32>} : memref<128x64xf32, #tpu.memory_space<vmem>>, vector<1x16xf32>,
        %get3A_519 = vector.shape_cast %get3A_518 : vector<1x16xf32> to vector<16xf32>
        %get3A_520 = arith.index_cast %add3A_513 : i32 to index
        %get3A_521 = arith.constant 0 : index
        %get3A_522 = tpu.vector_load %arg12[%get3A_520, %get3A_521] {strides = array<i32>} : memref<128x64xf32, #tpu.memory_space<vmem>>, vector<1x16xf32>,
        %get3A_523 = vector.shape_cast %get3A_522 : vector<1x16xf32> to vector<16xf32>
        %get3A_524 = arith.index_cast %add3A_513 : i32 to index
        %get3A_525 = arith.constant 0 : index
        %get3A_526 = tpu.vector_load %arg13[%get3A_524, %get3A_525] {strides = array<i32>} : memref<128x64xf32, #tpu.memory_space<vmem>>, vector<1x16xf32>,
        %get3A_527 = vector.shape_cast %get3A_526 : vector<1x16xf32> to vector<16xf32>
        %add3A_528 = arith.addf %get3A_519, %get3A_523 : vector<16xf32>
        %sub3A_529 = arith.subf %add3A_528, %get3A_527 : vector<16xf32>
        %mul3A_530 = arith.mulf %sub3A_529, %sub3A_529 : vector<16xf32>
        %add3A_531 = arith.addf %broadcast_in_dim3A_515, %mul3A_530 : vector<16xf32>
        %get3A_532 = arith.index_cast %add3A_513 : i32 to index
        %get3A_533 = arith.constant 16 : index
        %get3A_534 = tpu.vector_load %arg11[%get3A_532, %get3A_533] {strides = array<i32>} : memref<128x64xf32, #tpu.memory_space<vmem>>, vector<1x16xf32>,
        %get3A_535 = vector.shape_cast %get3A_534 : vector<1x16xf32> to vector<16xf32>
        %get3A_536 = arith.index_cast %add3A_513 : i32 to index
        %get3A_537 = arith.constant 16 : index
        %get3A_538 = tpu.vector_load %arg12[%get3A_536, %get3A_537] {strides = array<i32>} : memref<128x64xf32, #tpu.memory_space<vmem>>, vector<1x16xf32>,
        %get3A_539 = vector.shape_cast %get3A_538 : vector<1x16xf32> to vector<16xf32>
        %get3A_540 = arith.index_cast %add3A_513 : i32 to index
        %get3A_541 = arith.constant 16 : index
        %get3A_542 = tpu.vector_load %arg13[%get3A_540, %get3A_541] {strides = array<i32>} : memref<128x64xf32, #tpu.memory_space<vmem>>, vector<1x16xf32>,
        %get3A_543 = vector.shape_cast %get3A_542 : vector<1x16xf32> to vector<16xf32>
        %add3A_544 = arith.addf %get3A_535, %get3A_539 : vector<16xf32>
        %sub3A_545 = arith.subf %add3A_544, %get3A_543 : vector<16xf32>
        %mul3A_546 = arith.mulf %sub3A_545, %sub3A_545 : vector<16xf32>
        %add3A_547 = arith.addf %add3A_531, %mul3A_546 : vector<16xf32>
        %get3A_548 = arith.index_cast %add3A_513 : i32 to index
        %get3A_549 = arith.constant 32 : index
        %get3A_550 = tpu.vector_load %arg11[%get3A_548, %get3A_549] {strides = array<i32>} : memref<128x64xf32, #tpu.memory_space<vmem>>, vector<1x16xf32>,
        %get3A_551 = vector.shape_cast %get3A_550 : vector<1x16xf32> to vector<16xf32>
        %get3A_552 = arith.index_cast %add3A_513 : i32 to index
        %get3A_553 = arith.constant 32 : index
        %get3A_554 = tpu.vector_load %arg12[%get3A_552, %get3A_553] {strides = array<i32>} : memref<128x64xf32, #tpu.memory_space<vmem>>, vector<1x16xf32>,
        %get3A_555 = vector.shape_cast %get3A_554 : vector<1x16xf32> to vector<16xf32>
        %get3A_556 = arith.index_cast %add3A_513 : i32 to index
        %get3A_557 = arith.constant 32 : index
        %get3A_558 = tpu.vector_load %arg13[%get3A_556, %get3A_557] {strides = array<i32>} : memref<128x64xf32, #tpu.memory_space<vmem>>, vector<1x16xf32>,
        %get3A_559 = vector.shape_cast %get3A_558 : vector<1x16xf32> to vector<16xf32>
        %add3A_560 = arith.addf %get3A_551, %get3A_555 : vector<16xf32>
        %sub3A_561 = arith.subf %add3A_560, %get3A_559 : vector<16xf32>
        %mul3A_562 = arith.mulf %sub3A_561, %sub3A_561 : vector<16xf32>
        %add3A_563 = arith.addf %add3A_547, %mul3A_562 : vector<16xf32>
        %get3A_564 = arith.index_cast %add3A_513 : i32 to index
        %get3A_565 = arith.constant 48 : index
        %get3A_566 = tpu.vector_load %arg11[%get3A_564, %get3A_565] {strides = array<i32>} : memref<128x64xf32, #tpu.memory_space<vmem>>, vector<1x16xf32>,
        %get3A_567 = vector.shape_cast %get3A_566 : vector<1x16xf32> to vector<16xf32>
        %get3A_568 = arith.index_cast %add3A_513 : i32 to index
        %get3A_569 = arith.constant 48 : index
        %get3A_570 = tpu.vector_load %arg12[%get3A_568, %get3A_569] {strides = array<i32>} : memref<128x64xf32, #tpu.memory_space<vmem>>, vector<1x16xf32>,
        %get3A_571 = vector.shape_cast %get3A_570 : vector<1x16xf32> to vector<16xf32>
        %get3A_572 = arith.index_cast %add3A_513 : i32 to index
        %get3A_573 = arith.constant 48 : index
        %get3A_574 = tpu.vector_load %arg13[%get3A_572, %get3A_573] {strides = array<i32>} : memref<128x64xf32, #tpu.memory_space<vmem>>, vector<1x16xf32>,
        %get3A_575 = vector.shape_cast %get3A_574 : vector<1x16xf32> to vector<16xf32>
        %add3A_576 = arith.addf %get3A_567, %get3A_571 : vector<16xf32>
        %sub3A_577 = arith.subf %add3A_576, %get3A_575 : vector<16xf32>
        %mul3A_578 = arith.mulf %sub3A_577, %sub3A_577 : vector<16xf32>
        %add3A_579 = arith.addf %add3A_563, %mul3A_578 : vector<16xf32>
        %eq3A_580 = arith.constant 5 : i32
        %eq3A_581 = vector.broadcast %eq3A_580 : i32 to vector<16xi32>
        %eq3A_582 = arith.cmpi eq, %iota3A, %eq3A_581 : vector<16xi32>
        %broadcast_in_dim3A_583 = vector.shape_cast %and3A_7 : vector<16xi32> to vector<16x1xi32>
        %gather3A_584 = vector.shape_cast %broadcast_in_dim3A_583 : vector<16x1xi32> to vector<16xi32>
        %gather3A_585 = tpu.dynamic_gather %add3A_579[%gather3A_584] in [0] : vector<16xf32>, vector<16xi32> -> vector<16xf32>
        %add3A_586 = arith.addf %add3A_579, %gather3A_585 : vector<16xf32>
        %broadcast_in_dim3A_587 = vector.shape_cast %and3A_13 : vector<16xi32> to vector<16x1xi32>
        %gather3A_588 = vector.shape_cast %broadcast_in_dim3A_587 : vector<16x1xi32> to vector<16xi32>
        %gather3A_589 = tpu.dynamic_gather %add3A_586[%gather3A_588] in [0] : vector<16xf32>, vector<16xi32> -> vector<16xf32>
        %add3A_590 = arith.addf %add3A_586, %gather3A_589 : vector<16xf32>
        %broadcast_in_dim3A_591 = vector.shape_cast %and3A_19 : vector<16xi32> to vector<16x1xi32>
        %gather3A_592 = vector.shape_cast %broadcast_in_dim3A_591 : vector<16x1xi32> to vector<16xi32>
        %gather3A_593 = tpu.dynamic_gather %add3A_590[%gather3A_592] in [0] : vector<16xf32>, vector<16xi32> -> vector<16xf32>
        %add3A_594 = arith.addf %add3A_590, %gather3A_593 : vector<16xf32>
        %broadcast_in_dim3A_595 = vector.shape_cast %and3A_25 : vector<16xi32> to vector<16x1xi32>
        %gather3A_596 = vector.shape_cast %broadcast_in_dim3A_595 : vector<16x1xi32> to vector<16xi32>
        %gather3A_597 = tpu.dynamic_gather %add3A_594[%gather3A_596] in [0] : vector<16xf32>, vector<16xi32> -> vector<16xf32>
        %add3A_598 = arith.addf %add3A_594, %gather3A_597 : vector<16xf32>
        %select_n3A_599 = arith.select %eq3A_582, %add3A_598, %select_n3A_509 : vector<16xi1>, vector<16xf32>
        %mul3A_600 = arith.constant 16 : i32
        %mul3A_601 = arith.muli %scan3A_63, %mul3A_600 : i32
        %add3A_602 = arith.constant 6 : i32
        %add3A_603 = arith.addi %mul3A_601, %add3A_602 : i32
        %broadcast_in_dim3A_604 = arith.constant 0.000000e+00 : f32
        %broadcast_in_dim3A_605 = vector.broadcast %broadcast_in_dim3A_604 : f32 to vector<16xf32>
        %get3A_606 = arith.index_cast %add3A_603 : i32 to index
        %get3A_607 = arith.constant 0 : index
        %get3A_608 = tpu.vector_load %arg11[%get3A_606, %get3A_607] {strides = array<i32>} : memref<128x64xf32, #tpu.memory_space<vmem>>, vector<1x16xf32>,
        %get3A_609 = vector.shape_cast %get3A_608 : vector<1x16xf32> to vector<16xf32>
        %get3A_610 = arith.index_cast %add3A_603 : i32 to index
        %get3A_611 = arith.constant 0 : index
        %get3A_612 = tpu.vector_load %arg12[%get3A_610, %get3A_611] {strides = array<i32>} : memref<128x64xf32, #tpu.memory_space<vmem>>, vector<1x16xf32>,
        %get3A_613 = vector.shape_cast %get3A_612 : vector<1x16xf32> to vector<16xf32>
        %get3A_614 = arith.index_cast %add3A_603 : i32 to index
        %get3A_615 = arith.constant 0 : index
        %get3A_616 = tpu.vector_load %arg13[%get3A_614, %get3A_615] {strides = array<i32>} : memref<128x64xf32, #tpu.memory_space<vmem>>, vector<1x16xf32>,
        %get3A_617 = vector.shape_cast %get3A_616 : vector<1x16xf32> to vector<16xf32>
        %add3A_618 = arith.addf %get3A_609, %get3A_613 : vector<16xf32>
        %sub3A_619 = arith.subf %add3A_618, %get3A_617 : vector<16xf32>
        %mul3A_620 = arith.mulf %sub3A_619, %sub3A_619 : vector<16xf32>
        %add3A_621 = arith.addf %broadcast_in_dim3A_605, %mul3A_620 : vector<16xf32>
        %get3A_622 = arith.index_cast %add3A_603 : i32 to index
        %get3A_623 = arith.constant 16 : index
        %get3A_624 = tpu.vector_load %arg11[%get3A_622, %get3A_623] {strides = array<i32>} : memref<128x64xf32, #tpu.memory_space<vmem>>, vector<1x16xf32>,
        %get3A_625 = vector.shape_cast %get3A_624 : vector<1x16xf32> to vector<16xf32>
        %get3A_626 = arith.index_cast %add3A_603 : i32 to index
        %get3A_627 = arith.constant 16 : index
        %get3A_628 = tpu.vector_load %arg12[%get3A_626, %get3A_627] {strides = array<i32>} : memref<128x64xf32, #tpu.memory_space<vmem>>, vector<1x16xf32>,
        %get3A_629 = vector.shape_cast %get3A_628 : vector<1x16xf32> to vector<16xf32>
        %get3A_630 = arith.index_cast %add3A_603 : i32 to index
        %get3A_631 = arith.constant 16 : index
        %get3A_632 = tpu.vector_load %arg13[%get3A_630, %get3A_631] {strides = array<i32>} : memref<128x64xf32, #tpu.memory_space<vmem>>, vector<1x16xf32>,
        %get3A_633 = vector.shape_cast %get3A_632 : vector<1x16xf32> to vector<16xf32>
        %add3A_634 = arith.addf %get3A_625, %get3A_629 : vector<16xf32>
        %sub3A_635 = arith.subf %add3A_634, %get3A_633 : vector<16xf32>
        %mul3A_636 = arith.mulf %sub3A_635, %sub3A_635 : vector<16xf32>
        %add3A_637 = arith.addf %add3A_621, %mul3A_636 : vector<16xf32>
        %get3A_638 = arith.index_cast %add3A_603 : i32 to index
        %get3A_639 = arith.constant 32 : index
        %get3A_640 = tpu.vector_load %arg11[%get3A_638, %get3A_639] {strides = array<i32>} : memref<128x64xf32, #tpu.memory_space<vmem>>, vector<1x16xf32>,
        %get3A_641 = vector.shape_cast %get3A_640 : vector<1x16xf32> to vector<16xf32>
        %get3A_642 = arith.index_cast %add3A_603 : i32 to index
        %get3A_643 = arith.constant 32 : index
        %get3A_644 = tpu.vector_load %arg12[%get3A_642, %get3A_643] {strides = array<i32>} : memref<128x64xf32, #tpu.memory_space<vmem>>, vector<1x16xf32>,
        %get3A_645 = vector.shape_cast %get3A_644 : vector<1x16xf32> to vector<16xf32>
        %get3A_646 = arith.index_cast %add3A_603 : i32 to index
        %get3A_647 = arith.constant 32 : index
        %get3A_648 = tpu.vector_load %arg13[%get3A_646, %get3A_647] {strides = array<i32>} : memref<128x64xf32, #tpu.memory_space<vmem>>, vector<1x16xf32>,
        %get3A_649 = vector.shape_cast %get3A_648 : vector<1x16xf32> to vector<16xf32>
        %add3A_650 = arith.addf %get3A_641, %get3A_645 : vector<16xf32>
        %sub3A_651 = arith.subf %add3A_650, %get3A_649 : vector<16xf32>
        %mul3A_652 = arith.mulf %sub3A_651, %sub3A_651 : vector<16xf32>
        %add3A_653 = arith.addf %add3A_637, %mul3A_652 : vector<16xf32>
        %get3A_654 = arith.index_cast %add3A_603 : i32 to index
        %get3A_655 = arith.constant 48 : index
        %get3A_656 = tpu.vector_load %arg11[%get3A_654, %get3A_655] {strides = array<i32>} : memref<128x64xf32, #tpu.memory_space<vmem>>, vector<1x16xf32>,
        %get3A_657 = vector.shape_cast %get3A_656 : vector<1x16xf32> to vector<16xf32>
        %get3A_658 = arith.index_cast %add3A_603 : i32 to index
        %get3A_659 = arith.constant 48 : index
        %get3A_660 = tpu.vector_load %arg12[%get3A_658, %get3A_659] {strides = array<i32>} : memref<128x64xf32, #tpu.memory_space<vmem>>, vector<1x16xf32>,
        %get3A_661 = vector.shape_cast %get3A_660 : vector<1x16xf32> to vector<16xf32>
        %get3A_662 = arith.index_cast %add3A_603 : i32 to index
        %get3A_663 = arith.constant 48 : index
        %get3A_664 = tpu.vector_load %arg13[%get3A_662, %get3A_663] {strides = array<i32>} : memref<128x64xf32, #tpu.memory_space<vmem>>, vector<1x16xf32>,
        %get3A_665 = vector.shape_cast %get3A_664 : vector<1x16xf32> to vector<16xf32>
        %add3A_666 = arith.addf %get3A_657, %get3A_661 : vector<16xf32>
        %sub3A_667 = arith.subf %add3A_666, %get3A_665 : vector<16xf32>
        %mul3A_668 = arith.mulf %sub3A_667, %sub3A_667 : vector<16xf32>
        %add3A_669 = arith.addf %add3A_653, %mul3A_668 : vector<16xf32>
        %eq3A_670 = arith.constant 6 : i32
        %eq3A_671 = vector.broadcast %eq3A_670 : i32 to vector<16xi32>
        %eq3A_672 = arith.cmpi eq, %iota3A, %eq3A_671 : vector<16xi32>
        %broadcast_in_dim3A_673 = vector.shape_cast %and3A_7 : vector<16xi32> to vector<16x1xi32>
        %gather3A_674 = vector.shape_cast %broadcast_in_dim3A_673 : vector<16x1xi32> to vector<16xi32>
        %gather3A_675 = tpu.dynamic_gather %add3A_669[%gather3A_674] in [0] : vector<16xf32>, vector<16xi32> -> vector<16xf32>
        %add3A_676 = arith.addf %add3A_669, %gather3A_675 : vector<16xf32>
        %broadcast_in_dim3A_677 = vector.shape_cast %and3A_13 : vector<16xi32> to vector<16x1xi32>
        %gather3A_678 = vector.shape_cast %broadcast_in_dim3A_677 : vector<16x1xi32> to vector<16xi32>
        %gather3A_679 = tpu.dynamic_gather %add3A_676[%gather3A_678] in [0] : vector<16xf32>, vector<16xi32> -> vector<16xf32>
        %add3A_680 = arith.addf %add3A_676, %gather3A_679 : vector<16xf32>
        %broadcast_in_dim3A_681 = vector.shape_cast %and3A_19 : vector<16xi32> to vector<16x1xi32>
        %gather3A_682 = vector.shape_cast %broadcast_in_dim3A_681 : vector<16x1xi32> to vector<16xi32>
        %gather3A_683 = tpu.dynamic_gather %add3A_680[%gather3A_682] in [0] : vector<16xf32>, vector<16xi32> -> vector<16xf32>
        %add3A_684 = arith.addf %add3A_680, %gather3A_683 : vector<16xf32>
        %broadcast_in_dim3A_685 = vector.shape_cast %and3A_25 : vector<16xi32> to vector<16x1xi32>
        %gather3A_686 = vector.shape_cast %broadcast_in_dim3A_685 : vector<16x1xi32> to vector<16xi32>
        %gather3A_687 = tpu.dynamic_gather %add3A_684[%gather3A_686] in [0] : vector<16xf32>, vector<16xi32> -> vector<16xf32>
        %add3A_688 = arith.addf %add3A_684, %gather3A_687 : vector<16xf32>
        %select_n3A_689 = arith.select %eq3A_672, %add3A_688, %select_n3A_599 : vector<16xi1>, vector<16xf32>
        %mul3A_690 = arith.constant 16 : i32
        %mul3A_691 = arith.muli %scan3A_63, %mul3A_690 : i32
        %add3A_692 = arith.constant 7 : i32
        %add3A_693 = arith.addi %mul3A_691, %add3A_692 : i32
        %broadcast_in_dim3A_694 = arith.constant 0.000000e+00 : f32
        %broadcast_in_dim3A_695 = vector.broadcast %broadcast_in_dim3A_694 : f32 to vector<16xf32>
        %get3A_696 = arith.index_cast %add3A_693 : i32 to index
        %get3A_697 = arith.constant 0 : index
        %get3A_698 = tpu.vector_load %arg11[%get3A_696, %get3A_697] {strides = array<i32>} : memref<128x64xf32, #tpu.memory_space<vmem>>, vector<1x16xf32>,
        %get3A_699 = vector.shape_cast %get3A_698 : vector<1x16xf32> to vector<16xf32>
        %get3A_700 = arith.index_cast %add3A_693 : i32 to index
        %get3A_701 = arith.constant 0 : index
        %get3A_702 = tpu.vector_load %arg12[%get3A_700, %get3A_701] {strides = array<i32>} : memref<128x64xf32, #tpu.memory_space<vmem>>, vector<1x16xf32>,
        %get3A_703 = vector.shape_cast %get3A_702 : vector<1x16xf32> to vector<16xf32>
        %get3A_704 = arith.index_cast %add3A_693 : i32 to index
        %get3A_705 = arith.constant 0 : index
        %get3A_706 = tpu.vector_load %arg13[%get3A_704, %get3A_705] {strides = array<i32>} : memref<128x64xf32, #tpu.memory_space<vmem>>, vector<1x16xf32>,
        %get3A_707 = vector.shape_cast %get3A_706 : vector<1x16xf32> to vector<16xf32>
        %add3A_708 = arith.addf %get3A_699, %get3A_703 : vector<16xf32>
        %sub3A_709 = arith.subf %add3A_708, %get3A_707 : vector<16xf32>
        %mul3A_710 = arith.mulf %sub3A_709, %sub3A_709 : vector<16xf32>
        %add3A_711 = arith.addf %broadcast_in_dim3A_695, %mul3A_710 : vector<16xf32>
        %get3A_712 = arith.index_cast %add3A_693 : i32 to index
        %get3A_713 = arith.constant 16 : index
        %get3A_714 = tpu.vector_load %arg11[%get3A_712, %get3A_713] {strides = array<i32>} : memref<128x64xf32, #tpu.memory_space<vmem>>, vector<1x16xf32>,
        %get3A_715 = vector.shape_cast %get3A_714 : vector<1x16xf32> to vector<16xf32>
        %get3A_716 = arith.index_cast %add3A_693 : i32 to index
        %get3A_717 = arith.constant 16 : index
        %get3A_718 = tpu.vector_load %arg12[%get3A_716, %get3A_717] {strides = array<i32>} : memref<128x64xf32, #tpu.memory_space<vmem>>, vector<1x16xf32>,
        %get3A_719 = vector.shape_cast %get3A_718 : vector<1x16xf32> to vector<16xf32>
        %get3A_720 = arith.index_cast %add3A_693 : i32 to index
        %get3A_721 = arith.constant 16 : index
        %get3A_722 = tpu.vector_load %arg13[%get3A_720, %get3A_721] {strides = array<i32>} : memref<128x64xf32, #tpu.memory_space<vmem>>, vector<1x16xf32>,
        %get3A_723 = vector.shape_cast %get3A_722 : vector<1x16xf32> to vector<16xf32>
        %add3A_724 = arith.addf %get3A_715, %get3A_719 : vector<16xf32>
        %sub3A_725 = arith.subf %add3A_724, %get3A_723 : vector<16xf32>
        %mul3A_726 = arith.mulf %sub3A_725, %sub3A_725 : vector<16xf32>
        %add3A_727 = arith.addf %add3A_711, %mul3A_726 : vector<16xf32>
        %get3A_728 = arith.index_cast %add3A_693 : i32 to index
        %get3A_729 = arith.constant 32 : index
        %get3A_730 = tpu.vector_load %arg11[%get3A_728, %get3A_729] {strides = array<i32>} : memref<128x64xf32, #tpu.memory_space<vmem>>, vector<1x16xf32>,
        %get3A_731 = vector.shape_cast %get3A_730 : vector<1x16xf32> to vector<16xf32>
        %get3A_732 = arith.index_cast %add3A_693 : i32 to index
        %get3A_733 = arith.constant 32 : index
        %get3A_734 = tpu.vector_load %arg12[%get3A_732, %get3A_733] {strides = array<i32>} : memref<128x64xf32, #tpu.memory_space<vmem>>, vector<1x16xf32>,
        %get3A_735 = vector.shape_cast %get3A_734 : vector<1x16xf32> to vector<16xf32>
        %get3A_736 = arith.index_cast %add3A_693 : i32 to index
        %get3A_737 = arith.constant 32 : index
        %get3A_738 = tpu.vector_load %arg13[%get3A_736, %get3A_737] {strides = array<i32>} : memref<128x64xf32, #tpu.memory_space<vmem>>, vector<1x16xf32>,
        %get3A_739 = vector.shape_cast %get3A_738 : vector<1x16xf32> to vector<16xf32>
        %add3A_740 = arith.addf %get3A_731, %get3A_735 : vector<16xf32>
        %sub3A_741 = arith.subf %add3A_740, %get3A_739 : vector<16xf32>
        %mul3A_742 = arith.mulf %sub3A_741, %sub3A_741 : vector<16xf32>
        %add3A_743 = arith.addf %add3A_727, %mul3A_742 : vector<16xf32>
        %get3A_744 = arith.index_cast %add3A_693 : i32 to index
        %get3A_745 = arith.constant 48 : index
        %get3A_746 = tpu.vector_load %arg11[%get3A_744, %get3A_745] {strides = array<i32>} : memref<128x64xf32, #tpu.memory_space<vmem>>, vector<1x16xf32>,
        %get3A_747 = vector.shape_cast %get3A_746 : vector<1x16xf32> to vector<16xf32>
        %get3A_748 = arith.index_cast %add3A_693 : i32 to index
        %get3A_749 = arith.constant 48 : index
        %get3A_750 = tpu.vector_load %arg12[%get3A_748, %get3A_749] {strides = array<i32>} : memref<128x64xf32, #tpu.memory_space<vmem>>, vector<1x16xf32>,
        %get3A_751 = vector.shape_cast %get3A_750 : vector<1x16xf32> to vector<16xf32>
        %get3A_752 = arith.index_cast %add3A_693 : i32 to index
        %get3A_753 = arith.constant 48 : index
        %get3A_754 = tpu.vector_load %arg13[%get3A_752, %get3A_753] {strides = array<i32>} : memref<128x64xf32, #tpu.memory_space<vmem>>, vector<1x16xf32>,
        %get3A_755 = vector.shape_cast %get3A_754 : vector<1x16xf32> to vector<16xf32>
        %add3A_756 = arith.addf %get3A_747, %get3A_751 : vector<16xf32>
        %sub3A_757 = arith.subf %add3A_756, %get3A_755 : vector<16xf32>
        %mul3A_758 = arith.mulf %sub3A_757, %sub3A_757 : vector<16xf32>
        %add3A_759 = arith.addf %add3A_743, %mul3A_758 : vector<16xf32>
        %eq3A_760 = arith.constant 7 : i32
        %eq3A_761 = vector.broadcast %eq3A_760 : i32 to vector<16xi32>
        %eq3A_762 = arith.cmpi eq, %iota3A, %eq3A_761 : vector<16xi32>
        %broadcast_in_dim3A_763 = vector.shape_cast %and3A_7 : vector<16xi32> to vector<16x1xi32>
        %gather3A_764 = vector.shape_cast %broadcast_in_dim3A_763 : vector<16x1xi32> to vector<16xi32>
        %gather3A_765 = tpu.dynamic_gather %add3A_759[%gather3A_764] in [0] : vector<16xf32>, vector<16xi32> -> vector<16xf32>
        %add3A_766 = arith.addf %add3A_759, %gather3A_765 : vector<16xf32>
        %broadcast_in_dim3A_767 = vector.shape_cast %and3A_13 : vector<16xi32> to vector<16x1xi32>
        %gather3A_768 = vector.shape_cast %broadcast_in_dim3A_767 : vector<16x1xi32> to vector<16xi32>
        %gather3A_769 = tpu.dynamic_gather %add3A_766[%gather3A_768] in [0] : vector<16xf32>, vector<16xi32> -> vector<16xf32>
        %add3A_770 = arith.addf %add3A_766, %gather3A_769 : vector<16xf32>
        %broadcast_in_dim3A_771 = vector.shape_cast %and3A_19 : vector<16xi32> to vector<16x1xi32>
        %gather3A_772 = vector.shape_cast %broadcast_in_dim3A_771 : vector<16x1xi32> to vector<16xi32>
        %gather3A_773 = tpu.dynamic_gather %add3A_770[%gather3A_772] in [0] : vector<16xf32>, vector<16xi32> -> vector<16xf32>
        %add3A_774 = arith.addf %add3A_770, %gather3A_773 : vector<16xf32>
        %broadcast_in_dim3A_775 = vector.shape_cast %and3A_25 : vector<16xi32> to vector<16x1xi32>
        %gather3A_776 = vector.shape_cast %broadcast_in_dim3A_775 : vector<16x1xi32> to vector<16xi32>
        %gather3A_777 = tpu.dynamic_gather %add3A_774[%gather3A_776] in [0] : vector<16xf32>, vector<16xi32> -> vector<16xf32>
        %add3A_778 = arith.addf %add3A_774, %gather3A_777 : vector<16xf32>
        %select_n3A_779 = arith.select %eq3A_762, %add3A_778, %select_n3A_689 : vector<16xi1>, vector<16xf32>
        %mul3A_780 = arith.constant 16 : i32
        %mul3A_781 = arith.muli %scan3A_63, %mul3A_780 : i32
        %add3A_782 = arith.constant 8 : i32
        %add3A_783 = arith.addi %mul3A_781, %add3A_782 : i32
        %broadcast_in_dim3A_784 = arith.constant 0.000000e+00 : f32
        %broadcast_in_dim3A_785 = vector.broadcast %broadcast_in_dim3A_784 : f32 to vector<16xf32>
        %get3A_786 = arith.index_cast %add3A_783 : i32 to index
        %get3A_787 = arith.constant 0 : index
        %get3A_788 = tpu.vector_load %arg11[%get3A_786, %get3A_787] {strides = array<i32>} : memref<128x64xf32, #tpu.memory_space<vmem>>, vector<1x16xf32>,
        %get3A_789 = vector.shape_cast %get3A_788 : vector<1x16xf32> to vector<16xf32>
        %get3A_790 = arith.index_cast %add3A_783 : i32 to index
        %get3A_791 = arith.constant 0 : index
        %get3A_792 = tpu.vector_load %arg12[%get3A_790, %get3A_791] {strides = array<i32>} : memref<128x64xf32, #tpu.memory_space<vmem>>, vector<1x16xf32>,
        %get3A_793 = vector.shape_cast %get3A_792 : vector<1x16xf32> to vector<16xf32>
        %get3A_794 = arith.index_cast %add3A_783 : i32 to index
        %get3A_795 = arith.constant 0 : index
        %get3A_796 = tpu.vector_load %arg13[%get3A_794, %get3A_795] {strides = array<i32>} : memref<128x64xf32, #tpu.memory_space<vmem>>, vector<1x16xf32>,
        %get3A_797 = vector.shape_cast %get3A_796 : vector<1x16xf32> to vector<16xf32>
        %add3A_798 = arith.addf %get3A_789, %get3A_793 : vector<16xf32>
        %sub3A_799 = arith.subf %add3A_798, %get3A_797 : vector<16xf32>
        %mul3A_800 = arith.mulf %sub3A_799, %sub3A_799 : vector<16xf32>
        %add3A_801 = arith.addf %broadcast_in_dim3A_785, %mul3A_800 : vector<16xf32>
        %get3A_802 = arith.index_cast %add3A_783 : i32 to index
        %get3A_803 = arith.constant 16 : index
        %get3A_804 = tpu.vector_load %arg11[%get3A_802, %get3A_803] {strides = array<i32>} : memref<128x64xf32, #tpu.memory_space<vmem>>, vector<1x16xf32>,
        %get3A_805 = vector.shape_cast %get3A_804 : vector<1x16xf32> to vector<16xf32>
        %get3A_806 = arith.index_cast %add3A_783 : i32 to index
        %get3A_807 = arith.constant 16 : index
        %get3A_808 = tpu.vector_load %arg12[%get3A_806, %get3A_807] {strides = array<i32>} : memref<128x64xf32, #tpu.memory_space<vmem>>, vector<1x16xf32>,
        %get3A_809 = vector.shape_cast %get3A_808 : vector<1x16xf32> to vector<16xf32>
        %get3A_810 = arith.index_cast %add3A_783 : i32 to index
        %get3A_811 = arith.constant 16 : index
        %get3A_812 = tpu.vector_load %arg13[%get3A_810, %get3A_811] {strides = array<i32>} : memref<128x64xf32, #tpu.memory_space<vmem>>, vector<1x16xf32>,
        %get3A_813 = vector.shape_cast %get3A_812 : vector<1x16xf32> to vector<16xf32>
        %add3A_814 = arith.addf %get3A_805, %get3A_809 : vector<16xf32>
        %sub3A_815 = arith.subf %add3A_814, %get3A_813 : vector<16xf32>
        %mul3A_816 = arith.mulf %sub3A_815, %sub3A_815 : vector<16xf32>
        %add3A_817 = arith.addf %add3A_801, %mul3A_816 : vector<16xf32>
        %get3A_818 = arith.index_cast %add3A_783 : i32 to index
        %get3A_819 = arith.constant 32 : index
        %get3A_820 = tpu.vector_load %arg11[%get3A_818, %get3A_819] {strides = array<i32>} : memref<128x64xf32, #tpu.memory_space<vmem>>, vector<1x16xf32>,
        %get3A_821 = vector.shape_cast %get3A_820 : vector<1x16xf32> to vector<16xf32>
        %get3A_822 = arith.index_cast %add3A_783 : i32 to index
        %get3A_823 = arith.constant 32 : index
        %get3A_824 = tpu.vector_load %arg12[%get3A_822, %get3A_823] {strides = array<i32>} : memref<128x64xf32, #tpu.memory_space<vmem>>, vector<1x16xf32>,
        %get3A_825 = vector.shape_cast %get3A_824 : vector<1x16xf32> to vector<16xf32>
        %get3A_826 = arith.index_cast %add3A_783 : i32 to index
        %get3A_827 = arith.constant 32 : index
        %get3A_828 = tpu.vector_load %arg13[%get3A_826, %get3A_827] {strides = array<i32>} : memref<128x64xf32, #tpu.memory_space<vmem>>, vector<1x16xf32>,
        %get3A_829 = vector.shape_cast %get3A_828 : vector<1x16xf32> to vector<16xf32>
        %add3A_830 = arith.addf %get3A_821, %get3A_825 : vector<16xf32>
        %sub3A_831 = arith.subf %add3A_830, %get3A_829 : vector<16xf32>
        %mul3A_832 = arith.mulf %sub3A_831, %sub3A_831 : vector<16xf32>
        %add3A_833 = arith.addf %add3A_817, %mul3A_832 : vector<16xf32>
        %get3A_834 = arith.index_cast %add3A_783 : i32 to index
        %get3A_835 = arith.constant 48 : index
        %get3A_836 = tpu.vector_load %arg11[%get3A_834, %get3A_835] {strides = array<i32>} : memref<128x64xf32, #tpu.memory_space<vmem>>, vector<1x16xf32>,
        %get3A_837 = vector.shape_cast %get3A_836 : vector<1x16xf32> to vector<16xf32>
        %get3A_838 = arith.index_cast %add3A_783 : i32 to index
        %get3A_839 = arith.constant 48 : index
        %get3A_840 = tpu.vector_load %arg12[%get3A_838, %get3A_839] {strides = array<i32>} : memref<128x64xf32, #tpu.memory_space<vmem>>, vector<1x16xf32>,
        %get3A_841 = vector.shape_cast %get3A_840 : vector<1x16xf32> to vector<16xf32>
        %get3A_842 = arith.index_cast %add3A_783 : i32 to index
        %get3A_843 = arith.constant 48 : index
        %get3A_844 = tpu.vector_load %arg13[%get3A_842, %get3A_843] {strides = array<i32>} : memref<128x64xf32, #tpu.memory_space<vmem>>, vector<1x16xf32>,
        %get3A_845 = vector.shape_cast %get3A_844 : vector<1x16xf32> to vector<16xf32>
        %add3A_846 = arith.addf %get3A_837, %get3A_841 : vector<16xf32>
        %sub3A_847 = arith.subf %add3A_846, %get3A_845 : vector<16xf32>
        %mul3A_848 = arith.mulf %sub3A_847, %sub3A_847 : vector<16xf32>
        %add3A_849 = arith.addf %add3A_833, %mul3A_848 : vector<16xf32>
        %eq3A_850 = arith.constant 8 : i32
        %eq3A_851 = vector.broadcast %eq3A_850 : i32 to vector<16xi32>
        %eq3A_852 = arith.cmpi eq, %iota3A, %eq3A_851 : vector<16xi32>
        %broadcast_in_dim3A_853 = vector.shape_cast %and3A_7 : vector<16xi32> to vector<16x1xi32>
        %gather3A_854 = vector.shape_cast %broadcast_in_dim3A_853 : vector<16x1xi32> to vector<16xi32>
        %gather3A_855 = tpu.dynamic_gather %add3A_849[%gather3A_854] in [0] : vector<16xf32>, vector<16xi32> -> vector<16xf32>
        %add3A_856 = arith.addf %add3A_849, %gather3A_855 : vector<16xf32>
        %broadcast_in_dim3A_857 = vector.shape_cast %and3A_13 : vector<16xi32> to vector<16x1xi32>
        %gather3A_858 = vector.shape_cast %broadcast_in_dim3A_857 : vector<16x1xi32> to vector<16xi32>
        %gather3A_859 = tpu.dynamic_gather %add3A_856[%gather3A_858] in [0] : vector<16xf32>, vector<16xi32> -> vector<16xf32>
        %add3A_860 = arith.addf %add3A_856, %gather3A_859 : vector<16xf32>
        %broadcast_in_dim3A_861 = vector.shape_cast %and3A_19 : vector<16xi32> to vector<16x1xi32>
        %gather3A_862 = vector.shape_cast %broadcast_in_dim3A_861 : vector<16x1xi32> to vector<16xi32>
        %gather3A_863 = tpu.dynamic_gather %add3A_860[%gather3A_862] in [0] : vector<16xf32>, vector<16xi32> -> vector<16xf32>
        %add3A_864 = arith.addf %add3A_860, %gather3A_863 : vector<16xf32>
        %broadcast_in_dim3A_865 = vector.shape_cast %and3A_25 : vector<16xi32> to vector<16x1xi32>
        %gather3A_866 = vector.shape_cast %broadcast_in_dim3A_865 : vector<16x1xi32> to vector<16xi32>
        %gather3A_867 = tpu.dynamic_gather %add3A_864[%gather3A_866] in [0] : vector<16xf32>, vector<16xi32> -> vector<16xf32>
        %add3A_868 = arith.addf %add3A_864, %gather3A_867 : vector<16xf32>
        %select_n3A_869 = arith.select %eq3A_852, %add3A_868, %select_n3A_779 : vector<16xi1>, vector<16xf32>
        %mul3A_870 = arith.constant 16 : i32
        %mul3A_871 = arith.muli %scan3A_63, %mul3A_870 : i32
        %add3A_872 = arith.constant 9 : i32
        %add3A_873 = arith.addi %mul3A_871, %add3A_872 : i32
        %broadcast_in_dim3A_874 = arith.constant 0.000000e+00 : f32
        %broadcast_in_dim3A_875 = vector.broadcast %broadcast_in_dim3A_874 : f32 to vector<16xf32>
        %get3A_876 = arith.index_cast %add3A_873 : i32 to index
        %get3A_877 = arith.constant 0 : index
        %get3A_878 = tpu.vector_load %arg11[%get3A_876, %get3A_877] {strides = array<i32>} : memref<128x64xf32, #tpu.memory_space<vmem>>, vector<1x16xf32>,
        %get3A_879 = vector.shape_cast %get3A_878 : vector<1x16xf32> to vector<16xf32>
        %get3A_880 = arith.index_cast %add3A_873 : i32 to index
        %get3A_881 = arith.constant 0 : index
        %get3A_882 = tpu.vector_load %arg12[%get3A_880, %get3A_881] {strides = array<i32>} : memref<128x64xf32, #tpu.memory_space<vmem>>, vector<1x16xf32>,
        %get3A_883 = vector.shape_cast %get3A_882 : vector<1x16xf32> to vector<16xf32>
        %get3A_884 = arith.index_cast %add3A_873 : i32 to index
        %get3A_885 = arith.constant 0 : index
        %get3A_886 = tpu.vector_load %arg13[%get3A_884, %get3A_885] {strides = array<i32>} : memref<128x64xf32, #tpu.memory_space<vmem>>, vector<1x16xf32>,
        %get3A_887 = vector.shape_cast %get3A_886 : vector<1x16xf32> to vector<16xf32>
        %add3A_888 = arith.addf %get3A_879, %get3A_883 : vector<16xf32>
        %sub3A_889 = arith.subf %add3A_888, %get3A_887 : vector<16xf32>
        %mul3A_890 = arith.mulf %sub3A_889, %sub3A_889 : vector<16xf32>
        %add3A_891 = arith.addf %broadcast_in_dim3A_875, %mul3A_890 : vector<16xf32>
        %get3A_892 = arith.index_cast %add3A_873 : i32 to index
        %get3A_893 = arith.constant 16 : index
        %get3A_894 = tpu.vector_load %arg11[%get3A_892, %get3A_893] {strides = array<i32>} : memref<128x64xf32, #tpu.memory_space<vmem>>, vector<1x16xf32>,
        %get3A_895 = vector.shape_cast %get3A_894 : vector<1x16xf32> to vector<16xf32>
        %get3A_896 = arith.index_cast %add3A_873 : i32 to index
        %get3A_897 = arith.constant 16 : index
        %get3A_898 = tpu.vector_load %arg12[%get3A_896, %get3A_897] {strides = array<i32>} : memref<128x64xf32, #tpu.memory_space<vmem>>, vector<1x16xf32>,
        %get3A_899 = vector.shape_cast %get3A_898 : vector<1x16xf32> to vector<16xf32>
        %get3A_900 = arith.index_cast %add3A_873 : i32 to index
        %get3A_901 = arith.constant 16 : index
        %get3A_902 = tpu.vector_load %arg13[%get3A_900, %get3A_901] {strides = array<i32>} : memref<128x64xf32, #tpu.memory_space<vmem>>, vector<1x16xf32>,
        %get3A_903 = vector.shape_cast %get3A_902 : vector<1x16xf32> to vector<16xf32>
        %add3A_904 = arith.addf %get3A_895, %get3A_899 : vector<16xf32>
        %sub3A_905 = arith.subf %add3A_904, %get3A_903 : vector<16xf32>
        %mul3A_906 = arith.mulf %sub3A_905, %sub3A_905 : vector<16xf32>
        %add3A_907 = arith.addf %add3A_891, %mul3A_906 : vector<16xf32>
        %get3A_908 = arith.index_cast %add3A_873 : i32 to index
        %get3A_909 = arith.constant 32 : index
        %get3A_910 = tpu.vector_load %arg11[%get3A_908, %get3A_909] {strides = array<i32>} : memref<128x64xf32, #tpu.memory_space<vmem>>, vector<1x16xf32>,
        %get3A_911 = vector.shape_cast %get3A_910 : vector<1x16xf32> to vector<16xf32>
        %get3A_912 = arith.index_cast %add3A_873 : i32 to index
        %get3A_913 = arith.constant 32 : index
        %get3A_914 = tpu.vector_load %arg12[%get3A_912, %get3A_913] {strides = array<i32>} : memref<128x64xf32, #tpu.memory_space<vmem>>, vector<1x16xf32>,
        %get3A_915 = vector.shape_cast %get3A_914 : vector<1x16xf32> to vector<16xf32>
        %get3A_916 = arith.index_cast %add3A_873 : i32 to index
        %get3A_917 = arith.constant 32 : index
        %get3A_918 = tpu.vector_load %arg13[%get3A_916, %get3A_917] {strides = array<i32>} : memref<128x64xf32, #tpu.memory_space<vmem>>, vector<1x16xf32>,
        %get3A_919 = vector.shape_cast %get3A_918 : vector<1x16xf32> to vector<16xf32>
        %add3A_920 = arith.addf %get3A_911, %get3A_915 : vector<16xf32>
        %sub3A_921 = arith.subf %add3A_920, %get3A_919 : vector<16xf32>
        %mul3A_922 = arith.mulf %sub3A_921, %sub3A_921 : vector<16xf32>
        %add3A_923 = arith.addf %add3A_907, %mul3A_922 : vector<16xf32>
        %get3A_924 = arith.index_cast %add3A_873 : i32 to index
        %get3A_925 = arith.constant 48 : index
        %get3A_926 = tpu.vector_load %arg11[%get3A_924, %get3A_925] {strides = array<i32>} : memref<128x64xf32, #tpu.memory_space<vmem>>, vector<1x16xf32>,
        %get3A_927 = vector.shape_cast %get3A_926 : vector<1x16xf32> to vector<16xf32>
        %get3A_928 = arith.index_cast %add3A_873 : i32 to index
        %get3A_929 = arith.constant 48 : index
        %get3A_930 = tpu.vector_load %arg12[%get3A_928, %get3A_929] {strides = array<i32>} : memref<128x64xf32, #tpu.memory_space<vmem>>, vector<1x16xf32>,
        %get3A_931 = vector.shape_cast %get3A_930 : vector<1x16xf32> to vector<16xf32>
        %get3A_932 = arith.index_cast %add3A_873 : i32 to index
        %get3A_933 = arith.constant 48 : index
        %get3A_934 = tpu.vector_load %arg13[%get3A_932, %get3A_933] {strides = array<i32>} : memref<128x64xf32, #tpu.memory_space<vmem>>, vector<1x16xf32>,
        %get3A_935 = vector.shape_cast %get3A_934 : vector<1x16xf32> to vector<16xf32>
        %add3A_936 = arith.addf %get3A_927, %get3A_931 : vector<16xf32>
        %sub3A_937 = arith.subf %add3A_936, %get3A_935 : vector<16xf32>
        %mul3A_938 = arith.mulf %sub3A_937, %sub3A_937 : vector<16xf32>
        %add3A_939 = arith.addf %add3A_923, %mul3A_938 : vector<16xf32>
        %eq3A_940 = arith.constant 9 : i32
        %eq3A_941 = vector.broadcast %eq3A_940 : i32 to vector<16xi32>
        %eq3A_942 = arith.cmpi eq, %iota3A, %eq3A_941 : vector<16xi32>
        %broadcast_in_dim3A_943 = vector.shape_cast %and3A_7 : vector<16xi32> to vector<16x1xi32>
        %gather3A_944 = vector.shape_cast %broadcast_in_dim3A_943 : vector<16x1xi32> to vector<16xi32>
        %gather3A_945 = tpu.dynamic_gather %add3A_939[%gather3A_944] in [0] : vector<16xf32>, vector<16xi32> -> vector<16xf32>
        %add3A_946 = arith.addf %add3A_939, %gather3A_945 : vector<16xf32>
        %broadcast_in_dim3A_947 = vector.shape_cast %and3A_13 : vector<16xi32> to vector<16x1xi32>
        %gather3A_948 = vector.shape_cast %broadcast_in_dim3A_947 : vector<16x1xi32> to vector<16xi32>
        %gather3A_949 = tpu.dynamic_gather %add3A_946[%gather3A_948] in [0] : vector<16xf32>, vector<16xi32> -> vector<16xf32>
        %add3A_950 = arith.addf %add3A_946, %gather3A_949 : vector<16xf32>
        %broadcast_in_dim3A_951 = vector.shape_cast %and3A_19 : vector<16xi32> to vector<16x1xi32>
        %gather3A_952 = vector.shape_cast %broadcast_in_dim3A_951 : vector<16x1xi32> to vector<16xi32>
        %gather3A_953 = tpu.dynamic_gather %add3A_950[%gather3A_952] in [0] : vector<16xf32>, vector<16xi32> -> vector<16xf32>
        %add3A_954 = arith.addf %add3A_950, %gather3A_953 : vector<16xf32>
        %broadcast_in_dim3A_955 = vector.shape_cast %and3A_25 : vector<16xi32> to vector<16x1xi32>
        %gather3A_956 = vector.shape_cast %broadcast_in_dim3A_955 : vector<16x1xi32> to vector<16xi32>
        %gather3A_957 = tpu.dynamic_gather %add3A_954[%gather3A_956] in [0] : vector<16xf32>, vector<16xi32> -> vector<16xf32>
        %add3A_958 = arith.addf %add3A_954, %gather3A_957 : vector<16xf32>
        %select_n3A_959 = arith.select %eq3A_942, %add3A_958, %select_n3A_869 : vector<16xi1>, vector<16xf32>
        %mul3A_960 = arith.constant 16 : i32
        %mul3A_961 = arith.muli %scan3A_63, %mul3A_960 : i32
        %add3A_962 = arith.constant 10 : i32
        %add3A_963 = arith.addi %mul3A_961, %add3A_962 : i32
        %broadcast_in_dim3A_964 = arith.constant 0.000000e+00 : f32
        %broadcast_in_dim3A_965 = vector.broadcast %broadcast_in_dim3A_964 : f32 to vector<16xf32>
        %get3A_966 = arith.index_cast %add3A_963 : i32 to index
        %get3A_967 = arith.constant 0 : index
        %get3A_968 = tpu.vector_load %arg11[%get3A_966, %get3A_967] {strides = array<i32>} : memref<128x64xf32, #tpu.memory_space<vmem>>, vector<1x16xf32>,
        %get3A_969 = vector.shape_cast %get3A_968 : vector<1x16xf32> to vector<16xf32>
        %get3A_970 = arith.index_cast %add3A_963 : i32 to index
        %get3A_971 = arith.constant 0 : index
        %get3A_972 = tpu.vector_load %arg12[%get3A_970, %get3A_971] {strides = array<i32>} : memref<128x64xf32, #tpu.memory_space<vmem>>, vector<1x16xf32>,
        %get3A_973 = vector.shape_cast %get3A_972 : vector<1x16xf32> to vector<16xf32>
        %get3A_974 = arith.index_cast %add3A_963 : i32 to index
        %get3A_975 = arith.constant 0 : index
        %get3A_976 = tpu.vector_load %arg13[%get3A_974, %get3A_975] {strides = array<i32>} : memref<128x64xf32, #tpu.memory_space<vmem>>, vector<1x16xf32>,
        %get3A_977 = vector.shape_cast %get3A_976 : vector<1x16xf32> to vector<16xf32>
        %add3A_978 = arith.addf %get3A_969, %get3A_973 : vector<16xf32>
        %sub3A_979 = arith.subf %add3A_978, %get3A_977 : vector<16xf32>
        %mul3A_980 = arith.mulf %sub3A_979, %sub3A_979 : vector<16xf32>
        %add3A_981 = arith.addf %broadcast_in_dim3A_965, %mul3A_980 : vector<16xf32>
        %get3A_982 = arith.index_cast %add3A_963 : i32 to index
        %get3A_983 = arith.constant 16 : index
        %get3A_984 = tpu.vector_load %arg11[%get3A_982, %get3A_983] {strides = array<i32>} : memref<128x64xf32, #tpu.memory_space<vmem>>, vector<1x16xf32>,
        %get3A_985 = vector.shape_cast %get3A_984 : vector<1x16xf32> to vector<16xf32>
        %get3A_986 = arith.index_cast %add3A_963 : i32 to index
        %get3A_987 = arith.constant 16 : index
        %get3A_988 = tpu.vector_load %arg12[%get3A_986, %get3A_987] {strides = array<i32>} : memref<128x64xf32, #tpu.memory_space<vmem>>, vector<1x16xf32>,
        %get3A_989 = vector.shape_cast %get3A_988 : vector<1x16xf32> to vector<16xf32>
        %get3A_990 = arith.index_cast %add3A_963 : i32 to index
        %get3A_991 = arith.constant 16 : index
        %get3A_992 = tpu.vector_load %arg13[%get3A_990, %get3A_991] {strides = array<i32>} : memref<128x64xf32, #tpu.memory_space<vmem>>, vector<1x16xf32>,
        %get3A_993 = vector.shape_cast %get3A_992 : vector<1x16xf32> to vector<16xf32>
        %add3A_994 = arith.addf %get3A_985, %get3A_989 : vector<16xf32>
        %sub3A_995 = arith.subf %add3A_994, %get3A_993 : vector<16xf32>
        %mul3A_996 = arith.mulf %sub3A_995, %sub3A_995 : vector<16xf32>
        %add3A_997 = arith.addf %add3A_981, %mul3A_996 : vector<16xf32>
        %get3A_998 = arith.index_cast %add3A_963 : i32 to index
        %get3A_999 = arith.constant 32 : index
        %get3A_1000 = tpu.vector_load %arg11[%get3A_998, %get3A_999] {strides = array<i32>} : memref<128x64xf32, #tpu.memory_space<vmem>>, vector<1x16xf32>,
        %get3A_1001 = vector.shape_cast %get3A_1000 : vector<1x16xf32> to vector<16xf32>
        %get3A_1002 = arith.index_cast %add3A_963 : i32 to index
        %get3A_1003 = arith.constant 32 : index
        %get3A_1004 = tpu.vector_load %arg12[%get3A_1002, %get3A_1003] {strides = array<i32>} : memref<128x64xf32, #tpu.memory_space<vmem>>, vector<1x16xf32>,
        %get3A_1005 = vector.shape_cast %get3A_1004 : vector<1x16xf32> to vector<16xf32>
        %get3A_1006 = arith.index_cast %add3A_963 : i32 to index
        %get3A_1007 = arith.constant 32 : index
        %get3A_1008 = tpu.vector_load %arg13[%get3A_1006, %get3A_1007] {strides = array<i32>} : memref<128x64xf32, #tpu.memory_space<vmem>>, vector<1x16xf32>,
        %get3A_1009 = vector.shape_cast %get3A_1008 : vector<1x16xf32> to vector<16xf32>
        %add3A_1010 = arith.addf %get3A_1001, %get3A_1005 : vector<16xf32>
        %sub3A_1011 = arith.subf %add3A_1010, %get3A_1009 : vector<16xf32>
        %mul3A_1012 = arith.mulf %sub3A_1011, %sub3A_1011 : vector<16xf32>
        %add3A_1013 = arith.addf %add3A_997, %mul3A_1012 : vector<16xf32>
        %get3A_1014 = arith.index_cast %add3A_963 : i32 to index
        %get3A_1015 = arith.constant 48 : index
        %get3A_1016 = tpu.vector_load %arg11[%get3A_1014, %get3A_1015] {strides = array<i32>} : memref<128x64xf32, #tpu.memory_space<vmem>>, vector<1x16xf32>,
        %get3A_1017 = vector.shape_cast %get3A_1016 : vector<1x16xf32> to vector<16xf32>
        %get3A_1018 = arith.index_cast %add3A_963 : i32 to index
        %get3A_1019 = arith.constant 48 : index
        %get3A_1020 = tpu.vector_load %arg12[%get3A_1018, %get3A_1019] {strides = array<i32>} : memref<128x64xf32, #tpu.memory_space<vmem>>, vector<1x16xf32>,
        %get3A_1021 = vector.shape_cast %get3A_1020 : vector<1x16xf32> to vector<16xf32>
        %get3A_1022 = arith.index_cast %add3A_963 : i32 to index
        %get3A_1023 = arith.constant 48 : index
        %get3A_1024 = tpu.vector_load %arg13[%get3A_1022, %get3A_1023] {strides = array<i32>} : memref<128x64xf32, #tpu.memory_space<vmem>>, vector<1x16xf32>,
        %get3A_1025 = vector.shape_cast %get3A_1024 : vector<1x16xf32> to vector<16xf32>
        %add3A_1026 = arith.addf %get3A_1017, %get3A_1021 : vector<16xf32>
        %sub3A_1027 = arith.subf %add3A_1026, %get3A_1025 : vector<16xf32>
        %mul3A_1028 = arith.mulf %sub3A_1027, %sub3A_1027 : vector<16xf32>
        %add3A_1029 = arith.addf %add3A_1013, %mul3A_1028 : vector<16xf32>
        %eq3A_1030 = arith.constant 10 : i32
        %eq3A_1031 = vector.broadcast %eq3A_1030 : i32 to vector<16xi32>
        %eq3A_1032 = arith.cmpi eq, %iota3A, %eq3A_1031 : vector<16xi32>
        %broadcast_in_dim3A_1033 = vector.shape_cast %and3A_7 : vector<16xi32> to vector<16x1xi32>
        %gather3A_1034 = vector.shape_cast %broadcast_in_dim3A_1033 : vector<16x1xi32> to vector<16xi32>
        %gather3A_1035 = tpu.dynamic_gather %add3A_1029[%gather3A_1034] in [0] : vector<16xf32>, vector<16xi32> -> vector<16xf32>
        %add3A_1036 = arith.addf %add3A_1029, %gather3A_1035 : vector<16xf32>
        %broadcast_in_dim3A_1037 = vector.shape_cast %and3A_13 : vector<16xi32> to vector<16x1xi32>
        %gather3A_1038 = vector.shape_cast %broadcast_in_dim3A_1037 : vector<16x1xi32> to vector<16xi32>
        %gather3A_1039 = tpu.dynamic_gather %add3A_1036[%gather3A_1038] in [0] : vector<16xf32>, vector<16xi32> -> vector<16xf32>
        %add3A_1040 = arith.addf %add3A_1036, %gather3A_1039 : vector<16xf32>
        %broadcast_in_dim3A_1041 = vector.shape_cast %and3A_19 : vector<16xi32> to vector<16x1xi32>
        %gather3A_1042 = vector.shape_cast %broadcast_in_dim3A_1041 : vector<16x1xi32> to vector<16xi32>
        %gather3A_1043 = tpu.dynamic_gather %add3A_1040[%gather3A_1042] in [0] : vector<16xf32>, vector<16xi32> -> vector<16xf32>
        %add3A_1044 = arith.addf %add3A_1040, %gather3A_1043 : vector<16xf32>
        %broadcast_in_dim3A_1045 = vector.shape_cast %and3A_25 : vector<16xi32> to vector<16x1xi32>
        %gather3A_1046 = vector.shape_cast %broadcast_in_dim3A_1045 : vector<16x1xi32> to vector<16xi32>
        %gather3A_1047 = tpu.dynamic_gather %add3A_1044[%gather3A_1046] in [0] : vector<16xf32>, vector<16xi32> -> vector<16xf32>
        %add3A_1048 = arith.addf %add3A_1044, %gather3A_1047 : vector<16xf32>
        %select_n3A_1049 = arith.select %eq3A_1032, %add3A_1048, %select_n3A_959 : vector<16xi1>, vector<16xf32>
        %mul3A_1050 = arith.constant 16 : i32
        %mul3A_1051 = arith.muli %scan3A_63, %mul3A_1050 : i32
        %add3A_1052 = arith.constant 11 : i32
        %add3A_1053 = arith.addi %mul3A_1051, %add3A_1052 : i32
        %broadcast_in_dim3A_1054 = arith.constant 0.000000e+00 : f32
        %broadcast_in_dim3A_1055 = vector.broadcast %broadcast_in_dim3A_1054 : f32 to vector<16xf32>
        %get3A_1056 = arith.index_cast %add3A_1053 : i32 to index
        %get3A_1057 = arith.constant 0 : index
        %get3A_1058 = tpu.vector_load %arg11[%get3A_1056, %get3A_1057] {strides = array<i32>} : memref<128x64xf32, #tpu.memory_space<vmem>>, vector<1x16xf32>,
        %get3A_1059 = vector.shape_cast %get3A_1058 : vector<1x16xf32> to vector<16xf32>
        %get3A_1060 = arith.index_cast %add3A_1053 : i32 to index
        %get3A_1061 = arith.constant 0 : index
        %get3A_1062 = tpu.vector_load %arg12[%get3A_1060, %get3A_1061] {strides = array<i32>} : memref<128x64xf32, #tpu.memory_space<vmem>>, vector<1x16xf32>,
        %get3A_1063 = vector.shape_cast %get3A_1062 : vector<1x16xf32> to vector<16xf32>
        %get3A_1064 = arith.index_cast %add3A_1053 : i32 to index
        %get3A_1065 = arith.constant 0 : index
        %get3A_1066 = tpu.vector_load %arg13[%get3A_1064, %get3A_1065] {strides = array<i32>} : memref<128x64xf32, #tpu.memory_space<vmem>>, vector<1x16xf32>,
        %get3A_1067 = vector.shape_cast %get3A_1066 : vector<1x16xf32> to vector<16xf32>
        %add3A_1068 = arith.addf %get3A_1059, %get3A_1063 : vector<16xf32>
        %sub3A_1069 = arith.subf %add3A_1068, %get3A_1067 : vector<16xf32>
        %mul3A_1070 = arith.mulf %sub3A_1069, %sub3A_1069 : vector<16xf32>
        %add3A_1071 = arith.addf %broadcast_in_dim3A_1055, %mul3A_1070 : vector<16xf32>
        %get3A_1072 = arith.index_cast %add3A_1053 : i32 to index
        %get3A_1073 = arith.constant 16 : index
        %get3A_1074 = tpu.vector_load %arg11[%get3A_1072, %get3A_1073] {strides = array<i32>} : memref<128x64xf32, #tpu.memory_space<vmem>>, vector<1x16xf32>,
        %get3A_1075 = vector.shape_cast %get3A_1074 : vector<1x16xf32> to vector<16xf32>
        %get3A_1076 = arith.index_cast %add3A_1053 : i32 to index
        %get3A_1077 = arith.constant 16 : index
        %get3A_1078 = tpu.vector_load %arg12[%get3A_1076, %get3A_1077] {strides = array<i32>} : memref<128x64xf32, #tpu.memory_space<vmem>>, vector<1x16xf32>,
        %get3A_1079 = vector.shape_cast %get3A_1078 : vector<1x16xf32> to vector<16xf32>
        %get3A_1080 = arith.index_cast %add3A_1053 : i32 to index
        %get3A_1081 = arith.constant 16 : index
        %get3A_1082 = tpu.vector_load %arg13[%get3A_1080, %get3A_1081] {strides = array<i32>} : memref<128x64xf32, #tpu.memory_space<vmem>>, vector<1x16xf32>,
        %get3A_1083 = vector.shape_cast %get3A_1082 : vector<1x16xf32> to vector<16xf32>
        %add3A_1084 = arith.addf %get3A_1075, %get3A_1079 : vector<16xf32>
        %sub3A_1085 = arith.subf %add3A_1084, %get3A_1083 : vector<16xf32>
        %mul3A_1086 = arith.mulf %sub3A_1085, %sub3A_1085 : vector<16xf32>
        %add3A_1087 = arith.addf %add3A_1071, %mul3A_1086 : vector<16xf32>
        %get3A_1088 = arith.index_cast %add3A_1053 : i32 to index
        %get3A_1089 = arith.constant 32 : index
        %get3A_1090 = tpu.vector_load %arg11[%get3A_1088, %get3A_1089] {strides = array<i32>} : memref<128x64xf32, #tpu.memory_space<vmem>>, vector<1x16xf32>,
        %get3A_1091 = vector.shape_cast %get3A_1090 : vector<1x16xf32> to vector<16xf32>
        %get3A_1092 = arith.index_cast %add3A_1053 : i32 to index
        %get3A_1093 = arith.constant 32 : index
        %get3A_1094 = tpu.vector_load %arg12[%get3A_1092, %get3A_1093] {strides = array<i32>} : memref<128x64xf32, #tpu.memory_space<vmem>>, vector<1x16xf32>,
        %get3A_1095 = vector.shape_cast %get3A_1094 : vector<1x16xf32> to vector<16xf32>
        %get3A_1096 = arith.index_cast %add3A_1053 : i32 to index
        %get3A_1097 = arith.constant 32 : index
        %get3A_1098 = tpu.vector_load %arg13[%get3A_1096, %get3A_1097] {strides = array<i32>} : memref<128x64xf32, #tpu.memory_space<vmem>>, vector<1x16xf32>,
        %get3A_1099 = vector.shape_cast %get3A_1098 : vector<1x16xf32> to vector<16xf32>
        %add3A_1100 = arith.addf %get3A_1091, %get3A_1095 : vector<16xf32>
        %sub3A_1101 = arith.subf %add3A_1100, %get3A_1099 : vector<16xf32>
        %mul3A_1102 = arith.mulf %sub3A_1101, %sub3A_1101 : vector<16xf32>
        %add3A_1103 = arith.addf %add3A_1087, %mul3A_1102 : vector<16xf32>
        %get3A_1104 = arith.index_cast %add3A_1053 : i32 to index
        %get3A_1105 = arith.constant 48 : index
        %get3A_1106 = tpu.vector_load %arg11[%get3A_1104, %get3A_1105] {strides = array<i32>} : memref<128x64xf32, #tpu.memory_space<vmem>>, vector<1x16xf32>,
        %get3A_1107 = vector.shape_cast %get3A_1106 : vector<1x16xf32> to vector<16xf32>
        %get3A_1108 = arith.index_cast %add3A_1053 : i32 to index
        %get3A_1109 = arith.constant 48 : index
        %get3A_1110 = tpu.vector_load %arg12[%get3A_1108, %get3A_1109] {strides = array<i32>} : memref<128x64xf32, #tpu.memory_space<vmem>>, vector<1x16xf32>,
        %get3A_1111 = vector.shape_cast %get3A_1110 : vector<1x16xf32> to vector<16xf32>
        %get3A_1112 = arith.index_cast %add3A_1053 : i32 to index
        %get3A_1113 = arith.constant 48 : index
        %get3A_1114 = tpu.vector_load %arg13[%get3A_1112, %get3A_1113] {strides = array<i32>} : memref<128x64xf32, #tpu.memory_space<vmem>>, vector<1x16xf32>,
        %get3A_1115 = vector.shape_cast %get3A_1114 : vector<1x16xf32> to vector<16xf32>
        %add3A_1116 = arith.addf %get3A_1107, %get3A_1111 : vector<16xf32>
        %sub3A_1117 = arith.subf %add3A_1116, %get3A_1115 : vector<16xf32>
        %mul3A_1118 = arith.mulf %sub3A_1117, %sub3A_1117 : vector<16xf32>
        %add3A_1119 = arith.addf %add3A_1103, %mul3A_1118 : vector<16xf32>
        %eq3A_1120 = arith.constant 11 : i32
        %eq3A_1121 = vector.broadcast %eq3A_1120 : i32 to vector<16xi32>
        %eq3A_1122 = arith.cmpi eq, %iota3A, %eq3A_1121 : vector<16xi32>
        %broadcast_in_dim3A_1123 = vector.shape_cast %and3A_7 : vector<16xi32> to vector<16x1xi32>
        %gather3A_1124 = vector.shape_cast %broadcast_in_dim3A_1123 : vector<16x1xi32> to vector<16xi32>
        %gather3A_1125 = tpu.dynamic_gather %add3A_1119[%gather3A_1124] in [0] : vector<16xf32>, vector<16xi32> -> vector<16xf32>
        %add3A_1126 = arith.addf %add3A_1119, %gather3A_1125 : vector<16xf32>
        %broadcast_in_dim3A_1127 = vector.shape_cast %and3A_13 : vector<16xi32> to vector<16x1xi32>
        %gather3A_1128 = vector.shape_cast %broadcast_in_dim3A_1127 : vector<16x1xi32> to vector<16xi32>
        %gather3A_1129 = tpu.dynamic_gather %add3A_1126[%gather3A_1128] in [0] : vector<16xf32>, vector<16xi32> -> vector<16xf32>
        %add3A_1130 = arith.addf %add3A_1126, %gather3A_1129 : vector<16xf32>
        %broadcast_in_dim3A_1131 = vector.shape_cast %and3A_19 : vector<16xi32> to vector<16x1xi32>
        %gather3A_1132 = vector.shape_cast %broadcast_in_dim3A_1131 : vector<16x1xi32> to vector<16xi32>
        %gather3A_1133 = tpu.dynamic_gather %add3A_1130[%gather3A_1132] in [0] : vector<16xf32>, vector<16xi32> -> vector<16xf32>
        %add3A_1134 = arith.addf %add3A_1130, %gather3A_1133 : vector<16xf32>
        %broadcast_in_dim3A_1135 = vector.shape_cast %and3A_25 : vector<16xi32> to vector<16x1xi32>
        %gather3A_1136 = vector.shape_cast %broadcast_in_dim3A_1135 : vector<16x1xi32> to vector<16xi32>
        %gather3A_1137 = tpu.dynamic_gather %add3A_1134[%gather3A_1136] in [0] : vector<16xf32>, vector<16xi32> -> vector<16xf32>
        %add3A_1138 = arith.addf %add3A_1134, %gather3A_1137 : vector<16xf32>
        %select_n3A_1139 = arith.select %eq3A_1122, %add3A_1138, %select_n3A_1049 : vector<16xi1>, vector<16xf32>
        %mul3A_1140 = arith.constant 16 : i32
        %mul3A_1141 = arith.muli %scan3A_63, %mul3A_1140 : i32
        %add3A_1142 = arith.constant 12 : i32
        %add3A_1143 = arith.addi %mul3A_1141, %add3A_1142 : i32
        %broadcast_in_dim3A_1144 = arith.constant 0.000000e+00 : f32
        %broadcast_in_dim3A_1145 = vector.broadcast %broadcast_in_dim3A_1144 : f32 to vector<16xf32>
        %get3A_1146 = arith.index_cast %add3A_1143 : i32 to index
        %get3A_1147 = arith.constant 0 : index
        %get3A_1148 = tpu.vector_load %arg11[%get3A_1146, %get3A_1147] {strides = array<i32>} : memref<128x64xf32, #tpu.memory_space<vmem>>, vector<1x16xf32>,
        %get3A_1149 = vector.shape_cast %get3A_1148 : vector<1x16xf32> to vector<16xf32>
        %get3A_1150 = arith.index_cast %add3A_1143 : i32 to index
        %get3A_1151 = arith.constant 0 : index
        %get3A_1152 = tpu.vector_load %arg12[%get3A_1150, %get3A_1151] {strides = array<i32>} : memref<128x64xf32, #tpu.memory_space<vmem>>, vector<1x16xf32>,
        %get3A_1153 = vector.shape_cast %get3A_1152 : vector<1x16xf32> to vector<16xf32>
        %get3A_1154 = arith.index_cast %add3A_1143 : i32 to index
        %get3A_1155 = arith.constant 0 : index
        %get3A_1156 = tpu.vector_load %arg13[%get3A_1154, %get3A_1155] {strides = array<i32>} : memref<128x64xf32, #tpu.memory_space<vmem>>, vector<1x16xf32>,
        %get3A_1157 = vector.shape_cast %get3A_1156 : vector<1x16xf32> to vector<16xf32>
        %add3A_1158 = arith.addf %get3A_1149, %get3A_1153 : vector<16xf32>
        %sub3A_1159 = arith.subf %add3A_1158, %get3A_1157 : vector<16xf32>
        %mul3A_1160 = arith.mulf %sub3A_1159, %sub3A_1159 : vector<16xf32>
        %add3A_1161 = arith.addf %broadcast_in_dim3A_1145, %mul3A_1160 : vector<16xf32>
        %get3A_1162 = arith.index_cast %add3A_1143 : i32 to index
        %get3A_1163 = arith.constant 16 : index
        %get3A_1164 = tpu.vector_load %arg11[%get3A_1162, %get3A_1163] {strides = array<i32>} : memref<128x64xf32, #tpu.memory_space<vmem>>, vector<1x16xf32>,
        %get3A_1165 = vector.shape_cast %get3A_1164 : vector<1x16xf32> to vector<16xf32>
        %get3A_1166 = arith.index_cast %add3A_1143 : i32 to index
        %get3A_1167 = arith.constant 16 : index
        %get3A_1168 = tpu.vector_load %arg12[%get3A_1166, %get3A_1167] {strides = array<i32>} : memref<128x64xf32, #tpu.memory_space<vmem>>, vector<1x16xf32>,
        %get3A_1169 = vector.shape_cast %get3A_1168 : vector<1x16xf32> to vector<16xf32>
        %get3A_1170 = arith.index_cast %add3A_1143 : i32 to index
        %get3A_1171 = arith.constant 16 : index
        %get3A_1172 = tpu.vector_load %arg13[%get3A_1170, %get3A_1171] {strides = array<i32>} : memref<128x64xf32, #tpu.memory_space<vmem>>, vector<1x16xf32>,
        %get3A_1173 = vector.shape_cast %get3A_1172 : vector<1x16xf32> to vector<16xf32>
        %add3A_1174 = arith.addf %get3A_1165, %get3A_1169 : vector<16xf32>
        %sub3A_1175 = arith.subf %add3A_1174, %get3A_1173 : vector<16xf32>
        %mul3A_1176 = arith.mulf %sub3A_1175, %sub3A_1175 : vector<16xf32>
        %add3A_1177 = arith.addf %add3A_1161, %mul3A_1176 : vector<16xf32>
        %get3A_1178 = arith.index_cast %add3A_1143 : i32 to index
        %get3A_1179 = arith.constant 32 : index
        %get3A_1180 = tpu.vector_load %arg11[%get3A_1178, %get3A_1179] {strides = array<i32>} : memref<128x64xf32, #tpu.memory_space<vmem>>, vector<1x16xf32>,
        %get3A_1181 = vector.shape_cast %get3A_1180 : vector<1x16xf32> to vector<16xf32>
        %get3A_1182 = arith.index_cast %add3A_1143 : i32 to index
        %get3A_1183 = arith.constant 32 : index
        %get3A_1184 = tpu.vector_load %arg12[%get3A_1182, %get3A_1183] {strides = array<i32>} : memref<128x64xf32, #tpu.memory_space<vmem>>, vector<1x16xf32>,
        %get3A_1185 = vector.shape_cast %get3A_1184 : vector<1x16xf32> to vector<16xf32>
        %get3A_1186 = arith.index_cast %add3A_1143 : i32 to index
        %get3A_1187 = arith.constant 32 : index
        %get3A_1188 = tpu.vector_load %arg13[%get3A_1186, %get3A_1187] {strides = array<i32>} : memref<128x64xf32, #tpu.memory_space<vmem>>, vector<1x16xf32>,
        %get3A_1189 = vector.shape_cast %get3A_1188 : vector<1x16xf32> to vector<16xf32>
        %add3A_1190 = arith.addf %get3A_1181, %get3A_1185 : vector<16xf32>
        %sub3A_1191 = arith.subf %add3A_1190, %get3A_1189 : vector<16xf32>
        %mul3A_1192 = arith.mulf %sub3A_1191, %sub3A_1191 : vector<16xf32>
        %add3A_1193 = arith.addf %add3A_1177, %mul3A_1192 : vector<16xf32>
        %get3A_1194 = arith.index_cast %add3A_1143 : i32 to index
        %get3A_1195 = arith.constant 48 : index
        %get3A_1196 = tpu.vector_load %arg11[%get3A_1194, %get3A_1195] {strides = array<i32>} : memref<128x64xf32, #tpu.memory_space<vmem>>, vector<1x16xf32>,
        %get3A_1197 = vector.shape_cast %get3A_1196 : vector<1x16xf32> to vector<16xf32>
        %get3A_1198 = arith.index_cast %add3A_1143 : i32 to index
        %get3A_1199 = arith.constant 48 : index
        %get3A_1200 = tpu.vector_load %arg12[%get3A_1198, %get3A_1199] {strides = array<i32>} : memref<128x64xf32, #tpu.memory_space<vmem>>, vector<1x16xf32>,
        %get3A_1201 = vector.shape_cast %get3A_1200 : vector<1x16xf32> to vector<16xf32>
        %get3A_1202 = arith.index_cast %add3A_1143 : i32 to index
        %get3A_1203 = arith.constant 48 : index
        %get3A_1204 = tpu.vector_load %arg13[%get3A_1202, %get3A_1203] {strides = array<i32>} : memref<128x64xf32, #tpu.memory_space<vmem>>, vector<1x16xf32>,
        %get3A_1205 = vector.shape_cast %get3A_1204 : vector<1x16xf32> to vector<16xf32>
        %add3A_1206 = arith.addf %get3A_1197, %get3A_1201 : vector<16xf32>
        %sub3A_1207 = arith.subf %add3A_1206, %get3A_1205 : vector<16xf32>
        %mul3A_1208 = arith.mulf %sub3A_1207, %sub3A_1207 : vector<16xf32>
        %add3A_1209 = arith.addf %add3A_1193, %mul3A_1208 : vector<16xf32>
        %eq3A_1210 = arith.constant 12 : i32
        %eq3A_1211 = vector.broadcast %eq3A_1210 : i32 to vector<16xi32>
        %eq3A_1212 = arith.cmpi eq, %iota3A, %eq3A_1211 : vector<16xi32>
        %broadcast_in_dim3A_1213 = vector.shape_cast %and3A_7 : vector<16xi32> to vector<16x1xi32>
        %gather3A_1214 = vector.shape_cast %broadcast_in_dim3A_1213 : vector<16x1xi32> to vector<16xi32>
        %gather3A_1215 = tpu.dynamic_gather %add3A_1209[%gather3A_1214] in [0] : vector<16xf32>, vector<16xi32> -> vector<16xf32>
        %add3A_1216 = arith.addf %add3A_1209, %gather3A_1215 : vector<16xf32>
        %broadcast_in_dim3A_1217 = vector.shape_cast %and3A_13 : vector<16xi32> to vector<16x1xi32>
        %gather3A_1218 = vector.shape_cast %broadcast_in_dim3A_1217 : vector<16x1xi32> to vector<16xi32>
        %gather3A_1219 = tpu.dynamic_gather %add3A_1216[%gather3A_1218] in [0] : vector<16xf32>, vector<16xi32> -> vector<16xf32>
        %add3A_1220 = arith.addf %add3A_1216, %gather3A_1219 : vector<16xf32>
        %broadcast_in_dim3A_1221 = vector.shape_cast %and3A_19 : vector<16xi32> to vector<16x1xi32>
        %gather3A_1222 = vector.shape_cast %broadcast_in_dim3A_1221 : vector<16x1xi32> to vector<16xi32>
        %gather3A_1223 = tpu.dynamic_gather %add3A_1220[%gather3A_1222] in [0] : vector<16xf32>, vector<16xi32> -> vector<16xf32>
        %add3A_1224 = arith.addf %add3A_1220, %gather3A_1223 : vector<16xf32>
        %broadcast_in_dim3A_1225 = vector.shape_cast %and3A_25 : vector<16xi32> to vector<16x1xi32>
        %gather3A_1226 = vector.shape_cast %broadcast_in_dim3A_1225 : vector<16x1xi32> to vector<16xi32>
        %gather3A_1227 = tpu.dynamic_gather %add3A_1224[%gather3A_1226] in [0] : vector<16xf32>, vector<16xi32> -> vector<16xf32>
        %add3A_1228 = arith.addf %add3A_1224, %gather3A_1227 : vector<16xf32>
        %select_n3A_1229 = arith.select %eq3A_1212, %add3A_1228, %select_n3A_1139 : vector<16xi1>, vector<16xf32>
        %mul3A_1230 = arith.constant 16 : i32
        %mul3A_1231 = arith.muli %scan3A_63, %mul3A_1230 : i32
        %add3A_1232 = arith.constant 13 : i32
        %add3A_1233 = arith.addi %mul3A_1231, %add3A_1232 : i32
        %broadcast_in_dim3A_1234 = arith.constant 0.000000e+00 : f32
        %broadcast_in_dim3A_1235 = vector.broadcast %broadcast_in_dim3A_1234 : f32 to vector<16xf32>
        %get3A_1236 = arith.index_cast %add3A_1233 : i32 to index
        %get3A_1237 = arith.constant 0 : index
        %get3A_1238 = tpu.vector_load %arg11[%get3A_1236, %get3A_1237] {strides = array<i32>} : memref<128x64xf32, #tpu.memory_space<vmem>>, vector<1x16xf32>,
        %get3A_1239 = vector.shape_cast %get3A_1238 : vector<1x16xf32> to vector<16xf32>
        %get3A_1240 = arith.index_cast %add3A_1233 : i32 to index
        %get3A_1241 = arith.constant 0 : index
        %get3A_1242 = tpu.vector_load %arg12[%get3A_1240, %get3A_1241] {strides = array<i32>} : memref<128x64xf32, #tpu.memory_space<vmem>>, vector<1x16xf32>,
        %get3A_1243 = vector.shape_cast %get3A_1242 : vector<1x16xf32> to vector<16xf32>
        %get3A_1244 = arith.index_cast %add3A_1233 : i32 to index
        %get3A_1245 = arith.constant 0 : index
        %get3A_1246 = tpu.vector_load %arg13[%get3A_1244, %get3A_1245] {strides = array<i32>} : memref<128x64xf32, #tpu.memory_space<vmem>>, vector<1x16xf32>,
        %get3A_1247 = vector.shape_cast %get3A_1246 : vector<1x16xf32> to vector<16xf32>
        %add3A_1248 = arith.addf %get3A_1239, %get3A_1243 : vector<16xf32>
        %sub3A_1249 = arith.subf %add3A_1248, %get3A_1247 : vector<16xf32>
        %mul3A_1250 = arith.mulf %sub3A_1249, %sub3A_1249 : vector<16xf32>
        %add3A_1251 = arith.addf %broadcast_in_dim3A_1235, %mul3A_1250 : vector<16xf32>
        %get3A_1252 = arith.index_cast %add3A_1233 : i32 to index
        %get3A_1253 = arith.constant 16 : index
        %get3A_1254 = tpu.vector_load %arg11[%get3A_1252, %get3A_1253] {strides = array<i32>} : memref<128x64xf32, #tpu.memory_space<vmem>>, vector<1x16xf32>,
        %get3A_1255 = vector.shape_cast %get3A_1254 : vector<1x16xf32> to vector<16xf32>
        %get3A_1256 = arith.index_cast %add3A_1233 : i32 to index
        %get3A_1257 = arith.constant 16 : index
        %get3A_1258 = tpu.vector_load %arg12[%get3A_1256, %get3A_1257] {strides = array<i32>} : memref<128x64xf32, #tpu.memory_space<vmem>>, vector<1x16xf32>,
        %get3A_1259 = vector.shape_cast %get3A_1258 : vector<1x16xf32> to vector<16xf32>
        %get3A_1260 = arith.index_cast %add3A_1233 : i32 to index
        %get3A_1261 = arith.constant 16 : index
        %get3A_1262 = tpu.vector_load %arg13[%get3A_1260, %get3A_1261] {strides = array<i32>} : memref<128x64xf32, #tpu.memory_space<vmem>>, vector<1x16xf32>,
        %get3A_1263 = vector.shape_cast %get3A_1262 : vector<1x16xf32> to vector<16xf32>
        %add3A_1264 = arith.addf %get3A_1255, %get3A_1259 : vector<16xf32>
        %sub3A_1265 = arith.subf %add3A_1264, %get3A_1263 : vector<16xf32>
        %mul3A_1266 = arith.mulf %sub3A_1265, %sub3A_1265 : vector<16xf32>
        %add3A_1267 = arith.addf %add3A_1251, %mul3A_1266 : vector<16xf32>
        %get3A_1268 = arith.index_cast %add3A_1233 : i32 to index
        %get3A_1269 = arith.constant 32 : index
        %get3A_1270 = tpu.vector_load %arg11[%get3A_1268, %get3A_1269] {strides = array<i32>} : memref<128x64xf32, #tpu.memory_space<vmem>>, vector<1x16xf32>,
        %get3A_1271 = vector.shape_cast %get3A_1270 : vector<1x16xf32> to vector<16xf32>
        %get3A_1272 = arith.index_cast %add3A_1233 : i32 to index
        %get3A_1273 = arith.constant 32 : index
        %get3A_1274 = tpu.vector_load %arg12[%get3A_1272, %get3A_1273] {strides = array<i32>} : memref<128x64xf32, #tpu.memory_space<vmem>>, vector<1x16xf32>,
        %get3A_1275 = vector.shape_cast %get3A_1274 : vector<1x16xf32> to vector<16xf32>
        %get3A_1276 = arith.index_cast %add3A_1233 : i32 to index
        %get3A_1277 = arith.constant 32 : index
        %get3A_1278 = tpu.vector_load %arg13[%get3A_1276, %get3A_1277] {strides = array<i32>} : memref<128x64xf32, #tpu.memory_space<vmem>>, vector<1x16xf32>,
        %get3A_1279 = vector.shape_cast %get3A_1278 : vector<1x16xf32> to vector<16xf32>
        %add3A_1280 = arith.addf %get3A_1271, %get3A_1275 : vector<16xf32>
        %sub3A_1281 = arith.subf %add3A_1280, %get3A_1279 : vector<16xf32>
        %mul3A_1282 = arith.mulf %sub3A_1281, %sub3A_1281 : vector<16xf32>
        %add3A_1283 = arith.addf %add3A_1267, %mul3A_1282 : vector<16xf32>
        %get3A_1284 = arith.index_cast %add3A_1233 : i32 to index
        %get3A_1285 = arith.constant 48 : index
        %get3A_1286 = tpu.vector_load %arg11[%get3A_1284, %get3A_1285] {strides = array<i32>} : memref<128x64xf32, #tpu.memory_space<vmem>>, vector<1x16xf32>,
        %get3A_1287 = vector.shape_cast %get3A_1286 : vector<1x16xf32> to vector<16xf32>
        %get3A_1288 = arith.index_cast %add3A_1233 : i32 to index
        %get3A_1289 = arith.constant 48 : index
        %get3A_1290 = tpu.vector_load %arg12[%get3A_1288, %get3A_1289] {strides = array<i32>} : memref<128x64xf32, #tpu.memory_space<vmem>>, vector<1x16xf32>,
        %get3A_1291 = vector.shape_cast %get3A_1290 : vector<1x16xf32> to vector<16xf32>
        %get3A_1292 = arith.index_cast %add3A_1233 : i32 to index
        %get3A_1293 = arith.constant 48 : index
        %get3A_1294 = tpu.vector_load %arg13[%get3A_1292, %get3A_1293] {strides = array<i32>} : memref<128x64xf32, #tpu.memory_space<vmem>>, vector<1x16xf32>,
        %get3A_1295 = vector.shape_cast %get3A_1294 : vector<1x16xf32> to vector<16xf32>
        %add3A_1296 = arith.addf %get3A_1287, %get3A_1291 : vector<16xf32>
        %sub3A_1297 = arith.subf %add3A_1296, %get3A_1295 : vector<16xf32>
        %mul3A_1298 = arith.mulf %sub3A_1297, %sub3A_1297 : vector<16xf32>
        %add3A_1299 = arith.addf %add3A_1283, %mul3A_1298 : vector<16xf32>
        %eq3A_1300 = arith.constant 13 : i32
        %eq3A_1301 = vector.broadcast %eq3A_1300 : i32 to vector<16xi32>
        %eq3A_1302 = arith.cmpi eq, %iota3A, %eq3A_1301 : vector<16xi32>
        %broadcast_in_dim3A_1303 = vector.shape_cast %and3A_7 : vector<16xi32> to vector<16x1xi32>
        %gather3A_1304 = vector.shape_cast %broadcast_in_dim3A_1303 : vector<16x1xi32> to vector<16xi32>
        %gather3A_1305 = tpu.dynamic_gather %add3A_1299[%gather3A_1304] in [0] : vector<16xf32>, vector<16xi32> -> vector<16xf32>
        %add3A_1306 = arith.addf %add3A_1299, %gather3A_1305 : vector<16xf32>
        %broadcast_in_dim3A_1307 = vector.shape_cast %and3A_13 : vector<16xi32> to vector<16x1xi32>
        %gather3A_1308 = vector.shape_cast %broadcast_in_dim3A_1307 : vector<16x1xi32> to vector<16xi32>
        %gather3A_1309 = tpu.dynamic_gather %add3A_1306[%gather3A_1308] in [0] : vector<16xf32>, vector<16xi32> -> vector<16xf32>
        %add3A_1310 = arith.addf %add3A_1306, %gather3A_1309 : vector<16xf32>
        %broadcast_in_dim3A_1311 = vector.shape_cast %and3A_19 : vector<16xi32> to vector<16x1xi32>
        %gather3A_1312 = vector.shape_cast %broadcast_in_dim3A_1311 : vector<16x1xi32> to vector<16xi32>
        %gather3A_1313 = tpu.dynamic_gather %add3A_1310[%gather3A_1312] in [0] : vector<16xf32>, vector<16xi32> -> vector<16xf32>
        %add3A_1314 = arith.addf %add3A_1310, %gather3A_1313 : vector<16xf32>
        %broadcast_in_dim3A_1315 = vector.shape_cast %and3A_25 : vector<16xi32> to vector<16x1xi32>
        %gather3A_1316 = vector.shape_cast %broadcast_in_dim3A_1315 : vector<16x1xi32> to vector<16xi32>
        %gather3A_1317 = tpu.dynamic_gather %add3A_1314[%gather3A_1316] in [0] : vector<16xf32>, vector<16xi32> -> vector<16xf32>
        %add3A_1318 = arith.addf %add3A_1314, %gather3A_1317 : vector<16xf32>
        %select_n3A_1319 = arith.select %eq3A_1302, %add3A_1318, %select_n3A_1229 : vector<16xi1>, vector<16xf32>
        %mul3A_1320 = arith.constant 16 : i32
        %mul3A_1321 = arith.muli %scan3A_63, %mul3A_1320 : i32
        %add3A_1322 = arith.constant 14 : i32
        %add3A_1323 = arith.addi %mul3A_1321, %add3A_1322 : i32
        %broadcast_in_dim3A_1324 = arith.constant 0.000000e+00 : f32
        %broadcast_in_dim3A_1325 = vector.broadcast %broadcast_in_dim3A_1324 : f32 to vector<16xf32>
        %get3A_1326 = arith.index_cast %add3A_1323 : i32 to index
        %get3A_1327 = arith.constant 0 : index
        %get3A_1328 = tpu.vector_load %arg11[%get3A_1326, %get3A_1327] {strides = array<i32>} : memref<128x64xf32, #tpu.memory_space<vmem>>, vector<1x16xf32>,
        %get3A_1329 = vector.shape_cast %get3A_1328 : vector<1x16xf32> to vector<16xf32>
        %get3A_1330 = arith.index_cast %add3A_1323 : i32 to index
        %get3A_1331 = arith.constant 0 : index
        %get3A_1332 = tpu.vector_load %arg12[%get3A_1330, %get3A_1331] {strides = array<i32>} : memref<128x64xf32, #tpu.memory_space<vmem>>, vector<1x16xf32>,
        %get3A_1333 = vector.shape_cast %get3A_1332 : vector<1x16xf32> to vector<16xf32>
        %get3A_1334 = arith.index_cast %add3A_1323 : i32 to index
        %get3A_1335 = arith.constant 0 : index
        %get3A_1336 = tpu.vector_load %arg13[%get3A_1334, %get3A_1335] {strides = array<i32>} : memref<128x64xf32, #tpu.memory_space<vmem>>, vector<1x16xf32>,
        %get3A_1337 = vector.shape_cast %get3A_1336 : vector<1x16xf32> to vector<16xf32>
        %add3A_1338 = arith.addf %get3A_1329, %get3A_1333 : vector<16xf32>
        %sub3A_1339 = arith.subf %add3A_1338, %get3A_1337 : vector<16xf32>
        %mul3A_1340 = arith.mulf %sub3A_1339, %sub3A_1339 : vector<16xf32>
        %add3A_1341 = arith.addf %broadcast_in_dim3A_1325, %mul3A_1340 : vector<16xf32>
        %get3A_1342 = arith.index_cast %add3A_1323 : i32 to index
        %get3A_1343 = arith.constant 16 : index
        %get3A_1344 = tpu.vector_load %arg11[%get3A_1342, %get3A_1343] {strides = array<i32>} : memref<128x64xf32, #tpu.memory_space<vmem>>, vector<1x16xf32>,
        %get3A_1345 = vector.shape_cast %get3A_1344 : vector<1x16xf32> to vector<16xf32>
        %get3A_1346 = arith.index_cast %add3A_1323 : i32 to index
        %get3A_1347 = arith.constant 16 : index
        %get3A_1348 = tpu.vector_load %arg12[%get3A_1346, %get3A_1347] {strides = array<i32>} : memref<128x64xf32, #tpu.memory_space<vmem>>, vector<1x16xf32>,
        %get3A_1349 = vector.shape_cast %get3A_1348 : vector<1x16xf32> to vector<16xf32>
        %get3A_1350 = arith.index_cast %add3A_1323 : i32 to index
        %get3A_1351 = arith.constant 16 : index
        %get3A_1352 = tpu.vector_load %arg13[%get3A_1350, %get3A_1351] {strides = array<i32>} : memref<128x64xf32, #tpu.memory_space<vmem>>, vector<1x16xf32>,
        %get3A_1353 = vector.shape_cast %get3A_1352 : vector<1x16xf32> to vector<16xf32>
        %add3A_1354 = arith.addf %get3A_1345, %get3A_1349 : vector<16xf32>
        %sub3A_1355 = arith.subf %add3A_1354, %get3A_1353 : vector<16xf32>
        %mul3A_1356 = arith.mulf %sub3A_1355, %sub3A_1355 : vector<16xf32>
        %add3A_1357 = arith.addf %add3A_1341, %mul3A_1356 : vector<16xf32>
        %get3A_1358 = arith.index_cast %add3A_1323 : i32 to index
        %get3A_1359 = arith.constant 32 : index
        %get3A_1360 = tpu.vector_load %arg11[%get3A_1358, %get3A_1359] {strides = array<i32>} : memref<128x64xf32, #tpu.memory_space<vmem>>, vector<1x16xf32>,
        %get3A_1361 = vector.shape_cast %get3A_1360 : vector<1x16xf32> to vector<16xf32>
        %get3A_1362 = arith.index_cast %add3A_1323 : i32 to index
        %get3A_1363 = arith.constant 32 : index
        %get3A_1364 = tpu.vector_load %arg12[%get3A_1362, %get3A_1363] {strides = array<i32>} : memref<128x64xf32, #tpu.memory_space<vmem>>, vector<1x16xf32>,
        %get3A_1365 = vector.shape_cast %get3A_1364 : vector<1x16xf32> to vector<16xf32>
        %get3A_1366 = arith.index_cast %add3A_1323 : i32 to index
        %get3A_1367 = arith.constant 32 : index
        %get3A_1368 = tpu.vector_load %arg13[%get3A_1366, %get3A_1367] {strides = array<i32>} : memref<128x64xf32, #tpu.memory_space<vmem>>, vector<1x16xf32>,
        %get3A_1369 = vector.shape_cast %get3A_1368 : vector<1x16xf32> to vector<16xf32>
        %add3A_1370 = arith.addf %get3A_1361, %get3A_1365 : vector<16xf32>
        %sub3A_1371 = arith.subf %add3A_1370, %get3A_1369 : vector<16xf32>
        %mul3A_1372 = arith.mulf %sub3A_1371, %sub3A_1371 : vector<16xf32>
        %add3A_1373 = arith.addf %add3A_1357, %mul3A_1372 : vector<16xf32>
        %get3A_1374 = arith.index_cast %add3A_1323 : i32 to index
        %get3A_1375 = arith.constant 48 : index
        %get3A_1376 = tpu.vector_load %arg11[%get3A_1374, %get3A_1375] {strides = array<i32>} : memref<128x64xf32, #tpu.memory_space<vmem>>, vector<1x16xf32>,
        %get3A_1377 = vector.shape_cast %get3A_1376 : vector<1x16xf32> to vector<16xf32>
        %get3A_1378 = arith.index_cast %add3A_1323 : i32 to index
        %get3A_1379 = arith.constant 48 : index
        %get3A_1380 = tpu.vector_load %arg12[%get3A_1378, %get3A_1379] {strides = array<i32>} : memref<128x64xf32, #tpu.memory_space<vmem>>, vector<1x16xf32>,
        %get3A_1381 = vector.shape_cast %get3A_1380 : vector<1x16xf32> to vector<16xf32>
        %get3A_1382 = arith.index_cast %add3A_1323 : i32 to index
        %get3A_1383 = arith.constant 48 : index
        %get3A_1384 = tpu.vector_load %arg13[%get3A_1382, %get3A_1383] {strides = array<i32>} : memref<128x64xf32, #tpu.memory_space<vmem>>, vector<1x16xf32>,
        %get3A_1385 = vector.shape_cast %get3A_1384 : vector<1x16xf32> to vector<16xf32>
        %add3A_1386 = arith.addf %get3A_1377, %get3A_1381 : vector<16xf32>
        %sub3A_1387 = arith.subf %add3A_1386, %get3A_1385 : vector<16xf32>
        %mul3A_1388 = arith.mulf %sub3A_1387, %sub3A_1387 : vector<16xf32>
        %add3A_1389 = arith.addf %add3A_1373, %mul3A_1388 : vector<16xf32>
        %eq3A_1390 = arith.constant 14 : i32
        %eq3A_1391 = vector.broadcast %eq3A_1390 : i32 to vector<16xi32>
        %eq3A_1392 = arith.cmpi eq, %iota3A, %eq3A_1391 : vector<16xi32>
        %broadcast_in_dim3A_1393 = vector.shape_cast %and3A_7 : vector<16xi32> to vector<16x1xi32>
        %gather3A_1394 = vector.shape_cast %broadcast_in_dim3A_1393 : vector<16x1xi32> to vector<16xi32>
        %gather3A_1395 = tpu.dynamic_gather %add3A_1389[%gather3A_1394] in [0] : vector<16xf32>, vector<16xi32> -> vector<16xf32>
        %add3A_1396 = arith.addf %add3A_1389, %gather3A_1395 : vector<16xf32>
        %broadcast_in_dim3A_1397 = vector.shape_cast %and3A_13 : vector<16xi32> to vector<16x1xi32>
        %gather3A_1398 = vector.shape_cast %broadcast_in_dim3A_1397 : vector<16x1xi32> to vector<16xi32>
        %gather3A_1399 = tpu.dynamic_gather %add3A_1396[%gather3A_1398] in [0] : vector<16xf32>, vector<16xi32> -> vector<16xf32>
        %add3A_1400 = arith.addf %add3A_1396, %gather3A_1399 : vector<16xf32>
        %broadcast_in_dim3A_1401 = vector.shape_cast %and3A_19 : vector<16xi32> to vector<16x1xi32>
        %gather3A_1402 = vector.shape_cast %broadcast_in_dim3A_1401 : vector<16x1xi32> to vector<16xi32>
        %gather3A_1403 = tpu.dynamic_gather %add3A_1400[%gather3A_1402] in [0] : vector<16xf32>, vector<16xi32> -> vector<16xf32>
        %add3A_1404 = arith.addf %add3A_1400, %gather3A_1403 : vector<16xf32>
        %broadcast_in_dim3A_1405 = vector.shape_cast %and3A_25 : vector<16xi32> to vector<16x1xi32>
        %gather3A_1406 = vector.shape_cast %broadcast_in_dim3A_1405 : vector<16x1xi32> to vector<16xi32>
        %gather3A_1407 = tpu.dynamic_gather %add3A_1404[%gather3A_1406] in [0] : vector<16xf32>, vector<16xi32> -> vector<16xf32>
        %add3A_1408 = arith.addf %add3A_1404, %gather3A_1407 : vector<16xf32>
        %select_n3A_1409 = arith.select %eq3A_1392, %add3A_1408, %select_n3A_1319 : vector<16xi1>, vector<16xf32>
        %mul3A_1410 = arith.constant 16 : i32
        %mul3A_1411 = arith.muli %scan3A_63, %mul3A_1410 : i32
        %add3A_1412 = arith.constant 15 : i32
        %add3A_1413 = arith.addi %mul3A_1411, %add3A_1412 : i32
        %broadcast_in_dim3A_1414 = arith.constant 0.000000e+00 : f32
        %broadcast_in_dim3A_1415 = vector.broadcast %broadcast_in_dim3A_1414 : f32 to vector<16xf32>
        %get3A_1416 = arith.index_cast %add3A_1413 : i32 to index
        %get3A_1417 = arith.constant 0 : index
        %get3A_1418 = tpu.vector_load %arg11[%get3A_1416, %get3A_1417] {strides = array<i32>} : memref<128x64xf32, #tpu.memory_space<vmem>>, vector<1x16xf32>,
        %get3A_1419 = vector.shape_cast %get3A_1418 : vector<1x16xf32> to vector<16xf32>
        %get3A_1420 = arith.index_cast %add3A_1413 : i32 to index
        %get3A_1421 = arith.constant 0 : index
        %get3A_1422 = tpu.vector_load %arg12[%get3A_1420, %get3A_1421] {strides = array<i32>} : memref<128x64xf32, #tpu.memory_space<vmem>>, vector<1x16xf32>,
        %get3A_1423 = vector.shape_cast %get3A_1422 : vector<1x16xf32> to vector<16xf32>
        %get3A_1424 = arith.index_cast %add3A_1413 : i32 to index
        %get3A_1425 = arith.constant 0 : index
        %get3A_1426 = tpu.vector_load %arg13[%get3A_1424, %get3A_1425] {strides = array<i32>} : memref<128x64xf32, #tpu.memory_space<vmem>>, vector<1x16xf32>,
        %get3A_1427 = vector.shape_cast %get3A_1426 : vector<1x16xf32> to vector<16xf32>
        %add3A_1428 = arith.addf %get3A_1419, %get3A_1423 : vector<16xf32>
        %sub3A_1429 = arith.subf %add3A_1428, %get3A_1427 : vector<16xf32>
        %mul3A_1430 = arith.mulf %sub3A_1429, %sub3A_1429 : vector<16xf32>
        %add3A_1431 = arith.addf %broadcast_in_dim3A_1415, %mul3A_1430 : vector<16xf32>
        %get3A_1432 = arith.index_cast %add3A_1413 : i32 to index
        %get3A_1433 = arith.constant 16 : index
        %get3A_1434 = tpu.vector_load %arg11[%get3A_1432, %get3A_1433] {strides = array<i32>} : memref<128x64xf32, #tpu.memory_space<vmem>>, vector<1x16xf32>,
        %get3A_1435 = vector.shape_cast %get3A_1434 : vector<1x16xf32> to vector<16xf32>
        %get3A_1436 = arith.index_cast %add3A_1413 : i32 to index
        %get3A_1437 = arith.constant 16 : index
        %get3A_1438 = tpu.vector_load %arg12[%get3A_1436, %get3A_1437] {strides = array<i32>} : memref<128x64xf32, #tpu.memory_space<vmem>>, vector<1x16xf32>,
        %get3A_1439 = vector.shape_cast %get3A_1438 : vector<1x16xf32> to vector<16xf32>
        %get3A_1440 = arith.index_cast %add3A_1413 : i32 to index
        %get3A_1441 = arith.constant 16 : index
        %get3A_1442 = tpu.vector_load %arg13[%get3A_1440, %get3A_1441] {strides = array<i32>} : memref<128x64xf32, #tpu.memory_space<vmem>>, vector<1x16xf32>,
        %get3A_1443 = vector.shape_cast %get3A_1442 : vector<1x16xf32> to vector<16xf32>
        %add3A_1444 = arith.addf %get3A_1435, %get3A_1439 : vector<16xf32>
        %sub3A_1445 = arith.subf %add3A_1444, %get3A_1443 : vector<16xf32>
        %mul3A_1446 = arith.mulf %sub3A_1445, %sub3A_1445 : vector<16xf32>
        %add3A_1447 = arith.addf %add3A_1431, %mul3A_1446 : vector<16xf32>
        %get3A_1448 = arith.index_cast %add3A_1413 : i32 to index
        %get3A_1449 = arith.constant 32 : index
        %get3A_1450 = tpu.vector_load %arg11[%get3A_1448, %get3A_1449] {strides = array<i32>} : memref<128x64xf32, #tpu.memory_space<vmem>>, vector<1x16xf32>,
        %get3A_1451 = vector.shape_cast %get3A_1450 : vector<1x16xf32> to vector<16xf32>
        %get3A_1452 = arith.index_cast %add3A_1413 : i32 to index
        %get3A_1453 = arith.constant 32 : index
        %get3A_1454 = tpu.vector_load %arg12[%get3A_1452, %get3A_1453] {strides = array<i32>} : memref<128x64xf32, #tpu.memory_space<vmem>>, vector<1x16xf32>,
        %get3A_1455 = vector.shape_cast %get3A_1454 : vector<1x16xf32> to vector<16xf32>
        %get3A_1456 = arith.index_cast %add3A_1413 : i32 to index
        %get3A_1457 = arith.constant 32 : index
        %get3A_1458 = tpu.vector_load %arg13[%get3A_1456, %get3A_1457] {strides = array<i32>} : memref<128x64xf32, #tpu.memory_space<vmem>>, vector<1x16xf32>,
        %get3A_1459 = vector.shape_cast %get3A_1458 : vector<1x16xf32> to vector<16xf32>
        %add3A_1460 = arith.addf %get3A_1451, %get3A_1455 : vector<16xf32>
        %sub3A_1461 = arith.subf %add3A_1460, %get3A_1459 : vector<16xf32>
        %mul3A_1462 = arith.mulf %sub3A_1461, %sub3A_1461 : vector<16xf32>
        %add3A_1463 = arith.addf %add3A_1447, %mul3A_1462 : vector<16xf32>
        %get3A_1464 = arith.index_cast %add3A_1413 : i32 to index
        %get3A_1465 = arith.constant 48 : index
        %get3A_1466 = tpu.vector_load %arg11[%get3A_1464, %get3A_1465] {strides = array<i32>} : memref<128x64xf32, #tpu.memory_space<vmem>>, vector<1x16xf32>,
        %get3A_1467 = vector.shape_cast %get3A_1466 : vector<1x16xf32> to vector<16xf32>
        %get3A_1468 = arith.index_cast %add3A_1413 : i32 to index
        %get3A_1469 = arith.constant 48 : index
        %get3A_1470 = tpu.vector_load %arg12[%get3A_1468, %get3A_1469] {strides = array<i32>} : memref<128x64xf32, #tpu.memory_space<vmem>>, vector<1x16xf32>,
        %get3A_1471 = vector.shape_cast %get3A_1470 : vector<1x16xf32> to vector<16xf32>
        %get3A_1472 = arith.index_cast %add3A_1413 : i32 to index
        %get3A_1473 = arith.constant 48 : index
        %get3A_1474 = tpu.vector_load %arg13[%get3A_1472, %get3A_1473] {strides = array<i32>} : memref<128x64xf32, #tpu.memory_space<vmem>>, vector<1x16xf32>,
        %get3A_1475 = vector.shape_cast %get3A_1474 : vector<1x16xf32> to vector<16xf32>
        %add3A_1476 = arith.addf %get3A_1467, %get3A_1471 : vector<16xf32>
        %sub3A_1477 = arith.subf %add3A_1476, %get3A_1475 : vector<16xf32>
        %mul3A_1478 = arith.mulf %sub3A_1477, %sub3A_1477 : vector<16xf32>
        %add3A_1479 = arith.addf %add3A_1463, %mul3A_1478 : vector<16xf32>
        %eq3A_1480 = arith.constant 15 : i32
        %eq3A_1481 = vector.broadcast %eq3A_1480 : i32 to vector<16xi32>
        %eq3A_1482 = arith.cmpi eq, %iota3A, %eq3A_1481 : vector<16xi32>
        %broadcast_in_dim3A_1483 = vector.shape_cast %and3A_7 : vector<16xi32> to vector<16x1xi32>
        %gather3A_1484 = vector.shape_cast %broadcast_in_dim3A_1483 : vector<16x1xi32> to vector<16xi32>
        %gather3A_1485 = tpu.dynamic_gather %add3A_1479[%gather3A_1484] in [0] : vector<16xf32>, vector<16xi32> -> vector<16xf32>
        %add3A_1486 = arith.addf %add3A_1479, %gather3A_1485 : vector<16xf32>
        %broadcast_in_dim3A_1487 = vector.shape_cast %and3A_13 : vector<16xi32> to vector<16x1xi32>
        %gather3A_1488 = vector.shape_cast %broadcast_in_dim3A_1487 : vector<16x1xi32> to vector<16xi32>
        %gather3A_1489 = tpu.dynamic_gather %add3A_1486[%gather3A_1488] in [0] : vector<16xf32>, vector<16xi32> -> vector<16xf32>
        %add3A_1490 = arith.addf %add3A_1486, %gather3A_1489 : vector<16xf32>
        %broadcast_in_dim3A_1491 = vector.shape_cast %and3A_19 : vector<16xi32> to vector<16x1xi32>
        %gather3A_1492 = vector.shape_cast %broadcast_in_dim3A_1491 : vector<16x1xi32> to vector<16xi32>
        %gather3A_1493 = tpu.dynamic_gather %add3A_1490[%gather3A_1492] in [0] : vector<16xf32>, vector<16xi32> -> vector<16xf32>
        %add3A_1494 = arith.addf %add3A_1490, %gather3A_1493 : vector<16xf32>
        %broadcast_in_dim3A_1495 = vector.shape_cast %and3A_25 : vector<16xi32> to vector<16x1xi32>
        %gather3A_1496 = vector.shape_cast %broadcast_in_dim3A_1495 : vector<16x1xi32> to vector<16xi32>
        %gather3A_1497 = tpu.dynamic_gather %add3A_1494[%gather3A_1496] in [0] : vector<16xf32>, vector<16xi32> -> vector<16xf32>
        %add3A_1498 = arith.addf %add3A_1494, %gather3A_1497 : vector<16xf32>
        %select_n3A_1499 = arith.select %eq3A_1482, %add3A_1498, %select_n3A_1409 : vector<16xi1>, vector<16xf32>
        %bitcast_convert_type3A = tpu.bitcast %select_n3A_1499 : vector<16xf32> -> vector<16xi32>
        %shift_right_arithmetic3A = arith.constant 1 : i32
        %shift_right_arithmetic3A_1500 = vector.broadcast %shift_right_arithmetic3A : i32 to vector<16xi32>
        %shift_right_arithmetic3A_1501 = arith.shrsi %bitcast_convert_type3A, %shift_right_arithmetic3A_1500 : vector<16xi32>
        %sub3A_1502 = arith.constant 1597463007 : i32
        %sub3A_1503 = vector.broadcast %sub3A_1502 : i32 to vector<16xi32>
        %sub3A_1504 = arith.subi %sub3A_1503, %shift_right_arithmetic3A_1501 : vector<16xi32>
        %bitcast_convert_type3A_1505 = tpu.bitcast %sub3A_1504 : vector<16xi32> -> vector<16xf32>
        %mul3A_1506 = arith.constant 5.000000e-01 : f32
        %mul3A_1507 = vector.broadcast %mul3A_1506 : f32 to vector<16xf32>
        %mul3A_1508 = arith.mulf %select_n3A_1499, %mul3A_1507 : vector<16xf32>
        %mul3A_1509 = arith.mulf %mul3A_1508, %bitcast_convert_type3A_1505 : vector<16xf32>
        %mul3A_1510 = arith.mulf %mul3A_1509, %bitcast_convert_type3A_1505 : vector<16xf32>
        %sub3A_1511 = arith.constant 1.500000e+00 : f32
        %sub3A_1512 = vector.broadcast %sub3A_1511 : f32 to vector<16xf32>
        %sub3A_1513 = arith.subf %sub3A_1512, %mul3A_1510 : vector<16xf32>
        %mul3A_1514 = arith.mulf %bitcast_convert_type3A_1505, %sub3A_1513 : vector<16xf32>
        %mul3A_1515 = arith.mulf %mul3A_1508, %mul3A_1514 : vector<16xf32>
        %mul3A_1516 = arith.mulf %mul3A_1515, %mul3A_1514 : vector<16xf32>
        %sub3A_1517 = arith.constant 1.500000e+00 : f32
        %sub3A_1518 = vector.broadcast %sub3A_1517 : f32 to vector<16xf32>
        %sub3A_1519 = arith.subf %sub3A_1518, %mul3A_1516 : vector<16xf32>
        %mul3A_1520 = arith.mulf %mul3A_1514, %sub3A_1519 : vector<16xf32>
        %mul3A_1521 = arith.mulf %mul3A_1508, %mul3A_1520 : vector<16xf32>
        %mul3A_1522 = arith.mulf %mul3A_1521, %mul3A_1520 : vector<16xf32>
        %sub3A_1523 = arith.constant 1.500000e+00 : f32
        %sub3A_1524 = vector.broadcast %sub3A_1523 : f32 to vector<16xf32>
        %sub3A_1525 = arith.subf %sub3A_1524, %mul3A_1522 : vector<16xf32>
        %mul3A_1526 = arith.mulf %mul3A_1520, %sub3A_1525 : vector<16xf32>
        %gt3A = arith.constant 0.000000e+00 : f32
        %gt3A_1527 = vector.broadcast %gt3A : f32 to vector<16xf32>
        %gt3A_1528 = arith.cmpf ogt, %select_n3A_1499, %gt3A_1527 : vector<16xf32>
        %mul3A_1529 = arith.mulf %select_n3A_1499, %mul3A_1526 : vector<16xf32>
        %jit3A = arith.constant 0.000000e+00 : f32
        %broadcast_in_dim3A_1530 = vector.broadcast %jit3A : f32 to vector<16xf32>
        %select_n3A_1531 = arith.select %gt3A_1528, %mul3A_1529, %broadcast_in_dim3A_1530 : vector<16xi1>, vector<16xf32>
        %mul3A_1532 = arith.constant 16 : i32
        %mul3A_1533 = arith.muli %scan3A_63, %mul3A_1532 : i32
        %add3A_1534 = arith.addi %mul3A_33, %mul3A_1533 : i32
        %swap3A = arith.index_cast %add3A_1534 : i32 to index
        %swap3A_1535 = tpu.vector_load %arg14[%swap3A] {strides = array<i32>} : memref<512xf32, #tpu.memory_space<vmem>>, vector<16xf32>,
        %swap3A_1536 = vector.shape_cast %swap3A_1535 : vector<16xf32> to vector<16xf32>
        %swap3A_1537 = vector.shape_cast %select_n3A_1531 : vector<16xf32> to vector<16xf32>
        tpu.vector_store %arg14[%swap3A], %swap3A_1537 {strides = array<i32>} : memref<512xf32, #tpu.memory_space<vmem>>, vector<16xf32>,
      }
      %scan3A_62 = arith.constant 8 : i32
    }
    %scan3A_30 = arith.constant 4 : i32
    "tpu.region"() ({
      %run_scoped3A = tpu.sem_alloc : memref<!tpu.dma_semaphore, #tpu.memory_space<semaphore_mem>>
      %dma_start3A = tpu.memref_slice %arg7[%mul3A_2] : memref<16384xf32, #tpu.memory_space<hbm>> -> memref<512xf32, #tpu.memory_space<hbm>>
      %dma_start3A_31 = tpu.memref_slice %arg7[%mul3A_2] : memref<16384xf32, #tpu.memory_space<hbm>> -> memref<512xf32, #tpu.memory_space<hbm>>
      tpu.enqueue_dma source(%arg14 : memref<512xf32, #tpu.memory_space<vmem>>) target(%dma_start3A_31 : memref<512xf32, #tpu.memory_space<hbm>>) target_semaphore(%run_scoped3A : memref<!tpu.dma_semaphore, #tpu.memory_space<semaphore_mem>>)
      %dma_wait3A = tpu.memref_slice %arg7[%mul3A_2] : memref<16384xf32, #tpu.memory_space<hbm>> -> memref<512xf32, #tpu.memory_space<hbm>>
      %dma_wait3A_32 = tpu.memref_slice %arg7[%mul3A_2] : memref<16384xf32, #tpu.memory_space<hbm>> -> memref<512xf32, #tpu.memory_space<hbm>>
      tpu.wait_dma2 semaphore(%run_scoped3A : memref<!tpu.dma_semaphore, #tpu.memory_space<semaphore_mem>>) src(%arg14 : memref<512xf32, #tpu.memory_space<vmem>>) dst(%dma_wait3A_32 : memref<512xf32, #tpu.memory_space<hbm>>)
      tpu.yield
    }) : () -> ()
    return
  }
}

</mosaic_0001>

<sc_bundles>
// kernel: kernel.3.cloned.1.call-start
scs
__scs_entry_jumppad:
0x0: {  	(pc) =	sbr.rel $0x88, $3  }
0x1: {  	(tag) =	ssettag $0x0;
	lr =	simm.s32 $0x1  }
0x2: {  	[smem:$0x3F9C] =	sst lr;
	_ =	strace $0xD0000000  }
0x3: {  	_ = 	snop  }
0x4: {  	_ = 	snop  }
0x5: {  	_ = 	snop  }
0x6: {  	_ = 	snop  }
0x7: {  	_ = 	snop  }
__scs_overlays_trampoline_lowered:
0x8: {  	[smem:$0x3FAB] =	sst s0  }
0x9: {  	[smem:$0x3FAC] =	sst s1  }
0xa: {  	[smem:$0x3FAD] =	sst s2  }
0xb: {  	[smem:$0x3FAE] =	sst s3  }
0xc: {  	[smem:$0x3FAF] =	sst s4  }
0xd: {  	[smem:$0x3FB0] =	sst s5  }
0xe: {  	[smem:$0x3FB1] =	sst s6  }
0xf: {  	[smem:$0x3FB2] =	sst s7  }
0x10: {  	[smem:$0x3FB3] =	sst s8  }
0x11: {  	[smem:$0x3FB4] =	sst s9;
	s0 =	simm.s32 @!p0 $0x0  }
0x12: {  	s1 =	sld [smem:$0x3F9A];
	s0 =	simm.s32 @p0 $0x1  }
0x13: {  	[smem:$0x3FB5] =	sst s0;
	s0 =	simm.s32 @!p1 $0x0  }
0x14: {  	s2 =	sld [smem:$0x3F99];
	s0 =	simm.s32 @p1 $0x1  }
0x15: {  	[smem:$0x3FB6] =	sst s0;
	s0 =	simm.s32 @!p2 $0x0  }
0x16: {  	s3 =	sld [smem:$0x3FDB];
	s0 =	simm.s32 @p2 $0x1  }
0x17: {  	s4 =	simm.s32 $0x1BF5;
	[smem:$0x3FB8] =	sst s0  }
0x18: {  	s0 =	sld [smem:$0x3F9B];
	_ =	swait.ge [sflag:s4], $0x0  }
0x19: {  	s7 =	sld [smem:$0x3F9C]  }
0x1a: {  	s8 =	sadd.s32 $0xFFFFE003, lr  }
0x1b: {  	s9 =	sadd.s32 $0xFFFFFEF7, lr;
	s5 =	simm.s32 $0xFFFFFFFF;
	p2 =	slt.u32 s8, $0xFFFFF086  }
0x1c: {  	p1 =	slt.u32 s9, $0xF7A;
	s5 =	simm.s32 @!p2 $0x0  }
0x1d: {  	s5 =	simm.s32 @p1 $0x1;
	p0 =	seq.s32 s7, s2  }
0x1e: {  	s7 =	smul.u32 @!p0 $0xF7A, s2;
	p2 =	seq.s32 @!p0 s5, $0x0  }
0x1f: {  	s9 =	smul.u32 $0xF7A, s1;
	s8 =	simm.s32 @!p0 $0x1BF5;
	p2 =	por !p2, p0  }
0x20: {  	[sflag:s8] =	ssyncset.s32 @!p0 $0xFFFFF086;
	s6 =	sadd.s32 @!p0 s3, s7;
	s7 =	simm.s32 @!p0 $0x108  }
0x21: {  	s3 =	sadd.s32 s3, s9;
	s6 =	sadd.s32 @!p0 $0x88, s6;
	s7 =	simm.s32 @p2 $0x1082  }
0x22: {  	[simem:s7], [sflag:s8] =	dma.local @!p0 [hbm:s6], $0xF7A  }
0x23: {  	s9 =	sor.u32 $0xD0000000, s2;
	s6 =	simm.s32 $0x108;
	_ =	swait.ge @!p0 [sflag:s8], $0x0  }
0x24: {  	s3 =	sadd.s32 $0x88, s3;
	s6 =	simm.s32 @!p1 $0x1082;
	[sflag:s4] =	ssyncset.s32 $0xFFFFF086  }
0x25: {  	[simem:s6], [sflag:s4] =	dma.local [hbm:s3], $0xF7A  }
0x26: {  	[smem:$0x3F9C] =	sst s1;
	(tag) =	ssettag s2;
	_ =	strace s9  }
0x27: {  	s1 =	sld [smem:$0x3FAC]  }
0x28: {  	s2 =	sld [smem:$0x3FAD]  }
0x29: {  	s4 =	sld [smem:$0x3FAF]  }
0x2a: {  	p0 =	seq.s32 s5, $0x0;
	s5 =	sld [smem:$0x3FB0]  }
0x2b: {  	s6 =	sld [smem:$0x3FB1]  }
0x2c: {  	s7 =	sld [smem:$0x3FB2]  }
0x2d: {  	s3 =	simm.s32 $0x108;
	s8 =	sld [smem:$0x3FB3]  }
0x2e: {  	s3 =	simm.s32 @!p0 $0x1082;
	s9 =	sld [smem:$0x3FB4]  }
0x2f: {  	lr =	sadd.s32 s0, s3;
	s0 =	sld [smem:$0x3FAB]  }
0x30: {  	s3 =	sld [smem:$0x3FAE]  }
0x31: {  	[smem:$0x3FB7] =	sst s10  }
0x32: {  	s10 =	sld [smem:$0x3FB5];
	_ =	sdelay $0x3  }
0x33: {  	p0 =	seq.s32 s10, $0x1;
	s10 =	sld [smem:$0x3FB7];
	_ =	sdelay $0x3  }
0x34: {  	[smem:$0x3FB7] =	sst s10  }
0x35: {  	s10 =	sld [smem:$0x3FB6];
	_ =	sdelay $0x3  }
0x36: {  	p1 =	seq.s32 s10, $0x1;
	s10 =	sld [smem:$0x3FB7];
	_ =	sdelay $0x3  }
0x37: {  	[smem:$0x3FB7] =	sst s10  }
0x38: {  	s10 =	sld [smem:$0x3FB8]  }
0x39: {  	_ = 	snop;
	(pc) =	sbr.ind lr, $3  }
0x3a: {  	_ = 	snop  }
0x3b: {  	_ = 	snop  }
0x3c: {  	p2 =	seq.s32 s10, $0x1;
	s10 =	sld [smem:$0x3FB7]  }
0x3d: {  	_ =	shalt  }
0x3e: {  	_ =	shalt  }
0x3f: {  	_ =	shalt  }
0x40: {  	_ =	shalt  }
0x41: {  	_ =	shalt  }
0x42: {  	_ =	shalt  }
0x43: {  	_ =	shalt  }
0x44: {  	_ =	shalt  }
0x45: {  	_ =	shalt  }
0x46: {  	_ =	shalt  }
0x47: {  	_ =	shalt  }
0x48: {  	_ =	shalt  }
0x49: {  	_ =	shalt  }
0x4a: {  	_ =	shalt  }
0x4b: {  	_ =	shalt  }
0x4c: {  	_ =	shalt  }
0x4d: {  	_ =	shalt  }
0x4e: {  	_ =	shalt  }
0x4f: {  	_ =	shalt  }
0x50: {  	_ =	shalt  }
0x51: {  	_ =	shalt  }
0x52: {  	_ =	shalt  }
0x53: {  	_ =	shalt  }
0x54: {  	_ =	shalt  }
0x55: {  	_ =	shalt  }
0x56: {  	_ =	shalt  }
0x57: {  	_ =	shalt  }
0x58: {  	_ =	shalt  }
0x59: {  	_ =	shalt  }
0x5a: {  	_ =	shalt  }
0x5b: {  	_ =	shalt  }
0x5c: {  	_ =	shalt  }
0x5d: {  	_ =	shalt  }
0x5e: {  	_ =	shalt  }
0x5f: {  	_ =	shalt  }
0x60: {  	_ =	shalt  }
0x61: {  	_ =	shalt  }
0x62: {  	_ =	shalt  }
0x63: {  	_ =	shalt  }
0x64: {  	_ =	shalt  }
0x65: {  	_ =	shalt  }
0x66: {  	_ =	shalt  }
0x67: {  	_ =	shalt  }
0x68: {  	_ =	shalt  }
0x69: {  	_ =	shalt  }
0x6a: {  	_ =	shalt  }
0x6b: {  	_ =	shalt  }
0x6c: {  	_ =	shalt  }
0x6d: {  	_ =	shalt  }
0x6e: {  	_ =	shalt  }
0x6f: {  	_ =	shalt  }
0x70: {  	_ =	shalt  }
0x71: {  	_ =	shalt  }
0x72: {  	_ =	shalt  }
0x73: {  	_ =	shalt  }
0x74: {  	_ =	shalt  }
0x75: {  	_ =	shalt  }
0x76: {  	_ =	shalt  }
0x77: {  	_ =	shalt  }
0x78: {  	_ =	shalt  }
0x79: {  	_ =	shalt  }
0x7a: {  	_ =	shalt  }
0x7b: {  	_ =	shalt  }
0x7c: {  	_ =	shalt  }
0x7d: {  	_ =	shalt  }
0x7e: {  	_ =	shalt  }
0x7f: {  	_ =	shalt  }
0x80: {  	_ =	shalt  }
0x81: {  	_ =	shalt  }
0x82: {  	_ =	shalt  }
0x83: {  	_ =	shalt  }
0x84: {  	_ =	shalt  }
0x85: {  	_ =	shalt  }
0x86: {  	_ =	shalt  }
0x87: {  	_ =	shalt  }
.Lfunc_end0:
.L_simem_size_0:
called_computation_lowered:
.L_overlay_start_0:
0x88: {  	s2 =	sld [smem:$0x3FD9]  }
0x89: {  	s3 =	sld [smem:$0x3FFE];
	_ =	sdelay $0x1  }
0x8a: {  	s1 =	srdreg.scid  }
0x8b: {  	s0 =	sand.u32 $0x1, s1  }
0x8c: {  	s17 =	sshll.u32 s0, $0xA;
	s2 =	sadd.s32 s3, s2  }
0x8d: {  	s2 =	sadd.s32 s2, s17  }
0x8e: {  	[smem:$0x3FC3] =	sst s2  }
0x8f: {  	_ = 	snop  }
0x90: {  	s2 =	sld [smem:$0x3FC9]  }
0x91: {  	s18 =	sld [smem:$0x3FC8]  }
0x92: {  	s4 =	sld [smem:$0x3FC7]  }
0x93: {  	s5 =	sld [smem:$0x3FD0];
	(tm) =	ssettm $0x1  }
0x94: {  	s6 =	sld [smem:$0x3FFB];
	_ =	sdelay $0x3  }
0x95: {  	_ =	strace s6  }
0x96: {  	s6 =	sld [smem:$0x3FFC];
	_ =	sdelay $0x3  }
0x97: {  	_ =	strace s6  }
0x98: {  	s6 =	sld [smem:$0x3FFD];
	_ =	sdelay $0x3  }
0x99: {  	_ =	strace s6  }
0x9a: {  	_ =	strace $0x8FFFFFFF  }
0x9b: {  	s19 =	sld [smem:$0x3FDB];
	_ =	sdelay $0x1  }
0x9c: {  	s7 =	simm.s32 $_scs_section_size  }
0x9d: {  	s8 =	simm.s32 $_size__tile_overlayer_lowered;
	s9 =	simm.s32 $_tile_overlayer_lowered  }
0x9e: {  	s22 =	simm.s32 $0x1BFF;
	s21 =	sshll.u32 s9, $0x1;
	s6 =	sadd.s32 s7, s19  }
0x9f: {  	s10 =	simm.s32 $0x0;
	s20 =	sshll.u32 s8, $0x1;
	s8 =	sadd.s32 s21, s6  }
0xa0: {  	[timem:s10], [sflag:s22] =	dma.local [hbm:s8], s20  }
0xa1: {  	_ =	swait.ge [sflag:s22], s20  }
0xa2: {  	s7 =	ssub.s32 $0x0, s20;
	[sflag:s22] =	ssyncset.done $0x0  }
0xa3: {  	[sflag:s22] =	ssyncadd.s32 s7;
	_ =	sdelay $0x1  }
0xa4: {  	s23 =	simm.s32 $0x1B8B  }
0xa5: {  	_ =	swait.ge [sflag:s23], $0x1  }
0xa6: {  	[sflag:s23] =	ssyncset.done $0x0  }
0xa7: {  	s25 =	simm.s32 $0x1B8E;
	s24 =	sld [smem:$0x3FFE];
	[sflag:s23] =	ssyncadd.s32 $0xFFFFFFFF  }
0xa8: {  	s26 =	simm.s32 $execute0_lowered;
	[smem:$0x3FD2] =	sst s25  }
0xa9: {  	s8 =	sshll.u32 s26, $0x1;
	_ =	strace $0x80000046;
	[dreg:$0x1] =	wrdreg $0xFFFFFFFF  }
0xaa: {  	s28 =	simm.s32 $_size_execute0_lowered;
	s6 =	sadd.s32 s6, s8;
	[dreg:$0x0] =	wrdreg $0x0  }
0xab: {  	s8 =	sshll.u32 s28, $0x1;
	[dreg:$0x2] =	wrdreg s6  }
0xac: {  	[dreg:$0x3] =	wrdreg s8  }
0xad: {  	[dreg:$0x4] =	wrdreg $0xC0  }
0xae: {  	_ =	task [dreg:s10], $0x5FFFF  }
0xaf: {  	[dreg:$0x1] =	wrdreg $0xFFFFFFFF  }
0xb0: {  	[dreg:$0x0] =	wrdreg $0x60  }
0xb1: {  	[dreg:$0x2] =	wrdreg s2  }
0xb2: {  	[dreg:$0x3] =	wrdreg s18  }
0xb3: {  	[dreg:$0x4] =	wrdreg s4  }
0xb4: {  	[dreg:$0x5] =	wrdreg s24  }
0xb5: {  	[dreg:$0x6] =	wrdreg s5  }
0xb6: {  	[dreg:$0x7] =	wrdreg $0x9  }
0xb7: {  	_ =	task.clear_ibuf [dreg:s10], $0x8FFFF;
	_ =	strace $0x90000046  }
0xb8: {  	s29 =	simm.s32 $0x9;
	_ =	strace $0x80000048  }
0xb9: {  	_ =	swait.ge [sflag:s29], $0x1  }
0xba: {  	[sflag:s29] =	ssyncadd.s32 $0xFFFFFFFF  }
0xbb: {  	_ =	strace $0x90000048  }
0xbc: {  	_ =	sfence  }
0xbd: {  	s30 =	sld [smem:$0x0];
	_ =	sdelay $0x2  }
0xbe: {  	s31 =	sshll.u32 s1, $0xD;
	s1 =	sshrl.u32 s1, $0x2  }
0xbf: {  	s3 =	sand.u32 $0x4000, s31;
	s1 =	sadd.s32 s1, s30  }
0xc0: {  	s0 =	sor.u32 s3, s0;
	s1 =	sshll.u32 s1, $0x11  }
0xc1: {  	s0 =	sor.u32 s1, s0  }
0xc2: {  	s0 =	sadd.s32 $0x8F2B, s0  }
0xc3: {  	[sflag:s0] =	ssyncadd.remote.s32 $0x1  }
0xc4: {  	_ =	sfence.sel $0xFFFF  }
0xc5: {  	[dreg:$0x0] =	wrdreg $0xFFFFFFFF;
	(pc) =	sbr.abs _section_cstart, $3  }
0xc6: {  	[dreg:$0x1] =	wrdreg $0xFFFFFFFF  }
0xc7: {  	_ =	task.clear_ibuf [dreg:s10], $0x2FFFF;
	_ =	strace $0x9FFFFFFF  }
0xc8: {  	(tm) =	ssettm $0x7FFFFFFF  }
0xc9: {  	_ =	shalt  }
tec
execute0_lowered:
.L_overlay_start_1:
0x0: {  	(tag) =	ssettag $0x1  }
0x1: {  	v0 =	vimm.s32 $0xFEDCBA98;
	v1 =	vimm.s32 $0x76543210  }
0x2: {  	v2 =	vimm.s32 $0x3210FEDC;
	v3 =	vimm.s32 $0xBA987654;
	v4 =	vimm.s32 $0x10FEDCBA  }
0x3: {  	v5 =	vimm.s32 $0x98765432;
	v6 =	vimm.s32 $0xFEDCBA9;
	v7 =	vimm.s32 $0x87654321  }
0x4: {  	s0 =	rddreg [dreg:$0x0];
	vm0 =	vmmov $0x1;
	vm1 =	vmmov $0x3;
	vm2 =	vmmov $0x7  }
0x5: {  	s1 =	rddreg [dreg:$0x1];
	vm3 =	vmmov $0xf;
	vm4 =	vmmov $0x1f;
	v0 =	vunpack.c.l.s4.s8 v0  }
0x6: {  	s2 =	rddreg [dreg:$0x2];
	v1 =	vunpack.c.l.s4.s8 v1;
	v2 =	vunpack.c.l.s4.s8 v2;
	v3 =	vunpack.c.l.s4.s8 v3  }
0x7: {  	s4 =	rddreg [dreg:$0x3];
	s3 =	srdreg.scid;
	v4 =	vunpack.c.l.s4.s8 v4;
	v5 =	vunpack.c.l.s4.s8 v5;
	v6 =	vunpack.c.l.s4.s8 v6  }
0x8: {  	s5 =	rddreg [dreg:$0x4];
	s9 =	stileid.u32;
	v7 =	vunpack.c.l.s4.s8 v7;
	s6 =	sand.u32 $0x1, s3;
	v0 =	vunpack.c.0.s8.s32 v0;
	v2 =	vunpack.c.0.s8.s32 v2  }
0x9: {  	s9 =	sshll.u32 s9, $0x7;
	s7 =	ssub.s32 $0x2, s6;
	s6 =	sshll.u32 s6, $0x6;
	v3 =	vunpack.c.0.s8.s32 v3;
	v4 =	vunpack.c.0.s8.s32 v4;
	v1 =	vunpack.c.0.s8.s32 v1  }
0xa: {  	s13 =	simm.s32 $0x0;
	s22 =	simm.s32 $0x0;
	v5 =	vunpack.c.0.s8.s32 v5;
	v6 =	vunpack.c.0.s8.s32 v6;
	s6 =	sor.u32 s6, s9;
	v0 =	vand.u32 $0xF, v0  }
0xb: {  	[smem:$0x7FF] =	sst s13;
	s3 =	sadd.s32 $0x4400, s4;
	v7 =	vunpack.c.0.s8.s32 v7;
	s0 =	sadd.s32 s0, s6;
	v2 =	vcombine.low v3, v2;
	v60 =	vcombine.low v0, v1  }
0xc: {  	vm5 =	vmmov $0x3f;
	vm6 =	vmmov $0x7f;
	_ =	strace $0x80000047;
	s28 =	sadd.s32 s1, s6;
	v58 =	vcombine.low v5, v4;
	[smem:$0x7F9] =	sst s0  }
0xd: {  	vm7 =	vmmov $0xff;
	s8 =	sshrl.u32 s7, $0x1;
	s29 =	sadd.s32 s2, s6;
	v59 =	vcombine.low v7, v6;
	[smem:$0x7FA] =	sst s28;
	v61 =	vand.u32 $0xF, v2;
	[tilespmem:$0x1FFC0] =	vst v60  }
0xe: {  	vm8 =	vmmov $0x1ff;
	vm9 =	vmmov $0x3ff;
	s26 =	ssub.s32 s7, s8;
	s30 =	sadd.s32 s5, s6;
	[smem:$0x7FB] =	sst s29;
	v62 =	vand.u32 $0xF, v58;
	[tilespmem:$0x1FFD0] =	vst v61  }
0xf: {  	vm10 =	vmmov $0x7ff;
	vm11 =	vmmov $0xfff;
	s14 =	sadd.s32 $0x400, s4;
	[smem:$0x7FC] =	sst s30;
	s31 =	smax.u32 s26, $0x1;
	v47 =	vand.u32 $0xF, v59;
	[tilespmem:$0x1FFE0] =	vst v62  }
0x10: {  	vm12 =	vmmov $0x1fff;
	vm13 =	vmmov $0x3fff;
	vm14 =	vmmov $0x7fff;
	s1 =	simm.s32 $0x2;
	s2 =	simm.s32 $0x0;
	[smem:$0x7FD] =	sst s31;
	[tilespmem:$0x1FFF0] =	vst v47  }
.LBB2_1:
0x11: {  	s0 =	sld [smem:$0x7F9];
	_ =	sdelay $0x1  }
0x12: {  	[smem:$0x7F8] =	sst s2  }
0x13: {  	[tilespmem:s13], [sflag:$0x2] =	stream.linear.gather [hbm4b:s0+s13], $0x200, $0x38;
	[tilespmem:$0xC800] =	vst v63  }
0x14: {  	_ =	swait.ge [sflag:s1], $0x200  }
0x15: {  	s30 =	sld [smem:$0x7FA]  }
0x16: {  	[sflag:s1] =	ssyncset.done $0x0  }
0x17: {  	s2 =	simm.s32 $0x200;
	[sflag:s1] =	ssyncadd.s32 $0xFFFFFE00  }
0x18: {  	[tilespmem:s2], [sflag:$0x2] =	stream.linear.gather [hbm4b:s30+s13], $0x200, $0x38;
	[tilespmem:$0xC800] =	vst v63  }
0x19: {  	_ =	swait.ge [sflag:s1], $0x200  }
0x1a: {  	s31 =	sld [smem:$0x7FB]  }
0x1b: {  	[sflag:s1] =	ssyncset.done $0x0  }
0x1c: {  	s15 =	simm.s32 $0x400;
	[sflag:s1] =	ssyncadd.s32 $0xFFFFFE00  }
0x1d: {  	[tilespmem:s15], [sflag:$0x2] =	stream.linear.gather [hbm4b:s31+s13], $0x200, $0x38;
	[tilespmem:$0xC800] =	vst v63  }
0x1e: {  	_ =	swait.ge [sflag:s1], $0x200  }
0x1f: {  	s4 =	simm.s32 $0x0;
	[sflag:s1] =	ssyncset.done $0x0  }
0x20: {  	s0 =	simm.s32 $0x0;
	[sflag:s1] =	ssyncadd.s32 $0xFFFFFE00;
	s1 =	simm.s32 $0xC600  }
.LBB2_2:
0x21: {  	v0 =	vld [tilespmem:s0+$0x0]  }
0x22: {  	v1 =	vld [tilespmem:s2+$0x0]  }
0x23: {  	v2 =	vld [tilespmem:s15+$0x0];
	_ =	sdelay $0x2  }
0x24: {  	v6 =	vshll.u32 v0, $0x4  }
0x25: {  	v5 =	vshll.u32 v1, $0x4;
	(v2sf) =	vpush v6, $0x0  }
0x26: {  	v4 =	vshll.u32 v2, $0x4;
	(v2sf) =	vpush v5, $0x0  }
0x27: {  	(v2sf) =	vpush v4, $0x0;
	_ =	sdelay $0x1  }
0x28: {  	(v2sf) =	vpush v6, $0x1  }
0x29: {  	(v2sf) =	vpush v5, $0x1;
	_ =	sdelay $0x2  }
0x2a: {  	[smem:$0x7F3] =	sst s4  }
0x2b: {  	[smem:$0x7F4] =	sst s1;
	s20 =	simm.s32 $0x2000;
	(v2sf) =	vpush v4, $0x1  }
0x2c: {  	s19 =	simm.s32 $0x0;
	[smem:$0x7F5] =	sst s2;
	s16 =	sadd.s32 $0x10, s2  }
0x2d: {  	[smem:$0x7F6] =	sst s0;
	s17 =	sadd.s32 $0x10, s0;
	s5 =	simm.s32 $0x8600;
	(v2sf) =	vpush v6, $0x2  }
0x2e: {  	s4 =	simm.s32 $0x4780;
	s1 =	simm.s32 $0x980;
	s23 =	simm.s32 $0x600  }
0x2f: {  	s6 =	simm.s32 $0x4600;
	s2 =	simm.s32 $0xA00;
	s9 =	simm.s32 $0x8680  }
0x30: {  	s10 =	simm.s32 $0x780;
	s0 =	simm.s32 $0xA80;
	s28 =	simm.s32 $0x680  }
0x31: {  	s30 =	simm.s32 $0x4D80;
	[smem:$0x7F7] =	sst s15;
	s7 =	spop (v2sf);
	(v2sf) =	vpush v5, $0x2  }
0x32: {  	s31 =	simm.s32 $0x8C80;
	s7 =	sand.u32 $0x1FFFFFF0, s7;
	s8 =	spop (v2sf)  }
0x33: {  	(v2sf) =	vpush v4, $0x2;
	s7 =	sadd.s32 s3, s7;
	s24 =	sand.u32 $0x1FFFFFF0, s8;
	s25 =	spop (v2sf)  }
0x34: {  	[tilespmem:s23], [sflag:$0x1] =	stream.linear.gather [hbm4b:s7+s13], $0x80, $0x38;
	[tilespmem:$0xC800] =	vst v63  }
0x35: {  	s8 =	sand.u32 $0x1FFFFFF0, s25;
	s11 =	spop (v2sf);
	s7 =	sadd.s32 s14, s24  }
0x36: {  	(v2sf) =	vpush v6, $0x3;
	s26 =	sand.u32 $0x1FFFFFF0, s11;
	s8 =	sadd.s32 s3, s8;
	s29 =	spop (v2sf)  }
0x37: {  	(v2sf) =	vpush v5, $0x3;
	[tilespmem:s6], [sflag:$0x1] =	stream.linear.gather [hbm4b:s7+s13], $0x80, $0x38;
	[tilespmem:$0xC800] =	vst v63  }
0x38: {  	s11 =	simm.s32 $0x4680;
	s6 =	simm.s32 $0x8780;
	s7 =	sadd.s32 s3, s26  }
0x39: {  	(v2sf) =	vpush v4, $0x3;
	[tilespmem:s5], [sflag:$0x1] =	stream.linear.gather [hbm4b:s8+s13], $0x80, $0x38;
	[tilespmem:$0xC800] =	vst v63  }
0x3a: {  	s18 =	sand.u32 $0x1FFFFFF0, s29;
	s21 =	spop (v2sf);
	s26 =	simm.s32 $0x700  }
0x3b: {  	(v2sf) =	vpush v6, $0x4;
	[tilespmem:s28], [sflag:$0x1] =	stream.linear.gather [hbm4b:s7+s13], $0x80, $0x38;
	[tilespmem:$0xC800] =	vst v63  }
0x3c: {  	s23 =	sand.u32 $0x1FFFFFF0, s21;
	s12 =	spop (v2sf);
	s7 =	sadd.s32 s14, s18  }
0x3d: {  	(v2sf) =	vpush v5, $0x4;
	[tilespmem:s11], [sflag:$0x1] =	stream.linear.gather [hbm4b:s7+s13], $0x80, $0x38;
	[tilespmem:$0xC800] =	vst v63  }
0x3e: {  	s29 =	simm.s32 $0x4700;
	s24 =	sadd.s32 s3, s23;
	s25 =	sand.u32 $0x1FFFFFF0, s12  }
0x3f: {  	[tilespmem:s9], [sflag:$0x1] =	stream.linear.gather [hbm4b:s24+s13], $0x80, $0x38;
	[tilespmem:$0xC800] =	vst v63  }
0x40: {  	s8 =	simm.s32 $0x4880;
	s7 =	sadd.s32 s3, s25;
	s28 =	spop (v2sf)  }
0x41: {  	(v2sf) =	vpush v4, $0x4;
	[tilespmem:s26], [sflag:$0x1] =	stream.linear.gather [hbm4b:s7+s13], $0x80, $0x38;
	[tilespmem:$0xC800] =	vst v63  }
0x42: {  	s5 =	simm.s32 $0x8A80;
	s9 =	sand.u32 $0x1FFFFFF0, s28;
	s11 =	spop (v2sf)  }
0x43: {  	s18 =	simm.s32 $0x8700;
	s7 =	sadd.s32 s14, s9;
	s9 =	sand.u32 $0x1FFFFFF0, s11  }
0x44: {  	(v2sf) =	vpush v6, $0x5;
	[tilespmem:s29], [sflag:$0x1] =	stream.linear.gather [hbm4b:s7+s13], $0x80, $0x38;
	[tilespmem:$0xC800] =	vst v63  }
0x45: {  	s25 =	simm.s32 $0x4800;
	s12 =	spop (v2sf);
	s21 =	sadd.s32 s3, s9  }
0x46: {  	(v2sf) =	vpush v5, $0x5;
	s23 =	sand.u32 $0x1FFFFFF0, s12;
	s24 =	spop (v2sf);
	s29 =	simm.s32 $0x8800  }
0x47: {  	(v2sf) =	vpush v4, $0x5;
	[tilespmem:s18], [sflag:$0x1] =	stream.linear.gather [hbm4b:s21+s13], $0x80, $0x38;
	[tilespmem:$0xC800] =	vst v63  }
0x48: {  	s9 =	sadd.s32 s3, s23;
	s7 =	sand.u32 $0x1FFFFFF0, s24;
	s26 =	spop (v2sf)  }
0x49: {  	(v2sf) =	vpush v6, $0x6;
	[tilespmem:s10], [sflag:$0x1] =	stream.linear.gather [hbm4b:s9+s13], $0x80, $0x38;
	[tilespmem:$0xC800] =	vst v63  }
0x4a: {  	s7 =	sadd.s32 s14, s7;
	s28 =	spop (v2sf);
	(v2sf) =	vpush v5, $0x6;
	s10 =	sand.u32 $0x1FFFFFF0, s26  }
0x4b: {  	[tilespmem:s4], [sflag:$0x1] =	stream.linear.gather [hbm4b:s7+s13], $0x80, $0x38;
	[tilespmem:$0xC800] =	vst v63  }
0x4c: {  	s12 =	sand.u32 $0x1FFFFFF0, s28;
	s21 =	spop (v2sf);
	(v2sf) =	vpush v4, $0x6;
	s10 =	sadd.s32 s3, s10  }
0x4d: {  	[tilespmem:s6], [sflag:$0x1] =	stream.linear.gather [hbm4b:s10+s13], $0x80, $0x38;
	[tilespmem:$0xC800] =	vst v63  }
0x4e: {  	s18 =	simm.s32 $0x800;
	(v2sf) =	vpush v6, $0x7;
	s7 =	sand.u32 $0x1FFFFFF0, s21;
	s10 =	sadd.s32 s3, s12  }
0x4f: {  	[tilespmem:s18], [sflag:$0x1] =	stream.linear.gather [hbm4b:s10+s13], $0x80, $0x38;
	[tilespmem:$0xC800] =	vst v63  }
0x50: {  	s28 =	simm.s32 $0x880;
	s7 =	sadd.s32 s14, s7;
	s23 =	spop (v2sf)  }
0x51: {  	[tilespmem:s25], [sflag:$0x1] =	stream.linear.gather [hbm4b:s7+s13], $0x80, $0x38;
	[tilespmem:$0xC800] =	vst v63  }
0x52: {  	s9 =	simm.s32 $0x4900;
	s21 =	simm.s32 $0x8880;
	s10 =	sand.u32 $0x1FFFFFF0, s23  }
0x53: {  	s6 =	simm.s32 $0xB00;
	s24 =	spop (v2sf);
	s25 =	sadd.s32 s3, s10  }
0x54: {  	(v2sf) =	vpush v5, $0x7;
	[tilespmem:s29], [sflag:$0x1] =	stream.linear.gather [hbm4b:s25+s13], $0x80, $0x38;
	[tilespmem:$0xC800] =	vst v63  }
0x55: {  	s7 =	simm.s32 $0x4B00;
	(v2sf) =	vpush v4, $0x7;
	s26 =	sand.u32 $0x1FFFFFF0, s24;
	s29 =	spop (v2sf)  }
0x56: {  	s10 =	sadd.s32 s3, s26;
	s11 =	sand.u32 $0x1FFFFFF0, s29;
	s12 =	spop (v2sf)  }
0x57: {  	(v2sf) =	vpush v6, $0x8;
	[tilespmem:s28], [sflag:$0x1] =	stream.linear.gather [hbm4b:s10+s13], $0x80, $0x38;
	[tilespmem:$0xC800] =	vst v63  }
0x58: {  	s25 =	simm.s32 $0x900;
	s4 =	sadd.s32 s14, s11;
	s18 =	spop (v2sf)  }
0x59: {  	s10 =	sand.u32 $0x1FFFFFF0, s12;
	(v2sf) =	vpush v5, $0x8;
	s24 =	sand.u32 $0x1FFFFFF0, s18;
	s26 =	spop (v2sf)  }
0x5a: {  	[tilespmem:s8], [sflag:$0x1] =	stream.linear.gather [hbm4b:s4+s13], $0x80, $0x38;
	[tilespmem:$0xC800] =	vst v63  }
0x5b: {  	s23 =	sadd.s32 s3, s10;
	(v2sf) =	vpush v4, $0x8;
	s10 =	sadd.s32 s3, s24;
	s28 =	spop (v2sf)  }
0x5c: {  	(v2sf) =	vpush v6, $0x9;
	[tilespmem:s21], [sflag:$0x1] =	stream.linear.gather [hbm4b:s23+s13], $0x80, $0x38;
	[tilespmem:$0xC800] =	vst v63  }
0x5d: {  	s4 =	simm.s32 $0x4A80;
	s8 =	sand.u32 $0x1FFFFFF0, s26;
	s29 =	spop (v2sf)  }
0x5e: {  	[tilespmem:s25], [sflag:$0x1] =	stream.linear.gather [hbm4b:s10+s13], $0x80, $0x38;
	[tilespmem:$0xC800] =	vst v63  }
0x5f: {  	s8 =	sadd.s32 s14, s8;
	(v2sf) =	vpush v5, $0x9;
	s12 =	sand.u32 $0x1FFFFFF0, s29;
	s10 =	sand.u32 $0x1FFFFFF0, s28  }
0x60: {  	[tilespmem:s9], [sflag:$0x1] =	stream.linear.gather [hbm4b:s8+s13], $0x80, $0x38;
	[tilespmem:$0xC800] =	vst v63  }
0x61: {  	s21 =	simm.s32 $0x4980;
	s10 =	sadd.s32 s3, s10;
	s9 =	simm.s32 $0x8900  }
0x62: {  	[tilespmem:s9], [sflag:$0x1] =	stream.linear.gather [hbm4b:s10+s13], $0x80, $0x38;
	[tilespmem:$0xC800] =	vst v63  }
0x63: {  	s29 =	simm.s32 $0x8A00;
	s25 =	simm.s32 $0x8980;
	s18 =	spop (v2sf)  }
0x64: {  	s10 =	sadd.s32 s3, s12;
	s9 =	sand.u32 $0x1FFFFFF0, s18;
	s23 =	spop (v2sf)  }
0x65: {  	(v2sf) =	vpush v4, $0x9;
	[tilespmem:s1], [sflag:$0x1] =	stream.linear.gather [hbm4b:s10+s13], $0x80, $0x38;
	[tilespmem:$0xC800] =	vst v63  }
0x66: {  	s9 =	sadd.s32 s14, s9;
	s10 =	sand.u32 $0x1FFFFFF0, s23;
	s24 =	spop (v2sf)  }
0x67: {  	(v2sf) =	vpush v6, $0xA;
	[tilespmem:s21], [sflag:$0x1] =	stream.linear.gather [hbm4b:s9+s13], $0x80, $0x38;
	[tilespmem:$0xC800] =	vst v63  }
0x68: {  	s8 =	simm.s32 $0x4A00;
	(v2sf) =	vpush v5, $0xA;
	s26 =	sadd.s32 s3, s10;
	s12 =	spop (v2sf)  }
0x69: {  	[tilespmem:s25], [sflag:$0x1] =	stream.linear.gather [hbm4b:s26+s13], $0x80, $0x38;
	[tilespmem:$0xC800] =	vst v63  }
0x6a: {  	s18 =	simm.s32 $0xC80;
	s28 =	sand.u32 $0x1FFFFFF0, s24;
	(v2sf) =	vpush v4, $0xA;
	s21 =	spop (v2sf)  }
0x6b: {  	s10 =	sadd.s32 s3, s28;
	s9 =	sand.u32 $0x1FFFFFF0, s12;
	s23 =	spop (v2sf)  }
0x6c: {  	(v2sf) =	vpush v6, $0xB;
	[tilespmem:s2], [sflag:$0x1] =	stream.linear.gather [hbm4b:s10+s13], $0x80, $0x38;
	[tilespmem:$0xC800] =	vst v63  }
0x6d: {  	(v2sf) =	vpush v5, $0xB;
	s9 =	sadd.s32 s14, s9;
	s10 =	sand.u32 $0x1FFFFFF0, s21;
	s25 =	sand.u32 $0x1FFFFFF0, s23  }
0x6e: {  	s23 =	sadd.s32 $0x10, s15;
	s26 =	spop (v2sf);
	s21 =	simm.s32 $0x8B00  }
0x6f: {  	(v2sf) =	vpush v4, $0xB;
	[tilespmem:s8], [sflag:$0x1] =	stream.linear.gather [hbm4b:s9+s13], $0x80, $0x38;
	[tilespmem:$0xC800] =	vst v63  }
0x70: {  	s24 =	sadd.s32 s3, s10;
	s28 =	sadd.s32 s3, s25;
	s1 =	sand.u32 $0x1FFFFFF0, s26  }
0x71: {  	(v2sf) =	vpush v6, $0xC;
	[tilespmem:s29], [sflag:$0x1] =	stream.linear.gather [hbm4b:s24+s13], $0x80, $0x38;
	[tilespmem:$0xC800] =	vst v63  }
0x72: {  	s10 =	simm.s32 $0x8D00;
	s25 =	simm.s32 $0xB80;
	s1 =	sadd.s32 s14, s1  }
0x73: {  	[tilespmem:s0], [sflag:$0x1] =	stream.linear.gather [hbm4b:s28+s13], $0x80, $0x38;
	[tilespmem:$0xC800] =	vst v63  }
0x74: {  	s0 =	simm.s32 $0x4C00;
	s28 =	simm.s32 $0x4B80;
	s29 =	spop (v2sf)  }
0x75: {  	(v2sf) =	vpush v5, $0xC;
	[tilespmem:s4], [sflag:$0x1] =	stream.linear.gather [hbm4b:s1+s13], $0x80, $0x38;
	[tilespmem:$0xC800] =	vst v63  }
0x76: {  	s8 =	sand.u32 $0x1FFFFFF0, s29;
	s2 =	spop (v2sf);
	s1 =	simm.s32 $0x8B80  }
0x77: {  	(v2sf) =	vpush v4, $0xC;
	s8 =	sadd.s32 s3, s8;
	s9 =	sand.u32 $0x1FFFFFF0, s2;
	s11 =	spop (v2sf)  }
0x78: {  	[tilespmem:s5], [sflag:$0x1] =	stream.linear.gather [hbm4b:s8+s13], $0x80, $0x38;
	[tilespmem:$0xC800] =	vst v63  }
0x79: {  	s4 =	sadd.s32 s3, s9;
	s5 =	sand.u32 $0x1FFFFFF0, s11;
	s12 =	spop (v2sf)  }
0x7a: {  	(v2sf) =	vpush v6, $0xD;
	[tilespmem:s6], [sflag:$0x1] =	stream.linear.gather [hbm4b:s4+s13], $0x80, $0x38;
	[tilespmem:$0xC800] =	vst v63  }
0x7b: {  	s8 =	simm.s32 $0x4D00;
	s5 =	sadd.s32 s14, s5;
	s15 =	spop (v2sf)  }
0x7c: {  	s4 =	simm.s32 $0xC00;
	s6 =	sand.u32 $0x1FFFFFF0, s12;
	(v2sf) =	vpush v5, $0xD;
	s26 =	spop (v2sf)  }
0x7d: {  	[tilespmem:s7], [sflag:$0x1] =	stream.linear.gather [hbm4b:s5+s13], $0x80, $0x38;
	[tilespmem:$0xC800] =	vst v63  }
0x7e: {  	s6 =	sadd.s32 s3, s6;
	s24 =	sand.u32 $0x1FFFFFF0, s15;
	s29 =	spop (v2sf)  }
0x7f: {  	[tilespmem:s21], [sflag:$0x1] =	stream.linear.gather [hbm4b:s6+s13], $0x80, $0x38;
	[tilespmem:$0xC800] =	vst v63  }
0x80: {  	s7 =	sadd.s32 s3, s24;
	s2 =	spop (v2sf);
	s6 =	sand.u32 $0x1FFFFFF0, s26  }
0x81: {  	[tilespmem:s25], [sflag:$0x1] =	stream.linear.gather [hbm4b:s7+s13], $0x80, $0x38;
	[tilespmem:$0xC800] =	vst v63  }
0x82: {  	s9 =	sand.u32 $0x1FFFFFF0, s2;
	s6 =	sadd.s32 s14, s6;
	s7 =	sand.u32 $0x1FFFFFF0, s29  }
0x83: {  	[tilespmem:s28], [sflag:$0x1] =	stream.linear.gather [hbm4b:s6+s13], $0x80, $0x38;
	[tilespmem:$0xC800] =	vst v63  }
0x84: {  	s26 =	simm.s32 $0x8C00;
	s7 =	sadd.s32 s3, s7;
	s11 =	spop (v2sf)  }
0x85: {  	[tilespmem:s1], [sflag:$0x1] =	stream.linear.gather [hbm4b:s7+s13], $0x80, $0x38;
	[tilespmem:$0xC800] =	vst v63  }
0x86: {  	(v2sf) =	vpush v4, $0xD;
	s12 =	sadd.s32 s3, s9;
	s9 =	simm.s32 $0xD00;
	s21 =	spop (v2sf)  }
0x87: {  	(v2sf) =	vpush v6, $0xE;
	[tilespmem:s4], [sflag:$0x1] =	stream.linear.gather [hbm4b:s12+s13], $0x80, $0x38;
	[tilespmem:$0xC800] =	vst v63  }
0x88: {  	s7 =	simm.s32 $0xD80;
	s15 =	sand.u32 $0x1FFFFFF0, s11;
	(v2sf) =	vpush v5, $0xE;
	s25 =	sand.u32 $0x1FFFFFF0, s21  }
0x89: {  	s24 =	sadd.s32 s14, s15;
	(v2sf) =	vpush v4, $0xE;
	s28 =	sadd.s32 s3, s25;
	s29 =	spop (v2sf)  }
0x8a: {  	(v2sf) =	vpush v6, $0xF;
	[tilespmem:s0], [sflag:$0x1] =	stream.linear.gather [hbm4b:s24+s13], $0x80, $0x38;
	[tilespmem:$0xC800] =	vst v63  }
0x8b: {  	(v2sf) =	vpush v5, $0xF;
	s0 =	simm.s32 $0x4C80;
	s1 =	sand.u32 $0x1FFFFFF0, s29;
	s4 =	spop (v2sf)  }
0x8c: {  	(v2sf) =	vpush v4, $0xF;
	[tilespmem:s26], [sflag:$0x1] =	stream.linear.gather [hbm4b:s28+s13], $0x80, $0x38;
	[tilespmem:$0xC800] =	vst v63  }
.LBB2_3:
0x8d: {  	_ =	sdelay $0x3  }
0x8e: {  	s1 =	sadd.s32 s3, s1;
	s4 =	sand.u32 $0x1FFFFFF0, s4  }
0x8f: {  	[tilespmem:s18], [sflag:$0x1] =	stream.linear.gather [hbm4b:s1+s13], $0x80, $0x38;
	[tilespmem:$0xC800] =	vst v63  }
0x90: {  	s24 =	sadd.s32 s14, s4  }
0x91: {  	[tilespmem:s0], [sflag:$0x1] =	stream.linear.gather [hbm4b:s24+s13], $0x80, $0x38;
	[tilespmem:$0xC800] =	vst v63  }
0x92: {  	s5 =	spop (v2sf)  }
0x93: {  	s6 =	smov.u32 s20;
	s2 =	sand.u32 $0x1FFFFFF0, s5;
	s25 =	spop (v2sf)  }
0x94: {  	s26 =	sadd.s32 s3, s2;
	s28 =	sand.u32 $0x1FFFFFF0, s25;
	s29 =	spop (v2sf)  }
0x95: {  	[tilespmem:s31], [sflag:$0x1] =	stream.linear.gather [hbm4b:s26+s13], $0x80, $0x38;
	[tilespmem:$0xC800] =	vst v63  }
0x96: {  	s1 =	sadd.s32 s3, s28;
	s2 =	sand.u32 $0x1FFFFFF0, s29;
	s4 =	spop (v2sf)  }
0x97: {  	s28 =	sadd.s32 $0x8D80, s19;
	s19 =	sshra.s32 s6, $0x2;
	s5 =	sadd.s32 s14, s2  }
0x98: {  	[tilespmem:s9], [sflag:$0x1] =	stream.linear.gather [hbm4b:s1+s13], $0x80, $0x38;
	[tilespmem:$0xC800] =	vst v63  }
0x99: {  	s11 =	spop (v2sf);
	s6 =	sadd.s32 $0xA80, s19;
	s9 =	sand.u32 $0x1FFFFFF0, s4  }
0x9a: {  	s15 =	sand.u32 $0x1FFFFFF0, s11;
	s18 =	spop (v2sf);
	s4 =	sadd.s32 $0x980, s19  }
0x9b: {  	[tilespmem:s8], [sflag:$0x1] =	stream.linear.gather [hbm4b:s5+s13], $0x80, $0x38;
	[tilespmem:$0xC800] =	vst v63  }
0x9c: {  	[dreg:$0xd] =	wrdreg s6;
	s12 =	sadd.s32 s3, s9;
	s21 =	sadd.s32 s3, s15  }
0x9d: {  	[tilespmem:s10], [sflag:$0x1] =	stream.linear.gather [hbm4b:s12+s13], $0x80, $0x38;
	[tilespmem:$0xC800] =	vst v63  }
0x9e: {  	s24 =	sand.u32 $0x1FFFFFF0, s18;
	s25 =	spop (v2sf);
	[dreg:$0x12] =	wrdreg s4  }
0x9f: {  	[tilespmem:s7], [sflag:$0x1] =	stream.linear.gather [hbm4b:s21+s13], $0x80, $0x38;
	[tilespmem:$0xC800] =	vst v63  }
0xa0: {  	s9 =	sadd.s32 $0x4800, s19;
	s26 =	sadd.s32 s14, s24;
	s2 =	sand.u32 $0x1FFFFFF0, s25  }
0xa1: {  	[tilespmem:s30], [sflag:$0x1] =	stream.linear.gather [hbm4b:s26+s13], $0x80, $0x38;
	[tilespmem:$0xC800] =	vst v63  }
0xa2: {  	s18 =	sadd.s32 $0x4B00, s19;
	[dreg:$0x1d] =	wrdreg s9;
	s29 =	sadd.s32 s3, s2  }
0xa3: {  	[tilespmem:s28], [sflag:$0x1] =	stream.linear.gather [hbm4b:s29+s13], $0x80, $0x38;
	[tilespmem:$0xC800] =	vst v63  }
0xa4: {  	p0 =	sne.s32 s20, $0xE000;
	s5 =	sadd.s32 $0xA00, s19;
	[dreg:$0x8] =	wrdreg s18;
	v0 =	vld [tilespmem:s17+$0x0]  }
0xa5: {  	s20 =	sadd.s32 $0x2000, s20;
	s8 =	sadd.s32 $0x8A80, s19;
	[dreg:$0x10] =	wrdreg s5;
	v1 =	vld [tilespmem:s16+$0x0]  }
0xa6: {  	s0 =	sadd.s32 $0x600, s19;
	s25 =	sadd.s32 $0x4A00, s19;
	[dreg:$0xb] =	wrdreg s8;
	v2 =	vld [tilespmem:s23+$0x0]  }
0xa7: {  	s1 =	sadd.s32 $0x8600, s19;
	s9 =	sadd.s32 $0x8980, s19;
	[dreg:$0x13] =	wrdreg s25  }
0xa8: {  	s11 =	sadd.s32 $0x8780, s19;
	s18 =	sadd.s32 $0x4C00, s19;
	[dreg:$0x15] =	wrdreg s9  }
0xa9: {  	s6 =	sadd.s32 $0x800, s19;
	s2 =	sadd.s32 $0x4780, s19;
	[dreg:$0x6] =	wrdreg s18;
	v6 =	vshll.u32 v0, $0x4  }
0xaa: {  	s15 =	sadd.s32 $0x8680, s19;
	s8 =	sadd.s32 $0x4980, s19;
	[dreg:$0x1e] =	wrdreg s2;
	v5 =	vshll.u32 v1, $0x4;
	(v2sf) =	vpush v6, $0x0  }
0xab: {  	s4 =	sadd.s32 $0x700, s19;
	s9 =	sadd.s32 $0xB80, s19;
	[dreg:$0x16] =	wrdreg s8;
	v4 =	vshll.u32 v2, $0x4;
	(v2sf) =	vpush v5, $0x0  }
0xac: {  	s24 =	sadd.s32 $0x4600, s19;
	s10 =	sadd.s32 $0x8800, s19;
	[dreg:$0xe] =	wrdreg s9;
	(v2sf) =	vpush v4, $0x0  }
0xad: {  	s5 =	sadd.s32 $0x4700, s19;
	s12 =	sadd.s32 $0xB00, s19;
	[dreg:$0x1b] =	wrdreg s10  }
0xae: {  	s25 =	sadd.s32 $0x8700, s19;
	[dreg:$0xa] =	wrdreg s12;
	s10 =	sadd.s32 $0x8880, s19;
	(v2sf) =	vpush v6, $0x1  }
0xaf: {  	s18 =	sadd.s32 $0x900, s19;
	s12 =	sadd.s32 $0x8900, s19;
	[dreg:$0x1c] =	wrdreg s10  }
0xb0: {  	s2 =	sadd.s32 $0x4680, s19;
	s7 =	sadd.s32 $0x4880, s19;
	[dreg:$0x18] =	wrdreg s12  }
0xb1: {  	s8 =	sadd.s32 $0x4D00, s19;
	s21 =	sadd.s32 $0x4A80, s19;
	[dreg:$0x19] =	wrdreg s7;
	(v2sf) =	vpush v5, $0x1  }
0xb2: {  	s9 =	sadd.s32 $0xD00, s19;
	s12 =	sadd.s32 $0x4B80, s19;
	[dreg:$0xf] =	wrdreg s21  }
0xb3: {  	s10 =	sadd.s32 $0x8D00, s19;
	s7 =	sadd.s32 $0x880, s19;
	[dreg:$0xc] =	wrdreg s12;
	(v2sf) =	vpush v4, $0x1  }
0xb4: {  	s21 =	sadd.s32 $0x8B80, s19;
	s26 =	sadd.s32 $0x680, s19;
	[dreg:$0x1f] =	wrdreg s7  }
0xb5: {  	s30 =	sadd.s32 $0x4D80, s19;
	s7 =	sadd.s32 $0xD80, s19;
	[dreg:$0x9] =	wrdreg s21;
	(v2sf) =	vpush v6, $0x2  }
0xb6: {  	s29 =	sadd.s32 $0x780, s19;
	s13 =	sadd.s32 $0x4900, s19;
	s28 =	sadd.s32 $0x8A00, s19  }
0xb7: {  	s16 =	sadd.s32 $0x10, s16;
	s17 =	sadd.s32 $0x10, s17;
	[dreg:$0x17] =	wrdreg s13;
	(v2sf) =	vpush v5, $0x2  }
0xb8: {  	[dreg:$0x11] =	wrdreg s28;
	s13 =	sadd.s32 $0xC80, s19;
	s23 =	sadd.s32 $0x10, s23  }
0xb9: {  	s28 =	sadd.s32 $0xC00, s19;
	[dreg:$0x1a] =	wrdreg s13;
	s31 =	spop (v2sf);
	(v2sf) =	vpush v4, $0x2  }
0xba: {  	[dreg:$0x7] =	wrdreg s28;
	s28 =	sand.u32 $0x1FFFFFF0, s31;
	s12 =	spop (v2sf)  }
0xbb: {  	s31 =	sadd.s32 $0x8C80, s19;
	s28 =	sadd.s32 s3, s28;
	s21 =	spop (v2sf);
	(v2sf) =	vpush v6, $0x3  }
0xbc: {  	[tilespmem:s0], [sflag:$0x1] =	stream.linear.gather [hbm4b:s28+s22], $0x80, $0x38;
	[tilespmem:$0xC800] =	vst v63  }
0xbd: {  	s12 =	sand.u32 $0x1FFFFFF0, s12;
	s21 =	sand.u32 $0x1FFFFFF0, s21;
	s13 =	spop (v2sf)  }
0xbe: {  	s12 =	sadd.s32 s14, s12;
	s28 =	sand.u32 $0x1FFFFFF0, s13;
	s13 =	sadd.s32 $0x8B00, s19  }
0xbf: {  	(v2sf) =	vpush v5, $0x3;
	[tilespmem:s24], [sflag:$0x1] =	stream.linear.gather [hbm4b:s12+s22], $0x80, $0x38;
	[tilespmem:$0xC800] =	vst v63  }
0xc0: {  	(v2sf) =	vpush v4, $0x3;
	[dreg:$0x14] =	wrdreg s13;
	s13 =	sadd.s32 s3, s21;
	s21 =	spop (v2sf)  }
0xc1: {  	(v2sf) =	vpush v6, $0x4;
	[tilespmem:s1], [sflag:$0x1] =	stream.linear.gather [hbm4b:s13+s22], $0x80, $0x38;
	[tilespmem:$0xC800] =	vst v63  }
0xc2: {  	s21 =	sand.u32 $0x1FFFFFF0, s21;
	s13 =	sadd.s32 s3, s28;
	s28 =	spop (v2sf)  }
0xc3: {  	(v2sf) =	vpush v5, $0x4;
	[tilespmem:s26], [sflag:$0x1] =	stream.linear.gather [hbm4b:s13+s22], $0x80, $0x38;
	[tilespmem:$0xC800] =	vst v63  }
0xc4: {  	s13 =	sadd.s32 s14, s21;
	s26 =	sand.u32 $0x1FFFFFF0, s28;
	s28 =	spop (v2sf)  }
0xc5: {  	(v2sf) =	vpush v4, $0x4;
	[tilespmem:s2], [sflag:$0x1] =	stream.linear.gather [hbm4b:s13+s22], $0x80, $0x38;
	[tilespmem:$0xC800] =	vst v63  }
0xc6: {  	s12 =	sand.u32 $0x1FFFFFF0, s28;
	s2 =	sadd.s32 s3, s26;
	s13 =	spop (v2sf)  }
0xc7: {  	(v2sf) =	vpush v6, $0x5;
	[tilespmem:s15], [sflag:$0x1] =	stream.linear.gather [hbm4b:s2+s22], $0x80, $0x38;
	[tilespmem:$0xC800] =	vst v63  }
0xc8: {  	s21 =	sadd.s32 s3, s12;
	s26 =	sand.u32 $0x1FFFFFF0, s13;
	s28 =	spop (v2sf)  }
0xc9: {  	[tilespmem:s4], [sflag:$0x1] =	stream.linear.gather [hbm4b:s21+s22], $0x80, $0x38;
	[tilespmem:$0xC800] =	vst v63  }
0xca: {  	s2 =	sadd.s32 s14, s26;
	s4 =	sand.u32 $0x1FFFFFF0, s28;
	s12 =	spop (v2sf)  }
0xcb: {  	(v2sf) =	vpush v5, $0x5;
	[tilespmem:s5], [sflag:$0x1] =	stream.linear.gather [hbm4b:s2+s22], $0x80, $0x38;
	[tilespmem:$0xC800] =	vst v63  }
0xcc: {  	s0 =	sadd.s32 $0x4C80, s19;
	s13 =	sadd.s32 s3, s4;
	s15 =	sand.u32 $0x1FFFFFF0, s12  }
0xcd: {  	[tilespmem:s25], [sflag:$0x1] =	stream.linear.gather [hbm4b:s13+s22], $0x80, $0x38;
	[tilespmem:$0xC800] =	vst v63  }
0xce: {  	s24 =	sadd.s32 $0x8C00, s19;
	(v2sf) =	vpush v4, $0x5;
	s21 =	spop (v2sf);
	s25 =	sadd.s32 s3, s15  }
0xcf: {  	s26 =	sand.u32 $0x1FFFFFF0, s21;
	s28 =	spop (v2sf);
	s13 =	rddreg [dreg:$0x1e]  }
0xd0: {  	(v2sf) =	vpush v6, $0x6;
	s2 =	sadd.s32 s14, s26;
	s4 =	sand.u32 $0x1FFFFFF0, s28;
	s12 =	spop (v2sf)  }
0xd1: {  	(v2sf) =	vpush v5, $0x6;
	[tilespmem:s29], [sflag:$0x1] =	stream.linear.gather [hbm4b:s25+s22], $0x80, $0x38;
	[tilespmem:$0xC800] =	vst v63  }
0xd2: {  	s15 =	sadd.s32 s3, s4;
	s21 =	sand.u32 $0x1FFFFFF0, s12;
	s25 =	spop (v2sf)  }
0xd3: {  	(v2sf) =	vpush v4, $0x6;
	[tilespmem:s13], [sflag:$0x1] =	stream.linear.gather [hbm4b:s2+s22], $0x80, $0x38;
	[tilespmem:$0xC800] =	vst v63  }
0xd4: {  	s12 =	rddreg [dreg:$0x1d];
	s26 =	sadd.s32 s3, s21;
	s29 =	spop (v2sf)  }
0xd5: {  	[tilespmem:s11], [sflag:$0x1] =	stream.linear.gather [hbm4b:s15+s22], $0x80, $0x38;
	[tilespmem:$0xC800] =	vst v63  }
0xd6: {  	(v2sf) =	vpush v6, $0x7;
	s28 =	sand.u32 $0x1FFFFFF0, s25;
	s25 =	rddreg [dreg:$0x1b];
	s11 =	spop (v2sf)  }
0xd7: {  	[tilespmem:s6], [sflag:$0x1] =	stream.linear.gather [hbm4b:s26+s22], $0x80, $0x38;
	[tilespmem:$0xC800] =	vst v63  }
0xd8: {  	(v2sf) =	vpush v5, $0x7;
	s5 =	sadd.s32 s14, s28;
	s6 =	sand.u32 $0x1FFFFFF0, s29;
	s15 =	sand.u32 $0x1FFFFFF0, s11  }
0xd9: {  	[tilespmem:s12], [sflag:$0x1] =	stream.linear.gather [hbm4b:s5+s22], $0x80, $0x38;
	[tilespmem:$0xC800] =	vst v63  }
0xda: {  	(v2sf) =	vpush v4, $0x7;
	s13 =	sadd.s32 s3, s6;
	s26 =	sadd.s32 s3, s15;
	s21 =	spop (v2sf)  }
0xdb: {  	[tilespmem:s25], [sflag:$0x1] =	stream.linear.gather [hbm4b:s13+s22], $0x80, $0x38;
	[tilespmem:$0xC800] =	vst v63  }
0xdc: {  	s6 =	rddreg [dreg:$0x1f];
	s28 =	sand.u32 $0x1FFFFFF0, s21;
	s13 =	simm.s32 $0x0  }
0xdd: {  	s21 =	rddreg [dreg:$0x19];
	s29 =	spop (v2sf);
	s11 =	sadd.s32 s14, s28  }
0xde: {  	(v2sf) =	vpush v6, $0x8;
	[tilespmem:s6], [sflag:$0x1] =	stream.linear.gather [hbm4b:s26+s22], $0x80, $0x38;
	[tilespmem:$0xC800] =	vst v63  }
0xdf: {  	s12 =	sand.u32 $0x1FFFFFF0, s29;
	s15 =	spop (v2sf);
	s29 =	rddreg [dreg:$0x1c]  }
0xe0: {  	(v2sf) =	vpush v5, $0x8;
	s25 =	sadd.s32 s3, s12;
	s26 =	sand.u32 $0x1FFFFFF0, s15;
	s28 =	spop (v2sf)  }
0xe1: {  	[tilespmem:s21], [sflag:$0x1] =	stream.linear.gather [hbm4b:s11+s13], $0x80, $0x38;
	[tilespmem:$0xC800] =	vst v63  }
0xe2: {  	s5 =	sadd.s32 s3, s26;
	s6 =	sand.u32 $0x1FFFFFF0, s28;
	s11 =	spop (v2sf)  }
0xe3: {  	(v2sf) =	vpush v4, $0x8;
	s12 =	sadd.s32 s14, s6;
	s15 =	sand.u32 $0x1FFFFFF0, s11;
	s6 =	rddreg [dreg:$0x18]  }
0xe4: {  	(v2sf) =	vpush v6, $0x9;
	[tilespmem:s29], [sflag:$0x1] =	stream.linear.gather [hbm4b:s25+s13], $0x80, $0x38;
	[tilespmem:$0xC800] =	vst v63  }
0xe5: {  	s21 =	spop (v2sf);
	s25 =	rddreg [dreg:$0x17];
	s26 =	sadd.s32 s3, s15  }
0xe6: {  	(v2sf) =	vpush v5, $0x9;
	[tilespmem:s18], [sflag:$0x1] =	stream.linear.gather [hbm4b:s5+s13], $0x80, $0x38;
	[tilespmem:$0xC800] =	vst v63  }
0xe7: {  	s28 =	sand.u32 $0x1FFFFFF0, s21;
	s21 =	rddreg [dreg:$0x12];
	s29 =	spop (v2sf)  }
0xe8: {  	(v2sf) =	vpush v4, $0x9;
	[tilespmem:s25], [sflag:$0x1] =	stream.linear.gather [hbm4b:s12+s13], $0x80, $0x38;
	[tilespmem:$0xC800] =	vst v63  }
0xe9: {  	s18 =	rddreg [dreg:$0x1a];
	s11 =	sadd.s32 s3, s28;
	s15 =	spop (v2sf)  }
0xea: {  	[tilespmem:s6], [sflag:$0x1] =	stream.linear.gather [hbm4b:s26+s13], $0x80, $0x38;
	[tilespmem:$0xC800] =	vst v63  }
0xeb: {  	(v2sf) =	vpush v6, $0xA;
	s12 =	sand.u32 $0x1FFFFFF0, s29;
	s29 =	rddreg [dreg:$0x16];
	s26 =	sand.u32 $0x1FFFFFF0, s15  }
0xec: {  	(v2sf) =	vpush v5, $0xA;
	[tilespmem:s21], [sflag:$0x1] =	stream.linear.gather [hbm4b:s11+s13], $0x80, $0x38;
	[tilespmem:$0xC800] =	vst v63  }
0xed: {  	s25 =	sadd.s32 s14, s12;
	s2 =	sadd.s32 s3, s26;
	s28 =	spop (v2sf)  }
0xee: {  	[tilespmem:s29], [sflag:$0x1] =	stream.linear.gather [hbm4b:s25+s13], $0x80, $0x38;
	[tilespmem:$0xC800] =	vst v63  }
0xef: {  	s11 =	rddreg [dreg:$0x15];
	s4 =	sand.u32 $0x1FFFFFF0, s28;
	s6 =	spop (v2sf)  }
0xf0: {  	(v2sf) =	vpush v4, $0xA;
	s12 =	sadd.s32 s3, s4;
	s25 =	rddreg [dreg:$0x10];
	s15 =	sand.u32 $0x1FFFFFF0, s6  }
0xf1: {  	[tilespmem:s11], [sflag:$0x1] =	stream.linear.gather [hbm4b:s2+s13], $0x80, $0x38;
	[tilespmem:$0xC800] =	vst v63  }
0xf2: {  	(v2sf) =	vpush v6, $0xB;
	s21 =	spop (v2sf);
	s6 =	rddreg [dreg:$0x13];
	s26 =	sadd.s32 s14, s15  }
0xf3: {  	s28 =	sand.u32 $0x1FFFFFF0, s21;
	s29 =	spop (v2sf);
	s21 =	rddreg [dreg:$0x11]  }
0xf4: {  	(v2sf) =	vpush v5, $0xB;
	[tilespmem:s25], [sflag:$0x1] =	stream.linear.gather [hbm4b:s12+s13], $0x80, $0x38;
	[tilespmem:$0xC800] =	vst v63  }
0xf5: {  	s11 =	sadd.s32 s3, s28;
	s15 =	spop (v2sf);
	s12 =	sand.u32 $0x1FFFFFF0, s29  }
0xf6: {  	(v2sf) =	vpush v4, $0xB;
	[tilespmem:s6], [sflag:$0x1] =	stream.linear.gather [hbm4b:s26+s13], $0x80, $0x38;
	[tilespmem:$0xC800] =	vst v63  }
0xf7: {  	s29 =	rddreg [dreg:$0xd];
	s28 =	spop (v2sf);
	s26 =	sand.u32 $0x1FFFFFF0, s15  }
0xf8: {  	s25 =	sadd.s32 s3, s12;
	s4 =	sand.u32 $0x1FFFFFF0, s28;
	s2 =	sadd.s32 s14, s26  }
0xf9: {  	[tilespmem:s21], [sflag:$0x1] =	stream.linear.gather [hbm4b:s11+s13], $0x80, $0x38;
	[tilespmem:$0xC800] =	vst v63  }
0xfa: {  	(v2sf) =	vpush v6, $0xC;
	s6 =	spop (v2sf);
	s12 =	sadd.s32 s3, s4;
	s11 =	rddreg [dreg:$0xf]  }
0xfb: {  	s15 =	sand.u32 $0x1FFFFFF0, s6;
	s6 =	rddreg [dreg:$0xa];
	s21 =	spop (v2sf)  }
0xfc: {  	(v2sf) =	vpush v5, $0xC;
	[tilespmem:s29], [sflag:$0x1] =	stream.linear.gather [hbm4b:s25+s13], $0x80, $0x38;
	[tilespmem:$0xC800] =	vst v63  }
0xfd: {  	s26 =	sadd.s32 s3, s15;
	s25 =	rddreg [dreg:$0xb];
	s28 =	sand.u32 $0x1FFFFFF0, s21  }
0xfe: {  	(v2sf) =	vpush v4, $0xC;
	[tilespmem:s11], [sflag:$0x1] =	stream.linear.gather [hbm4b:s2+s13], $0x80, $0x38;
	[tilespmem:$0xC800] =	vst v63  }
0xff: {  	s21 =	rddreg [dreg:$0x8];
	s11 =	sadd.s32 s14, s28;
	s29 =	spop (v2sf)  }
0x100: {  	(v2sf) =	vpush v6, $0xD;
	[tilespmem:s25], [sflag:$0x1] =	stream.linear.gather [hbm4b:s12+s13], $0x80, $0x38;
	[tilespmem:$0xC800] =	vst v63  }
0x101: {  	s12 =	sand.u32 $0x1FFFFFF0, s29;
	s29 =	rddreg [dreg:$0x14];
	s15 =	spop (v2sf)  }
0x102: {  	[tilespmem:s6], [sflag:$0x1] =	stream.linear.gather [hbm4b:s26+s13], $0x80, $0x38;
	[tilespmem:$0xC800] =	vst v63  }
0x103: {  	(v2sf) =	vpush v5, $0xD;
	s25 =	sadd.s32 s3, s12;
	s26 =	sand.u32 $0x1FFFFFF0, s15;
	s28 =	spop (v2sf)  }
0x104: {  	[tilespmem:s21], [sflag:$0x1] =	stream.linear.gather [hbm4b:s11+s13], $0x80, $0x38;
	[tilespmem:$0xC800] =	vst v63  }
0x105: {  	s2 =	sadd.s32 s3, s26;
	s6 =	spop (v2sf);
	s11 =	rddreg [dreg:$0xe]  }
0x106: {  	[tilespmem:s29], [sflag:$0x1] =	stream.linear.gather [hbm4b:s25+s13], $0x80, $0x38;
	[tilespmem:$0xC800] =	vst v63  }
0x107: {  	s4 =	sand.u32 $0x1FFFFFF0, s28;
	s15 =	sand.u32 $0x1FFFFFF0, s6;
	s6 =	rddreg [dreg:$0x9]  }
0x108: {  	[tilespmem:s11], [sflag:$0x1] =	stream.linear.gather [hbm4b:s2+s13], $0x80, $0x38;
	[tilespmem:$0xC800] =	vst v63  }
0x109: {  	s12 =	sadd.s32 s14, s4;
	s21 =	spop (v2sf);
	s25 =	rddreg [dreg:$0xc]  }
0x10a: {  	[tilespmem:s25], [sflag:$0x1] =	stream.linear.gather [hbm4b:s12+s13], $0x80, $0x38;
	[tilespmem:$0xC800] =	vst v63  }
0x10b: {  	s26 =	sadd.s32 s3, s15;
	s28 =	sand.u32 $0x1FFFFFF0, s21;
	s29 =	spop (v2sf)  }
0x10c: {  	[tilespmem:s6], [sflag:$0x1] =	stream.linear.gather [hbm4b:s26+s13], $0x80, $0x38;
	[tilespmem:$0xC800] =	vst v63  }
0x10d: {  	(v2sf) =	vpush v4, $0xD;
	s21 =	rddreg [dreg:$0x7];
	s11 =	sadd.s32 s3, s28;
	s15 =	spop (v2sf)  }
0x10e: {  	(v2sf) =	vpush v6, $0xE;
	[tilespmem:s21], [sflag:$0x1] =	stream.linear.gather [hbm4b:s11+s13], $0x80, $0x38;
	[tilespmem:$0xC800] =	vst v63  }
.Ltmp0:
0x10f: {  	(v2sf) =	vpush v5, $0xE;
	s12 =	sand.u32 $0x1FFFFFF0, s29;
	s28 =	spop (v2sf);
	(pc) =	sbr.rel @p0 .LBB2_3-.Ltmp0, $4  }
0x110: {  	(v2sf) =	vpush v4, $0xE;
	s29 =	rddreg [dreg:$0x6];
	s25 =	sadd.s32 s14, s12;
	s26 =	sand.u32 $0x1FFFFFF0, s15  }
0x111: {  	(v2sf) =	vpush v6, $0xF;
	[tilespmem:s29], [sflag:$0x1] =	stream.linear.gather [hbm4b:s25+s13], $0x80, $0x38;
	[tilespmem:$0xC800] =	vst v63  }
0x112: {  	(v2sf) =	vpush v5, $0xF;
	s1 =	sand.u32 $0x1FFFFFF0, s28;
	s2 =	sadd.s32 s3, s26;
	s4 =	spop (v2sf)  }
0x113: {  	(v2sf) =	vpush v4, $0xF;
	[tilespmem:s24], [sflag:$0x1] =	stream.linear.gather [hbm4b:s2+s13], $0x80, $0x38;
	[tilespmem:$0xC800] =	vst v63  }
0x114: {  	_ =	sdelay $0x3  }
0x115: {  	s1 =	sadd.s32 s3, s1;
	s2 =	sand.u32 $0x1FFFFFF0, s4  }
0x116: {  	[tilespmem:s18], [sflag:$0x1] =	stream.linear.gather [hbm4b:s1+s13], $0x80, $0x38;
	[tilespmem:$0xC800] =	vst v63  }
0x117: {  	s26 =	sadd.s32 s14, s2  }
0x118: {  	[tilespmem:s0], [sflag:$0x1] =	stream.linear.gather [hbm4b:s26+s13], $0x80, $0x38;
	[tilespmem:$0xC800] =	vst v63  }
0x119: {  	s25 =	spop (v2sf)  }
0x11a: {  	s28 =	sand.u32 $0x1FFFFFF0, s25;
	s29 =	spop (v2sf)  }
0x11b: {  	s2 =	sadd.s32 s3, s28;
	s4 =	sand.u32 $0x1FFFFFF0, s29;
	s5 =	spop (v2sf)  }
0x11c: {  	[tilespmem:s31], [sflag:$0x1] =	stream.linear.gather [hbm4b:s2+s13], $0x80, $0x38;
	[tilespmem:$0xC800] =	vst v63  }
0x11d: {  	s6 =	sadd.s32 s3, s4;
	s11 =	sand.u32 $0x1FFFFFF0, s5;
	s12 =	spop (v2sf)  }
0x11e: {  	[tilespmem:s9], [sflag:$0x1] =	stream.linear.gather [hbm4b:s6+s13], $0x80, $0x38;
	[tilespmem:$0xC800] =	vst v63  }
0x11f: {  	s15 =	sadd.s32 s14, s11;
	s16 =	sand.u32 $0x1FFFFFF0, s12;
	s17 =	spop (v2sf)  }
0x120: {  	[tilespmem:s8], [sflag:$0x1] =	stream.linear.gather [hbm4b:s15+s13], $0x80, $0x38;
	[tilespmem:$0xC800] =	vst v63  }
0x121: {  	s18 =	sadd.s32 s3, s16;
	s20 =	sand.u32 $0x1FFFFFF0, s17;
	s21 =	spop (v2sf)  }
0x122: {  	[tilespmem:s10], [sflag:$0x1] =	stream.linear.gather [hbm4b:s18+s13], $0x80, $0x38;
	[tilespmem:$0xC800] =	vst v63  }
0x123: {  	s23 =	sadd.s32 s3, s20;
	s24 =	sand.u32 $0x1FFFFFF0, s21;
	s25 =	spop (v2sf)  }
0x124: {  	[tilespmem:s7], [sflag:$0x1] =	stream.linear.gather [hbm4b:s23+s13], $0x80, $0x38;
	[tilespmem:$0xC800] =	vst v63  }
0x125: {  	s26 =	sadd.s32 s14, s24;
	s28 =	sand.u32 $0x1FFFFFF0, s25  }
0x126: {  	[tilespmem:s30], [sflag:$0x1] =	stream.linear.gather [hbm4b:s26+s13], $0x80, $0x38;
	[tilespmem:$0xC800] =	vst v63  }
0x127: {  	s29 =	sadd.s32 $0x8D80, s19;
	s1 =	sadd.s32 s3, s28;
	s30 =	simm.s32 $0x1  }
0x128: {  	[tilespmem:s29], [sflag:$0x1] =	stream.linear.gather [hbm4b:s1+s13], $0x80, $0x38;
	[tilespmem:$0xC800] =	vst v63  }
0x129: {  	_ =	swait.ge [sflag:s30], $0x4000  }
0x12a: {  	[sflag:s30] =	ssyncset.done $0x0  }
0x12b: {  	[sflag:s30] =	ssyncadd.s32 $0xFFFFC000  }
0x12c: {  	_ =	swait.ge [sflag:s30], $0x4000  }
0x12d: {  	[sflag:s30] =	ssyncset.done $0x0  }
0x12e: {  	[sflag:s30] =	ssyncadd.s32 $0xFFFFC000  }
0x12f: {  	_ =	swait.ge [sflag:s30], $0x4000  }
0x130: {  	[sflag:s30] =	ssyncset.done $0x0  }
0x131: {  	s31 =	simm.s32 $0x0;
	[sflag:s30] =	ssyncadd.s32 $0xFFFFC000  }
0x132: {  	v12 =	vld [tilespmem:s31+$0x8DB0]  }
0x133: {  	v47 =	vld [tilespmem:s31+$0x4DB0]  }
0x134: {  	v3 =	vld [tilespmem:s31+$0xDB0]  }
0x135: {  	v51 =	vld [tilespmem:s31+$0x8DA0]  }
0x136: {  	v31 =	vld [tilespmem:s31+$0x8D30]  }
0x137: {  	v14 =	vld [tilespmem:s31+$0x4DA0]  }
0x138: {  	v17 =	vld [tilespmem:s31+$0xDA0]  }
0x139: {  	v18 =	vld [tilespmem:s31+$0x8D90]  }
0x13a: {  	v23 =	vld [tilespmem:s31+$0x8D80]  }
0x13b: {  	v24 =	vld [tilespmem:s31+$0x4D30]  }
0x13c: {  	v33 =	vld [tilespmem:s31+$0xD30]  }
0x13d: {  	v35 =	vld [tilespmem:s31+$0x8D20]  }
0x13e: {  	v36 =	vld [tilespmem:s31+$0x8CB0]  }
0x13f: {  	v25 =	vld [tilespmem:s31+$0x4D90]  }
0x140: {  	v27 =	vld [tilespmem:s31+$0xD90]  }
0x141: {  	v29 =	vld [tilespmem:s31+$0x4D80]  }
0x142: {  	v32 =	vld [tilespmem:s31+$0xD80]  }
0x143: {  	v38 =	vld [tilespmem:s31+$0x4D20]  }
0x144: {  	v49 =	vld [tilespmem:s31+$0xD20]  }
0x145: {  	v50 =	vld [tilespmem:s31+$0x8D10]  }
0x146: {  	v52 =	vld [tilespmem:s31+$0x8D00]  }
0x147: {  	v53 =	vld [tilespmem:s31+$0x4CB0]  }
0x148: {  	v56 =	vld [tilespmem:s31+$0xCB0]  }
0x149: {  	v28 =	vld [tilespmem:s31+$0x8CA0]  }
0x14a: {  	v61 =	vld [tilespmem:s31+$0x8C30]  }
0x14b: {  	v58 =	vld [tilespmem:s31+$0x4D10]  }
0x14c: {  	v0 =	vld [tilespmem:s31+$0xD10]  }
0x14d: {  	v1 =	vld [tilespmem:s31+$0x4D00]  }
0x14e: {  	v9 =	vld [tilespmem:s31+$0xD00]  }
0x14f: {  	v15 =	vld [tilespmem:s31+$0x4CA0]  }
0x150: {  	v13 =	vld [tilespmem:s31+$0xCA0]  }
0x151: {  	v26 =	vld [tilespmem:s31+$0x8C90]  }
0x152: {  	v22 =	vld [tilespmem:s31+$0x8C80]  }
0x153: {  	v34 =	vld [tilespmem:s31+$0x4C30]  }
0x154: {  	v30 =	vld [tilespmem:s31+$0xC30]  }
0x155: {  	v37 =	vld [tilespmem:s31+$0x8C20]  }
0x156: {  	v2 =	vld [tilespmem:s31+$0x8BB0]  }
0x157: {  	v11 =	vld [tilespmem:s31+$0x4C90]  }
0x158: {  	v10 =	vld [tilespmem:s31+$0xC90]  }
0x159: {  	v8 =	vld [tilespmem:s31+$0x4C80]  }
0x15a: {  	v5 =	vld [tilespmem:s31+$0xC80]  }
0x15b: {  	v19 =	vld [tilespmem:s31+$0x4C20]  }
0x15c: {  	v16 =	vld [tilespmem:s31+$0xC20]  }
0x15d: {  	v21 =	vld [tilespmem:s31+$0x8C10]  }
0x15e: {  	v20 =	vld [tilespmem:s31+$0x8C00]  }
0x15f: {  	v45 =	vld [tilespmem:s31+$0x4BB0]  }
0x160: {  	v44 =	vld [tilespmem:s31+$0xBB0]  }
0x161: {  	v7 =	vld [tilespmem:s31+$0x4C10]  }
0x162: {  	v6 =	vld [tilespmem:s31+$0xC10]  }
0x163: {  	v4 =	vld [tilespmem:s31+$0x4C00]  }
0x164: {  	v42 =	vld [tilespmem:s31+$0x4BA0]  }
0x165: {  	v54 =	vld [tilespmem:s31+$0xBA0]  }
0x166: {  	v39 =	vld [tilespmem:s31+$0x8B90]  }
0x167: {  	v55 =	vld [tilespmem:s31+$0x8B80]  }
0x168: {  	v57 =	vld [tilespmem:s31+$0x4B30]  }
0x169: {  	v59 =	vld [tilespmem:s31+$0xB30]  }
0x16a: {  	v40 =	vld [tilespmem:s31+$0xB80]  }
0x16b: {  	v60 =	vld [tilespmem:s31+$0x8B20]  }
0x16c: {  	v62 =	vld [tilespmem:s31+$0x8AB0]  }
0x16d: {  	v46 =	vld [tilespmem:s31+$0x4B20]  }
0x16e: {  	v48 =	vld [tilespmem:s31+$0xB20]  }
0x16f: {  	v63 =	vld [tilespmem:s31+$0x8B10]  }
0x170: {  	v43 =	vld [tilespmem:s31+$0x8B00]  }
0x171: {  	v41 =	vld [tilespmem:s31+$0x4B10]  }
0x172: {  	[tilespmem:$0x1FBE0] =	vst v2;
	v2 =	vld [tilespmem:s31+$0x8BA0]  }
0x173: {  	[tilespmem:$0x1FC00] =	vst v55;
	v55 =	vld [tilespmem:s31+$0x4B90]  }
0x174: {  	[tilespmem:$0x1FC40] =	vst v57;
	v57 =	vld [tilespmem:s31+$0xB90]  }
0x175: {  	[tilespmem:$0x1FC50] =	vst v59;
	v59 =	vld [tilespmem:s31+$0x4B80]  }
0x176: {  	[tilespmem:$0x1FC60] =	vst v60;
	v60 =	vld [tilespmem:s31+$0x4AB0]  }
0x177: {  	[tilespmem:$0x1FCF0] =	vst v62;
	v62 =	vld [tilespmem:s31+$0xAB0]  }
0x178: {  	[tilespmem:$0x1FC30] =	vst v63;
	v63 =	vld [tilespmem:s31+$0x8AA0]  }
0x179: {  	[tilespmem:$0x1FC20] =	vst v43;
	v43 =	vld [tilespmem:s31+$0x8A30]  }
0x17a: {  	[tilespmem:$0x1FC10] =	vst v39;
	v39 =	vld [tilespmem:s31+$0xB00]  }
0x17b: {  	v25 =	vadd.f32 v25, v27;
	v27 =	vld [tilespmem:s31+$0x89B0]  }
0x17c: {  	v17 =	vadd.f32 v14, v17;
	v14 =	vld [tilespmem:s31+$0x4A90]  }
0x17d: {  	v3 =	vadd.f32 v47, v3;
	v47 =	vld [tilespmem:s31+$0x4A80]  }
0x17e: {  	v29 =	vadd.f32 v29, v32;
	v32 =	vld [tilespmem:s31+$0x8A00]  }
0x17f: {  	v1 =	vadd.f32 v1, v9;
	v9 =	vadd.f32 v38, v49;
	v49 =	vld [tilespmem:s31+$0x8930]  }
0x180: {  	v0 =	vadd.f32 v58, v0;
	v58 =	vld [tilespmem:s31+$0xA10]  }
0x181: {  	v24 =	vadd.f32 v24, v33;
	v33 =	vld [tilespmem:s31+$0x49A0]  }
0x182: {  	v5 =	vadd.f32 v8, v5;
	v8 =	vadd.f32 v11, v10;
	v38 =	vld [tilespmem:s31+$0x8980]  }
0x183: {  	v11 =	vadd.f32 v34, v30;
	v30 =	vadd.f32 v46, v48;
	v46 =	vld [tilespmem:s31+$0x8880]  }
0x184: {  	v17 =	vsub.f32 v17, v51;
	v51 =	vld [tilespmem:s31+$0xA80]  }
0x185: {  	v18 =	vsub.f32 v25, v18;
	v25 =	vld [tilespmem:s31+$0x4A20]  }
0x186: {  	v1 =	vsub.f32 v1, v52;
	v52 =	vld [tilespmem:s31+$0x4A10]  }
0x187: {  	v9 =	vsub.f32 v9, v35;
	v35 =	vld [tilespmem:s31+$0x8990]  }
0x188: {  	v13 =	vadd.f32 v15, v13;
	v5 =	vsub.f32 v5, v22;
	v22 =	vld [tilespmem:s31+$0x8920]  }
0x189: {  	v11 =	vsub.f32 v11, v61;
	v61 =	vld [tilespmem:$0x1FFD0]  }
0x18a: {  	v10 =	vsub.f32 v13, v28;
	v28 =	vld [tilespmem:s31+$0x4900]  }
0x18b: {  	[tilespmem:$0x1FCC0] =	vst v60;
	v60 =	vld [tilespmem:s31+$0xAA0]  }
0x18c: {  	v3 =	vsub.f32 v3, v12;
	v12 =	vmul.f32 v17, v17;
	v17 =	vld [tilespmem:s31+$0x49B0]  }
0x18d: {  	[tilespmem:$0x1FBF0] =	vst v2;
	v2 =	vld [tilespmem:s31+$0x8B30]  }
0x18e: {  	[tilespmem:$0x1FCD0] =	vst v62;
	v62 =	vld [tilespmem:s31+$0xB10]  }
0x18f: {  	[tilespmem:$0x1FCE0] =	vst v63;
	v63 =	vld [tilespmem:s31+$0x4B00]  }
0x190: {  	[tilespmem:$0x1FC90] =	vst v60;
	v60 =	vld [tilespmem:s31+$0x8A90]  }
0x191: {  	[tilespmem:$0x1FD30] =	vst v43;
	v43 =	vld [tilespmem:s31+$0x4AA0]  }
0x192: {  	v0 =	vsub.f32 v0, v50;
	[tilespmem:$0x1FD50] =	vst v27;
	v27 =	vsub.f32 v29, v23;
	v23 =	vld [tilespmem:s31+$0xA90]  }
0x193: {  	v29 =	vld [tilespmem:s31+$0xA20]  }
0x194: {  	v1 =	vmul.f32 v1, v1;
	v0 =	vmul.f32 v0, v0;
	[tilespmem:$0x1FD60] =	vst v49;
	v49 =	vld [tilespmem:s31+$0x4920]  }
0x195: {  	[tilespmem:$0x1FCB0] =	vst v60;
	v60 =	vld [tilespmem:s31+$0x8A80]  }
0x196: {  	v9 =	vmul.f32 v9, v9;
	v0 =	vadd.f32 v0, v1;
	v1 =	vsub.f32 v24, v31;
	v31 =	vld [tilespmem:s31+$0x900]  }
0x197: {  	v18 =	vmul.f32 v18, v18;
	v27 =	vmul.f32 v27, v27;
	v52 =	vadd.f32 v52, v58;
	v58 =	vld [tilespmem:$0x1FD30]  }
0x198: {  	v0 =	vadd.f32 v9, v0;
	v9 =	vmul.f32 v1, v1;
	v1 =	vld [tilespmem:s31+$0xA00]  }
0x199: {  	v18 =	vadd.f32 v18, v27;
	v27 =	vld [tilespmem:s31+$0x8A10]  }
0x19a: {  	[tilespmem:$0x1FCA0] =	vst v60;
	v60 =	vld [tilespmem:s31+$0x4A30]  }
0x19b: {  	[tilespmem:$0x1FD40] =	vst v17;
	v17 =	vld [tilespmem:s31+$0x89A0]  }
0x19c: {  	[tilespmem:$0x1FC70] =	vst v2;
	v2 =	vld [tilespmem:s31+$0xC00]  }
0x19d: {  	v0 =	vadd.f32 v9, v0;
	v9 =	vld [tilespmem:s31+$0x4930]  }
0x19e: {  	[tilespmem:$0x1FC80] =	vst v43;
	v43 =	vld [tilespmem:$0x1FFE0]  }
0x19f: {  	[tilespmem:$0x1FD00] =	vst v60;
	v60 =	vld [tilespmem:s31+$0xA30]  }
0x1a0: {  	v8 =	vsub.f32 v8, v26;
	v26 =	vadd.f32 v41, v62;
	v62 =	vld [tilespmem:$0x1FC50]  }
0x1a1: {  	v41 =	vld [tilespmem:s31+$0x4830]  }
0x1a2: {  	v25 =	vadd.f32 v25, v29;
	v29 =	vld [tilespmem:s31+$0x47B0]  }
0x1a3: {  	v3 =	vmul.f32 v3, v3;
	v12 =	vadd.f32 v12, v18;
	v18 =	vld [tilespmem:s31+$0x9B0]  }
0x1a4: {  	[tilespmem:$0x1FD10] =	vst v60;
	v60 =	vld [tilespmem:s31+$0x8A20]  }
0x1a5: {  	v3 =	vadd.f32 v3, v12;
	v12 =	vadd.f32 v53, v56;
	v53 =	vld [tilespmem:s31+$0x920]  }
0x1a6: {  	v56 =	vld [tilespmem:s31+$0x8900]  }
0x1a7: {  	v12 =	vsub.f32 v12, v36;
	v36 =	vld [tilespmem:s31+$0x9A0]  }
0x1a8: {  	v2 =	vadd.f32 v4, v2;
	v4 =	vadd.f32 v7, v6;
	v7 =	vmul.f32 v8, v8;
	v8 =	vld [tilespmem:s31+$0x930]  }
0x1a9: {  	v5 =	vmul.f32 v5, v5;
	[tilespmem:$0x1FD20] =	vst v60;
	v60 =	vld [tilespmem:$0x1FFC0]  }
0x1aa: {  	v6 =	vadd.f32 v19, v16;
	v16 =	vld [tilespmem:s31+$0x980];
	v2 =	vsub.f32 v2, v20  }
0x1ab: {  	v4 =	vsub.f32 v4, v21;
	v5 =	vadd.f32 v7, v5;
	v7 =	vmul.f32 v10, v10;
	v10 =	vld [tilespmem:s31+$0x88B0]  }
0x1ac: {  	v19 =	vadd.f32 v55, v57;
	v55 =	vld [tilespmem:$0x1FC20]  }
0x1ad: {  	v57 =	vld [tilespmem:$0x1FC30];
	v6 =	vsub.f32 v6, v37;
	v2 =	vmul.f32 v2, v2;
	v4 =	vmul.f32 v4, v4  }
0x1ae: {  	v28 =	vadd.f32 v28, v31;
	v20 =	vld [tilespmem:$0x1FBF0];
	v5 =	vadd.f32 v7, v5;
	v50 =	vperm.xlane v3, v60  }
0x1af: {  	v21 =	vld [tilespmem:s31+$0x910];
	v7 =	vmul.f32 v12, v12;
	v6 =	vmul.f32 v6, v6;
	v2 =	vadd.f32 v4, v2  }
0x1b0: {  	v37 =	vld [tilespmem:s31+$0x8820];
	v31 =	vadd.f32 v49, v53;
	[tilespmem:$0x1FD70] =	vst v10;
	v10 =	vperm.xlane v0, v60;
	v24 =	vadd.f32 v3, v50  }
0x1b1: {  	v49 =	vld [tilespmem:s31+$0x4780];
	v5 =	vadd.f32 v7, v5;
	v2 =	vadd.f32 v6, v2  }
0x1b2: {  	v6 =	vmul.f32 v11, v11;
	v11 =	vld [tilespmem:s31+$0x4980];
	v7 =	vadd.f32 v0, v10;
	v10 =	vperm.xlane v24, v61  }
0x1b3: {  	v28 =	vsub.f32 v28, v56;
	v56 =	vld [tilespmem:s31+$0x4690]  }
0x1b4: {  	v26 =	vsub.f32 v26, v57;
	v57 =	vld [tilespmem:$0x1FCE0];
	v13 =	vperm.xlane v7, v61;
	v10 =	vadd.f32 v24, v10  }
0x1b5: {  	v22 =	vsub.f32 v31, v22;
	v31 =	vld [tilespmem:$0x1FD60];
	v2 =	vadd.f32 v6, v2  }
0x1b6: {  	v4 =	vld [tilespmem:s31+$0x4990];
	v12 =	vperm.xlane v5, v60;
	v6 =	vadd.f32 v7, v13;
	v7 =	vperm.xlane v10, v43  }
0x1b7: {  	v11 =	vadd.f32 v11, v16;
	v16 =	vadd.f32 v33, v36;
	v33 =	vld [tilespmem:s31+$0x8790]  }
0x1b8: {  	v36 =	vld [tilespmem:s31+$0x730];
	v5 =	vadd.f32 v5, v12;
	v7 =	vadd.f32 v10, v7  }
0x1b9: {  	v11 =	vsub.f32 v11, v38;
	v38 =	vld [tilespmem:s31+$0x8780];
	v12 =	vperm.xlane v2, v60  }
0x1ba: {  	v16 =	vsub.f32 v16, v17;
	v17 =	vld [tilespmem:s31+$0x4730];
	v10 =	vperm.xlane v6, v43;
	[tilespmem:$0x1FD90] =	vst v7;
	v7 =	vperm.xlane v5, v61  }
0x1bb: {  	v3 =	vld [tilespmem:s31+$0x4A00];
	v12 =	vadd.f32 v2, v12  }
0x1bc: {  	v0 =	vld [tilespmem:s31+$0x990];
	v15 =	vadd.f32 v5, v7;
	v5 =	vadd.f32 v6, v10  }
0x1bd: {  	v50 =	vld [tilespmem:s31+$0x8910]  }
0x1be: {  	v7 =	vperm.xlane v12, v61;
	[tilespmem:$0x1FD80] =	vst v5;
	v5 =	vld [tilespmem:$0x1FBE0]  }
0x1bf: {  	v2 =	vld [tilespmem:s31+$0x48B0]  }
0x1c0: {  	v7 =	vadd.f32 v12, v7;
	v12 =	vld [tilespmem:$0x1FC00]  }
0x1c1: {  	v13 =	vadd.f32 v45, v44;
	v24 =	vld [tilespmem:s31+$0x8B0]  }
0x1c2: {  	v44 =	vld [tilespmem:s31+$0x8A0];
	v0 =	vadd.f32 v4, v0  }
0x1c3: {  	v45 =	vld [tilespmem:s31+$0x830];
	v10 =	vsub.f32 v13, v5;
	v13 =	vadd.f32 v59, v40  }
0x1c4: {  	v1 =	vadd.f32 v3, v1;
	v3 =	vld [tilespmem:s31+$0x8800]  }
0x1c5: {  	v0 =	vsub.f32 v0, v35;
	v12 =	vsub.f32 v13, v12;
	v13 =	vld [tilespmem:$0x1FC10]  }
0x1c6: {  	v6 =	vadd.f32 v42, v54;
	v54 =	vld [tilespmem:s31+$0x8830]  }
0x1c7: {  	v11 =	vmul.f32 v11, v11;
	v4 =	vld [tilespmem:s31+$0x47A0];
	v0 =	vmul.f32 v0, v0  }
0x1c8: {  	v1 =	vsub.f32 v1, v32;
	v32 =	vld [tilespmem:s31+$0x7B0]  }
0x1c9: {  	v41 =	vadd.f32 v41, v45;
	v0 =	vadd.f32 v0, v11;
	v11 =	vmul.f32 v16, v16;
	v16 =	vld [tilespmem:s31+$0x8720]  }
0x1ca: {  	v6 =	vsub.f32 v6, v20;
	v20 =	vld [tilespmem:s31+$0x4910];
	v48 =	vperm.xlane v7, v43;
	v13 =	vsub.f32 v19, v13  }
0x1cb: {  	v41 =	vsub.f32 v41, v54;
	v54 =	vld [tilespmem:s31+$0x8680]  }
0x1cc: {  	v7 =	vadd.f32 v7, v48;
	v48 =	vld [tilespmem:s31+$0x880];
	v12 =	vmul.f32 v12, v12;
	v13 =	vmul.f32 v13, v13  }
0x1cd: {  	v59 =	vld [tilespmem:$0x1FC40]  }
0x1ce: {  	v12 =	vadd.f32 v13, v12;
	v13 =	vld [tilespmem:$0x1FC60]  }
0x1cf: {  	v5 =	vld [tilespmem:s31+$0x88A0];
	v20 =	vadd.f32 v20, v21;
	v19 =	vadd.f32 v63, v39  }
0x1d0: {  	v21 =	vld [tilespmem:s31+$0x86B0]  }
0x1d1: {  	v6 =	vmul.f32 v6, v6;
	v20 =	vsub.f32 v20, v50;
	v50 =	vld [tilespmem:s31+$0x4720];
	v19 =	vsub.f32 v19, v55  }
0x1d2: {  	v26 =	vmul.f32 v26, v26;
	v10 =	vmul.f32 v10, v10;
	v34 =	vadd.f32 v59, v62;
	v59 =	vld [tilespmem:s31+$0x8890]  }
0x1d3: {  	v39 =	vld [tilespmem:s31+$0x48A0];
	v19 =	vmul.f32 v19, v19;
	v12 =	vadd.f32 v6, v12;
	v13 =	vsub.f32 v30, v13  }
0x1d4: {  	v30 =	vld [tilespmem:$0x1FC70]  }
0x1d5: {  	v19 =	vadd.f32 v26, v19;
	v26 =	vld [tilespmem:$0x1FCC0];
	v10 =	vadd.f32 v10, v12;
	v13 =	vmul.f32 v13, v13  }
0x1d6: {  	v63 =	vperm.xlane v15, v43;
	v12 =	vadd.f32 v14, v23;
	v23 =	vld [tilespmem:$0x1FC90]  }
0x1d7: {  	v55 =	vperm.xlane v10, v60;
	v13 =	vadd.f32 v13, v19;
	v19 =	vld [tilespmem:$0x1FC80]  }
0x1d8: {  	v6 =	vadd.f32 v15, v63;
	v15 =	vadd.f32 v47, v51;
	v51 =	vld [tilespmem:s31+$0x4800]  }
0x1d9: {  	v10 =	vadd.f32 v10, v55;
	v55 =	vld [tilespmem:$0x1FD00];
	v30 =	vsub.f32 v34, v30  }
0x1da: {  	v34 =	vld [tilespmem:s31+$0x87B0]  }
0x1db: {  	v14 =	vmul.f32 v30, v30;
	v30 =	vld [tilespmem:$0x1FCD0]  }
0x1dc: {  	v19 =	vadd.f32 v19, v23;
	v23 =	vld [tilespmem:$0x1FCA0]  }
0x1dd: {  	v13 =	vadd.f32 v14, v13;
	v14 =	vld [tilespmem:$0x1FCB0]  }
0x1de: {  	v42 =	vsub.f32 v19, v57;
	v19 =	vld [tilespmem:$0x1FCF0]  }
0x1df: {  	v57 =	vld [tilespmem:$0x1FD10]  }
0x1e0: {  	v26 =	vadd.f32 v26, v30;
	v30 =	vld [tilespmem:s31+$0x4880]  }
0x1e1: {  	v62 =	vperm.xlane v13, v60;
	v15 =	vsub.f32 v15, v23;
	v23 =	vld [tilespmem:s31+$0x4890]  }
0x1e2: {  	v12 =	vsub.f32 v12, v14;
	v14 =	vld [tilespmem:s31+$0x890]  }
0x1e3: {  	v40 =	vadd.f32 v13, v62;
	v63 =	vsub.f32 v26, v19;
	v19 =	vld [tilespmem:s31+$0x4820]  }
0x1e4: {  	v27 =	vsub.f32 v52, v27;
	v8 =	vadd.f32 v9, v8;
	v26 =	vld [tilespmem:s31+$0x820]  }
0x1e5: {  	v13 =	vmul.f32 v42, v42;
	v62 =	vperm.xlane v40, v61;
	v42 =	vadd.f32 v55, v57;
	v55 =	vld [tilespmem:s31+$0x4810]  }
0x1e6: {  	v31 =	vsub.f32 v8, v31;
	v15 =	vmul.f32 v15, v15;
	v12 =	vmul.f32 v12, v12;
	v57 =	vld [tilespmem:s31+$0x810]  }
0x1e7: {  	v17 =	vadd.f32 v17, v36;
	v40 =	vadd.f32 v40, v62;
	v62 =	vld [tilespmem:$0x1FD40]  }
0x1e8: {  	v27 =	vmul.f32 v27, v27;
	v30 =	vadd.f32 v30, v48;
	v48 =	vld [tilespmem:s31+$0x700];
	v12 =	vadd.f32 v12, v15  }
0x1e9: {  	v1 =	vmul.f32 v1, v1;
	v24 =	vadd.f32 v2, v24;
	v39 =	vadd.f32 v39, v44;
	v15 =	vld [tilespmem:s31+$0x8810]  }
0x1ea: {  	v42 =	vsub.f32 v42, v58;
	v58 =	vld [tilespmem:$0x1FD50];
	v12 =	vadd.f32 v13, v12;
	v13 =	vmul.f32 v63, v63  }
0x1eb: {  	v1 =	vadd.f32 v27, v1;
	v14 =	vadd.f32 v23, v14;
	v23 =	vld [tilespmem:s31+$0x4630]  }
0x1ec: {  	v5 =	vsub.f32 v39, v5;
	v47 =	vadd.f32 v13, v12;
	v12 =	vld [tilespmem:$0x1FD20]  }
0x1ed: {  	v20 =	vmul.f32 v20, v20;
	v30 =	vsub.f32 v30, v46;
	v46 =	vld [tilespmem:s31+$0x4710];
	v14 =	vsub.f32 v14, v59  }
0x1ee: {  	v63 =	vperm.xlane v10, v61;
	v53 =	vadd.f32 v55, v57;
	v55 =	vld [tilespmem:s31+$0x4620];
	v18 =	vadd.f32 v62, v18  }
0x1ef: {  	v29 =	vadd.f32 v29, v32;
	v30 =	vmul.f32 v30, v30;
	v57 =	vld [tilespmem:s31+$0x690];
	v14 =	vmul.f32 v14, v14  }
0x1f0: {  	v5 =	vmul.f32 v5, v5;
	v13 =	vld [tilespmem:s31+$0x87A0];
	v10 =	vadd.f32 v10, v63;
	v18 =	vsub.f32 v18, v58  }
0x1f1: {  	v27 =	vperm.xlane v47, v60;
	v14 =	vadd.f32 v14, v30;
	v30 =	vld [tilespmem:s31+$0x46A0];
	v25 =	vsub.f32 v25, v12  }
0x1f2: {  	v0 =	vadd.f32 v11, v0;
	v35 =	vperm.xlane v10, v43;
	v11 =	vmul.f32 v18, v18;
	v18 =	vld [tilespmem:s31+$0x4790]  }
0x1f3: {  	v19 =	vadd.f32 v19, v26;
	v27 =	vadd.f32 v47, v27;
	v47 =	vld [tilespmem:s31+$0x790];
	v25 =	vmul.f32 v25, v25  }
0x1f4: {  	v8 =	vadd.f32 v10, v35;
	v35 =	vld [tilespmem:s31+$0x8710];
	v0 =	vadd.f32 v11, v0;
	v11 =	vmul.f32 v28, v28  }
0x1f5: {  	v15 =	vsub.f32 v53, v15;
	v28 =	vld [tilespmem:s31+$0x780];
	v1 =	vadd.f32 v25, v1;
	v25 =	vmul.f32 v42, v42  }
0x1f6: {  	v52 =	vperm.xlane v27, v61;
	v11 =	vadd.f32 v20, v11;
	v20 =	vmul.f32 v22, v22;
	v42 =	vld [tilespmem:s31+$0x800]  }
0x1f7: {  	v12 =	vld [tilespmem:s31+$0x8730];
	v5 =	vadd.f32 v5, v14;
	v22 =	vperm.xlane v0, v60;
	v1 =	vadd.f32 v25, v1  }
0x1f8: {  	v31 =	vmul.f32 v31, v31;
	v14 =	vld [tilespmem:s31+$0x8690];
	v27 =	vadd.f32 v27, v52;
	v20 =	vadd.f32 v20, v11  }
0x1f9: {  	v18 =	vadd.f32 v18, v47;
	v0 =	vadd.f32 v0, v22;
	v25 =	vld [tilespmem:s31+$0x7A0];
	v63 =	vperm.xlane v1, v60  }
0x1fa: {  	v52 =	vld [tilespmem:s31+$0x720];
	v28 =	vadd.f32 v49, v28;
	v20 =	vadd.f32 v31, v20  }
0x1fb: {  	v22 =	vld [tilespmem:s31+$0x8700];
	v26 =	vadd.f32 v51, v42;
	v1 =	vadd.f32 v1, v63;
	v63 =	vperm.xlane v27, v43  }
0x1fc: {  	v18 =	vsub.f32 v18, v33;
	v31 =	vld [tilespmem:s31+$0x6B0];
	v28 =	vsub.f32 v28, v38;
	v58 =	vperm.xlane v20, v60  }
0x1fd: {  	v3 =	vsub.f32 v26, v3;
	v26 =	vld [tilespmem:s31+$0x620];
	v11 =	vadd.f32 v27, v63;
	v27 =	vperm.xlane v0, v61  }
0x1fe: {  	v18 =	vmul.f32 v18, v18;
	v20 =	vadd.f32 v20, v58;
	v58 =	vld [tilespmem:s31+$0x4680];
	v4 =	vadd.f32 v4, v25  }
0x1ff: {  	v25 =	vmul.f32 v28, v28;
	v28 =	vld [tilespmem:s31+$0x4610];
	v9 =	vperm.xlane v1, v61;
	v0 =	vadd.f32 v0, v27  }
0x200: {  	v12 =	vsub.f32 v17, v12;
	v4 =	vsub.f32 v4, v13;
	v13 =	vld [tilespmem:s31+$0x610]  }
0x201: {  	v17 =	vadd.f32 v18, v25;
	v18 =	vld [tilespmem:s31+$0x4600];
	v1 =	vadd.f32 v1, v9;
	v2 =	vperm.xlane v0, v43  }
0x202: {  	v29 =	vsub.f32 v29, v34;
	v25 =	vld [tilespmem:s31+$0x600];
	v9 =	vperm.xlane v40, v43  }
0x203: {  	v15 =	vmul.f32 v15, v15;
	v62 =	vperm.xlane v1, v43;
	v2 =	vadd.f32 v0, v2;
	v0 =	vld [tilespmem:$0x1FD70]  }
0x204: {  	v59 =	vadd.f32 v50, v52;
	v3 =	vmul.f32 v3, v3;
	v10 =	vadd.f32 v40, v9;
	v9 =	vld [tilespmem:s31+$0x46B0]  }
0x205: {  	v19 =	vsub.f32 v19, v37;
	v4 =	vmul.f32 v4, v4;
	v1 =	vadd.f32 v1, v62;
	v62 =	vld [tilespmem:s31+$0x4700]  }
0x206: {  	v16 =	vsub.f32 v59, v16;
	v63 =	vperm.xlane v20, v61;
	v3 =	vadd.f32 v15, v3;
	v15 =	vld [tilespmem:s31+$0x680]  }
0x207: {  	v40 =	vld [tilespmem:s31+$0x710];
	v26 =	vadd.f32 v55, v26;
	v4 =	vadd.f32 v4, v17  }
0x208: {  	v24 =	vsub.f32 v24, v0;
	v0 =	vadd.f32 v20, v63;
	v20 =	vld [tilespmem:s31+$0x6A0]  }
0x209: {  	v27 =	vld [tilespmem:s31+$0x630];
	v18 =	vadd.f32 v18, v25;
	v9 =	vadd.f32 v9, v31  }
0x20a: {  	v13 =	vadd.f32 v28, v13;
	v31 =	vadd.f32 v62, v48;
	v63 =	vld [tilespmem:s31+$0x8610]  }
0x20b: {  	v15 =	vadd.f32 v58, v15;
	v9 =	vsub.f32 v9, v21;
	v21 =	vld [tilespmem:s31+$0x8600]  }
0x20c: {  	v62 =	vadd.f32 v46, v40;
	v22 =	vsub.f32 v31, v22;
	v31 =	vld [tilespmem:s31+$0x86A0]  }
0x20d: {  	v40 =	vadd.f32 v56, v57;
	v20 =	vadd.f32 v30, v20;
	v30 =	vld [tilespmem:s31+$0x8620]  }
0x20e: {  	v19 =	vmul.f32 v19, v19;
	v23 =	vadd.f32 v23, v27;
	v15 =	vsub.f32 v15, v54  }
0x20f: {  	v16 =	vmul.f32 v16, v16;
	v25 =	vld [tilespmem:s31+$0x8630];
	v27 =	vsub.f32 v62, v35;
	v14 =	vsub.f32 v40, v14  }
0x210: {  	v15 =	vmul.f32 v15, v15;
	v18 =	vsub.f32 v18, v21;
	v13 =	vsub.f32 v13, v63  }
0x211: {  	v14 =	vmul.f32 v14, v14;
	v22 =	vmul.f32 v22, v22;
	v20 =	vsub.f32 v20, v31  }
0x212: {  	v18 =	vmul.f32 v18, v18;
	v13 =	vmul.f32 v13, v13;
	v26 =	vsub.f32 v26, v30  }
0x213: {  	v21 =	vmul.f32 v27, v27;
	v14 =	vadd.f32 v14, v15;
	v20 =	vmul.f32 v20, v20  }
0x214: {  	v23 =	vsub.f32 v23, v25;
	v13 =	vadd.f32 v13, v18;
	v18 =	vmul.f32 v26, v26  }
0x215: {  	v9 =	vmul.f32 v9, v9;
	v15 =	vadd.f32 v21, v22;
	v14 =	vadd.f32 v20, v14  }
0x216: {  	v3 =	vadd.f32 v19, v3;
	v13 =	vadd.f32 v18, v13;
	v18 =	vmul.f32 v23, v23  }
0x217: {  	v12 =	vmul.f32 v12, v12;
	v15 =	vadd.f32 v16, v15;
	v9 =	vadd.f32 v9, v14  }
0x218: {  	v24 =	vmul.f32 v24, v24;
	v14 =	vmul.f32 v29, v29;
	v13 =	vadd.f32 v18, v13  }
0x219: {  	v12 =	vadd.f32 v12, v15;
	v15 =	vmul.f32 v41, v41;
	v17 =	vperm.xlane v9, v60  }
0x21a: {  	v42 =	vperm.xlane v0, v43;
	v4 =	vadd.f32 v14, v4;
	v16 =	vperm.xlane v13, v60  }
0x21b: {  	v3 =	vadd.f32 v15, v3;
	v14 =	vperm.xlane v12, v60;
	v9 =	vadd.f32 v9, v17  }
0x21c: {  	v5 =	vadd.f32 v24, v5;
	v15 =	vperm.xlane v4, v60;
	v13 =	vadd.f32 v13, v16  }
0x21d: {  	v12 =	vadd.f32 v12, v14;
	v14 =	vperm.xlane v3, v60;
	v18 =	vperm.xlane v9, v61  }
0x21e: {  	v4 =	vadd.f32 v4, v15;
	v16 =	vperm.xlane v5, v60;
	v17 =	vperm.xlane v13, v61  }
0x21f: {  	v15 =	vperm.xlane v12, v61;
	v3 =	vadd.f32 v3, v14;
	v9 =	vadd.f32 v9, v18  }
0x220: {  	v47 =	vld [tilespmem:$0x1FFF0];
	v14 =	vperm.xlane v4, v61;
	v5 =	vadd.f32 v5, v16;
	v13 =	vadd.f32 v13, v17  }
0x221: {  	v12 =	vadd.f32 v12, v15;
	v15 =	vperm.xlane v3, v61;
	v18 =	vperm.xlane v9, v43  }
0x222: {  	v4 =	vadd.f32 v4, v14;
	v16 =	vperm.xlane v5, v61;
	v17 =	vperm.xlane v13, v43  }
0x223: {  	v14 =	vperm.xlane v12, v43;
	v3 =	vadd.f32 v3, v15;
	v9 =	vadd.f32 v9, v18  }
0x224: {  	v15 =	vperm.xlane v4, v43;
	v5 =	vadd.f32 v5, v16;
	v13 =	vadd.f32 v13, v17  }
0x225: {  	v12 =	vadd.f32 v12, v14;
	v14 =	vperm.xlane v3, v43;
	v18 =	vperm.xlane v9, v47  }
0x226: {  	v4 =	vadd.f32 v4, v15;
	v16 =	vperm.xlane v5, v43;
	v17 =	vperm.xlane v13, v47  }
0x227: {  	v15 =	vperm.xlane v12, v47;
	v3 =	vadd.f32 v3, v14;
	v9 =	vadd.f32 v9, v18  }
0x228: {  	v14 =	vperm.xlane v4, v47;
	v5 =	vadd.f32 v5, v16;
	v13 =	vadd.f32 v13, v17  }
0x229: {  	v0 =	vadd.f32 v0, v42;
	v12 =	vadd.f32 v12, v15;
	v15 =	vperm.xlane v3, v47  }
0x22a: {  	v4 =	vadd.f32 v4, v14;
	v9 =	vsel vm0, v13, v9;
	v13 =	vperm.xlane v5, v47  }
0x22b: {  	v3 =	vadd.f32 v3, v15;
	v9 =	vsel vm1, v9, v12;
	v12 =	vperm.xlane v0, v47  }
0x22c: {  	v4 =	vsel vm2, v9, v4;
	v5 =	vadd.f32 v5, v13;
	v9 =	vperm.xlane v2, v47  }
0x22d: {  	v3 =	vsel vm3, v4, v3;
	v0 =	vadd.f32 v0, v12;
	v4 =	vperm.xlane v1, v47  }
0x22e: {  	v3 =	vsel vm4, v3, v5;
	v2 =	vadd.f32 v2, v9;
	v5 =	vperm.xlane v11, v47  }
0x22f: {  	v0 =	vsel vm5, v3, v0;
	v1 =	vadd.f32 v1, v4;
	v3 =	vperm.xlane v10, v47  }
0x230: {  	v0 =	vsel vm6, v0, v2;
	v2 =	vadd.f32 v11, v5  }
0x231: {  	v0 =	vsel vm7, v0, v1;
	v1 =	vadd.f32 v10, v3;
	v3 =	vperm.xlane v7, v47  }
0x232: {  	v0 =	vsel vm8, v0, v2  }
0x233: {  	v0 =	vsel vm9, v0, v1;
	v1 =	vadd.f32 v7, v3;
	v7 =	vld [tilespmem:$0x1FD80]  }
0x234: {  	v5 =	vld [tilespmem:$0x1FD90]  }
0x235: {  	v4 =	vperm.xlane v8, v47;
	_ =	sdelay $0x1  }
0x236: {  	v2 =	vadd.f32 v8, v4;
	v4 =	vperm.xlane v6, v47  }
0x237: {  	v3 =	vperm.xlane v7, v47  }
0x238: {  	v0 =	vsel vm10, v0, v2;
	v2 =	vadd.f32 v6, v4;
	v4 =	vperm.xlane v5, v47  }
0x239: {  	v0 =	vsel vm11, v0, v1;
	v1 =	vadd.f32 v7, v3  }
0x23a: {  	v0 =	vsel vm12, v0, v2;
	v2 =	vadd.f32 v5, v4  }
0x23b: {  	v0 =	vsel vm13, v0, v1  }
0x23c: {  	v0 =	vsel vm14, v0, v2  }
0x23d: {  	v1 =	vshra.s32 v0, $0x1;
	v2 =	vmul.f32 $5.000000000e-01, v0  }
0x23e: {  	v1 =	vsub.s32 $0x5F3759DF, v1  }
0x23f: {  	v3 =	vmul.f32 v1, v2;
	_ =	sdelay $0x1  }
0x240: {  	v3 =	vmul.f32 v1, v3;
	_ =	sdelay $0x1  }
0x241: {  	v3 =	vsub.f32 $1.500000000e+00, v3;
	_ =	sdelay $0x1  }
0x242: {  	v1 =	vmul.f32 v1, v3;
	_ =	sdelay $0x1  }
0x243: {  	v3 =	vmul.f32 v1, v2;
	_ =	sdelay $0x1  }
0x244: {  	v3 =	vmul.f32 v3, v1;
	_ =	sdelay $0x1  }
0x245: {  	v3 =	vsub.f32 $1.500000000e+00, v3;
	_ =	sdelay $0x1  }
0x246: {  	v1 =	vmul.f32 v3, v1;
	_ =	sdelay $0x1  }
0x247: {  	v2 =	vmul.f32 v1, v2;
	_ =	sdelay $0x1  }
0x248: {  	v2 =	vmul.f32 v2, v1;
	_ =	sdelay $0x1  }
0x249: {  	v2 =	vsub.f32 $1.500000000e+00, v2;
	_ =	sdelay $0x1  }
0x24a: {  	v1 =	vmul.f32 v2, v1;
	_ =	sdelay $0x1  }
0x24b: {  	s1 =	sld [smem:$0x7F4];
	v1 =	vmul.f32 v1, v0  }
0x24c: {  	vm15 =	vgt.f32 v0, $0.0e+00  }
0x24d: {  	v0 =	vnsel vm15, $0x0, v1  }
0x24e: {  	s19 =	simm.s32 $0x800;
	[tilespmem:s1+$0x0] =	vst v0  }
0x24f: {  	v21 =	vld [tilespmem:s19+$0x8DB0]  }
0x250: {  	v10 =	vld [tilespmem:s19+$0x4DB0]  }
0x251: {  	v7 =	vld [tilespmem:s19+$0xDB0]  }
0x252: {  	v9 =	vld [tilespmem:s19+$0x8DA0]  }
0x253: {  	v33 =	vld [tilespmem:s19+$0x8D30]  }
0x254: {  	v49 =	vld [tilespmem:s19+$0x4DA0]  }
0x255: {  	v14 =	vld [tilespmem:s19+$0xDA0]  }
0x256: {  	v16 =	vld [tilespmem:s19+$0x8D90]  }
0x257: {  	v19 =	vld [tilespmem:s19+$0x8D80]  }
0x258: {  	v27 =	vld [tilespmem:s19+$0x4D30]  }
0x259: {  	v30 =	vld [tilespmem:s19+$0xD30]  }
0x25a: {  	v36 =	vld [tilespmem:s19+$0x8D20]  }
0x25b: {  	v37 =	vld [tilespmem:s19+$0x8CB0]  }
0x25c: {  	v23 =	vld [tilespmem:s19+$0x4D90]  }
0x25d: {  	v24 =	vld [tilespmem:s19+$0xD90]  }
0x25e: {  	v25 =	vld [tilespmem:s19+$0x4D80]  }
0x25f: {  	v28 =	vld [tilespmem:s19+$0xD80]  }
0x260: {  	v46 =	vld [tilespmem:s19+$0x4D20]  }
0x261: {  	v50 =	vld [tilespmem:s19+$0xD20]  }
0x262: {  	v51 =	vld [tilespmem:s19+$0x8D10]  }
0x263: {  	v52 =	vld [tilespmem:s19+$0x8D00]  }
0x264: {  	v57 =	vld [tilespmem:s19+$0x4CB0]  }
0x265: {  	v58 =	vld [tilespmem:s19+$0xCB0]  }
0x266: {  	v32 =	vld [tilespmem:s19+$0x8CA0]  }
0x267: {  	v44 =	vld [tilespmem:s19+$0x8C30]  }
0x268: {  	v62 =	vld [tilespmem:s19+$0x4D10]  }
0x269: {  	v1 =	vld [tilespmem:s19+$0xD10]  }
0x26a: {  	v13 =	vld [tilespmem:s19+$0x4D00]  }
0x26b: {  	v0 =	vld [tilespmem:s19+$0xD00]  }
0x26c: {  	v17 =	vld [tilespmem:s19+$0x4CA0]  }
0x26d: {  	v15 =	vld [tilespmem:s19+$0xCA0]  }
0x26e: {  	v31 =	vld [tilespmem:s19+$0x8C90]  }
0x26f: {  	v20 =	vld [tilespmem:s19+$0x8C80]  }
0x270: {  	v35 =	vld [tilespmem:s19+$0x4C30]  }
0x271: {  	v34 =	vld [tilespmem:s19+$0xC30]  }
0x272: {  	v38 =	vld [tilespmem:s19+$0x8C20]  }
0x273: {  	v2 =	vld [tilespmem:s19+$0x8BB0]  }
0x274: {  	v12 =	vld [tilespmem:s19+$0x4C90]  }
0x275: {  	v11 =	vld [tilespmem:s19+$0xC90]  }
0x276: {  	v5 =	vld [tilespmem:s19+$0x4C80]  }
0x277: {  	v4 =	vld [tilespmem:s19+$0xC80]  }
0x278: {  	v29 =	vld [tilespmem:s19+$0x4C20]  }
0x279: {  	v26 =	vld [tilespmem:s19+$0xC20]  }
0x27a: {  	v22 =	vld [tilespmem:s19+$0x8C10]  }
0x27b: {  	v18 =	vld [tilespmem:s19+$0x8C00]  }
0x27c: {  	v45 =	vld [tilespmem:s19+$0xBB0]  }
0x27d: {  	v8 =	vld [tilespmem:s19+$0x4C10]  }
0x27e: {  	v6 =	vld [tilespmem:s19+$0xC10]  }
0x27f: {  	v3 =	vld [tilespmem:s19+$0x4C00]  }
0x280: {  	v53 =	vld [tilespmem:s19+$0x4BA0]  }
0x281: {  	v54 =	vld [tilespmem:s19+$0xBA0]  }
0x282: {  	v48 =	vld [tilespmem:s19+$0x8B90]  }
0x283: {  	v55 =	vld [tilespmem:s19+$0x8B80]  }
0x284: {  	v56 =	vld [tilespmem:s19+$0x4B30]  }
0x285: {  	v59 =	vld [tilespmem:s19+$0xB30]  }
0x286: {  	v42 =	vld [tilespmem:s19+$0xB80]  }
0x287: {  	v63 =	vld [tilespmem:s19+$0x8B20]  }
0x288: {  	[tilespmem:$0x1FDD0] =	vst v2;
	v2 =	vld [tilespmem:s19+$0x4BB0]  }
0x289: {  	v41 =	vld [tilespmem:s19+$0x4B10]  }
0x28a: {  	v40 =	vld [tilespmem:s19+$0x4B00]  }
0x28b: {  	v39 =	vld [tilespmem:s19+$0xB00]  }
0x28c: {  	[tilespmem:$0x1FDF0] =	vst v55;
	v55 =	vld [tilespmem:s19+$0x4B90];
	v25 =	vadd.f32 v25, v28;
	v23 =	vadd.f32 v23, v24  }
0x28d: {  	v14 =	vadd.f32 v49, v14;
	v7 =	vadd.f32 v10, v7;
	[tilespmem:$0x1FDB0] =	vst v2;
	v2 =	vld [tilespmem:s19+$0x8BA0]  }
0x28e: {  	[tilespmem:$0x1FE50] =	vst v56;
	v56 =	vld [tilespmem:s19+$0xB90];
	v0 =	vadd.f32 v13, v0;
	v1 =	vadd.f32 v62, v1  }
0x28f: {  	[tilespmem:$0x1FE60] =	vst v59;
	v59 =	vld [tilespmem:s19+$0x4B80];
	v15 =	vadd.f32 v17, v15;
	v4 =	vadd.f32 v5, v4  }
0x290: {  	[tilespmem:$0x1FE00] =	vst v48;
	v48 =	vld [tilespmem:s19+$0x8AB0];
	v5 =	vadd.f32 v12, v11;
	v19 =	vsub.f32 v25, v19  }
0x291: {  	[tilespmem:$0x1FE70] =	vst v63;
	v63 =	vld [tilespmem:s19+$0x4B20];
	v16 =	vsub.f32 v23, v16;
	v9 =	vsub.f32 v14, v9  }
0x292: {  	v7 =	vsub.f32 v7, v21;
	v0 =	vsub.f32 v0, v52;
	[tilespmem:$0x1FDE0] =	vst v2;
	v2 =	vld [tilespmem:s19+$0x8B30]  }
0x293: {  	v24 =	vld [tilespmem:s19+$0x4A80];
	v1 =	vsub.f32 v1, v51;
	v10 =	vmul.f32 v19, v19;
	v14 =	vmul.f32 v16, v16  }
0x294: {  	v49 =	vld [tilespmem:s19+$0xA80];
	v4 =	vsub.f32 v4, v20;
	v19 =	vadd.f32 v46, v50  }
0x295: {  	v21 =	vld [tilespmem:s19+$0x8930];
	v5 =	vsub.f32 v5, v31;
	v9 =	vmul.f32 v9, v9;
	v10 =	vadd.f32 v14, v10  }
0x296: {  	v0 =	vmul.f32 v0, v0;
	v1 =	vmul.f32 v1, v1;
	[tilespmem:$0x1FF20] =	vst v48;
	v48 =	vld [tilespmem:s19+$0xB20];
	v19 =	vsub.f32 v19, v36  }
0x297: {  	v7 =	vmul.f32 v7, v7;
	v9 =	vadd.f32 v9, v10;
	v10 =	vadd.f32 v27, v30;
	[tilespmem:$0x1FE80] =	vst v2;
	v2 =	vld [tilespmem:s19+$0xC00]  }
0x298: {  	v28 =	vld [tilespmem:s19+$0x8A00];
	v4 =	vmul.f32 v4, v4;
	v5 =	vmul.f32 v5, v5;
	v0 =	vadd.f32 v1, v0  }
0x299: {  	v13 =	vld [tilespmem:s19+$0x49B0];
	v7 =	vadd.f32 v7, v9;
	v9 =	vsub.f32 v10, v33;
	v10 =	vmul.f32 v19, v19  }
0x29a: {  	v62 =	vld [tilespmem:s19+$0x4A00];
	v11 =	vsub.f32 v15, v32  }
0x29b: {  	v17 =	vld [tilespmem:s19+$0x980];
	v4 =	vadd.f32 v5, v4;
	[tilespmem:$0x1FF90] =	vst v21;
	v0 =	vadd.f32 v10, v0;
	v9 =	vmul.f32 v9, v9  }
0x29c: {  	v21 =	vadd.f32 v57, v58;
	[tilespmem:$0x1FE40] =	vst v48;
	v48 =	vld [tilespmem:s19+$0x8B00];
	v2 =	vadd.f32 v3, v2  }
0x29d: {  	v23 =	vld [tilespmem:s19+$0x4A20];
	v3 =	vadd.f32 v9, v0;
	v0 =	vadd.f32 v8, v6  }
0x29e: {  	v25 =	vld [tilespmem:s19+$0x8A10];
	v21 =	vsub.f32 v21, v37;
	v6 =	vadd.f32 v29, v26;
	v8 =	vmul.f32 v11, v11  }
0x29f: {  	v15 =	vld [tilespmem:s19+$0x88B0];
	v2 =	vsub.f32 v2, v18;
	v0 =	vsub.f32 v0, v22  }
0x2a0: {  	v51 =	vld [tilespmem:s19+$0x920];
	v11 =	vadd.f32 v35, v34;
	v4 =	vadd.f32 v8, v4;
	v8 =	vmul.f32 v21, v21  }
0x2a1: {  	[tilespmem:$0x1FE10] =	vst v48;
	v48 =	vld [tilespmem:s19+$0xAB0];
	v6 =	vsub.f32 v6, v38;
	v2 =	vmul.f32 v2, v2;
	v0 =	vmul.f32 v0, v0  }
0x2a2: {  	v52 =	vld [tilespmem:s19+$0x8910];
	v12 =	vperm.xlane v7, v60;
	v11 =	vsub.f32 v11, v44  }
0x2a3: {  	v31 =	vld [tilespmem:$0x1FE60];
	v4 =	vadd.f32 v8, v4;
	v6 =	vmul.f32 v6, v6;
	v2 =	vadd.f32 v0, v2  }
0x2a4: {  	v32 =	vld [tilespmem:s19+$0x820];
	v7 =	vadd.f32 v7, v12;
	v12 =	vperm.xlane v3, v60  }
0x2a5: {  	v16 =	vld [tilespmem:s19+$0x9B0];
	v2 =	vadd.f32 v6, v2;
	v6 =	vmul.f32 v11, v11;
	v11 =	vperm.xlane v4, v60  }
0x2a6: {  	[tilespmem:$0x1FF00] =	vst v48;
	v48 =	vld [tilespmem:s19+$0x8A30];
	v3 =	vadd.f32 v3, v12;
	v12 =	vperm.xlane v7, v61  }
0x2a7: {  	v2 =	vadd.f32 v6, v2;
	v6 =	vadd.f32 v4, v11;
	v4 =	vld [tilespmem:s19+$0x48B0]  }
0x2a8: {  	v50 =	vld [tilespmem:s19+$0x4A10];
	v7 =	vadd.f32 v7, v12  }
0x2a9: {  	v46 =	vld [tilespmem:s19+$0x4920]  }
0x2aa: {  	[tilespmem:$0x1FE30] =	vst v63;
	v63 =	vld [tilespmem:s19+$0x8B10];
	v11 =	vperm.xlane v7, v43  }
0x2ab: {  	[tilespmem:$0x1FF70] =	vst v48;
	v48 =	vld [tilespmem:s19+$0x4AA0]  }
0x2ac: {  	v14 =	vld [tilespmem:s19+$0x89A0];
	[tilespmem:$0x1FFA0] =	vst v4;
	v4 =	vadd.f32 v7, v11  }
0x2ad: {  	v1 =	vld [tilespmem:s19+$0xA00]  }
0x2ae: {  	[tilespmem:$0x1FDA0] =	vst v4;
	v4 =	vld [tilespmem:$0x1FDB0]  }
0x2af: {  	v36 =	vld [tilespmem:s19+$0x8990]  }
0x2b0: {  	[tilespmem:$0x1FED0] =	vst v48;
	v48 =	vld [tilespmem:s19+$0xAA0]  }
0x2b1: {  	v5 =	vld [tilespmem:s19+$0x8920]  }
0x2b2: {  	[tilespmem:$0x1FF30] =	vst v23;
	v23 =	vld [tilespmem:s19+$0xA20]  }
0x2b3: {  	v12 =	vperm.xlane v3, v61;
	v7 =	vadd.f32 v4, v45;
	v4 =	vld [tilespmem:$0x1FDD0]  }
0x2b4: {  	v57 =	vld [tilespmem:s19+$0xA10]  }
0x2b5: {  	v3 =	vadd.f32 v3, v12;
	[tilespmem:$0x1FEE0] =	vst v48;
	v48 =	vld [tilespmem:s19+$0x8A90]  }
0x2b6: {  	v58 =	vld [tilespmem:s19+$0x8900]  }
0x2b7: {  	[tilespmem:$0x1FFB0] =	vst v15;
	v15 =	vld [tilespmem:s19+$0x8B0];
	v11 =	vperm.xlane v3, v43  }
0x2b8: {  	v7 =	vsub.f32 v7, v4;
	v4 =	vld [tilespmem:$0x1FDE0]  }
0x2b9: {  	v27 =	vld [tilespmem:s19+$0x49A0];
	v3 =	vadd.f32 v3, v11  }
0x2ba: {  	[tilespmem:$0x1FEC0] =	vst v48;
	v48 =	vld [tilespmem:s19+$0x8A80]  }
0x2bb: {  	v30 =	vld [tilespmem:s19+$0x9A0];
	[tilespmem:$0x1FDC0] =	vst v3;
	v3 =	vadd.f32 v53, v54  }
0x2bc: {  	[tilespmem:$0x1FE20] =	vst v63;
	v63 =	vld [tilespmem:s19+$0x4AB0]  }
0x2bd: {  	v3 =	vsub.f32 v3, v4;
	v4 =	vld [tilespmem:$0x1FDF0]  }
0x2be: {  	v37 =	vld [tilespmem:s19+$0x8980]  }
0x2bf: {  	[tilespmem:$0x1FEB0] =	vst v48;
	v48 =	vld [tilespmem:s19+$0x4A30]  }
0x2c0: {  	v19 =	vld [tilespmem:s19+$0x4990];
	v11 =	vadd.f32 v59, v42  }
0x2c1: {  	[tilespmem:$0x1FEF0] =	vst v63;
	v63 =	vld [tilespmem:s19+$0x8AA0]  }
0x2c2: {  	v11 =	vsub.f32 v11, v4;
	v4 =	vld [tilespmem:$0x1FE00]  }
0x2c3: {  	v33 =	vld [tilespmem:s19+$0x48A0]  }
0x2c4: {  	[tilespmem:$0x1FF40] =	vst v48;
	v48 =	vld [tilespmem:s19+$0xA30]  }
0x2c5: {  	v20 =	vadd.f32 v55, v56;
	v10 =	vld [tilespmem:s19+$0x4930]  }
0x2c6: {  	[tilespmem:$0x1FF10] =	vst v63;
	v63 =	vld [tilespmem:s19+$0xB10]  }
0x2c7: {  	v20 =	vsub.f32 v20, v4;
	v4 =	vld [tilespmem:$0x1FE10]  }
0x2c8: {  	v9 =	vld [tilespmem:s19+$0x930]  }
0x2c9: {  	[tilespmem:$0x1FF50] =	vst v48;
	v48 =	vld [tilespmem:s19+$0x8A20]  }
0x2ca: {  	v35 =	vld [tilespmem:s19+$0x8890];
	v21 =	vadd.f32 v40, v39  }
0x2cb: {  	v34 =	vld [tilespmem:s19+$0x4830];
	v12 =	vperm.xlane v2, v60  }
0x2cc: {  	v21 =	vsub.f32 v21, v4;
	v4 =	vld [tilespmem:$0x1FE20]  }
0x2cd: {  	v22 =	vld [tilespmem:s19+$0x910];
	v2 =	vadd.f32 v2, v12  }
0x2ce: {  	[tilespmem:$0x1FF60] =	vst v48;
	v48 =	vld [tilespmem:s19+$0x89B0]  }
0x2cf: {  	v39 =	vld [tilespmem:s19+$0x4900];
	v29 =	vadd.f32 v41, v63;
	v26 =	vperm.xlane v2, v61  }
0x2d0: {  	v38 =	vld [tilespmem:s19+$0x8A0]  }
0x2d1: {  	v2 =	vadd.f32 v2, v26;
	v26 =	vsub.f32 v29, v4;
	v4 =	vld [tilespmem:$0x1FE30]  }
0x2d2: {  	v11 =	vmul.f32 v11, v11;
	v20 =	vmul.f32 v20, v20;
	v29 =	vld [tilespmem:$0x1FE40]  }
0x2d3: {  	[tilespmem:$0x1FF80] =	vst v48;
	v48 =	vld [tilespmem:s19+$0x4A90]  }
0x2d4: {  	v11 =	vadd.f32 v20, v11;
	v20 =	vmul.f32 v21, v21;
	v21 =	vmul.f32 v26, v26;
	v26 =	vld [tilespmem:$0x1FE70]  }
0x2d5: {  	v40 =	vld [tilespmem:s19+$0x830]  }
0x2d6: {  	v44 =	vld [tilespmem:s19+$0x4880]  }
0x2d7: {  	v29 =	vadd.f32 v4, v29;
	v4 =	vld [tilespmem:$0x1FE50]  }
0x2d8: {  	v18 =	vperm.xlane v6, v61;
	[tilespmem:$0x1FEA0] =	vst v48;
	v48 =	vld [tilespmem:s19+$0xA90]  }
0x2d9: {  	v26 =	vsub.f32 v29, v26;
	v29 =	vld [tilespmem:$0x1FE80]  }
0x2da: {  	v8 =	vld [tilespmem:s19+$0x4980];
	v6 =	vadd.f32 v6, v18;
	v3 =	vmul.f32 v3, v3  }
0x2db: {  	v63 =	vld [tilespmem:s19+$0x890];
	v41 =	vadd.f32 v62, v1;
	v20 =	vadd.f32 v21, v20;
	v21 =	vmul.f32 v26, v26  }
0x2dc: {  	v1 =	vld [tilespmem:$0x1FF30];
	v3 =	vadd.f32 v3, v11;
	v11 =	vperm.xlane v6, v43;
	v31 =	vadd.f32 v4, v31  }
0x2dd: {  	v7 =	vmul.f32 v7, v7;
	v20 =	vadd.f32 v21, v20;
	v21 =	vld [tilespmem:$0x1FEB0]  }
0x2de: {  	v59 =	vadd.f32 v6, v11;
	v11 =	vld [tilespmem:$0x1FEA0];
	[tilespmem:$0x1FE90] =	vst v48;
	v29 =	vsub.f32 v31, v29;
	v31 =	vperm.xlane v2, v43  }
0x2df: {  	v3 =	vadd.f32 v7, v3;
	v6 =	vld [tilespmem:$0x1FE90]  }
0x2e0: {  	v7 =	vld [tilespmem:$0x1FEC0];
	v53 =	vadd.f32 v2, v31;
	v2 =	vadd.f32 v24, v49  }
0x2e1: {  	v24 =	vld [tilespmem:$0x1FEE0]  }
0x2e2: {  	v2 =	vsub.f32 v2, v21;
	v21 =	vld [tilespmem:$0x1FED0]  }
0x2e3: {  	v0 =	vld [tilespmem:s19+$0x990]  }
0x2e4: {  	v50 =	vadd.f32 v50, v57;
	v57 =	vld [tilespmem:$0x1FF70];
	v11 =	vadd.f32 v11, v6  }
0x2e5: {  	v34 =	vadd.f32 v34, v40;
	v40 =	vld [tilespmem:s19+$0x700]  }
0x2e6: {  	v7 =	vsub.f32 v11, v7;
	v11 =	vmul.f32 v29, v29;
	v29 =	vld [tilespmem:$0x1FF00]  }
0x2e7: {  	v8 =	vadd.f32 v8, v17;
	v21 =	vadd.f32 v21, v24;
	v24 =	vld [tilespmem:$0x1FEF0]  }
0x2e8: {  	v0 =	vadd.f32 v19, v0;
	v19 =	vld [tilespmem:s19+$0x4800]  }
0x2e9: {  	v8 =	vsub.f32 v8, v37;
	v37 =	vld [tilespmem:s19+$0x47A0]  }
0x2ea: {  	v0 =	vsub.f32 v0, v36;
	v36 =	vld [tilespmem:s19+$0x4700]  }
0x2eb: {  	v18 =	vld [tilespmem:s19+$0x4910]  }
0x2ec: {  	v27 =	vadd.f32 v27, v30;
	v29 =	vadd.f32 v24, v29;
	v24 =	vld [tilespmem:$0x1FF10]  }
0x2ed: {  	v12 =	vld [tilespmem:s19+$0x88A0]  }
0x2ee: {  	v14 =	vsub.f32 v27, v14;
	v42 =	vld [tilespmem:s19+$0x900]  }
0x2ef: {  	v54 =	vld [tilespmem:s19+$0x8830]  }
0x2f0: {  	v8 =	vmul.f32 v8, v8;
	v18 =	vadd.f32 v18, v22;
	v22 =	vmul.f32 v14, v14;
	v14 =	vld [tilespmem:s19+$0x86B0]  }
0x2f1: {  	v11 =	vadd.f32 v11, v20;
	v20 =	vperm.xlane v3, v60;
	v21 =	vsub.f32 v21, v24;
	v24 =	vld [tilespmem:$0x1FF20]  }
0x2f2: {  	v0 =	vmul.f32 v0, v0;
	v18 =	vsub.f32 v18, v52;
	v52 =	vld [tilespmem:s19+$0x780];
	v7 =	vmul.f32 v7, v7  }
0x2f3: {  	v45 =	vld [tilespmem:s19+$0x880];
	v2 =	vmul.f32 v2, v2;
	v3 =	vadd.f32 v3, v20;
	v20 =	vperm.xlane v11, v60  }
0x2f4: {  	v0 =	vadd.f32 v0, v8;
	v8 =	vadd.f32 v39, v42;
	v39 =	vld [tilespmem:s19+$0x730]  }
0x2f5: {  	v55 =	vld [tilespmem:$0x1FF50];
	v7 =	vadd.f32 v7, v2;
	v11 =	vadd.f32 v11, v20;
	v20 =	vmul.f32 v21, v21  }
0x2f6: {  	v27 =	vld [tilespmem:$0x1FF80];
	v56 =	vsub.f32 v29, v24  }
0x2f7: {  	v20 =	vadd.f32 v20, v7;
	v7 =	vld [tilespmem:$0x1FF40]  }
0x2f8: {  	v21 =	vadd.f32 v1, v23;
	v23 =	vsub.f32 v41, v28;
	v28 =	vmul.f32 v56, v56;
	v56 =	vld [tilespmem:$0x1FF60]  }
0x2f9: {  	v13 =	vadd.f32 v13, v16;
	v42 =	vld [tilespmem:s19+$0x4790]  }
0x2fa: {  	v25 =	vsub.f32 v50, v25;
	v8 =	vsub.f32 v8, v58;
	v58 =	vld [tilespmem:s19+$0x720]  }
0x2fb: {  	v13 =	vsub.f32 v13, v27;
	v27 =	vadd.f32 v46, v51;
	v46 =	vld [tilespmem:s19+$0x790]  }
0x2fc: {  	v25 =	vmul.f32 v25, v25;
	v51 =	vld [tilespmem:s19+$0x4780];
	v23 =	vmul.f32 v23, v23;
	v49 =	vadd.f32 v7, v55  }
0x2fd: {  	v48 =	vld [tilespmem:s19+$0x7B0];
	v20 =	vadd.f32 v28, v20;
	v28 =	vperm.xlane v11, v61;
	v50 =	vsub.f32 v21, v56  }
0x2fe: {  	v6 =	vld [tilespmem:s19+$0x87B0];
	v23 =	vadd.f32 v25, v23;
	v49 =	vsub.f32 v49, v57  }
0x2ff: {  	v26 =	vld [tilespmem:s19+$0x4890];
	v11 =	vadd.f32 v11, v28;
	v28 =	vperm.xlane v20, v60;
	v50 =	vmul.f32 v50, v50  }
0x300: {  	v4 =	vld [tilespmem:s19+$0x8880]  }
0x301: {  	v31 =	vld [tilespmem:s19+$0x8820];
	v20 =	vadd.f32 v20, v28;
	v28 =	vmul.f32 v49, v49;
	v17 =	vadd.f32 v50, v23  }
0x302: {  	v2 =	vld [tilespmem:s19+$0x8810]  }
0x303: {  	v1 =	vld [tilespmem:s19+$0x8800];
	v16 =	vperm.xlane v20, v61;
	v17 =	vadd.f32 v28, v17  }
0x304: {  	v41 =	vld [tilespmem:s19+$0x8720]  }
0x305: {  	v29 =	vld [tilespmem:s19+$0x4820];
	v16 =	vadd.f32 v20, v16;
	v20 =	vperm.xlane v17, v60  }
0x306: {  	v9 =	vadd.f32 v10, v9;
	v0 =	vadd.f32 v22, v0;
	v24 =	vld [tilespmem:s19+$0x47B0]  }
0x307: {  	v13 =	vmul.f32 v13, v13;
	v55 =	vperm.xlane v3, v61;
	v17 =	vadd.f32 v17, v20;
	v20 =	vld [tilespmem:$0x1FF90]  }
0x308: {  	v10 =	vmul.f32 v18, v18;
	v8 =	vmul.f32 v8, v8;
	v5 =	vsub.f32 v27, v5;
	v25 =	vld [tilespmem:s19+$0x4810]  }
0x309: {  	v0 =	vadd.f32 v13, v0;
	v7 =	vld [tilespmem:s19+$0x87A0];
	v3 =	vadd.f32 v3, v55;
	v13 =	vperm.xlane v17, v61  }
0x30a: {  	v10 =	vadd.f32 v10, v8;
	v55 =	vld [tilespmem:s19+$0x810]  }
0x30b: {  	v5 =	vmul.f32 v5, v5;
	v57 =	vld [tilespmem:s19+$0x4720];
	v18 =	vperm.xlane v3, v43;
	v13 =	vadd.f32 v17, v13  }
0x30c: {  	v21 =	vld [tilespmem:s19+$0x8730];
	v22 =	vperm.xlane v11, v43;
	v17 =	vperm.xlane v0, v60;
	v9 =	vsub.f32 v9, v20  }
0x30d: {  	v56 =	vld [tilespmem:s19+$0x4730];
	v8 =	vadd.f32 v3, v18;
	v3 =	vperm.xlane v16, v43;
	v27 =	vperm.xlane v13, v43  }
0x30e: {  	v49 =	vld [tilespmem:s19+$0x7A0];
	v30 =	vadd.f32 v0, v17;
	v0 =	vmul.f32 v9, v9;
	v9 =	vadd.f32 v11, v22  }
0x30f: {  	v18 =	vld [tilespmem:s19+$0x8700];
	v11 =	vadd.f32 v13, v27;
	v13 =	vadd.f32 v44, v45  }
0x310: {  	v5 =	vadd.f32 v5, v10;
	v23 =	vld [tilespmem:s19+$0x800];
	v10 =	vadd.f32 v16, v3  }
0x311: {  	v16 =	vadd.f32 v26, v63;
	v13 =	vsub.f32 v13, v4;
	v4 =	vld [tilespmem:$0x1FFA0]  }
0x312: {  	v50 =	vld [tilespmem:s19+$0x8780];
	v3 =	vadd.f32 v0, v5;
	v5 =	vperm.xlane v30, v61  }
0x313: {  	v28 =	vld [tilespmem:s19+$0x8790];
	v16 =	vsub.f32 v16, v35  }
0x314: {  	v35 =	vld [tilespmem:s19+$0x4610];
	v30 =	vadd.f32 v30, v5  }
0x315: {  	v62 =	vmov v43;
	v26 =	vadd.f32 v33, v38;
	v16 =	vmul.f32 v16, v16;
	v20 =	vld [tilespmem:s19+$0x46B0]  }
0x316: {  	v17 =	vld [tilespmem:s19+$0x8710];
	v13 =	vmul.f32 v13, v13;
	v4 =	vadd.f32 v4, v15;
	v15 =	vperm.xlane v30, v62  }
0x317: {  	v33 =	vsub.f32 v26, v12;
	v45 =	vld [tilespmem:s19+$0x6B0]  }
0x318: {  	v27 =	vperm.xlane v3, v60;
	v12 =	vadd.f32 v30, v15;
	v30 =	vadd.f32 v16, v13;
	v13 =	vld [tilespmem:$0x1FFB0]  }
0x319: {  	v22 =	vld [tilespmem:s19+$0x4710]  }
0x31a: {  	v0 =	vld [tilespmem:s19+$0x4630];
	v3 =	vadd.f32 v3, v27  }
0x31b: {  	v24 =	vadd.f32 v24, v48;
	v5 =	vld [tilespmem:s19+$0x630]  }
0x31c: {  	v25 =	vadd.f32 v25, v55;
	v27 =	vld [tilespmem:s19+$0x710];
	v38 =	vadd.f32 v20, v45;
	v15 =	vperm.xlane v3, v61  }
0x31d: {  	v20 =	vld [tilespmem:s19+$0x4600];
	v16 =	vsub.f32 v34, v54;
	v26 =	vsub.f32 v4, v13;
	v4 =	vmul.f32 v33, v33  }
0x31e: {  	v34 =	vld [tilespmem:s19+$0x46A0];
	v13 =	vadd.f32 v3, v15;
	v3 =	vadd.f32 v29, v32  }
0x31f: {  	v32 =	vld [tilespmem:s19+$0x6A0];
	v15 =	vadd.f32 v4, v30;
	v4 =	vadd.f32 v19, v23  }
0x320: {  	v2 =	vsub.f32 v25, v2;
	v25 =	vadd.f32 v42, v46;
	v33 =	vld [tilespmem:s19+$0x620]  }
0x321: {  	v19 =	vld [tilespmem:s19+$0x8690];
	v29 =	vsub.f32 v3, v31;
	v3 =	vsub.f32 v4, v1  }
0x322: {  	v2 =	vmul.f32 v2, v2;
	v23 =	vld [tilespmem:s19+$0x8680];
	v4 =	vadd.f32 v51, v52  }
0x323: {  	v31 =	vld [tilespmem:s19+$0x4690];
	v1 =	vsub.f32 v24, v6;
	v6 =	vsub.f32 v25, v28;
	v3 =	vmul.f32 v3, v3  }
0x324: {  	v28 =	vld [tilespmem:s19+$0x690];
	v24 =	vadd.f32 v37, v49;
	v4 =	vsub.f32 v4, v50  }
0x325: {  	v25 =	vld [tilespmem:s19+$0x4680];
	v2 =	vadd.f32 v2, v3;
	v3 =	vadd.f32 v56, v39  }
0x326: {  	v63 =	vadd.f32 v57, v58;
	v37 =	vld [tilespmem:s19+$0x680];
	v6 =	vmul.f32 v6, v6;
	v4 =	vmul.f32 v4, v4  }
0x327: {  	v7 =	vsub.f32 v24, v7;
	v3 =	vsub.f32 v3, v21;
	v21 =	vld [tilespmem:s19+$0x610]  }
0x328: {  	s21 =	simm.s32 $0x4000;
	s20 =	smov.u32 s1;
	v30 =	vld [tilespmem:s19+$0x4620];
	v4 =	vadd.f32 v6, v4;
	v6 =	vsub.f32 v63, v41  }
.LBB2_5:
0x329: {  	v24 =	vld [tilespmem:s19+$0x600];
	v36 =	vadd.f32 v36, v40;
	v22 =	vadd.f32 v22, v27  }
0x32a: {  	v27 =	vld [tilespmem:s19+$0x8610];
	v0 =	vadd.f32 v0, v5;
	v5 =	vsub.f32 v38, v14  }
0x32b: {  	v14 =	vld [tilespmem:s19+$0x8600];
	v32 =	vadd.f32 v34, v32;
	v25 =	vadd.f32 v25, v37  }
0x32c: {  	v26 =	vmul.f32 v26, v26;
	v56 =	vld [tilespmem:s19+$0x8620];
	v28 =	vadd.f32 v31, v28;
	v21 =	vadd.f32 v35, v21  }
0x32d: {  	v29 =	vmul.f32 v29, v29;
	v17 =	vsub.f32 v22, v17;
	v22 =	vadd.f32 v30, v33;
	v30 =	vld [tilespmem:s19+$0x86A0]  }
0x32e: {  	v7 =	vmul.f32 v7, v7;
	v20 =	vadd.f32 v20, v24;
	v24 =	vld [tilespmem:s19+$0x8630];
	v18 =	vsub.f32 v36, v18  }
0x32f: {  	v6 =	vmul.f32 v6, v6;
	v23 =	vsub.f32 v25, v23;
	v19 =	vsub.f32 v28, v19  }
0x330: {  	v17 =	vmul.f32 v17, v17;
	v14 =	vsub.f32 v20, v14;
	v20 =	vsub.f32 v21, v27  }
0x331: {  	v19 =	vmul.f32 v19, v19;
	v22 =	vsub.f32 v22, v56;
	v21 =	vmul.f32 v23, v23  }
0x332: {  	v23 =	vsub.f32 v32, v30;
	v14 =	vmul.f32 v14, v14;
	v20 =	vmul.f32 v20, v20  }
0x333: {  	v18 =	vmul.f32 v18, v18;
	v0 =	vsub.f32 v0, v24;
	v19 =	vadd.f32 v19, v21  }
0x334: {  	v23 =	vmul.f32 v23, v23;
	v14 =	vadd.f32 v20, v14;
	v20 =	vmul.f32 v22, v22  }
0x335: {  	v2 =	vadd.f32 v29, v2;
	v5 =	vmul.f32 v5, v5;
	v17 =	vadd.f32 v17, v18  }
0x336: {  	v0 =	vmul.f32 v0, v0;
	v14 =	vadd.f32 v20, v14;
	v18 =	vadd.f32 v23, v19  }
0x337: {  	v3 =	vmul.f32 v3, v3;
	v4 =	vadd.f32 v7, v4;
	v6 =	vadd.f32 v6, v17  }
0x338: {  	v1 =	vmul.f32 v1, v1;
	v0 =	vadd.f32 v0, v14;
	v5 =	vadd.f32 v5, v18  }
0x339: {  	v31 =	vperm.xlane v13, v62;
	v3 =	vadd.f32 v3, v6;
	v6 =	vmul.f32 v16, v16  }
0x33a: {  	v1 =	vadd.f32 v1, v4;
	v7 =	vperm.xlane v0, v60;
	v14 =	vperm.xlane v5, v60  }
0x33b: {  	v4 =	vperm.xlane v3, v60;
	v2 =	vadd.f32 v6, v2;
	v6 =	vadd.f32 v26, v15  }
0x33c: {  	v0 =	vadd.f32 v0, v7;
	v5 =	vadd.f32 v5, v14;
	v7 =	vperm.xlane v1, v60  }
0x33d: {  	v3 =	vadd.f32 v3, v4;
	v4 =	vperm.xlane v2, v60;
	v14 =	vperm.xlane v6, v60  }
0x33e: {  	v15 =	vperm.xlane v0, v61;
	v16 =	vperm.xlane v5, v61;
	v1 =	vadd.f32 v1, v7  }
0x33f: {  	v2 =	vadd.f32 v2, v4;
	v7 =	vperm.xlane v3, v61;
	v4 =	vadd.f32 v6, v14  }
0x340: {  	v0 =	vadd.f32 v0, v15;
	v5 =	vadd.f32 v5, v16;
	v6 =	vperm.xlane v1, v61  }
0x341: {  	v3 =	vadd.f32 v3, v7;
	v7 =	vperm.xlane v2, v61;
	v14 =	vperm.xlane v4, v61  }
0x342: {  	v15 =	vperm.xlane v0, v62;
	v16 =	vperm.xlane v5, v62;
	v1 =	vadd.f32 v1, v6  }
0x343: {  	v6 =	vperm.xlane v3, v62;
	v2 =	vadd.f32 v2, v7;
	v4 =	vadd.f32 v4, v14  }
0x344: {  	v0 =	vadd.f32 v0, v15;
	v5 =	vadd.f32 v5, v16;
	v7 =	vperm.xlane v1, v62  }
0x345: {  	v3 =	vadd.f32 v3, v6;
	v6 =	vperm.xlane v2, v62;
	v14 =	vperm.xlane v4, v62  }
0x346: {  	v15 =	vperm.xlane v0, v47;
	v16 =	vperm.xlane v5, v47;
	v1 =	vadd.f32 v1, v7  }
0x347: {  	v7 =	vperm.xlane v3, v47;
	v2 =	vadd.f32 v2, v6;
	v4 =	vadd.f32 v4, v14  }
0x348: {  	v0 =	vadd.f32 v0, v15;
	v5 =	vadd.f32 v5, v16;
	v6 =	vperm.xlane v1, v47  }
0x349: {  	v13 =	vadd.f32 v13, v31;
	v3 =	vadd.f32 v3, v7;
	v7 =	vperm.xlane v2, v47  }
0x34a: {  	v0 =	vsel vm0, v0, v5;
	v1 =	vadd.f32 v1, v6;
	v5 =	vperm.xlane v4, v47  }
0x34b: {  	v2 =	vadd.f32 v2, v7;
	v0 =	vsel vm1, v0, v3;
	v3 =	vperm.xlane v13, v47  }
0x34c: {  	v0 =	vsel vm2, v0, v1;
	v1 =	vadd.f32 v4, v5;
	v4 =	vperm.xlane v12, v47  }
0x34d: {  	v0 =	vsel vm3, v0, v2;
	v2 =	vadd.f32 v13, v3;
	v3 =	vperm.xlane v11, v47  }
0x34e: {  	v6 =	vld [tilespmem:$0x1FDC0];
	v0 =	vsel vm4, v0, v1;
	v1 =	vadd.f32 v12, v4;
	v4 =	vperm.xlane v10, v47  }
0x34f: {  	v5 =	vld [tilespmem:$0x1FDA0];
	v0 =	vsel vm5, v0, v2;
	v2 =	vadd.f32 v11, v3;
	v3 =	vperm.xlane v9, v47  }
0x350: {  	v0 =	vsel vm6, v0, v1;
	v1 =	vadd.f32 v10, v4;
	v4 =	vperm.xlane v8, v47  }
0x351: {  	v0 =	vsel vm7, v0, v2;
	v2 =	vadd.f32 v9, v3;
	v3 =	vperm.xlane v53, v47  }
0x352: {  	v0 =	vsel vm8, v0, v1;
	v1 =	vadd.f32 v8, v4;
	v4 =	vperm.xlane v59, v47  }
0x353: {  	v0 =	vsel vm9, v0, v2;
	v2 =	vadd.f32 v53, v3;
	v3 =	vperm.xlane v6, v47  }
0x354: {  	v0 =	vsel vm10, v0, v1;
	v1 =	vadd.f32 v59, v4;
	v4 =	vperm.xlane v5, v47  }
0x355: {  	v0 =	vsel vm11, v0, v2;
	v2 =	vadd.f32 v6, v3  }
0x356: {  	v0 =	vsel vm12, v0, v1;
	v1 =	vadd.f32 v5, v4  }
0x357: {  	v0 =	vsel vm13, v0, v2  }
0x358: {  	v0 =	vsel vm14, v0, v1  }
0x359: {  	v1 =	vshra.s32 v0, $0x1;
	v2 =	vmul.f32 $5.000000000e-01, v0  }
0x35a: {  	v1 =	vsub.s32 $0x5F3759DF, v1  }
0x35b: {  	v3 =	vmul.f32 v1, v2;
	_ =	sdelay $0x1  }
0x35c: {  	v3 =	vmul.f32 v1, v3;
	_ =	sdelay $0x1  }
0x35d: {  	v3 =	vsub.f32 $1.500000000e+00, v3;
	_ =	sdelay $0x1  }
0x35e: {  	v1 =	vmul.f32 v1, v3;
	_ =	sdelay $0x1  }
0x35f: {  	v3 =	vmul.f32 v1, v2;
	_ =	sdelay $0x1  }
0x360: {  	v3 =	vmul.f32 v3, v1;
	_ =	sdelay $0x1  }
0x361: {  	v3 =	vsub.f32 $1.500000000e+00, v3;
	_ =	sdelay $0x1  }
0x362: {  	v1 =	vmul.f32 v3, v1;
	_ =	sdelay $0x1  }
0x363: {  	v2 =	vmul.f32 v1, v2;
	_ =	sdelay $0x1  }
0x364: {  	v2 =	vmul.f32 v2, v1;
	_ =	sdelay $0x1  }
0x365: {  	v2 =	vsub.f32 $1.500000000e+00, v2;
	_ =	sdelay $0x1  }
0x366: {  	v1 =	vmul.f32 v2, v1;
	_ =	sdelay $0x1  }
0x367: {  	v1 =	vmul.f32 v1, v0  }
0x368: {  	vm15 =	vgt.f32 v0, $0.0e+00  }
0x369: {  	s20 =	sadd.s32 $0x10, s20;
	v0 =	vnsel vm15, $0x0, v1  }
0x36a: {  	s19 =	sshra.s32 s21, $0x2;
	[tilespmem:s20+$0x0] =	vst v0  }
0x36b: {  	v41 =	vld [tilespmem:s19+$0x8DB0]  }
0x36c: {  	v38 =	vld [tilespmem:s19+$0x4DB0]  }
0x36d: {  	v60 =	vld [tilespmem:s19+$0xDB0]  }
0x36e: {  	v35 =	vld [tilespmem:s19+$0x8DA0]  }
0x36f: {  	v40 =	vld [tilespmem:s19+$0x8D30]  }
0x370: {  	v55 =	vld [tilespmem:s19+$0x4DA0]  }
0x371: {  	v14 =	vld [tilespmem:s19+$0xDA0]  }
0x372: {  	v39 =	vld [tilespmem:s19+$0x8D90]  }
0x373: {  	v58 =	vld [tilespmem:s19+$0x8D80]  }
0x374: {  	v23 =	vld [tilespmem:s19+$0x4D30]  }
0x375: {  	v63 =	vld [tilespmem:s19+$0xD30]  }
0x376: {  	v31 =	vld [tilespmem:s19+$0x8D20]  }
0x377: {  	v36 =	vld [tilespmem:s19+$0x8CB0]  }
0x378: {  	v52 =	vld [tilespmem:s19+$0x4D90]  }
0x379: {  	v4 =	vld [tilespmem:s19+$0xD90]  }
0x37a: {  	v1 =	vld [tilespmem:s19+$0x4D80]  }
0x37b: {  	v0 =	vld [tilespmem:s19+$0xD80]  }
0x37c: {  	v18 =	vld [tilespmem:s19+$0x4D20]  }
0x37d: {  	v16 =	vld [tilespmem:s19+$0xD20]  }
0x37e: {  	v20 =	vld [tilespmem:s19+$0x8D10]  }
0x37f: {  	v17 =	vld [tilespmem:s19+$0x8D00]  }
0x380: {  	v43 =	vld [tilespmem:s19+$0x4CB0]  }
0x381: {  	v44 =	vld [tilespmem:s19+$0xCB0]  }
0x382: {  	v32 =	vld [tilespmem:s19+$0x8CA0]  }
0x383: {  	v2 =	vld [tilespmem:s19+$0x8C30]  }
0x384: {  	v8 =	vld [tilespmem:s19+$0x4D10]  }
0x385: {  	v6 =	vld [tilespmem:s19+$0xD10]  }
0x386: {  	v3 =	vld [tilespmem:s19+$0x4D00]  }
0x387: {  	v45 =	vld [tilespmem:s19+$0x4CA0]  }
0x388: {  	v50 =	vld [tilespmem:s19+$0xCA0]  }
0x389: {  	v24 =	vld [tilespmem:s19+$0x8C90]  }
0x38a: {  	v22 =	vld [tilespmem:s19+$0x8C80]  }
0x38b: {  	v33 =	vld [tilespmem:s19+$0x4C30]  }
0x38c: {  	v26 =	vld [tilespmem:s19+$0xC30]  }
0x38d: {  	v34 =	vld [tilespmem:s19+$0x8C20]  }
0x38e: {  	v5 =	vld [tilespmem:s19+$0x8BB0]  }
0x38f: {  	v15 =	vld [tilespmem:s19+$0x4C90]  }
0x390: {  	v13 =	vld [tilespmem:s19+$0xC90]  }
0x391: {  	v12 =	vld [tilespmem:s19+$0x4C80]  }
0x392: {  	v11 =	vld [tilespmem:s19+$0xC80]  }
0x393: {  	v21 =	vld [tilespmem:s19+$0x4C20]  }
0x394: {  	v19 =	vld [tilespmem:s19+$0xC20]  }
0x395: {  	v62 =	vld [tilespmem:s19+$0x8C10]  }
0x396: {  	v27 =	vld [tilespmem:s19+$0x8C00]  }
0x397: {  	v42 =	vld [tilespmem:s19+$0xBB0]  }
0x398: {  	v10 =	vld [tilespmem:s19+$0x4C10]  }
0x399: {  	v9 =	vld [tilespmem:s19+$0xC10]  }
0x39a: {  	v7 =	vld [tilespmem:s19+$0x4C00]  }
0x39b: {  	v46 =	vld [tilespmem:s19+$0x4BA0]  }
0x39c: {  	v48 =	vld [tilespmem:s19+$0xBA0]  }
0x39d: {  	v25 =	vld [tilespmem:s19+$0x8B90];
	v0 =	vadd.f32 v1, v0;
	v1 =	vadd.f32 v52, v4  }
0x39e: {  	v54 =	vld [tilespmem:s19+$0x4B90];
	v4 =	vadd.f32 v55, v14  }
0x39f: {  	v56 =	vld [tilespmem:s19+$0xB90];
	v0 =	vsub.f32 v0, v58;
	v1 =	vsub.f32 v1, v39  }
0x3a0: {  	[tilespmem:$0x1FA50] =	vst v5;
	v5 =	vld [tilespmem:s19+$0x4BB0];
	v14 =	vadd.f32 v38, v60  }
0x3a1: {  	v57 =	vld [tilespmem:s19+$0x4B80];
	v4 =	vsub.f32 v4, v35;
	v0 =	vmul.f32 v0, v0;
	v1 =	vmul.f32 v1, v1  }
0x3a2: {  	v59 =	vld [tilespmem:s19+$0xB80]  }
0x3a3: {  	[tilespmem:$0x1FA30] =	vst v2;
	v2 =	vld [tilespmem:s19+$0xD00];
	v0 =	vadd.f32 v1, v0;
	v1 =	vmul.f32 v4, v4;
	v4 =	vsub.f32 v14, v41  }
0x3a4: {  	v49 =	vld [tilespmem:s19+$0x4B20]  }
0x3a5: {  	[tilespmem:$0x1FA40] =	vst v5;
	v5 =	vld [tilespmem:s19+$0x8BA0];
	v0 =	vadd.f32 v1, v0;
	v1 =	vmul.f32 v4, v4  }
0x3a6: {  	v4 =	vld [tilespmem:s19+$0x49B0]  }
0x3a7: {  	v0 =	vadd.f32 v1, v0;
	v1 =	vld [tilespmem:s19+$0x89A0]  }
0x3a8: {  	v2 =	vadd.f32 v3, v2;
	v3 =	vadd.f32 v8, v6;
	v8 =	vld [tilespmem:$0x1FFC0]  }
0x3a9: {  	v53 =	vld [tilespmem:s19+$0xB20];
	v6 =	vadd.f32 v18, v16  }
0x3aa: {  	v2 =	vsub.f32 v2, v17;
	v3 =	vsub.f32 v3, v20;
	[tilespmem:$0x1FA60] =	vst v5;
	v5 =	vld [tilespmem:s19+$0x8B30]  }
0x3ab: {  	v37 =	vld [tilespmem:s19+$0x8B10];
	[tilespmem:$0x1FB90] =	vst v4;
	v4 =	vadd.f32 v23, v63  }
0x3ac: {  	v51 =	vld [tilespmem:s19+$0x8B00];
	[tilespmem:$0x1FBA0] =	vst v1;
	v1 =	vmul.f32 v2, v2;
	v2 =	vmul.f32 v3, v3;
	v3 =	vsub.f32 v6, v31  }
0x3ad: {  	v30 =	vld [tilespmem:s19+$0x4B10];
	v8 =	vperm.xlane v0, v8  }
0x3ae: {  	v61 =	vld [tilespmem:s19+$0x4AA0];
	v4 =	vsub.f32 v4, v40;
	v2 =	vadd.f32 v2, v1;
	v3 =	vmul.f32 v3, v3  }
0x3af: {  	[tilespmem:$0x1FAC0] =	vst v5;
	v5 =	vld [tilespmem:s19+$0xC00]  }
0x3b0: {  	v29 =	vld [tilespmem:s19+$0xB10];
	v14 =	vadd.f32 v0, v8;
	v4 =	vmul.f32 v4, v4;
	v2 =	vadd.f32 v3, v2  }
0x3b1: {  	v28 =	vld [tilespmem:s19+$0x4B00];
	v8 =	vadd.f32 v12, v11;
	v11 =	vadd.f32 v15, v13  }
0x3b2: {  	[tilespmem:$0x1FA80] =	vst v25;
	v25 =	vld [tilespmem:s19+$0x8B80];
	v0 =	vadd.f32 v45, v50;
	v4 =	vadd.f32 v4, v2  }
0x3b3: {  	[tilespmem:$0x1FAD0] =	vst v61;
	v61 =	vld [tilespmem:s19+$0xAA0];
	v2 =	vsub.f32 v8, v22;
	v8 =	vsub.f32 v11, v24  }
0x3b4: {  	v52 =	vld [tilespmem:s19+$0x4A90];
	v0 =	vsub.f32 v0, v32;
	v5 =	vadd.f32 v7, v5  }
0x3b5: {  	v55 =	vld [tilespmem:s19+$0xA90];
	v7 =	vadd.f32 v10, v9;
	v2 =	vmul.f32 v2, v2;
	v9 =	vmul.f32 v8, v8  }
0x3b6: {  	v60 =	vld [tilespmem:s19+$0xA80]  }
0x3b7: {  	v38 =	vld [tilespmem:s19+$0x8A10];
	v0 =	vmul.f32 v0, v0;
	v2 =	vadd.f32 v9, v2  }
0x3b8: {  	v58 =	vld [tilespmem:s19+$0x4A80]  }
0x3b9: {  	v0 =	vadd.f32 v0, v2;
	v2 =	vld [tilespmem:$0x1FFC0]  }
0x3ba: {  	[tilespmem:$0x1FA70] =	vst v25;
	v25 =	vld [tilespmem:s19+$0x4B30]  }
0x3bb: {  	v35 =	vld [tilespmem:s19+$0x4A20]  }
0x3bc: {  	v39 =	vld [tilespmem:s19+$0xA20]  }
0x3bd: {  	v6 =	vld [tilespmem:s19+$0x8930]  }
0x3be: {  	v10 =	vadd.f32 v21, v19;
	v13 =	vperm.xlane v4, v2;
	v2 =	vld [tilespmem:$0x1FA30]  }
0x3bf: {  	[tilespmem:$0x1FA90] =	vst v25;
	v25 =	vld [tilespmem:s19+$0xB30];
	v5 =	vsub.f32 v5, v27;
	v7 =	vsub.f32 v7, v62  }
0x3c0: {  	[tilespmem:$0x1FAE0] =	vst v61;
	v61 =	vld [tilespmem:s19+$0x8A90];
	v11 =	vadd.f32 v33, v26  }
0x3c1: {  	v12 =	vld [tilespmem:s19+$0x88B0];
	v10 =	vsub.f32 v10, v34;
	v5 =	vmul.f32 v5, v5;
	v7 =	vmul.f32 v7, v7  }
0x3c2: {  	v18 =	vld [tilespmem:s19+$0x9B0];
	[tilespmem:$0x1FBC0] =	vst v6;
	v6 =	vadd.f32 v43, v44  }
0x3c3: {  	v41 =	vld [tilespmem:s19+$0x8A00];
	v5 =	vadd.f32 v7, v5;
	v7 =	vmul.f32 v10, v10;
	v10 =	vsub.f32 v11, v2  }
0x3c4: {  	[tilespmem:$0x1FAA0] =	vst v25;
	v25 =	vld [tilespmem:s19+$0x8B20];
	v6 =	vsub.f32 v6, v36  }
0x3c5: {  	[tilespmem:$0x1FB00] =	vst v61;
	v5 =	vadd.f32 v7, v5;
	v7 =	vmul.f32 v10, v10;
	v10 =	vld [tilespmem:$0x1FFC0]  }
0x3c6: {  	v61 =	vld [tilespmem:s19+$0x8A80];
	[tilespmem:$0x1FBD0] =	vst v12;
	v12 =	vmul.f32 v6, v6  }
0x3c7: {  	v20 =	vld [tilespmem:$0x1FA60]  }
0x3c8: {  	v12 =	vadd.f32 v12, v0;
	v0 =	vld [tilespmem:$0x1FFD0]  }
0x3c9: {  	[tilespmem:$0x1FAB0] =	vst v25;
	v25 =	vld [tilespmem:s19+$0x8AB0]  }
0x3ca: {  	v63 =	vld [tilespmem:s19+$0x4A10];
	v10 =	vperm.xlane v12, v10  }
0x3cb: {  	v23 =	vld [tilespmem:s19+$0x4A00]  }
0x3cc: {  	v5 =	vadd.f32 v7, v5;
	v7 =	vadd.f32 v12, v10;
	v10 =	vld [tilespmem:$0x1FFE0]  }
0x3cd: {  	v45 =	vld [tilespmem:s19+$0x9A0];
	v11 =	vperm.xlane v14, v0  }
0x3ce: {  	[tilespmem:$0x1FB40] =	vst v25;
	v25 =	vld [tilespmem:s19+$0x4AB0]  }
0x3cf: {  	v50 =	vld [tilespmem:s19+$0x8980];
	v14 =	vadd.f32 v14, v11  }
0x3d0: {  	v15 =	vld [tilespmem:$0x1FFD0]  }
0x3d1: {  	[tilespmem:$0x1FAF0] =	vst v61;
	v61 =	vld [tilespmem:s19+$0x4A30];
	v12 =	vperm.xlane v14, v10  }
0x3d2: {  	v31 =	vld [tilespmem:s19+$0x48A0]  }
0x3d3: {  	[tilespmem:$0x1FB10] =	vst v25;
	v25 =	vld [tilespmem:s19+$0xAB0];
	v12 =	vadd.f32 v14, v12  }
0x3d4: {  	v4 =	vadd.f32 v4, v13;
	v13 =	vld [tilespmem:$0x1FFD0]  }
0x3d5: {  	[tilespmem:$0x1FDA0] =	vst v12;
	v12 =	vld [tilespmem:$0x1FA40]  }
0x3d6: {  	v16 =	vperm.xlane v7, v15;
	v15 =	vld [tilespmem:$0x1FFE0]  }
0x3d7: {  	v14 =	vld [tilespmem:$0x1FA50]  }
0x3d8: {  	v10 =	vld [tilespmem:$0x1FFC0]  }
0x3d9: {  	v40 =	vld [tilespmem:s19+$0x8890];
	v13 =	vperm.xlane v4, v13  }
0x3da: {  	v32 =	vld [tilespmem:s19+$0x4830];
	v12 =	vadd.f32 v12, v42  }
0x3db: {  	v1 =	vld [tilespmem:s19+$0xA10];
	v4 =	vadd.f32 v4, v13  }
0x3dc: {  	v12 =	vsub.f32 v12, v14;
	v14 =	vld [tilespmem:$0x1FFD0]  }
0x3dd: {  	[tilespmem:$0x1FB20] =	vst v25;
	v25 =	vld [tilespmem:s19+$0x8AA0];
	v17 =	vperm.xlane v4, v15;
	v13 =	vperm.xlane v5, v10  }
0x3de: {  	v3 =	vld [tilespmem:s19+$0xA00]  }
0x3df: {  	[tilespmem:$0x1FB50] =	vst v61;
	v61 =	vld [tilespmem:s19+$0xA30];
	v4 =	vadd.f32 v4, v17;
	v5 =	vadd.f32 v5, v13  }
0x3e0: {  	v43 =	vld [tilespmem:s19+$0x49A0]  }
0x3e1: {  	v44 =	vld [tilespmem:s19+$0x8990];
	[tilespmem:$0x1FDC0] =	vst v4;
	v4 =	vadd.f32 v46, v48;
	v14 =	vperm.xlane v5, v14  }
0x3e2: {  	[tilespmem:$0x1FB30] =	vst v25;
	v25 =	vld [tilespmem:s19+$0x8A30]  }
0x3e3: {  	v4 =	vsub.f32 v4, v20;
	v20 =	vadd.f32 v5, v14;
	v5 =	vld [tilespmem:$0x1FA70]  }
0x3e4: {  	v19 =	vadd.f32 v54, v56;
	v54 =	vld [tilespmem:s19+$0x910]  }
0x3e5: {  	v26 =	vld [tilespmem:s19+$0x980];
	v22 =	vadd.f32 v30, v29  }
0x3e6: {  	v29 =	vld [tilespmem:$0x1FAA0];
	v7 =	vadd.f32 v7, v16;
	v16 =	vadd.f32 v57, v59  }
0x3e7: {  	[tilespmem:$0x1FB80] =	vst v25;
	v25 =	vld [tilespmem:s19+$0xB00]  }
0x3e8: {  	v16 =	vsub.f32 v16, v5;
	v5 =	vld [tilespmem:$0x1FA80]  }
0x3e9: {  	v24 =	vadd.f32 v49, v53;
	v49 =	vld [tilespmem:s19+$0x830]  }
0x3ea: {  	v30 =	vld [tilespmem:s19+$0x8820]  }
0x3eb: {  	v33 =	vld [tilespmem:s19+$0x8810]  }
0x3ec: {  	v27 =	vld [tilespmem:s19+$0x930]  }
0x3ed: {  	[tilespmem:$0x1FB60] =	vst v61;
	v61 =	vld [tilespmem:s19+$0x8A20];
	v21 =	vadd.f32 v28, v25;
	v19 =	vsub.f32 v19, v5  }
0x3ee: {  	v62 =	vld [tilespmem:s19+$0x8910];
	v22 =	vsub.f32 v22, v37  }
0x3ef: {  	v36 =	vld [tilespmem:s19+$0x8B0];
	v21 =	vsub.f32 v21, v51;
	v16 =	vmul.f32 v16, v16;
	v19 =	vmul.f32 v19, v19  }
0x3f0: {  	v6 =	vld [tilespmem:s19+$0x4990]  }
0x3f1: {  	v16 =	vadd.f32 v19, v16;
	v19 =	vmul.f32 v21, v21;
	v21 =	vmul.f32 v22, v22;
	v22 =	vld [tilespmem:$0x1FAB0]  }
0x3f2: {  	[tilespmem:$0x1FB70] =	vst v61;
	v61 =	vld [tilespmem:s19+$0x89B0]  }
0x3f3: {  	v0 =	vld [tilespmem:s19+$0x4980]  }
0x3f4: {  	v28 =	vld [tilespmem:$0x1FA90]  }
0x3f5: {  	v25 =	vld [tilespmem:$0x1FFE0]  }
0x3f6: {  	v22 =	vsub.f32 v24, v22;
	v24 =	vld [tilespmem:$0x1FAC0]  }
0x3f7: {  	v2 =	vld [tilespmem:s19+$0x990]  }
0x3f8: {  	v34 =	vld [tilespmem:s19+$0x890]  }
0x3f9: {  	v8 =	vld [tilespmem:s19+$0x4930];
	v28 =	vadd.f32 v28, v29  }
0x3fa: {  	v9 =	vld [tilespmem:s19+$0x8920];
	v0 =	vadd.f32 v0, v26;
	v25 =	vperm.xlane v7, v25;
	v4 =	vmul.f32 v4, v4  }
0x3fb: {  	[tilespmem:$0x1FBB0] =	vst v61;
	v61 =	vld [tilespmem:s19+$0x4920];
	v19 =	vadd.f32 v21, v19;
	v21 =	vmul.f32 v22, v22;
	v24 =	vsub.f32 v28, v24  }
0x3fc: {  	v11 =	vld [tilespmem:s19+$0x920];
	v26 =	vadd.f32 v6, v2;
	v59 =	vadd.f32 v7, v25  }
0x3fd: {  	v2 =	vld [tilespmem:s19+$0x47A0];
	v4 =	vadd.f32 v4, v16;
	v7 =	vadd.f32 v21, v19;
	v16 =	vmul.f32 v24, v24  }
0x3fe: {  	v6 =	vld [tilespmem:s19+$0x7A0]  }
0x3ff: {  	v7 =	vadd.f32 v16, v7;
	v16 =	vld [tilespmem:$0x1FAF0]  }
0x400: {  	v0 =	vsub.f32 v0, v50;
	v50 =	vld [tilespmem:$0x1FFD0]  }
0x401: {  	v11 =	vadd.f32 v61, v11;
	v61 =	vld [tilespmem:$0x1FFD0]  }
0x402: {  	v22 =	vld [tilespmem:$0x1FAE0];
	v19 =	vadd.f32 v58, v60  }
0x403: {  	v28 =	vld [tilespmem:$0x1FFE0]  }
0x404: {  	v21 =	vld [tilespmem:$0x1FAD0];
	v19 =	vsub.f32 v19, v16  }
0x405: {  	v60 =	vld [tilespmem:$0x1FFC0]  }
0x406: {  	v57 =	vmul.f32 v19, v19;
	v19 =	vld [tilespmem:$0x1FB30]  }
0x407: {  	v16 =	vld [tilespmem:$0x1FB00]  }
0x408: {  	v24 =	vld [tilespmem:$0x1FB20];
	v28 =	vperm.xlane v20, v28  }
0x409: {  	v26 =	vsub.f32 v26, v44;
	v12 =	vmul.f32 v12, v12;
	v21 =	vadd.f32 v21, v22;
	v22 =	vld [tilespmem:$0x1FB10]  }
0x40a: {  	v44 =	vld [tilespmem:s19+$0x4790];
	v53 =	vadd.f32 v20, v28;
	v20 =	vadd.f32 v52, v55  }
0x40b: {  	v4 =	vadd.f32 v12, v4;
	v58 =	vsub.f32 v21, v19;
	v21 =	vld [tilespmem:$0x1FB40]  }
0x40c: {  	v9 =	vsub.f32 v11, v9;
	v11 =	vld [tilespmem:$0x1FBC0];
	v20 =	vsub.f32 v20, v16  }
0x40d: {  	v15 =	vld [tilespmem:s19+$0x48B0];
	v29 =	vperm.xlane v4, v60  }
0x40e: {  	v17 =	vld [tilespmem:s19+$0x4910];
	v24 =	vadd.f32 v22, v24;
	v20 =	vmul.f32 v20, v20  }
0x40f: {  	v10 =	vld [tilespmem:s19+$0x8900];
	v51 =	vadd.f32 v4, v29  }
0x410: {  	v48 =	vld [tilespmem:s19+$0x8830];
	v4 =	vadd.f32 v20, v57;
	v20 =	vmul.f32 v58, v58;
	v24 =	vsub.f32 v24, v21  }
0x411: {  	v46 =	vld [tilespmem:s19+$0x8880]  }
0x412: {  	v13 =	vld [tilespmem:s19+$0x88A0];
	v20 =	vadd.f32 v20, v4;
	v24 =	vmul.f32 v24, v24  }
0x413: {  	v14 =	vld [tilespmem:s19+$0x900];
	v25 =	vperm.xlane v7, v60  }
0x414: {  	v24 =	vadd.f32 v24, v20;
	v20 =	vld [tilespmem:$0x1FB70]  }
0x415: {  	v5 =	vld [tilespmem:s19+$0x4900];
	v25 =	vadd.f32 v7, v25;
	v7 =	vadd.f32 v63, v1  }
0x416: {  	v3 =	vadd.f32 v23, v3;
	v55 =	vld [tilespmem:$0x1FB60]  }
0x417: {  	v23 =	vadd.f32 v35, v39;
	v52 =	vsub.f32 v7, v38;
	v7 =	vld [tilespmem:$0x1FB50]  }
0x418: {  	v12 =	vld [tilespmem:s19+$0x4890]  }
0x419: {  	v56 =	vsub.f32 v23, v20;
	v23 =	vld [tilespmem:$0x1FB80]  }
0x41a: {  	v15 =	vadd.f32 v15, v36;
	v36 =	vld [tilespmem:s19+$0x4700]  }
0x41b: {  	v42 =	vld [tilespmem:s19+$0x8A0]  }
0x41c: {  	v17 =	vadd.f32 v17, v54;
	v54 =	vld [tilespmem:s19+$0x780];
	v37 =	vadd.f32 v7, v55  }
0x41d: {  	v5 =	vadd.f32 v5, v14;
	v14 =	vld [tilespmem:s19+$0x86B0]  }
0x41e: {  	v12 =	vadd.f32 v12, v34;
	v39 =	vsub.f32 v37, v23;
	v23 =	vld [tilespmem:$0x1FFD0]  }
0x41f: {  	v5 =	vsub.f32 v5, v10;
	v10 =	vsub.f32 v17, v62;
	v62 =	vld [tilespmem:$0x1FFE0]  }
0x420: {  	v12 =	vsub.f32 v12, v40;
	v40 =	vld [tilespmem:s19+$0x700]  }
0x421: {  	v29 =	vsub.f32 v3, v41;
	v3 =	vld [tilespmem:s19+$0x7B0]  }
0x422: {  	v28 =	vld [tilespmem:s19+$0x87B0]  }
0x423: {  	v57 =	vperm.xlane v25, v23;
	v23 =	vld [tilespmem:$0x1FFD0]  }
0x424: {  	v1 =	vld [tilespmem:s19+$0x8800]  }
0x425: {  	v29 =	vmul.f32 v29, v29;
	v22 =	vld [tilespmem:s19+$0x880];
	v35 =	vmul.f32 v52, v52  }
0x426: {  	v16 =	vld [tilespmem:s19+$0x4880]  }
0x427: {  	v35 =	vadd.f32 v35, v29;
	v29 =	vld [tilespmem:s19+$0x810]  }
0x428: {  	v7 =	vld [tilespmem:s19+$0x87A0];
	v58 =	vperm.xlane v51, v23  }
0x429: {  	v19 =	vld [tilespmem:s19+$0x4820];
	v38 =	vmul.f32 v56, v56  }
0x42a: {  	v41 =	vadd.f32 v51, v58;
	v58 =	vld [tilespmem:$0x1FB90]  }
0x42b: {  	v21 =	vld [tilespmem:s19+$0x820];
	v56 =	vmul.f32 v39, v39;
	v55 =	vadd.f32 v25, v57;
	v25 =	vadd.f32 v38, v35  }
0x42c: {  	v16 =	vadd.f32 v16, v22;
	v22 =	vld [tilespmem:s19+$0x4710]  }
0x42d: {  	v57 =	vadd.f32 v43, v45;
	v43 =	vadd.f32 v56, v25;
	v56 =	vld [tilespmem:$0x1FBA0]  }
0x42e: {  	v4 =	vld [tilespmem:s19+$0x47B0];
	v63 =	vperm.xlane v24, v60  }
0x42f: {  	v18 =	vadd.f32 v58, v18;
	v58 =	vld [tilespmem:$0x1FBB0]  }
0x430: {  	v21 =	vadd.f32 v19, v21;
	v19 =	vld [tilespmem:s19+$0x8690];
	v24 =	vadd.f32 v24, v63  }
0x431: {  	v0 =	vmul.f32 v0, v0;
	v26 =	vmul.f32 v26, v26;
	v20 =	vld [tilespmem:s19+$0x8730]  }
0x432: {  	v52 =	vperm.xlane v24, v50;
	v50 =	vld [tilespmem:s19+$0x790];
	v57 =	vsub.f32 v57, v56  }
0x433: {  	v0 =	vadd.f32 v26, v0;
	v37 =	vld [tilespmem:s19+$0x4800]  }
0x434: {  	v39 =	vld [tilespmem:s19+$0x730];
	v63 =	vperm.xlane v43, v60;
	v26 =	vmul.f32 v57, v57;
	v18 =	vsub.f32 v18, v58  }
0x435: {  	v8 =	vadd.f32 v8, v27;
	v38 =	vld [tilespmem:s19+$0x8780]  }
0x436: {  	v35 =	vld [tilespmem:s19+$0x4730];
	v43 =	vadd.f32 v43, v63;
	v0 =	vadd.f32 v26, v0;
	v18 =	vmul.f32 v18, v18  }
0x437: {  	v5 =	vmul.f32 v5, v5;
	v10 =	vmul.f32 v10, v10;
	v45 =	vadd.f32 v24, v52;
	v24 =	vld [tilespmem:s19+$0x8720]  }
0x438: {  	v11 =	vsub.f32 v8, v11;
	v52 =	vld [tilespmem:s19+$0x4780];
	v0 =	vadd.f32 v18, v0;
	v18 =	vperm.xlane v43, v61  }
0x439: {  	v9 =	vmul.f32 v9, v9;
	v5 =	vadd.f32 v10, v5;
	v25 =	vld [tilespmem:s19+$0x8790];
	v27 =	vperm.xlane v55, v62  }
0x43a: {  	v11 =	vmul.f32 v11, v11;
	v23 =	vld [tilespmem:s19+$0x4810];
	v26 =	vadd.f32 v43, v18;
	v10 =	vperm.xlane v0, v60  }
0x43b: {  	v5 =	vadd.f32 v9, v5;
	v9 =	vadd.f32 v55, v27;
	v55 =	vld [tilespmem:s19+$0x6B0];
	v17 =	vperm.xlane v41, v62  }
0x43c: {  	v16 =	vsub.f32 v16, v46;
	v51 =	vld [tilespmem:s19+$0x800];
	v57 =	vperm.xlane v26, v62;
	v63 =	vadd.f32 v0, v10  }
0x43d: {  	v27 =	vadd.f32 v11, v5;
	v56 =	vld [tilespmem:s19+$0x720];
	v8 =	vadd.f32 v41, v17;
	v58 =	vperm.xlane v45, v62  }
0x43e: {  	v17 =	vld [tilespmem:s19+$0x8710];
	v5 =	vperm.xlane v63, v61;
	v11 =	vadd.f32 v26, v57;
	v26 =	vadd.f32 v31, v42  }
0x43f: {  	v16 =	vmul.f32 v16, v16;
	v43 =	vld [tilespmem:s19+$0x4720];
	v10 =	vadd.f32 v45, v58  }
0x440: {  	v18 =	vld [tilespmem:s19+$0x8700];
	v58 =	vmul.f32 v12, v12;
	v34 =	vadd.f32 v63, v5;
	v13 =	vsub.f32 v26, v13  }
0x441: {  	v32 =	vadd.f32 v32, v49;
	v45 =	vld [tilespmem:s19+$0x46B0];
	v31 =	vperm.xlane v27, v60  }
0x442: {  	v41 =	vadd.f32 v58, v16;
	v57 =	vperm.xlane v34, v62;
	v49 =	vmul.f32 v13, v13;
	v13 =	vld [tilespmem:$0x1FBD0]  }
0x443: {  	v0 =	vld [tilespmem:s19+$0x4630];
	v16 =	vsub.f32 v32, v48;
	v31 =	vadd.f32 v27, v31  }
0x444: {  	v32 =	vld [tilespmem:s19+$0x6A0];
	v12 =	vadd.f32 v34, v57;
	v57 =	vadd.f32 v44, v50  }
0x445: {  	v5 =	vld [tilespmem:s19+$0x630];
	v63 =	vperm.xlane v31, v61  }
0x446: {  	v6 =	vadd.f32 v2, v6;
	v27 =	vld [tilespmem:s19+$0x710];
	v58 =	vsub.f32 v57, v25  }
0x447: {  	v34 =	vld [tilespmem:s19+$0x46A0];
	v26 =	vsub.f32 v15, v13;
	v13 =	vadd.f32 v31, v63  }
0x448: {  	v25 =	vld [tilespmem:s19+$0x4680];
	v31 =	vadd.f32 v37, v51;
	v51 =	vadd.f32 v23, v29  }
0x449: {  	v3 =	vadd.f32 v4, v3;
	v23 =	vld [tilespmem:s19+$0x8680];
	v29 =	vsub.f32 v21, v30  }
0x44a: {  	v30 =	vld [tilespmem:s19+$0x4620];
	v4 =	vsub.f32 v31, v1;
	v21 =	vsub.f32 v51, v33  }
0x44b: {  	v7 =	vsub.f32 v6, v7;
	v54 =	vadd.f32 v52, v54;
	v37 =	vld [tilespmem:s19+$0x680]  }
0x44c: {  	p0 =	sne.s32 s21, $0xE000;
	v33 =	vld [tilespmem:s19+$0x620];
	v1 =	vsub.f32 v3, v28;
	v3 =	vmul.f32 v4, v4;
	v4 =	vmul.f32 v21, v21  }
.Ltmp1:
0x44d: {  	v63 =	vadd.f32 v43, v56;
	v31 =	vld [tilespmem:s19+$0x4690];
	v21 =	vsub.f32 v54, v38;
	(pc) =	sbr.rel @p0 .LBB2_5-.Ltmp1, $4  }
0x44e: {  	v28 =	vld [tilespmem:s19+$0x690];
	v2 =	vadd.f32 v4, v3;
	v3 =	vadd.f32 v35, v39  }
0x44f: {  	v15 =	vadd.f32 v49, v41;
	v38 =	vmul.f32 v58, v58;
	v4 =	vmul.f32 v21, v21;
	v35 =	vld [tilespmem:s19+$0x4610]  }
0x450: {  	v6 =	vsub.f32 v63, v24;
	v21 =	vld [tilespmem:s19+$0x610];
	v3 =	vsub.f32 v3, v20  }
0x451: {  	s21 =	sadd.s32 $0x2000, s21;
	v4 =	vadd.f32 v38, v4;
	v20 =	vld [tilespmem:s19+$0x4600];
	v38 =	vadd.f32 v45, v55  }
0x452: {  	v24 =	vld [tilespmem:s19+$0x600];
	v36 =	vadd.f32 v36, v40;
	v22 =	vadd.f32 v22, v27  }
0x453: {  	v40 =	vld [tilespmem:s19+$0x8610];
	v0 =	vadd.f32 v0, v5;
	v43 =	vadd.f32 v30, v33  }
0x454: {  	v42 =	vld [tilespmem:s19+$0x8600];
	v32 =	vadd.f32 v34, v32;
	v25 =	vadd.f32 v25, v37  }
0x455: {  	v44 =	vld [tilespmem:s19+$0x86A0];
	v26 =	vmul.f32 v26, v26;
	v41 =	vsub.f32 v38, v14;
	v28 =	vadd.f32 v31, v28  }
0x456: {  	v45 =	vld [tilespmem:s19+$0x8620];
	v46 =	vperm.xlane v13, v62;
	v18 =	vsub.f32 v36, v18;
	v17 =	vsub.f32 v22, v17  }
0x457: {  	v48 =	vld [tilespmem:s19+$0x8630];
	v29 =	vmul.f32 v29, v29;
	v21 =	vadd.f32 v35, v21;
	v20 =	vadd.f32 v20, v24  }
0x458: {  	v7 =	vmul.f32 v7, v7;
	v23 =	vsub.f32 v25, v23;
	v19 =	vsub.f32 v28, v19  }
0x459: {  	v17 =	vmul.f32 v17, v17;
	v49 =	vsub.f32 v21, v40;
	v14 =	vsub.f32 v20, v42  }
0x45a: {  	v50 =	vmul.f32 v23, v23;
	v19 =	vmul.f32 v19, v19;
	v51 =	vsub.f32 v32, v44  }
0x45b: {  	v22 =	vsub.f32 v43, v45;
	v20 =	vmul.f32 v49, v49;
	v14 =	vmul.f32 v14, v14  }
0x45c: {  	v18 =	vmul.f32 v18, v18;
	v0 =	vsub.f32 v0, v48;
	v23 =	vmul.f32 v51, v51  }
0x45d: {  	v52 =	vmul.f32 v22, v22;
	v19 =	vadd.f32 v19, v50;
	v14 =	vadd.f32 v20, v14  }
0x45e: {  	v6 =	vmul.f32 v6, v6;
	v5 =	vmul.f32 v41, v41;
	v17 =	vadd.f32 v17, v18  }
0x45f: {  	v0 =	vmul.f32 v0, v0;
	v54 =	vadd.f32 v23, v19;
	v14 =	vadd.f32 v52, v14  }
0x460: {  	v3 =	vmul.f32 v3, v3;
	v4 =	vadd.f32 v7, v4;
	v6 =	vadd.f32 v6, v17  }
0x461: {  	v1 =	vmul.f32 v1, v1;
	v5 =	vadd.f32 v5, v54;
	v0 =	vadd.f32 v0, v14  }
0x462: {  	v55 =	vmul.f32 v16, v16;
	v2 =	vadd.f32 v29, v2;
	v3 =	vadd.f32 v3, v6  }
0x463: {  	v1 =	vadd.f32 v1, v4;
	v57 =	vperm.xlane v5, v60;
	v56 =	vperm.xlane v0, v60  }
0x464: {  	v63 =	vadd.f32 v26, v15;
	v2 =	vadd.f32 v55, v2;
	v58 =	vperm.xlane v3, v60  }
0x465: {  	v20 =	vperm.xlane v1, v60;
	v5 =	vadd.f32 v5, v57;
	v0 =	vadd.f32 v0, v56  }
0x466: {  	v21 =	vperm.xlane v2, v60;
	v22 =	vperm.xlane v63, v60;
	v3 =	vadd.f32 v3, v58  }
0x467: {  	v1 =	vadd.f32 v1, v20;
	v24 =	vperm.xlane v5, v61;
	v23 =	vperm.xlane v0, v61  }
0x468: {  	v2 =	vadd.f32 v2, v21;
	v26 =	vadd.f32 v63, v22;
	v25 =	vperm.xlane v3, v61  }
0x469: {  	v27 =	vperm.xlane v1, v61;
	v5 =	vadd.f32 v5, v24;
	v0 =	vadd.f32 v0, v23  }
0x46a: {  	v28 =	vperm.xlane v2, v61;
	v14 =	vperm.xlane v26, v61;
	v3 =	vadd.f32 v3, v25  }
0x46b: {  	v1 =	vadd.f32 v1, v27;
	v16 =	vperm.xlane v5, v62;
	v15 =	vperm.xlane v0, v62  }
0x46c: {  	v2 =	vadd.f32 v2, v28;
	v4 =	vadd.f32 v26, v14;
	v29 =	vperm.xlane v3, v62  }
0x46d: {  	v30 =	vperm.xlane v1, v62;
	v5 =	vadd.f32 v5, v16;
	v0 =	vadd.f32 v0, v15  }
0x46e: {  	v32 =	vperm.xlane v2, v62;
	v14 =	vperm.xlane v4, v62;
	v3 =	vadd.f32 v3, v29  }
0x46f: {  	v1 =	vadd.f32 v1, v30;
	v16 =	vperm.xlane v5, v47;
	v15 =	vperm.xlane v0, v47  }
0x470: {  	v2 =	vadd.f32 v2, v32;
	v4 =	vadd.f32 v4, v14;
	v33 =	vperm.xlane v3, v47  }
0x471: {  	v34 =	vperm.xlane v1, v47;
	v5 =	vadd.f32 v5, v16;
	v0 =	vadd.f32 v0, v15  }
0x472: {  	v13 =	vadd.f32 v13, v46;
	v35 =	vperm.xlane v2, v47;
	v3 =	vadd.f32 v3, v33  }
0x473: {  	v36 =	vperm.xlane v4, v47;
	v1 =	vadd.f32 v1, v34;
	v0 =	vsel vm0, v0, v5  }
0x474: {  	v37 =	vperm.xlane v13, v47;
	v2 =	vadd.f32 v2, v35;
	v0 =	vsel vm1, v0, v3  }
0x475: {  	v39 =	vperm.xlane v12, v47;
	v38 =	vadd.f32 v4, v36;
	v0 =	vsel vm2, v0, v1  }
0x476: {  	v41 =	vperm.xlane v11, v47;
	v40 =	vadd.f32 v13, v37;
	v0 =	vsel vm3, v0, v2  }
0x477: {  	v55 =	vld [tilespmem:$0x1FDC0];
	v43 =	vperm.xlane v10, v47;
	v42 =	vadd.f32 v12, v39;
	v0 =	vsel vm4, v0, v38  }
0x478: {  	v44 =	vadd.f32 v11, v41;
	v45 =	vperm.xlane v9, v47;
	v58 =	vld [tilespmem:$0x1FDA0];
	v0 =	vsel vm5, v0, v40  }
0x479: {  	v48 =	vperm.xlane v8, v47;
	v46 =	vadd.f32 v10, v43;
	v0 =	vsel vm6, v0, v42  }
0x47a: {  	v49 =	vadd.f32 v9, v45;
	v50 =	vperm.xlane v53, v47;
	v0 =	vsel vm7, v0, v44  }
0x47b: {  	v51 =	vadd.f32 v8, v48;
	v52 =	vperm.xlane v59, v47;
	v0 =	vsel vm8, v0, v46  }
0x47c: {  	v54 =	vadd.f32 v53, v50;
	v56 =	vperm.xlane v55, v47;
	v0 =	vsel vm9, v0, v49  }
0x47d: {  	v57 =	vadd.f32 v59, v52;
	v59 =	vperm.xlane v58, v47;
	v0 =	vsel vm10, v0, v51  }
0x47e: {  	v60 =	vadd.f32 v55, v56;
	v0 =	vsel vm11, v0, v54  }
0x47f: {  	v61 =	vadd.f32 v58, v59;
	v0 =	vsel vm12, v0, v57  }
0x480: {  	v0 =	vsel vm13, v0, v60  }
0x481: {  	v0 =	vsel vm14, v0, v61  }
0x482: {  	v1 =	vshra.s32 v0, $0x1;
	v62 =	vmul.f32 $5.000000000e-01, v0  }
0x483: {  	v1 =	vsub.s32 $0x5F3759DF, v1  }
0x484: {  	v63 =	vmul.f32 v1, v62;
	_ =	sdelay $0x1  }
0x485: {  	v3 =	vmul.f32 v1, v63;
	_ =	sdelay $0x1  }
0x486: {  	v3 =	vsub.f32 $1.500000000e+00, v3;
	_ =	sdelay $0x1  }
0x487: {  	v1 =	vmul.f32 v1, v3;
	_ =	sdelay $0x1  }
0x488: {  	v3 =	vmul.f32 v1, v62;
	_ =	sdelay $0x1  }
0x489: {  	v3 =	vmul.f32 v3, v1;
	_ =	sdelay $0x1  }
0x48a: {  	v3 =	vsub.f32 $1.500000000e+00, v3;
	_ =	sdelay $0x1  }
0x48b: {  	v1 =	vmul.f32 v3, v1;
	_ =	sdelay $0x1  }
0x48c: {  	v2 =	vmul.f32 v1, v62;
	_ =	sdelay $0x1  }
0x48d: {  	s4 =	sld [smem:$0x7F3];
	v2 =	vmul.f32 v2, v1;
	_ =	sdelay $0x1  }
0x48e: {  	v2 =	vsub.f32 $1.500000000e+00, v2  }
0x48f: {  	s4 =	sadd.s32 $0x1, s4  }
0x490: {  	s15 =	sld [smem:$0x7F7];
	p0 =	sne.s32 s4, $0x4;
	v1 =	vmul.f32 v2, v1  }
.Ltmp2:
0x491: {  	s2 =	sld [smem:$0x7F5];
	(pc) =	sbr.rel @p0 .LBB2_2-.Ltmp2, $4  }
0x492: {  	s31 =	sld [smem:$0x7F6];
	v1 =	vmul.f32 v1, v0  }
0x493: {  	vm15 =	vgt.f32 v0, $0.0e+00  }
0x494: {  	s0 =	sadd.s32 $0x10, s20;
	s1 =	sadd.s32 $0x80, s1;
	v0 =	vnsel vm15, $0x0, v1  }
0x495: {  	s15 =	sadd.s32 $0x80, s15;
	s2 =	sadd.s32 $0x80, s2;
	[tilespmem:s0+$0x0] =	vst v0;
	s0 =	sadd.s32 $0x80, s31  }
0x496: {  	s0 =	sld [smem:$0x7FC];
	_ =	sdelay $0x1  }
0x497: {  	s1 =	simm.s32 $0xC600  }
0x498: {  	[hbm4b:s0+s13] =	stream.linear.scatter [tilespmem:s1], [sflag:$0x2], $0x200, $0x38;
	[tilespmem:$0xC800] =	vst v63  }
0x499: {  	s1 =	simm.s32 $0x2  }
0x49a: {  	_ =	swait.ge [sflag:s1], $0x200  }
0x49b: {  	s2 =	sld [smem:$0x7F8]  }
0x49c: {  	s31 =	sld [smem:$0x7FD];
	_ =	sdelay $0x1  }
0x49d: {  	s2 =	sadd.s32 $0x1, s2  }
0x49e: {  	p0 =	sne.s32 s2, s31  }
.Ltmp3:
0x49f: {  	_ = 	snop;
	(pc) =	sbr.rel @p0 .LBB2_1-.Ltmp3, $3  }
0x4a0: {  	_ =	sdelay $0x1  }
0x4a1: {  	[sflag:s1] =	ssyncset.done $0x0  }
0x4a2: {  	[sflag:s1] =	ssyncadd.s32 $0xFFFFFE00  }
0x4a3: {  	_ =	sfence.sel $0x180000  }
0x4a4: {  	[bflag:$0x0] =	sbarrier.arrive $0xFFFF  }
0x4a5: {  	_ =	strace $0x90000047  }
0x4a6: {  	s0 =	stileid.u32;
	[bflag:$0x2] =	sbarrier.arrive $0xFFFF  }
0x4a7: {  	p0 =	sne.s32 s0, $0x0;
	s0 =	rddreg [dreg:$0x5]  }
0x4a8: {  	s0 =	sadd.s32 @!p0 $0x100000, s0  }
0x4a9: {  	[sflag:s0] =	ssyncadd.tile.s32 @!p0 $0x1;
	_ =	shalt  }
.Lfunc_end2:
_tile_overlayer_lowered:
.L_overlay_start_2:
0x4aa: {  	(tag) =	ssettag $0x2  }
0x4ab: {  	s0 =	rddreg [dreg:$0x0];
	s2 =	stileid.u32  }
0x4ac: {  	s1 =	rddreg [dreg:$0x1];
	p0 =	sne.s32 s2, $0x0  }
0x4ad: {  	s3 =	rddreg [dreg:$0x2];
	[bflag:$0x3] =	sbarrier.arrive $0xFFFF;
	s2 =	simm.s32 @!p0 $0x1C02  }
0x4ae: {  	[timem:s3], [sflag:s2] =	dma.local @!p0 [hbm:s0], s1  }
0x4af: {  	s0 =	simm.s32 @!p0 $0x2  }
0x4b0: {  	_ =	swait.ge @!p0 [sflag:s0], s1  }
0x4b1: {  	s1 =	ssub.s32 @!p0 $0x0, s1;
	[sflag:s0] =	ssyncset.done @!p0 $0x0  }
0x4b2: {  	[sflag:s0] =	ssyncadd.s32 @!p0 s1  }
0x4b3: {  	[bflag:$0x3] =	sbarrier.arrive $0xFFFF  }
0x4b4: {  	_ =	shalt  }

</sc_bundles>
